<compile_context>
chip_gen: v7x
topology: tpu7x:2x2x1
jax: 0.10.2.dev20260603
libtpu: 0.0.44.dev20260713+nightly
codegen_flags: <defaults>
</compile_context>

<pallas_src>
import functools

import jax
import jax.numpy as jnp
from jax import lax
from jax.experimental import pallas as pl
from jax.experimental.pallas import tpu as pltpu
from jax.experimental.pallas import tpu_sc as plsc

_N = 10000
_E = 320000
_D = 128
_C = 40

_NC = 2
_NS = 16
_NW = _NC * _NS
_EW = _E // _NW
_CH = 100
_SB = 25
_NSUP = _EW // (_SB * _CH)
_NB = 3
_SLAB = 624
_ZB = 16
_RD = 16

_BLK = 2000


def _seg_body(m_hbm, src_hbm, dst_hbm, out_hbm,
              src_v, dst_v, r0, r1, r2, zbuf_v, acc_sh,
              g0, g1, g2, s0, s1, s2, zsem):
    rows = (r0, r1, r2)
    gsem = (g0, g1, g2)
    ssem = (s0, s1, s2)
    cid = lax.axis_index("c")
    sid = lax.axis_index("s")
    wid = cid * _NS + sid

    zero16 = jnp.zeros((16,), jnp.float32)

    def _zrow(i, carry):
        for j in range(_D // 16):
            zbuf_v[i, pl.ds(j * 16, 16)] = zero16
        return carry

    lax.fori_loop(0, _ZB, _zrow, 0)

    base = sid * _SLAB
    nz = jnp.where(sid == _NS - 1, 640 // _ZB, _SLAB // _ZB)

    def _ziss(r, carry):
        pltpu.async_copy(zbuf_v, acc_sh.at[pl.ds(base + r * _ZB, _ZB)], zsem)
        return carry

    lax.fori_loop(0, nz, _ziss, 0)

    pltpu.sync_copy(src_hbm.at[wid, 0], src_v)
    pltpu.sync_copy(dst_hbm.at[wid, 0], dst_v)

    def _g(j, b):
        pltpu.async_copy(m_hbm.at[src_v.at[j]], rows[b], gsem[b])

    def _gwait(b):
        pltpu.make_async_copy(m_hbm.at[src_v.at[0]], rows[b], gsem[b]).wait()

    def _s(j, b):
        pltpu.async_copy(rows[b], acc_sh.at[dst_v.at[j]], ssem[b], add=True)

    def _swait(b):
        pltpu.make_async_copy(rows[b], acc_sh.at[dst_v.at[0]], ssem[b]).wait()

    _g(0, 0)
    _g(1, 1)

    def _zdrain(r, carry):
        pltpu.make_async_copy(zbuf_v, acc_sh.at[pl.ds(base, _ZB)], zsem).wait()
        return carry

    lax.fori_loop(0, nz, _zdrain, 0)

    plsc.subcore_barrier()

    for sc in range(_NSUP):
        if sc:
            pltpu.sync_copy(src_hbm.at[wid, sc], src_v)
            pltpu.sync_copy(dst_hbm.at[wid, sc], dst_v)

            _g(0, 0)
            _g(1, 1)

        def _rev(t, carry):
            for b in range(3):
                j = 3 * t + b
                _gwait(b)
                _s(j, b)
                bn = (b + 2) % 3

                @pl.when(j >= 1)
                def _():
                    _swait(bn)

                @pl.when(j + 2 < _SB)
                def _():
                    _g(j + 2, bn)
            return carry

        lax.fori_loop(0, _SB // 3, _rev, 0)

        _gwait(0)
        _s(_SB - 1, 0)
        _swait(2)
        _swait(0)

    plsc.subcore_barrier()

    nrd = jnp.where(sid == _NS - 1, 640 // _RD, _SLAB // _RD)

    def _wiss(r, carry):
        off = base + r * _RD
        pltpu.async_copy(acc_sh.at[pl.ds(off, _RD)],
                         out_hbm.at[cid, pl.ds(off, _RD)], zsem)
        return carry

    lax.fori_loop(0, nrd, _wiss, 0)

    def _wdrain(r, carry):
        pltpu.make_async_copy(acc_sh.at[pl.ds(base, _RD)],
                              out_hbm.at[cid, pl.ds(base, _RD)], zsem).wait()
        return carry

    lax.fori_loop(0, nrd, _wdrain, 0)


@functools.cache
def _seg_sum_kernel():
    return functools.partial(
        pl.kernel,
        out_type=jax.ShapeDtypeStruct((_NC, _N, _D), jnp.float32),
        mesh=plsc.VectorSubcoreMesh(core_axis_name="c", subcore_axis_name="s",
                                    num_cores=_NC, num_subcores=_NS),
        scratch_types=[
            pltpu.VMEM((_SB, _CH), jnp.int32),
            pltpu.VMEM((_SB, _CH), jnp.int32),
            pltpu.VMEM((_CH, _D), jnp.float32),
            pltpu.VMEM((_CH, _D), jnp.float32),
            pltpu.VMEM((_CH, _D), jnp.float32),
            pltpu.VMEM((_ZB, _D), jnp.float32),
            pltpu.VMEM_SHARED((_N, _D), jnp.float32),
            pltpu.SemaphoreType.DMA,
            pltpu.SemaphoreType.DMA,
            pltpu.SemaphoreType.DMA,
            pltpu.SemaphoreType.DMA,
            pltpu.SemaphoreType.DMA,
            pltpu.SemaphoreType.DMA,
            pltpu.SemaphoreType.DMA,
        ],
    )(_seg_body)


def _seg_sum(m, src, dst):
    return _seg_sum_kernel()(m, src, dst)


def _enc_body(x_ref, w1_ref, b1_ref, w2_ref, o_ref):
    h = jnp.dot(x_ref[...], w1_ref[...],
                preferred_element_type=jnp.float32) + b1_ref[...]
    o_ref[...] = jnp.dot(h, w2_ref[...], preferred_element_type=jnp.float32)


def _gcn_body(p_ref, b_ref, w_ref, o_ref):
    h = jax.nn.relu(p_ref[0] + p_ref[1] + b_ref[...])
    o_ref[...] = jnp.dot(h, w_ref[...], preferred_element_type=jnp.float32)


def _dec_body(p_ref, b_ref, wd_ref, bd_ref, o_ref):
    h = jax.nn.relu(p_ref[0] + p_ref[1] + b_ref[...])
    o = jnp.dot(h, wd_ref[...], preferred_element_type=jnp.float32) + bd_ref[...]
    m = jnp.max(o, axis=-1, keepdims=True)
    s = o - m
    lse = jnp.log(jnp.sum(jnp.exp(s), axis=-1, keepdims=True))
    o_ref[...] = s - lse


_enc_call = pl.pallas_call(
    _enc_body,
    grid=(_N // _BLK,),
    in_specs=[
        pl.BlockSpec((_BLK, _D), lambda i: (i, 0)),
        pl.BlockSpec((_D, _D), lambda i: (0, 0)),
        pl.BlockSpec((1, _D), lambda i: (0, 0)),
        pl.BlockSpec((_D, _D), lambda i: (0, 0)),
    ],
    out_specs=pl.BlockSpec((_BLK, _D), lambda i: (i, 0)),
    out_shape=jax.ShapeDtypeStruct((_N, _D), jnp.float32),
)

_gcn_call = pl.pallas_call(
    _gcn_body,
    grid=(_N // _BLK,),
    in_specs=[
        pl.BlockSpec((_NC, _BLK, _D), lambda i: (0, i, 0)),
        pl.BlockSpec((1, _D), lambda i: (0, 0)),
        pl.BlockSpec((_D, _D), lambda i: (0, 0)),
    ],
    out_specs=pl.BlockSpec((_BLK, _D), lambda i: (i, 0)),
    out_shape=jax.ShapeDtypeStruct((_N, _D), jnp.float32),
)

_dec_call = pl.pallas_call(
    _dec_body,
    grid=(_N // _BLK,),
    in_specs=[
        pl.BlockSpec((_NC, _BLK, _D), lambda i: (0, i, 0)),
        pl.BlockSpec((1, _D), lambda i: (0, 0)),
        pl.BlockSpec((_D, _C), lambda i: (0, 0)),
        pl.BlockSpec((1, _C), lambda i: (0, 0)),
    ],
    out_specs=pl.BlockSpec((_BLK, _C), lambda i: (i, 0)),
    out_shape=jax.ShapeDtypeStruct((_N, _C), jnp.float32),
)


def kernel(x, edge_index, enc_W, enc_b, gcn_W0, gcn_b0, gcn_W1, gcn_b1,
           dec_W, dec_b):
    src = edge_index[0].reshape(_NW, _NSUP, _SB, _CH)
    dst = edge_index[1].reshape(_NW, _NSUP, _SB, _CH)
    m0 = _enc_call(x, enc_W, enc_b.reshape(1, _D), gcn_W0)
    p0 = _seg_sum(m0, src, dst)
    m1 = _gcn_call(p0, gcn_b0.reshape(1, _D), gcn_W1)
    p1 = _seg_sum(m1, src, dst)
    return _dec_call(p1, gcn_b1.reshape(1, _D), dec_W, dec_b.reshape(1, _C))

# --- scband reference (transcript-rebuilt; emitter-appended) ---
"""Pipeline reference for scband-gnn-70978629534135 (READ-ONLY COPY).

The authoritative reference and input builder live on the scoring server;
editing this copy changes nothing except your own understanding.
"""

import jax, jax.numpy as jnp
import numpy as np

N = 10000
E = 320000
D = 128
C = 40


def setup_inputs(seed: int = 0) -> dict:
    key = jax.random.key(seed)
    ks = jax.random.split(key, 10)
    x = jax.random.normal(ks[0], (N, D), dtype=jnp.float32)
    edge_index = jax.random.randint(ks[1], (2, E), 0, N, dtype=jnp.int32)
    s = 1.0 / np.sqrt(D)
    enc_W = jax.random.normal(ks[2], (D, D), dtype=jnp.float32) * s
    enc_b = jnp.zeros((D,), dtype=jnp.float32)
    gcn_W0 = jax.random.normal(ks[3], (D, D), dtype=jnp.float32) * s
    gcn_b0 = jnp.zeros((D,), dtype=jnp.float32)
    gcn_W1 = jax.random.normal(ks[4], (D, D), dtype=jnp.float32) * s
    gcn_b1 = jnp.zeros((D,), dtype=jnp.float32)
    dec_W = jax.random.normal(ks[5], (D, C), dtype=jnp.float32) * s
    dec_b = jnp.zeros((C,), dtype=jnp.float32)
    return {"x": x, "edge_index": edge_index, "enc_W": enc_W, "enc_b": enc_b,
            "gcn_W0": gcn_W0, "gcn_b0": gcn_b0, "gcn_W1": gcn_W1, "gcn_b1": gcn_b1,
            "dec_W": dec_W, "dec_b": dec_b}


def reference(x, edge_index, enc_W, enc_b, gcn_W0, gcn_b0, gcn_W1, gcn_b1, dec_W, dec_b):
    # encoder MLP (single linear, plain_last=True, norm=None)
    h = x @ enc_W + enc_b
    src = edge_index[0]
    dst = edge_index[1]
    # r_hops GCNConv layers with normalize=False: out[i] = sum_{(j->i) in E} (h W)[j] + b
    for (W, b) in ((gcn_W0, gcn_b0), (gcn_W1, gcn_b1)):
        m = h @ W
        agg = jax.ops.segment_sum(m[src], dst, num_segments=N)
        h = jax.nn.relu(agg + b)  # activation; dropout p=0.0 is identity
    out = h @ dec_W + dec_b
    return jax.nn.log_softmax(out, axis=1)

if __name__ == "__main__":
    import jax
    _d = setup_inputs()
    print(jax.jit(kernel)(*tuple(_d.values())))

</pallas_src>

<mosaic_0001>
#map = affine_map<(d0, d1) -> (0, 0)>
#map1 = affine_map<(d0, d1) -> (0, 0, 0, 0)>
#map2 = affine_map<(d0, d1) -> (0, 0, 0)>
module attributes {stable_mosaic.version = 14 : i64} {
  func.func @_seg_body(%arg0: i32, %arg1: i32, %arg2: memref<10000x128xf32, #tpu.memory_space<hbm>>, %arg3: memref<32x4x25x100xi32, #tpu.memory_space<hbm>>, %arg4: memref<32x4x25x100xi32, #tpu.memory_space<hbm>>, %arg5: memref<2x10000x128xf32, #tpu.memory_space<hbm>>, %arg6: memref<25x100xi32, #tpu.memory_space<vmem>>, %arg7: memref<25x100xi32, #tpu.memory_space<vmem>>, %arg8: memref<100x128xf32, #tpu.memory_space<vmem>>, %arg9: memref<100x128xf32, #tpu.memory_space<vmem>>, %arg10: memref<100x128xf32, #tpu.memory_space<vmem>>, %arg11: memref<16x128xf32, #tpu.memory_space<vmem>>, %arg12: memref<10000x128xf32, #tpu.memory_space<vmem_shared>>, %arg13: memref<!tpu.dma_semaphore, #tpu.memory_space<semaphore_mem>>, %arg14: memref<!tpu.dma_semaphore, #tpu.memory_space<semaphore_mem>>, %arg15: memref<!tpu.dma_semaphore, #tpu.memory_space<semaphore_mem>>, %arg16: memref<!tpu.dma_semaphore, #tpu.memory_space<semaphore_mem>>, %arg17: memref<!tpu.dma_semaphore, #tpu.memory_space<semaphore_mem>>, %arg18: memref<!tpu.dma_semaphore, #tpu.memory_space<semaphore_mem>>, %arg19: memref<!tpu.dma_semaphore, #tpu.memory_space<semaphore_mem>>) attributes {dimension_semantics = [#tpu.dimension_semantics<core_parallel>, #tpu.dimension_semantics<subcore_parallel>], iteration_bounds = array<i64: 2, 16>, scalar_prefetch = 0 : i64, scratch_operands = 14 : i64, tpu.core_type = #tpu.core_type<sc_vector_subcore>, window_params = [{transform_indices = #map}, {transform_indices = #map1}, {transform_indices = #map1}, {transform_indices = #map2}]} {
    %mul3A = arith.constant 16 : i32
    %mul3A_0 = arith.muli %arg0, %mul3A : i32
    %add3A = arith.addi %mul3A_0, %arg1 : i32
    %broadcast_in_dim3A = arith.constant 0.000000e+00 : f32
    %broadcast_in_dim3A_1 = vector.broadcast %broadcast_in_dim3A : f32 to vector<16xf32>
    %scan3A = arith.constant 0 : i32
    %scan3A_2 = arith.constant 0 : i32
    %scan3A_3 = arith.constant 16 : i32
    %scan3A_4 = arith.addi %scan3A_2, %scan3A_3 : i32
    %scan3A_5 = arith.constant 1 : i32
    scf.for %scan3A_253 = %scan3A_2 to %scan3A_4 step %scan3A_5  : i32 {
      %swap3A = arith.index_cast %scan3A_253 : i32 to index
      %swap3A_254 = arith.constant 0 : index
      %swap3A_255 = tpu.vector_load %arg11[%swap3A, %swap3A_254] {strides = array<i32>} : memref<16x128xf32, #tpu.memory_space<vmem>>, vector<1x16xf32>,
      %swap3A_256 = vector.shape_cast %swap3A_255 : vector<1x16xf32> to vector<16xf32>
      %swap3A_257 = vector.shape_cast %broadcast_in_dim3A_1 : vector<16xf32> to vector<1x16xf32>
      tpu.vector_store %arg11[%swap3A, %swap3A_254], %swap3A_257 {strides = array<i32>} : memref<16x128xf32, #tpu.memory_space<vmem>>, vector<1x16xf32>,
      %swap3A_258 = arith.index_cast %scan3A_253 : i32 to index
      %swap3A_259 = arith.constant 16 : index
      %swap3A_260 = tpu.vector_load %arg11[%swap3A_258, %swap3A_259] {strides = array<i32>} : memref<16x128xf32, #tpu.memory_space<vmem>>, vector<1x16xf32>,
      %swap3A_261 = vector.shape_cast %swap3A_260 : vector<1x16xf32> to vector<16xf32>
      %swap3A_262 = vector.shape_cast %broadcast_in_dim3A_1 : vector<16xf32> to vector<1x16xf32>
      tpu.vector_store %arg11[%swap3A_258, %swap3A_259], %swap3A_262 {strides = array<i32>} : memref<16x128xf32, #tpu.memory_space<vmem>>, vector<1x16xf32>,
      %swap3A_263 = arith.index_cast %scan3A_253 : i32 to index
      %swap3A_264 = arith.constant 32 : index
      %swap3A_265 = tpu.vector_load %arg11[%swap3A_263, %swap3A_264] {strides = array<i32>} : memref<16x128xf32, #tpu.memory_space<vmem>>, vector<1x16xf32>,
      %swap3A_266 = vector.shape_cast %swap3A_265 : vector<1x16xf32> to vector<16xf32>
      %swap3A_267 = vector.shape_cast %broadcast_in_dim3A_1 : vector<16xf32> to vector<1x16xf32>
      tpu.vector_store %arg11[%swap3A_263, %swap3A_264], %swap3A_267 {strides = array<i32>} : memref<16x128xf32, #tpu.memory_space<vmem>>, vector<1x16xf32>,
      %swap3A_268 = arith.index_cast %scan3A_253 : i32 to index
      %swap3A_269 = arith.constant 48 : index
      %swap3A_270 = tpu.vector_load %arg11[%swap3A_268, %swap3A_269] {strides = array<i32>} : memref<16x128xf32, #tpu.memory_space<vmem>>, vector<1x16xf32>,
      %swap3A_271 = vector.shape_cast %swap3A_270 : vector<1x16xf32> to vector<16xf32>
      %swap3A_272 = vector.shape_cast %broadcast_in_dim3A_1 : vector<16xf32> to vector<1x16xf32>
      tpu.vector_store %arg11[%swap3A_268, %swap3A_269], %swap3A_272 {strides = array<i32>} : memref<16x128xf32, #tpu.memory_space<vmem>>, vector<1x16xf32>,
      %swap3A_273 = arith.index_cast %scan3A_253 : i32 to index
      %swap3A_274 = arith.constant 64 : index
      %swap3A_275 = tpu.vector_load %arg11[%swap3A_273, %swap3A_274] {strides = array<i32>} : memref<16x128xf32, #tpu.memory_space<vmem>>, vector<1x16xf32>,
      %swap3A_276 = vector.shape_cast %swap3A_275 : vector<1x16xf32> to vector<16xf32>
      %swap3A_277 = vector.shape_cast %broadcast_in_dim3A_1 : vector<16xf32> to vector<1x16xf32>
      tpu.vector_store %arg11[%swap3A_273, %swap3A_274], %swap3A_277 {strides = array<i32>} : memref<16x128xf32, #tpu.memory_space<vmem>>, vector<1x16xf32>,
      %swap3A_278 = arith.index_cast %scan3A_253 : i32 to index
      %swap3A_279 = arith.constant 80 : index
      %swap3A_280 = tpu.vector_load %arg11[%swap3A_278, %swap3A_279] {strides = array<i32>} : memref<16x128xf32, #tpu.memory_space<vmem>>, vector<1x16xf32>,
      %swap3A_281 = vector.shape_cast %swap3A_280 : vector<1x16xf32> to vector<16xf32>
      %swap3A_282 = vector.shape_cast %broadcast_in_dim3A_1 : vector<16xf32> to vector<1x16xf32>
      tpu.vector_store %arg11[%swap3A_278, %swap3A_279], %swap3A_282 {strides = array<i32>} : memref<16x128xf32, #tpu.memory_space<vmem>>, vector<1x16xf32>,
      %swap3A_283 = arith.index_cast %scan3A_253 : i32 to index
      %swap3A_284 = arith.constant 96 : index
      %swap3A_285 = tpu.vector_load %arg11[%swap3A_283, %swap3A_284] {strides = array<i32>} : memref<16x128xf32, #tpu.memory_space<vmem>>, vector<1x16xf32>,
      %swap3A_286 = vector.shape_cast %swap3A_285 : vector<1x16xf32> to vector<16xf32>
      %swap3A_287 = vector.shape_cast %broadcast_in_dim3A_1 : vector<16xf32> to vector<1x16xf32>
      tpu.vector_store %arg11[%swap3A_283, %swap3A_284], %swap3A_287 {strides = array<i32>} : memref<16x128xf32, #tpu.memory_space<vmem>>, vector<1x16xf32>,
      %swap3A_288 = arith.index_cast %scan3A_253 : i32 to index
      %swap3A_289 = arith.constant 112 : index
      %swap3A_290 = tpu.vector_load %arg11[%swap3A_288, %swap3A_289] {strides = array<i32>} : memref<16x128xf32, #tpu.memory_space<vmem>>, vector<1x16xf32>,
      %swap3A_291 = vector.shape_cast %swap3A_290 : vector<1x16xf32> to vector<16xf32>
      %swap3A_292 = vector.shape_cast %broadcast_in_dim3A_1 : vector<16xf32> to vector<1x16xf32>
      tpu.vector_store %arg11[%swap3A_288, %swap3A_289], %swap3A_292 {strides = array<i32>} : memref<16x128xf32, #tpu.memory_space<vmem>>, vector<1x16xf32>,
    }
    %scan3A_6 = arith.constant 16 : i32
    %mul3A_7 = arith.constant 624 : i32
    %mul3A_8 = arith.muli %arg1, %mul3A_7 : i32
    %eq3A = arith.constant 15 : i32
    %eq3A_9 = arith.cmpi eq, %arg1, %eq3A : i32
    %jit3A = arith.constant 40 : i32
    %jit3A_10 = arith.constant 39 : i32
    %select_n3A = arith.select %eq3A_9, %jit3A, %jit3A_10 : i32
    %while3A = arith.constant 0 : i32
    %while3A_11 = arith.constant 0 : i32
    %while3A_12 = arith.subi %select_n3A, %while3A_11 : i32
    %while3A_13 = arith.addi %while3A_11, %while3A_12 : i32
    %while3A_14 = arith.constant 1 : i32
    %while3A_15 = arith.divsi %while3A_12, %while3A_14 : i32
    %while3A_16 = arith.muli %while3A_15, %while3A_14 : i32
    %while3A_17 = arith.addi %while3A_11, %while3A_16 : i32
    %while3A_18 = arith.constant 1 : i32
    scf.for %while3A_253 = %while3A_11 to %while3A_17 step %while3A_18  : i32 {
      %mul3A_254 = arith.constant 16 : i32
      %mul3A_255 = arith.muli %while3A_253, %mul3A_254 : i32
      %add3A_256 = arith.addi %mul3A_8, %mul3A_255 : i32
      %dma_start3A_257 = arith.constant 0 : i32
      %dma_start3A_258 = tpu.memref_slice %arg12[%add3A_256, %dma_start3A_257] : memref<10000x128xf32, #tpu.memory_space<vmem_shared>> -> memref<16x128xf32, #tpu.memory_space<vmem_shared>>
      %dma_start3A_259 = arith.constant 0 : i32
      %dma_start3A_260 = tpu.memref_slice %arg12[%add3A_256, %dma_start3A_259] : memref<10000x128xf32, #tpu.memory_space<vmem_shared>> -> memref<16x128xf32, #tpu.memory_space<vmem_shared>>
      tpu.enqueue_dma source(%arg11 : memref<16x128xf32, #tpu.memory_space<vmem>>) target(%dma_start3A_260 : memref<16x128xf32, #tpu.memory_space<vmem_shared>>) target_semaphore(%arg19 : memref<!tpu.dma_semaphore, #tpu.memory_space<semaphore_mem>>)
    }
    %while3A_19 = arith.constant 1 : i32
    scf.for %while3A_253 = %while3A_17 to %while3A_13 step %while3A_19  : i32 {
      %mul3A_254 = arith.constant 16 : i32
      %mul3A_255 = arith.muli %while3A_253, %mul3A_254 : i32
      %add3A_256 = arith.addi %mul3A_8, %mul3A_255 : i32
      %dma_start3A_257 = arith.constant 0 : i32
      %dma_start3A_258 = tpu.memref_slice %arg12[%add3A_256, %dma_start3A_257] : memref<10000x128xf32, #tpu.memory_space<vmem_shared>> -> memref<16x128xf32, #tpu.memory_space<vmem_shared>>
      %dma_start3A_259 = arith.constant 0 : i32
      %dma_start3A_260 = tpu.memref_slice %arg12[%add3A_256, %dma_start3A_259] : memref<10000x128xf32, #tpu.memory_space<vmem_shared>> -> memref<16x128xf32, #tpu.memory_space<vmem_shared>>
      tpu.enqueue_dma source(%arg11 : memref<16x128xf32, #tpu.memory_space<vmem>>) target(%dma_start3A_260 : memref<16x128xf32, #tpu.memory_space<vmem_shared>>) target_semaphore(%arg19 : memref<!tpu.dma_semaphore, #tpu.memory_space<semaphore_mem>>)
    }
    %run_scoped3A = arith.constant 0 : i32
    "tpu.region"() ({
      %run_scoped3A_253 = tpu.sem_alloc : memref<!tpu.dma_semaphore, #tpu.memory_space<semaphore_mem>>
      %dma_start3A_254 = arith.constant 0 : i32
      %dma_start3A_255 = arith.constant 0 : i32
      %dma_start3A_256 = tpu.memref_slice %arg3[%add3A, %run_scoped3A, %dma_start3A_254, %dma_start3A_255] : memref<32x4x25x100xi32, #tpu.memory_space<hbm>> -> memref<1x1x25x100xi32, #tpu.memory_space<hbm>>
      %dma_start3A_257 = tpu.memref_squeeze %dma_start3A_256 : memref<1x1x25x100xi32, #tpu.memory_space<hbm>> -> memref<25x100xi32, #tpu.memory_space<hbm>>
      %dma_start3A_258 = arith.constant 0 : i32
      %dma_start3A_259 = arith.constant 0 : i32
      %dma_start3A_260 = tpu.memref_slice %arg3[%add3A, %run_scoped3A, %dma_start3A_258, %dma_start3A_259] : memref<32x4x25x100xi32, #tpu.memory_space<hbm>> -> memref<1x1x25x100xi32, #tpu.memory_space<hbm>>
      %dma_start3A_261 = tpu.memref_squeeze %dma_start3A_260 : memref<1x1x25x100xi32, #tpu.memory_space<hbm>> -> memref<25x100xi32, #tpu.memory_space<hbm>>
      tpu.enqueue_dma source(%dma_start3A_261 : memref<25x100xi32, #tpu.memory_space<hbm>>) target(%arg6 : memref<25x100xi32, #tpu.memory_space<vmem>>) target_semaphore(%run_scoped3A_253 : memref<!tpu.dma_semaphore, #tpu.memory_space<semaphore_mem>>)
      %dma_wait3A_262 = arith.constant 0 : i32
      %dma_wait3A_263 = arith.constant 0 : i32
      %dma_wait3A_264 = tpu.memref_slice %arg3[%add3A, %run_scoped3A, %dma_wait3A_262, %dma_wait3A_263] : memref<32x4x25x100xi32, #tpu.memory_space<hbm>> -> memref<1x1x25x100xi32, #tpu.memory_space<hbm>>
      %dma_wait3A_265 = tpu.memref_squeeze %dma_wait3A_264 : memref<1x1x25x100xi32, #tpu.memory_space<hbm>> -> memref<25x100xi32, #tpu.memory_space<hbm>>
      %dma_wait3A_266 = arith.constant 0 : i32
      %dma_wait3A_267 = arith.constant 0 : i32
      %dma_wait3A_268 = tpu.memref_slice %arg3[%add3A, %run_scoped3A, %dma_wait3A_266, %dma_wait3A_267] : memref<32x4x25x100xi32, #tpu.memory_space<hbm>> -> memref<1x1x25x100xi32, #tpu.memory_space<hbm>>
      %dma_wait3A_269 = tpu.memref_squeeze %dma_wait3A_268 : memref<1x1x25x100xi32, #tpu.memory_space<hbm>> -> memref<25x100xi32, #tpu.memory_space<hbm>>
      tpu.wait_dma2 semaphore(%run_scoped3A_253 : memref<!tpu.dma_semaphore, #tpu.memory_space<semaphore_mem>>) src(%dma_wait3A_269 : memref<25x100xi32, #tpu.memory_space<hbm>>) dst(%arg6 : memref<25x100xi32, #tpu.memory_space<vmem>>)
      tpu.yield
    }) : () -> ()
    %run_scoped3A_20 = arith.constant 0 : i32
    "tpu.region"() ({
      %run_scoped3A_253 = tpu.sem_alloc : memref<!tpu.dma_semaphore, #tpu.memory_space<semaphore_mem>>
      %dma_start3A_254 = arith.constant 0 : i32
      %dma_start3A_255 = arith.constant 0 : i32
      %dma_start3A_256 = tpu.memref_slice %arg4[%add3A, %run_scoped3A_20, %dma_start3A_254, %dma_start3A_255] : memref<32x4x25x100xi32, #tpu.memory_space<hbm>> -> memref<1x1x25x100xi32, #tpu.memory_space<hbm>>
      %dma_start3A_257 = tpu.memref_squeeze %dma_start3A_256 : memref<1x1x25x100xi32, #tpu.memory_space<hbm>> -> memref<25x100xi32, #tpu.memory_space<hbm>>
      %dma_start3A_258 = arith.constant 0 : i32
      %dma_start3A_259 = arith.constant 0 : i32
      %dma_start3A_260 = tpu.memref_slice %arg4[%add3A, %run_scoped3A_20, %dma_start3A_258, %dma_start3A_259] : memref<32x4x25x100xi32, #tpu.memory_space<hbm>> -> memref<1x1x25x100xi32, #tpu.memory_space<hbm>>
      %dma_start3A_261 = tpu.memref_squeeze %dma_start3A_260 : memref<1x1x25x100xi32, #tpu.memory_space<hbm>> -> memref<25x100xi32, #tpu.memory_space<hbm>>
      tpu.enqueue_dma source(%dma_start3A_261 : memref<25x100xi32, #tpu.memory_space<hbm>>) target(%arg7 : memref<25x100xi32, #tpu.memory_space<vmem>>) target_semaphore(%run_scoped3A_253 : memref<!tpu.dma_semaphore, #tpu.memory_space<semaphore_mem>>)
      %dma_wait3A_262 = arith.constant 0 : i32
      %dma_wait3A_263 = arith.constant 0 : i32
      %dma_wait3A_264 = tpu.memref_slice %arg4[%add3A, %run_scoped3A_20, %dma_wait3A_262, %dma_wait3A_263] : memref<32x4x25x100xi32, #tpu.memory_space<hbm>> -> memref<1x1x25x100xi32, #tpu.memory_space<hbm>>
      %dma_wait3A_265 = tpu.memref_squeeze %dma_wait3A_264 : memref<1x1x25x100xi32, #tpu.memory_space<hbm>> -> memref<25x100xi32, #tpu.memory_space<hbm>>
      %dma_wait3A_266 = arith.constant 0 : i32
      %dma_wait3A_267 = arith.constant 0 : i32
      %dma_wait3A_268 = tpu.memref_slice %arg4[%add3A, %run_scoped3A_20, %dma_wait3A_266, %dma_wait3A_267] : memref<32x4x25x100xi32, #tpu.memory_space<hbm>> -> memref<1x1x25x100xi32, #tpu.memory_space<hbm>>
      %dma_wait3A_269 = tpu.memref_squeeze %dma_wait3A_268 : memref<1x1x25x100xi32, #tpu.memory_space<hbm>> -> memref<25x100xi32, #tpu.memory_space<hbm>>
      tpu.wait_dma2 semaphore(%run_scoped3A_253 : memref<!tpu.dma_semaphore, #tpu.memory_space<semaphore_mem>>) src(%dma_wait3A_269 : memref<25x100xi32, #tpu.memory_space<hbm>>) dst(%arg7 : memref<25x100xi32, #tpu.memory_space<vmem>>)
      tpu.yield
    }) : () -> ()
    %dma_start3A = arith.constant 0 : i32
    %dma_start3A_21 = arith.constant 0 : i32
    %dma_start3A_22 = tpu.memref_slice %arg6[%dma_start3A, %dma_start3A_21] : memref<25x100xi32, #tpu.memory_space<vmem>> -> memref<1x100xi32, #tpu.memory_space<vmem>>
    %dma_start3A_23 = tpu.memref_squeeze %dma_start3A_22 : memref<1x100xi32, #tpu.memory_space<vmem>> -> memref<100xi32, #tpu.memory_space<vmem>>
    %dma_start3A_24 = arith.constant 0 : i32
    %dma_start3A_25 = arith.constant 0 : i32
    %dma_start3A_26 = tpu.memref_slice %arg2[%dma_start3A_24, %dma_start3A_25] : memref<10000x128xf32, #tpu.memory_space<hbm>> -> memref<10000x128xf32, #tpu.memory_space<hbm>>
    tpu.enqueue_indirect_dma source(%dma_start3A_26 : memref<10000x128xf32, #tpu.memory_space<hbm>>) target(%arg8 : memref<100x128xf32, #tpu.memory_space<vmem>>) offsets(%dma_start3A_23 : memref<100xi32, #tpu.memory_space<vmem>>) semaphore(%arg13 : memref<!tpu.dma_semaphore, #tpu.memory_space<semaphore_mem>>)
    %dma_start3A_27 = arith.constant 1 : i32
    %dma_start3A_28 = arith.constant 0 : i32
    %dma_start3A_29 = tpu.memref_slice %arg6[%dma_start3A_27, %dma_start3A_28] : memref<25x100xi32, #tpu.memory_space<vmem>> -> memref<1x100xi32, #tpu.memory_space<vmem>>
    %dma_start3A_30 = tpu.memref_squeeze %dma_start3A_29 : memref<1x100xi32, #tpu.memory_space<vmem>> -> memref<100xi32, #tpu.memory_space<vmem>>
    %dma_start3A_31 = arith.constant 0 : i32
    %dma_start3A_32 = arith.constant 0 : i32
    %dma_start3A_33 = tpu.memref_slice %arg2[%dma_start3A_31, %dma_start3A_32] : memref<10000x128xf32, #tpu.memory_space<hbm>> -> memref<10000x128xf32, #tpu.memory_space<hbm>>
    tpu.enqueue_indirect_dma source(%dma_start3A_33 : memref<10000x128xf32, #tpu.memory_space<hbm>>) target(%arg9 : memref<100x128xf32, #tpu.memory_space<vmem>>) offsets(%dma_start3A_30 : memref<100xi32, #tpu.memory_space<vmem>>) semaphore(%arg14 : memref<!tpu.dma_semaphore, #tpu.memory_space<semaphore_mem>>)
    %while3A_34 = arith.constant 0 : i32
    %while3A_35 = arith.constant 0 : i32
    %while3A_36 = arith.subi %select_n3A, %while3A_35 : i32
    %while3A_37 = arith.addi %while3A_35, %while3A_36 : i32
    %while3A_38 = arith.constant 1 : i32
    %while3A_39 = arith.divsi %while3A_36, %while3A_38 : i32
    %while3A_40 = arith.muli %while3A_39, %while3A_38 : i32
    %while3A_41 = arith.addi %while3A_35, %while3A_40 : i32
    %while3A_42 = arith.constant 1 : i32
    scf.for %while3A_253 = %while3A_35 to %while3A_41 step %while3A_42  : i32 {
      %dma_wait3A_254 = arith.constant 0 : i32
      %dma_wait3A_255 = tpu.memref_slice %arg12[%mul3A_8, %dma_wait3A_254] : memref<10000x128xf32, #tpu.memory_space<vmem_shared>> -> memref<16x128xf32, #tpu.memory_space<vmem_shared>>
      %dma_wait3A_256 = arith.constant 0 : i32
      %dma_wait3A_257 = tpu.memref_slice %arg12[%mul3A_8, %dma_wait3A_256] : memref<10000x128xf32, #tpu.memory_space<vmem_shared>> -> memref<16x128xf32, #tpu.memory_space<vmem_shared>>
      tpu.wait_dma2 semaphore(%arg19 : memref<!tpu.dma_semaphore, #tpu.memory_space<semaphore_mem>>) src(%arg11 : memref<16x128xf32, #tpu.memory_space<vmem>>) dst(%dma_wait3A_257 : memref<16x128xf32, #tpu.memory_space<vmem_shared>>)
    }
    %while3A_43 = arith.constant 1 : i32
    scf.for %while3A_253 = %while3A_41 to %while3A_37 step %while3A_43  : i32 {
      %dma_wait3A_254 = arith.constant 0 : i32
      %dma_wait3A_255 = tpu.memref_slice %arg12[%mul3A_8, %dma_wait3A_254] : memref<10000x128xf32, #tpu.memory_space<vmem_shared>> -> memref<16x128xf32, #tpu.memory_space<vmem_shared>>
      %dma_wait3A_256 = arith.constant 0 : i32
      %dma_wait3A_257 = tpu.memref_slice %arg12[%mul3A_8, %dma_wait3A_256] : memref<10000x128xf32, #tpu.memory_space<vmem_shared>> -> memref<16x128xf32, #tpu.memory_space<vmem_shared>>
      tpu.wait_dma2 semaphore(%arg19 : memref<!tpu.dma_semaphore, #tpu.memory_space<semaphore_mem>>) src(%arg11 : memref<16x128xf32, #tpu.memory_space<vmem>>) dst(%dma_wait3A_257 : memref<16x128xf32, #tpu.memory_space<vmem_shared>>)
    }
    %barrier3A = arith.constant 0 : index
    tpu.barrier barrier_id(%barrier3A)
    %scan3A_44 = arith.constant 0 : i32
    %scan3A_45 = arith.constant 0 : i32
    %scan3A_46 = arith.constant 8 : i32
    %scan3A_47 = arith.addi %scan3A_45, %scan3A_46 : i32
    %scan3A_48 = arith.constant 1 : i32
    scf.for %scan3A_253 = %scan3A_45 to %scan3A_47 step %scan3A_48  : i32 {
      %mul3A_254 = arith.constant 3 : i32
      %mul3A_255 = arith.muli %mul3A_254, %scan3A_253 : i32
      %add3A_256 = arith.constant 0 : i32
      %add3A_257 = arith.addi %mul3A_255, %add3A_256 : i32
      %dma_wait3A_258 = arith.constant 0 : i32
      %dma_wait3A_259 = arith.constant 0 : i32
      %dma_wait3A_260 = tpu.memref_slice %arg6[%dma_wait3A_258, %dma_wait3A_259] : memref<25x100xi32, #tpu.memory_space<vmem>> -> memref<1x100xi32, #tpu.memory_space<vmem>>
      %dma_wait3A_261 = tpu.memref_squeeze %dma_wait3A_260 : memref<1x100xi32, #tpu.memory_space<vmem>> -> memref<100xi32, #tpu.memory_space<vmem>>
      %dma_wait3A_262 = arith.constant 0 : i32
      %dma_wait3A_263 = arith.constant 0 : i32
      %dma_wait3A_264 = tpu.memref_slice %arg2[%dma_wait3A_262, %dma_wait3A_263] : memref<10000x128xf32, #tpu.memory_space<hbm>> -> memref<10000x128xf32, #tpu.memory_space<hbm>>
      tpu.wait_indirect_dma semaphore(%arg13 : memref<!tpu.dma_semaphore, #tpu.memory_space<semaphore_mem>>) src(%dma_wait3A_264 : memref<10000x128xf32, #tpu.memory_space<hbm>>) dst(%arg8 : memref<100x128xf32, #tpu.memory_space<vmem>>)
      %dma_start3A_265 = arith.constant 0 : i32
      %dma_start3A_266 = tpu.memref_slice %arg7[%add3A_257, %dma_start3A_265] : memref<25x100xi32, #tpu.memory_space<vmem>> -> memref<1x100xi32, #tpu.memory_space<vmem>>
      %dma_start3A_267 = tpu.memref_squeeze %dma_start3A_266 : memref<1x100xi32, #tpu.memory_space<vmem>> -> memref<100xi32, #tpu.memory_space<vmem>>
      %dma_start3A_268 = arith.constant 0 : i32
      %dma_start3A_269 = arith.constant 0 : i32
      %dma_start3A_270 = tpu.memref_slice %arg12[%dma_start3A_268, %dma_start3A_269] : memref<10000x128xf32, #tpu.memory_space<vmem_shared>> -> memref<10000x128xf32, #tpu.memory_space<vmem_shared>>
      tpu.enqueue_indirect_dma source(%arg8 : memref<100x128xf32, #tpu.memory_space<vmem>>) target(%dma_start3A_270 : memref<10000x128xf32, #tpu.memory_space<vmem_shared>>) offsets(%dma_start3A_267 : memref<100xi32, #tpu.memory_space<vmem>>) semaphore(%arg16 : memref<!tpu.dma_semaphore, #tpu.memory_space<semaphore_mem>>) {add = true}
      %ge3A = arith.constant 1 : i32
      %ge3A_271 = arith.cmpi sge, %add3A_257, %ge3A : i32
      %convert_element_type3A = arith.extui %ge3A_271 : i1 to i32
      %cond3A = arith.constant 0 : i32
      %cond3A_272 = arith.cmpi ne, %convert_element_type3A, %cond3A : i32
      scf.if %cond3A_272 {
        %dma_wait3A_337 = arith.constant 0 : i32
        %dma_wait3A_338 = arith.constant 0 : i32
        %dma_wait3A_339 = tpu.memref_slice %arg7[%dma_wait3A_337, %dma_wait3A_338] : memref<25x100xi32, #tpu.memory_space<vmem>> -> memref<1x100xi32, #tpu.memory_space<vmem>>
        %dma_wait3A_340 = tpu.memref_squeeze %dma_wait3A_339 : memref<1x100xi32, #tpu.memory_space<vmem>> -> memref<100xi32, #tpu.memory_space<vmem>>
        %dma_wait3A_341 = arith.constant 0 : i32
        %dma_wait3A_342 = arith.constant 0 : i32
        %dma_wait3A_343 = tpu.memref_slice %arg12[%dma_wait3A_341, %dma_wait3A_342] : memref<10000x128xf32, #tpu.memory_space<vmem_shared>> -> memref<10000x128xf32, #tpu.memory_space<vmem_shared>>
        tpu.wait_indirect_dma semaphore(%arg18 : memref<!tpu.dma_semaphore, #tpu.memory_space<semaphore_mem>>) src(%arg10 : memref<100x128xf32, #tpu.memory_space<vmem>>) dst(%dma_wait3A_343 : memref<10000x128xf32, #tpu.memory_space<vmem_shared>>)
      } else {
      }
      %add3A_273 = arith.constant 2 : i32
      %add3A_274 = arith.addi %add3A_257, %add3A_273 : i32
      %lt3A = arith.constant 25 : i32
      %lt3A_275 = arith.cmpi slt, %add3A_274, %lt3A : i32
      %convert_element_type3A_276 = arith.extui %lt3A_275 : i1 to i32
      %cond3A_277 = arith.constant 0 : i32
      %cond3A_278 = arith.cmpi ne, %convert_element_type3A_276, %cond3A_277 : i32
      scf.if %cond3A_278 {
        %add3A_337 = arith.constant 2 : i32
        %add3A_338 = arith.addi %add3A_257, %add3A_337 : i32
        %dma_start3A_339 = arith.constant 0 : i32
        %dma_start3A_340 = tpu.memref_slice %arg6[%add3A_338, %dma_start3A_339] : memref<25x100xi32, #tpu.memory_space<vmem>> -> memref<1x100xi32, #tpu.memory_space<vmem>>
        %dma_start3A_341 = tpu.memref_squeeze %dma_start3A_340 : memref<1x100xi32, #tpu.memory_space<vmem>> -> memref<100xi32, #tpu.memory_space<vmem>>
        %dma_start3A_342 = arith.constant 0 : i32
        %dma_start3A_343 = arith.constant 0 : i32
        %dma_start3A_344 = tpu.memref_slice %arg2[%dma_start3A_342, %dma_start3A_343] : memref<10000x128xf32, #tpu.memory_space<hbm>> -> memref<10000x128xf32, #tpu.memory_space<hbm>>
        tpu.enqueue_indirect_dma source(%dma_start3A_344 : memref<10000x128xf32, #tpu.memory_space<hbm>>) target(%arg10 : memref<100x128xf32, #tpu.memory_space<vmem>>) offsets(%dma_start3A_341 : memref<100xi32, #tpu.memory_space<vmem>>) semaphore(%arg15 : memref<!tpu.dma_semaphore, #tpu.memory_space<semaphore_mem>>)
      } else {
      }
      %mul3A_279 = arith.constant 3 : i32
      %mul3A_280 = arith.muli %mul3A_279, %scan3A_253 : i32
      %add3A_281 = arith.constant 1 : i32
      %add3A_282 = arith.addi %mul3A_280, %add3A_281 : i32
      %dma_wait3A_283 = arith.constant 0 : i32
      %dma_wait3A_284 = arith.constant 0 : i32
      %dma_wait3A_285 = tpu.memref_slice %arg6[%dma_wait3A_283, %dma_wait3A_284] : memref<25x100xi32, #tpu.memory_space<vmem>> -> memref<1x100xi32, #tpu.memory_space<vmem>>
      %dma_wait3A_286 = tpu.memref_squeeze %dma_wait3A_285 : memref<1x100xi32, #tpu.memory_space<vmem>> -> memref<100xi32, #tpu.memory_space<vmem>>
      %dma_wait3A_287 = arith.constant 0 : i32
      %dma_wait3A_288 = arith.constant 0 : i32
      %dma_wait3A_289 = tpu.memref_slice %arg2[%dma_wait3A_287, %dma_wait3A_288] : memref<10000x128xf32, #tpu.memory_space<hbm>> -> memref<10000x128xf32, #tpu.memory_space<hbm>>
      tpu.wait_indirect_dma semaphore(%arg14 : memref<!tpu.dma_semaphore, #tpu.memory_space<semaphore_mem>>) src(%dma_wait3A_289 : memref<10000x128xf32, #tpu.memory_space<hbm>>) dst(%arg9 : memref<100x128xf32, #tpu.memory_space<vmem>>)
      %dma_start3A_290 = arith.constant 0 : i32
      %dma_start3A_291 = tpu.memref_slice %arg7[%add3A_282, %dma_start3A_290] : memref<25x100xi32, #tpu.memory_space<vmem>> -> memref<1x100xi32, #tpu.memory_space<vmem>>
      %dma_start3A_292 = tpu.memref_squeeze %dma_start3A_291 : memref<1x100xi32, #tpu.memory_space<vmem>> -> memref<100xi32, #tpu.memory_space<vmem>>
      %dma_start3A_293 = arith.constant 0 : i32
      %dma_start3A_294 = arith.constant 0 : i32
      %dma_start3A_295 = tpu.memref_slice %arg12[%dma_start3A_293, %dma_start3A_294] : memref<10000x128xf32, #tpu.memory_space<vmem_shared>> -> memref<10000x128xf32, #tpu.memory_space<vmem_shared>>
      tpu.enqueue_indirect_dma source(%arg9 : memref<100x128xf32, #tpu.memory_space<vmem>>) target(%dma_start3A_295 : memref<10000x128xf32, #tpu.memory_space<vmem_shared>>) offsets(%dma_start3A_292 : memref<100xi32, #tpu.memory_space<vmem>>) semaphore(%arg17 : memref<!tpu.dma_semaphore, #tpu.memory_space<semaphore_mem>>) {add = true}
      %ge3A_296 = arith.constant 1 : i32
      %ge3A_297 = arith.cmpi sge, %add3A_282, %ge3A_296 : i32
      %convert_element_type3A_298 = arith.extui %ge3A_297 : i1 to i32
      %cond3A_299 = arith.constant 0 : i32
      %cond3A_300 = arith.cmpi ne, %convert_element_type3A_298, %cond3A_299 : i32
      scf.if %cond3A_300 {
        %dma_wait3A_337 = arith.constant 0 : i32
        %dma_wait3A_338 = arith.constant 0 : i32
        %dma_wait3A_339 = tpu.memref_slice %arg7[%dma_wait3A_337, %dma_wait3A_338] : memref<25x100xi32, #tpu.memory_space<vmem>> -> memref<1x100xi32, #tpu.memory_space<vmem>>
        %dma_wait3A_340 = tpu.memref_squeeze %dma_wait3A_339 : memref<1x100xi32, #tpu.memory_space<vmem>> -> memref<100xi32, #tpu.memory_space<vmem>>
        %dma_wait3A_341 = arith.constant 0 : i32
        %dma_wait3A_342 = arith.constant 0 : i32
        %dma_wait3A_343 = tpu.memref_slice %arg12[%dma_wait3A_341, %dma_wait3A_342] : memref<10000x128xf32, #tpu.memory_space<vmem_shared>> -> memref<10000x128xf32, #tpu.memory_space<vmem_shared>>
        tpu.wait_indirect_dma semaphore(%arg16 : memref<!tpu.dma_semaphore, #tpu.memory_space<semaphore_mem>>) src(%arg8 : memref<100x128xf32, #tpu.memory_space<vmem>>) dst(%dma_wait3A_343 : memref<10000x128xf32, #tpu.memory_space<vmem_shared>>)
      } else {
      }
      %add3A_301 = arith.constant 2 : i32
      %add3A_302 = arith.addi %add3A_282, %add3A_301 : i32
      %lt3A_303 = arith.constant 25 : i32
      %lt3A_304 = arith.cmpi slt, %add3A_302, %lt3A_303 : i32
      %convert_element_type3A_305 = arith.extui %lt3A_304 : i1 to i32
      %cond3A_306 = arith.constant 0 : i32
      %cond3A_307 = arith.cmpi ne, %convert_element_type3A_305, %cond3A_306 : i32
      scf.if %cond3A_307 {
        %add3A_337 = arith.constant 2 : i32
        %add3A_338 = arith.addi %add3A_282, %add3A_337 : i32
        %dma_start3A_339 = arith.constant 0 : i32
        %dma_start3A_340 = tpu.memref_slice %arg6[%add3A_338, %dma_start3A_339] : memref<25x100xi32, #tpu.memory_space<vmem>> -> memref<1x100xi32, #tpu.memory_space<vmem>>
        %dma_start3A_341 = tpu.memref_squeeze %dma_start3A_340 : memref<1x100xi32, #tpu.memory_space<vmem>> -> memref<100xi32, #tpu.memory_space<vmem>>
        %dma_start3A_342 = arith.constant 0 : i32
        %dma_start3A_343 = arith.constant 0 : i32
        %dma_start3A_344 = tpu.memref_slice %arg2[%dma_start3A_342, %dma_start3A_343] : memref<10000x128xf32, #tpu.memory_space<hbm>> -> memref<10000x128xf32, #tpu.memory_space<hbm>>
        tpu.enqueue_indirect_dma source(%dma_start3A_344 : memref<10000x128xf32, #tpu.memory_space<hbm>>) target(%arg8 : memref<100x128xf32, #tpu.memory_space<vmem>>) offsets(%dma_start3A_341 : memref<100xi32, #tpu.memory_space<vmem>>) semaphore(%arg13 : memref<!tpu.dma_semaphore, #tpu.memory_space<semaphore_mem>>)
      } else {
      }
      %mul3A_308 = arith.constant 3 : i32
      %mul3A_309 = arith.muli %mul3A_308, %scan3A_253 : i32
      %add3A_310 = arith.constant 2 : i32
      %add3A_311 = arith.addi %mul3A_309, %add3A_310 : i32
      %dma_wait3A_312 = arith.constant 0 : i32
      %dma_wait3A_313 = arith.constant 0 : i32
      %dma_wait3A_314 = tpu.memref_slice %arg6[%dma_wait3A_312, %dma_wait3A_313] : memref<25x100xi32, #tpu.memory_space<vmem>> -> memref<1x100xi32, #tpu.memory_space<vmem>>
      %dma_wait3A_315 = tpu.memref_squeeze %dma_wait3A_314 : memref<1x100xi32, #tpu.memory_space<vmem>> -> memref<100xi32, #tpu.memory_space<vmem>>
      %dma_wait3A_316 = arith.constant 0 : i32
      %dma_wait3A_317 = arith.constant 0 : i32
      %dma_wait3A_318 = tpu.memref_slice %arg2[%dma_wait3A_316, %dma_wait3A_317] : memref<10000x128xf32, #tpu.memory_space<hbm>> -> memref<10000x128xf32, #tpu.memory_space<hbm>>
      tpu.wait_indirect_dma semaphore(%arg15 : memref<!tpu.dma_semaphore, #tpu.memory_space<semaphore_mem>>) src(%dma_wait3A_318 : memref<10000x128xf32, #tpu.memory_space<hbm>>) dst(%arg10 : memref<100x128xf32, #tpu.memory_space<vmem>>)
      %dma_start3A_319 = arith.constant 0 : i32
      %dma_start3A_320 = tpu.memref_slice %arg7[%add3A_311, %dma_start3A_319] : memref<25x100xi32, #tpu.memory_space<vmem>> -> memref<1x100xi32, #tpu.memory_space<vmem>>
      %dma_start3A_321 = tpu.memref_squeeze %dma_start3A_320 : memref<1x100xi32, #tpu.memory_space<vmem>> -> memref<100xi32, #tpu.memory_space<vmem>>
      %dma_start3A_322 = arith.constant 0 : i32
      %dma_start3A_323 = arith.constant 0 : i32
      %dma_start3A_324 = tpu.memref_slice %arg12[%dma_start3A_322, %dma_start3A_323] : memref<10000x128xf32, #tpu.memory_space<vmem_shared>> -> memref<10000x128xf32, #tpu.memory_space<vmem_shared>>
      tpu.enqueue_indirect_dma source(%arg10 : memref<100x128xf32, #tpu.memory_space<vmem>>) target(%dma_start3A_324 : memref<10000x128xf32, #tpu.memory_space<vmem_shared>>) offsets(%dma_start3A_321 : memref<100xi32, #tpu.memory_space<vmem>>) semaphore(%arg18 : memref<!tpu.dma_semaphore, #tpu.memory_space<semaphore_mem>>) {add = true}
      %ge3A_325 = arith.constant 1 : i32
      %ge3A_326 = arith.cmpi sge, %add3A_311, %ge3A_325 : i32
      %convert_element_type3A_327 = arith.extui %ge3A_326 : i1 to i32
      %cond3A_328 = arith.constant 0 : i32
      %cond3A_329 = arith.cmpi ne, %convert_element_type3A_327, %cond3A_328 : i32
      scf.if %cond3A_329 {
        %dma_wait3A_337 = arith.constant 0 : i32
        %dma_wait3A_338 = arith.constant 0 : i32
        %dma_wait3A_339 = tpu.memref_slice %arg7[%dma_wait3A_337, %dma_wait3A_338] : memref<25x100xi32, #tpu.memory_space<vmem>> -> memref<1x100xi32, #tpu.memory_space<vmem>>
        %dma_wait3A_340 = tpu.memref_squeeze %dma_wait3A_339 : memref<1x100xi32, #tpu.memory_space<vmem>> -> memref<100xi32, #tpu.memory_space<vmem>>
        %dma_wait3A_341 = arith.constant 0 : i32
        %dma_wait3A_342 = arith.constant 0 : i32
        %dma_wait3A_343 = tpu.memref_slice %arg12[%dma_wait3A_341, %dma_wait3A_342] : memref<10000x128xf32, #tpu.memory_space<vmem_shared>> -> memref<10000x128xf32, #tpu.memory_space<vmem_shared>>
        tpu.wait_indirect_dma semaphore(%arg17 : memref<!tpu.dma_semaphore, #tpu.memory_space<semaphore_mem>>) src(%arg9 : memref<100x128xf32, #tpu.memory_space<vmem>>) dst(%dma_wait3A_343 : memref<10000x128xf32, #tpu.memory_space<vmem_shared>>)
      } else {
      }
      %add3A_330 = arith.constant 2 : i32
      %add3A_331 = arith.addi %add3A_311, %add3A_330 : i32
      %lt3A_332 = arith.constant 25 : i32
      %lt3A_333 = arith.cmpi slt, %add3A_331, %lt3A_332 : i32
      %convert_element_type3A_334 = arith.extui %lt3A_333 : i1 to i32
      %cond3A_335 = arith.constant 0 : i32
      %cond3A_336 = arith.cmpi ne, %convert_element_type3A_334, %cond3A_335 : i32
      scf.if %cond3A_336 {
        %add3A_337 = arith.constant 2 : i32
        %add3A_338 = arith.addi %add3A_311, %add3A_337 : i32
        %dma_start3A_339 = arith.constant 0 : i32
        %dma_start3A_340 = tpu.memref_slice %arg6[%add3A_338, %dma_start3A_339] : memref<25x100xi32, #tpu.memory_space<vmem>> -> memref<1x100xi32, #tpu.memory_space<vmem>>
        %dma_start3A_341 = tpu.memref_squeeze %dma_start3A_340 : memref<1x100xi32, #tpu.memory_space<vmem>> -> memref<100xi32, #tpu.memory_space<vmem>>
        %dma_start3A_342 = arith.constant 0 : i32
        %dma_start3A_343 = arith.constant 0 : i32
        %dma_start3A_344 = tpu.memref_slice %arg2[%dma_start3A_342, %dma_start3A_343] : memref<10000x128xf32, #tpu.memory_space<hbm>> -> memref<10000x128xf32, #tpu.memory_space<hbm>>
        tpu.enqueue_indirect_dma source(%dma_start3A_344 : memref<10000x128xf32, #tpu.memory_space<hbm>>) target(%arg9 : memref<100x128xf32, #tpu.memory_space<vmem>>) offsets(%dma_start3A_341 : memref<100xi32, #tpu.memory_space<vmem>>) semaphore(%arg14 : memref<!tpu.dma_semaphore, #tpu.memory_space<semaphore_mem>>)
      } else {
      }
    }
    %scan3A_49 = arith.constant 8 : i32
    %dma_wait3A = arith.constant 0 : i32
    %dma_wait3A_50 = arith.constant 0 : i32
    %dma_wait3A_51 = tpu.memref_slice %arg6[%dma_wait3A, %dma_wait3A_50] : memref<25x100xi32, #tpu.memory_space<vmem>> -> memref<1x100xi32, #tpu.memory_space<vmem>>
    %dma_wait3A_52 = tpu.memref_squeeze %dma_wait3A_51 : memref<1x100xi32, #tpu.memory_space<vmem>> -> memref<100xi32, #tpu.memory_space<vmem>>
    %dma_wait3A_53 = arith.constant 0 : i32
    %dma_wait3A_54 = arith.constant 0 : i32
    %dma_wait3A_55 = tpu.memref_slice %arg2[%dma_wait3A_53, %dma_wait3A_54] : memref<10000x128xf32, #tpu.memory_space<hbm>> -> memref<10000x128xf32, #tpu.memory_space<hbm>>
    tpu.wait_indirect_dma semaphore(%arg13 : memref<!tpu.dma_semaphore, #tpu.memory_space<semaphore_mem>>) src(%dma_wait3A_55 : memref<10000x128xf32, #tpu.memory_space<hbm>>) dst(%arg8 : memref<100x128xf32, #tpu.memory_space<vmem>>)
    %dma_start3A_56 = arith.constant 24 : i32
    %dma_start3A_57 = arith.constant 0 : i32
    %dma_start3A_58 = tpu.memref_slice %arg7[%dma_start3A_56, %dma_start3A_57] : memref<25x100xi32, #tpu.memory_space<vmem>> -> memref<1x100xi32, #tpu.memory_space<vmem>>
    %dma_start3A_59 = tpu.memref_squeeze %dma_start3A_58 : memref<1x100xi32, #tpu.memory_space<vmem>> -> memref<100xi32, #tpu.memory_space<vmem>>
    %dma_start3A_60 = arith.constant 0 : i32
    %dma_start3A_61 = arith.constant 0 : i32
    %dma_start3A_62 = tpu.memref_slice %arg12[%dma_start3A_60, %dma_start3A_61] : memref<10000x128xf32, #tpu.memory_space<vmem_shared>> -> memref<10000x128xf32, #tpu.memory_space<vmem_shared>>
    tpu.enqueue_indirect_dma source(%arg8 : memref<100x128xf32, #tpu.memory_space<vmem>>) target(%dma_start3A_62 : memref<10000x128xf32, #tpu.memory_space<vmem_shared>>) offsets(%dma_start3A_59 : memref<100xi32, #tpu.memory_space<vmem>>) semaphore(%arg16 : memref<!tpu.dma_semaphore, #tpu.memory_space<semaphore_mem>>) {add = true}
    %dma_wait3A_63 = arith.constant 0 : i32
    %dma_wait3A_64 = arith.constant 0 : i32
    %dma_wait3A_65 = tpu.memref_slice %arg7[%dma_wait3A_63, %dma_wait3A_64] : memref<25x100xi32, #tpu.memory_space<vmem>> -> memref<1x100xi32, #tpu.memory_space<vmem>>
    %dma_wait3A_66 = tpu.memref_squeeze %dma_wait3A_65 : memref<1x100xi32, #tpu.memory_space<vmem>> -> memref<100xi32, #tpu.memory_space<vmem>>
    %dma_wait3A_67 = arith.constant 0 : i32
    %dma_wait3A_68 = arith.constant 0 : i32
    %dma_wait3A_69 = tpu.memref_slice %arg12[%dma_wait3A_67, %dma_wait3A_68] : memref<10000x128xf32, #tpu.memory_space<vmem_shared>> -> memref<10000x128xf32, #tpu.memory_space<vmem_shared>>
    tpu.wait_indirect_dma semaphore(%arg18 : memref<!tpu.dma_semaphore, #tpu.memory_space<semaphore_mem>>) src(%arg10 : memref<100x128xf32, #tpu.memory_space<vmem>>) dst(%dma_wait3A_69 : memref<10000x128xf32, #tpu.memory_space<vmem_shared>>)
    %dma_wait3A_70 = arith.constant 0 : i32
    %dma_wait3A_71 = arith.constant 0 : i32
    %dma_wait3A_72 = tpu.memref_slice %arg7[%dma_wait3A_70, %dma_wait3A_71] : memref<25x100xi32, #tpu.memory_space<vmem>> -> memref<1x100xi32, #tpu.memory_space<vmem>>
    %dma_wait3A_73 = tpu.memref_squeeze %dma_wait3A_72 : memref<1x100xi32, #tpu.memory_space<vmem>> -> memref<100xi32, #tpu.memory_space<vmem>>
    %dma_wait3A_74 = arith.constant 0 : i32
    %dma_wait3A_75 = arith.constant 0 : i32
    %dma_wait3A_76 = tpu.memref_slice %arg12[%dma_wait3A_74, %dma_wait3A_75] : memref<10000x128xf32, #tpu.memory_space<vmem_shared>> -> memref<10000x128xf32, #tpu.memory_space<vmem_shared>>
    tpu.wait_indirect_dma semaphore(%arg16 : memref<!tpu.dma_semaphore, #tpu.memory_space<semaphore_mem>>) src(%arg8 : memref<100x128xf32, #tpu.memory_space<vmem>>) dst(%dma_wait3A_76 : memref<10000x128xf32, #tpu.memory_space<vmem_shared>>)
    %run_scoped3A_77 = arith.constant 1 : i32
    "tpu.region"() ({
      %run_scoped3A_253 = tpu.sem_alloc : memref<!tpu.dma_semaphore, #tpu.memory_space<semaphore_mem>>
      %dma_start3A_254 = arith.constant 0 : i32
      %dma_start3A_255 = arith.constant 0 : i32
      %dma_start3A_256 = tpu.memref_slice %arg3[%add3A, %run_scoped3A_77, %dma_start3A_254, %dma_start3A_255] : memref<32x4x25x100xi32, #tpu.memory_space<hbm>> -> memref<1x1x25x100xi32, #tpu.memory_space<hbm>>
      %dma_start3A_257 = tpu.memref_squeeze %dma_start3A_256 : memref<1x1x25x100xi32, #tpu.memory_space<hbm>> -> memref<25x100xi32, #tpu.memory_space<hbm>>
      %dma_start3A_258 = arith.constant 0 : i32
      %dma_start3A_259 = arith.constant 0 : i32
      %dma_start3A_260 = tpu.memref_slice %arg3[%add3A, %run_scoped3A_77, %dma_start3A_258, %dma_start3A_259] : memref<32x4x25x100xi32, #tpu.memory_space<hbm>> -> memref<1x1x25x100xi32, #tpu.memory_space<hbm>>
      %dma_start3A_261 = tpu.memref_squeeze %dma_start3A_260 : memref<1x1x25x100xi32, #tpu.memory_space<hbm>> -> memref<25x100xi32, #tpu.memory_space<hbm>>
      tpu.enqueue_dma source(%dma_start3A_261 : memref<25x100xi32, #tpu.memory_space<hbm>>) target(%arg6 : memref<25x100xi32, #tpu.memory_space<vmem>>) target_semaphore(%run_scoped3A_253 : memref<!tpu.dma_semaphore, #tpu.memory_space<semaphore_mem>>)
      %dma_wait3A_262 = arith.constant 0 : i32
      %dma_wait3A_263 = arith.constant 0 : i32
      %dma_wait3A_264 = tpu.memref_slice %arg3[%add3A, %run_scoped3A_77, %dma_wait3A_262, %dma_wait3A_263] : memref<32x4x25x100xi32, #tpu.memory_space<hbm>> -> memref<1x1x25x100xi32, #tpu.memory_space<hbm>>
      %dma_wait3A_265 = tpu.memref_squeeze %dma_wait3A_264 : memref<1x1x25x100xi32, #tpu.memory_space<hbm>> -> memref<25x100xi32, #tpu.memory_space<hbm>>
      %dma_wait3A_266 = arith.constant 0 : i32
      %dma_wait3A_267 = arith.constant 0 : i32
      %dma_wait3A_268 = tpu.memref_slice %arg3[%add3A, %run_scoped3A_77, %dma_wait3A_266, %dma_wait3A_267] : memref<32x4x25x100xi32, #tpu.memory_space<hbm>> -> memref<1x1x25x100xi32, #tpu.memory_space<hbm>>
      %dma_wait3A_269 = tpu.memref_squeeze %dma_wait3A_268 : memref<1x1x25x100xi32, #tpu.memory_space<hbm>> -> memref<25x100xi32, #tpu.memory_space<hbm>>
      tpu.wait_dma2 semaphore(%run_scoped3A_253 : memref<!tpu.dma_semaphore, #tpu.memory_space<semaphore_mem>>) src(%dma_wait3A_269 : memref<25x100xi32, #tpu.memory_space<hbm>>) dst(%arg6 : memref<25x100xi32, #tpu.memory_space<vmem>>)
      tpu.yield
    }) : () -> ()
    %run_scoped3A_78 = arith.constant 1 : i32
    "tpu.region"() ({
      %run_scoped3A_253 = tpu.sem_alloc : memref<!tpu.dma_semaphore, #tpu.memory_space<semaphore_mem>>
      %dma_start3A_254 = arith.constant 0 : i32
      %dma_start3A_255 = arith.constant 0 : i32
      %dma_start3A_256 = tpu.memref_slice %arg4[%add3A, %run_scoped3A_78, %dma_start3A_254, %dma_start3A_255] : memref<32x4x25x100xi32, #tpu.memory_space<hbm>> -> memref<1x1x25x100xi32, #tpu.memory_space<hbm>>
      %dma_start3A_257 = tpu.memref_squeeze %dma_start3A_256 : memref<1x1x25x100xi32, #tpu.memory_space<hbm>> -> memref<25x100xi32, #tpu.memory_space<hbm>>
      %dma_start3A_258 = arith.constant 0 : i32
      %dma_start3A_259 = arith.constant 0 : i32
      %dma_start3A_260 = tpu.memref_slice %arg4[%add3A, %run_scoped3A_78, %dma_start3A_258, %dma_start3A_259] : memref<32x4x25x100xi32, #tpu.memory_space<hbm>> -> memref<1x1x25x100xi32, #tpu.memory_space<hbm>>
      %dma_start3A_261 = tpu.memref_squeeze %dma_start3A_260 : memref<1x1x25x100xi32, #tpu.memory_space<hbm>> -> memref<25x100xi32, #tpu.memory_space<hbm>>
      tpu.enqueue_dma source(%dma_start3A_261 : memref<25x100xi32, #tpu.memory_space<hbm>>) target(%arg7 : memref<25x100xi32, #tpu.memory_space<vmem>>) target_semaphore(%run_scoped3A_253 : memref<!tpu.dma_semaphore, #tpu.memory_space<semaphore_mem>>)
      %dma_wait3A_262 = arith.constant 0 : i32
      %dma_wait3A_263 = arith.constant 0 : i32
      %dma_wait3A_264 = tpu.memref_slice %arg4[%add3A, %run_scoped3A_78, %dma_wait3A_262, %dma_wait3A_263] : memref<32x4x25x100xi32, #tpu.memory_space<hbm>> -> memref<1x1x25x100xi32, #tpu.memory_space<hbm>>
      %dma_wait3A_265 = tpu.memref_squeeze %dma_wait3A_264 : memref<1x1x25x100xi32, #tpu.memory_space<hbm>> -> memref<25x100xi32, #tpu.memory_space<hbm>>
      %dma_wait3A_266 = arith.constant 0 : i32
      %dma_wait3A_267 = arith.constant 0 : i32
      %dma_wait3A_268 = tpu.memref_slice %arg4[%add3A, %run_scoped3A_78, %dma_wait3A_266, %dma_wait3A_267] : memref<32x4x25x100xi32, #tpu.memory_space<hbm>> -> memref<1x1x25x100xi32, #tpu.memory_space<hbm>>
      %dma_wait3A_269 = tpu.memref_squeeze %dma_wait3A_268 : memref<1x1x25x100xi32, #tpu.memory_space<hbm>> -> memref<25x100xi32, #tpu.memory_space<hbm>>
      tpu.wait_dma2 semaphore(%run_scoped3A_253 : memref<!tpu.dma_semaphore, #tpu.memory_space<semaphore_mem>>) src(%dma_wait3A_269 : memref<25x100xi32, #tpu.memory_space<hbm>>) dst(%arg7 : memref<25x100xi32, #tpu.memory_space<vmem>>)
      tpu.yield
    }) : () -> ()
    %dma_start3A_79 = arith.constant 0 : i32
    %dma_start3A_80 = arith.constant 0 : i32
    %dma_start3A_81 = tpu.memref_slice %arg6[%dma_start3A_79, %dma_start3A_80] : memref<25x100xi32, #tpu.memory_space<vmem>> -> memref<1x100xi32, #tpu.memory_space<vmem>>
    %dma_start3A_82 = tpu.memref_squeeze %dma_start3A_81 : memref<1x100xi32, #tpu.memory_space<vmem>> -> memref<100xi32, #tpu.memory_space<vmem>>
    %dma_start3A_83 = arith.constant 0 : i32
    %dma_start3A_84 = arith.constant 0 : i32
    %dma_start3A_85 = tpu.memref_slice %arg2[%dma_start3A_83, %dma_start3A_84] : memref<10000x128xf32, #tpu.memory_space<hbm>> -> memref<10000x128xf32, #tpu.memory_space<hbm>>
    tpu.enqueue_indirect_dma source(%dma_start3A_85 : memref<10000x128xf32, #tpu.memory_space<hbm>>) target(%arg8 : memref<100x128xf32, #tpu.memory_space<vmem>>) offsets(%dma_start3A_82 : memref<100xi32, #tpu.memory_space<vmem>>) semaphore(%arg13 : memref<!tpu.dma_semaphore, #tpu.memory_space<semaphore_mem>>)
    %dma_start3A_86 = arith.constant 1 : i32
    %dma_start3A_87 = arith.constant 0 : i32
    %dma_start3A_88 = tpu.memref_slice %arg6[%dma_start3A_86, %dma_start3A_87] : memref<25x100xi32, #tpu.memory_space<vmem>> -> memref<1x100xi32, #tpu.memory_space<vmem>>
    %dma_start3A_89 = tpu.memref_squeeze %dma_start3A_88 : memref<1x100xi32, #tpu.memory_space<vmem>> -> memref<100xi32, #tpu.memory_space<vmem>>
    %dma_start3A_90 = arith.constant 0 : i32
    %dma_start3A_91 = arith.constant 0 : i32
    %dma_start3A_92 = tpu.memref_slice %arg2[%dma_start3A_90, %dma_start3A_91] : memref<10000x128xf32, #tpu.memory_space<hbm>> -> memref<10000x128xf32, #tpu.memory_space<hbm>>
    tpu.enqueue_indirect_dma source(%dma_start3A_92 : memref<10000x128xf32, #tpu.memory_space<hbm>>) target(%arg9 : memref<100x128xf32, #tpu.memory_space<vmem>>) offsets(%dma_start3A_89 : memref<100xi32, #tpu.memory_space<vmem>>) semaphore(%arg14 : memref<!tpu.dma_semaphore, #tpu.memory_space<semaphore_mem>>)
    %scan3A_93 = arith.constant 0 : i32
    %scan3A_94 = arith.constant 0 : i32
    %scan3A_95 = arith.constant 8 : i32
    %scan3A_96 = arith.addi %scan3A_94, %scan3A_95 : i32
    %scan3A_97 = arith.constant 1 : i32
    scf.for %scan3A_253 = %scan3A_94 to %scan3A_96 step %scan3A_97  : i32 {
      %mul3A_254 = arith.constant 3 : i32
      %mul3A_255 = arith.muli %mul3A_254, %scan3A_253 : i32
      %add3A_256 = arith.constant 0 : i32
      %add3A_257 = arith.addi %mul3A_255, %add3A_256 : i32
      %dma_wait3A_258 = arith.constant 0 : i32
      %dma_wait3A_259 = arith.constant 0 : i32
      %dma_wait3A_260 = tpu.memref_slice %arg6[%dma_wait3A_258, %dma_wait3A_259] : memref<25x100xi32, #tpu.memory_space<vmem>> -> memref<1x100xi32, #tpu.memory_space<vmem>>
      %dma_wait3A_261 = tpu.memref_squeeze %dma_wait3A_260 : memref<1x100xi32, #tpu.memory_space<vmem>> -> memref<100xi32, #tpu.memory_space<vmem>>
      %dma_wait3A_262 = arith.constant 0 : i32
      %dma_wait3A_263 = arith.constant 0 : i32
      %dma_wait3A_264 = tpu.memref_slice %arg2[%dma_wait3A_262, %dma_wait3A_263] : memref<10000x128xf32, #tpu.memory_space<hbm>> -> memref<10000x128xf32, #tpu.memory_space<hbm>>
      tpu.wait_indirect_dma semaphore(%arg13 : memref<!tpu.dma_semaphore, #tpu.memory_space<semaphore_mem>>) src(%dma_wait3A_264 : memref<10000x128xf32, #tpu.memory_space<hbm>>) dst(%arg8 : memref<100x128xf32, #tpu.memory_space<vmem>>)
      %dma_start3A_265 = arith.constant 0 : i32
      %dma_start3A_266 = tpu.memref_slice %arg7[%add3A_257, %dma_start3A_265] : memref<25x100xi32, #tpu.memory_space<vmem>> -> memref<1x100xi32, #tpu.memory_space<vmem>>
      %dma_start3A_267 = tpu.memref_squeeze %dma_start3A_266 : memref<1x100xi32, #tpu.memory_space<vmem>> -> memref<100xi32, #tpu.memory_space<vmem>>
      %dma_start3A_268 = arith.constant 0 : i32
      %dma_start3A_269 = arith.constant 0 : i32
      %dma_start3A_270 = tpu.memref_slice %arg12[%dma_start3A_268, %dma_start3A_269] : memref<10000x128xf32, #tpu.memory_space<vmem_shared>> -> memref<10000x128xf32, #tpu.memory_space<vmem_shared>>
      tpu.enqueue_indirect_dma source(%arg8 : memref<100x128xf32, #tpu.memory_space<vmem>>) target(%dma_start3A_270 : memref<10000x128xf32, #tpu.memory_space<vmem_shared>>) offsets(%dma_start3A_267 : memref<100xi32, #tpu.memory_space<vmem>>) semaphore(%arg16 : memref<!tpu.dma_semaphore, #tpu.memory_space<semaphore_mem>>) {add = true}
      %ge3A = arith.constant 1 : i32
      %ge3A_271 = arith.cmpi sge, %add3A_257, %ge3A : i32
      %convert_element_type3A = arith.extui %ge3A_271 : i1 to i32
      %cond3A = arith.constant 0 : i32
      %cond3A_272 = arith.cmpi ne, %convert_element_type3A, %cond3A : i32
      scf.if %cond3A_272 {
        %dma_wait3A_337 = arith.constant 0 : i32
        %dma_wait3A_338 = arith.constant 0 : i32
        %dma_wait3A_339 = tpu.memref_slice %arg7[%dma_wait3A_337, %dma_wait3A_338] : memref<25x100xi32, #tpu.memory_space<vmem>> -> memref<1x100xi32, #tpu.memory_space<vmem>>
        %dma_wait3A_340 = tpu.memref_squeeze %dma_wait3A_339 : memref<1x100xi32, #tpu.memory_space<vmem>> -> memref<100xi32, #tpu.memory_space<vmem>>
        %dma_wait3A_341 = arith.constant 0 : i32
        %dma_wait3A_342 = arith.constant 0 : i32
        %dma_wait3A_343 = tpu.memref_slice %arg12[%dma_wait3A_341, %dma_wait3A_342] : memref<10000x128xf32, #tpu.memory_space<vmem_shared>> -> memref<10000x128xf32, #tpu.memory_space<vmem_shared>>
        tpu.wait_indirect_dma semaphore(%arg18 : memref<!tpu.dma_semaphore, #tpu.memory_space<semaphore_mem>>) src(%arg10 : memref<100x128xf32, #tpu.memory_space<vmem>>) dst(%dma_wait3A_343 : memref<10000x128xf32, #tpu.memory_space<vmem_shared>>)
      } else {
      }
      %add3A_273 = arith.constant 2 : i32
      %add3A_274 = arith.addi %add3A_257, %add3A_273 : i32
      %lt3A = arith.constant 25 : i32
      %lt3A_275 = arith.cmpi slt, %add3A_274, %lt3A : i32
      %convert_element_type3A_276 = arith.extui %lt3A_275 : i1 to i32
      %cond3A_277 = arith.constant 0 : i32
      %cond3A_278 = arith.cmpi ne, %convert_element_type3A_276, %cond3A_277 : i32
      scf.if %cond3A_278 {
        %add3A_337 = arith.constant 2 : i32
        %add3A_338 = arith.addi %add3A_257, %add3A_337 : i32
        %dma_start3A_339 = arith.constant 0 : i32
        %dma_start3A_340 = tpu.memref_slice %arg6[%add3A_338, %dma_start3A_339] : memref<25x100xi32, #tpu.memory_space<vmem>> -> memref<1x100xi32, #tpu.memory_space<vmem>>
        %dma_start3A_341 = tpu.memref_squeeze %dma_start3A_340 : memref<1x100xi32, #tpu.memory_space<vmem>> -> memref<100xi32, #tpu.memory_space<vmem>>
        %dma_start3A_342 = arith.constant 0 : i32
        %dma_start3A_343 = arith.constant 0 : i32
        %dma_start3A_344 = tpu.memref_slice %arg2[%dma_start3A_342, %dma_start3A_343] : memref<10000x128xf32, #tpu.memory_space<hbm>> -> memref<10000x128xf32, #tpu.memory_space<hbm>>
        tpu.enqueue_indirect_dma source(%dma_start3A_344 : memref<10000x128xf32, #tpu.memory_space<hbm>>) target(%arg10 : memref<100x128xf32, #tpu.memory_space<vmem>>) offsets(%dma_start3A_341 : memref<100xi32, #tpu.memory_space<vmem>>) semaphore(%arg15 : memref<!tpu.dma_semaphore, #tpu.memory_space<semaphore_mem>>)
      } else {
      }
      %mul3A_279 = arith.constant 3 : i32
      %mul3A_280 = arith.muli %mul3A_279, %scan3A_253 : i32
      %add3A_281 = arith.constant 1 : i32
      %add3A_282 = arith.addi %mul3A_280, %add3A_281 : i32
      %dma_wait3A_283 = arith.constant 0 : i32
      %dma_wait3A_284 = arith.constant 0 : i32
      %dma_wait3A_285 = tpu.memref_slice %arg6[%dma_wait3A_283, %dma_wait3A_284] : memref<25x100xi32, #tpu.memory_space<vmem>> -> memref<1x100xi32, #tpu.memory_space<vmem>>
      %dma_wait3A_286 = tpu.memref_squeeze %dma_wait3A_285 : memref<1x100xi32, #tpu.memory_space<vmem>> -> memref<100xi32, #tpu.memory_space<vmem>>
      %dma_wait3A_287 = arith.constant 0 : i32
      %dma_wait3A_288 = arith.constant 0 : i32
      %dma_wait3A_289 = tpu.memref_slice %arg2[%dma_wait3A_287, %dma_wait3A_288] : memref<10000x128xf32, #tpu.memory_space<hbm>> -> memref<10000x128xf32, #tpu.memory_space<hbm>>
      tpu.wait_indirect_dma semaphore(%arg14 : memref<!tpu.dma_semaphore, #tpu.memory_space<semaphore_mem>>) src(%dma_wait3A_289 : memref<10000x128xf32, #tpu.memory_space<hbm>>) dst(%arg9 : memref<100x128xf32, #tpu.memory_space<vmem>>)
      %dma_start3A_290 = arith.constant 0 : i32
      %dma_start3A_291 = tpu.memref_slice %arg7[%add3A_282, %dma_start3A_290] : memref<25x100xi32, #tpu.memory_space<vmem>> -> memref<1x100xi32, #tpu.memory_space<vmem>>
      %dma_start3A_292 = tpu.memref_squeeze %dma_start3A_291 : memref<1x100xi32, #tpu.memory_space<vmem>> -> memref<100xi32, #tpu.memory_space<vmem>>
      %dma_start3A_293 = arith.constant 0 : i32
      %dma_start3A_294 = arith.constant 0 : i32
      %dma_start3A_295 = tpu.memref_slice %arg12[%dma_start3A_293, %dma_start3A_294] : memref<10000x128xf32, #tpu.memory_space<vmem_shared>> -> memref<10000x128xf32, #tpu.memory_space<vmem_shared>>
      tpu.enqueue_indirect_dma source(%arg9 : memref<100x128xf32, #tpu.memory_space<vmem>>) target(%dma_start3A_295 : memref<10000x128xf32, #tpu.memory_space<vmem_shared>>) offsets(%dma_start3A_292 : memref<100xi32, #tpu.memory_space<vmem>>) semaphore(%arg17 : memref<!tpu.dma_semaphore, #tpu.memory_space<semaphore_mem>>) {add = true}
      %ge3A_296 = arith.constant 1 : i32
      %ge3A_297 = arith.cmpi sge, %add3A_282, %ge3A_296 : i32
      %convert_element_type3A_298 = arith.extui %ge3A_297 : i1 to i32
      %cond3A_299 = arith.constant 0 : i32
      %cond3A_300 = arith.cmpi ne, %convert_element_type3A_298, %cond3A_299 : i32
      scf.if %cond3A_300 {
        %dma_wait3A_337 = arith.constant 0 : i32
        %dma_wait3A_338 = arith.constant 0 : i32
        %dma_wait3A_339 = tpu.memref_slice %arg7[%dma_wait3A_337, %dma_wait3A_338] : memref<25x100xi32, #tpu.memory_space<vmem>> -> memref<1x100xi32, #tpu.memory_space<vmem>>
        %dma_wait3A_340 = tpu.memref_squeeze %dma_wait3A_339 : memref<1x100xi32, #tpu.memory_space<vmem>> -> memref<100xi32, #tpu.memory_space<vmem>>
        %dma_wait3A_341 = arith.constant 0 : i32
        %dma_wait3A_342 = arith.constant 0 : i32
        %dma_wait3A_343 = tpu.memref_slice %arg12[%dma_wait3A_341, %dma_wait3A_342] : memref<10000x128xf32, #tpu.memory_space<vmem_shared>> -> memref<10000x128xf32, #tpu.memory_space<vmem_shared>>
        tpu.wait_indirect_dma semaphore(%arg16 : memref<!tpu.dma_semaphore, #tpu.memory_space<semaphore_mem>>) src(%arg8 : memref<100x128xf32, #tpu.memory_space<vmem>>) dst(%dma_wait3A_343 : memref<10000x128xf32, #tpu.memory_space<vmem_shared>>)
      } else {
      }
      %add3A_301 = arith.constant 2 : i32
      %add3A_302 = arith.addi %add3A_282, %add3A_301 : i32
      %lt3A_303 = arith.constant 25 : i32
      %lt3A_304 = arith.cmpi slt, %add3A_302, %lt3A_303 : i32
      %convert_element_type3A_305 = arith.extui %lt3A_304 : i1 to i32
      %cond3A_306 = arith.constant 0 : i32
      %cond3A_307 = arith.cmpi ne, %convert_element_type3A_305, %cond3A_306 : i32
      scf.if %cond3A_307 {
        %add3A_337 = arith.constant 2 : i32
        %add3A_338 = arith.addi %add3A_282, %add3A_337 : i32
        %dma_start3A_339 = arith.constant 0 : i32
        %dma_start3A_340 = tpu.memref_slice %arg6[%add3A_338, %dma_start3A_339] : memref<25x100xi32, #tpu.memory_space<vmem>> -> memref<1x100xi32, #tpu.memory_space<vmem>>
        %dma_start3A_341 = tpu.memref_squeeze %dma_start3A_340 : memref<1x100xi32, #tpu.memory_space<vmem>> -> memref<100xi32, #tpu.memory_space<vmem>>
        %dma_start3A_342 = arith.constant 0 : i32
        %dma_start3A_343 = arith.constant 0 : i32
        %dma_start3A_344 = tpu.memref_slice %arg2[%dma_start3A_342, %dma_start3A_343] : memref<10000x128xf32, #tpu.memory_space<hbm>> -> memref<10000x128xf32, #tpu.memory_space<hbm>>
        tpu.enqueue_indirect_dma source(%dma_start3A_344 : memref<10000x128xf32, #tpu.memory_space<hbm>>) target(%arg8 : memref<100x128xf32, #tpu.memory_space<vmem>>) offsets(%dma_start3A_341 : memref<100xi32, #tpu.memory_space<vmem>>) semaphore(%arg13 : memref<!tpu.dma_semaphore, #tpu.memory_space<semaphore_mem>>)
      } else {
      }
      %mul3A_308 = arith.constant 3 : i32
      %mul3A_309 = arith.muli %mul3A_308, %scan3A_253 : i32
      %add3A_310 = arith.constant 2 : i32
      %add3A_311 = arith.addi %mul3A_309, %add3A_310 : i32
      %dma_wait3A_312 = arith.constant 0 : i32
      %dma_wait3A_313 = arith.constant 0 : i32
      %dma_wait3A_314 = tpu.memref_slice %arg6[%dma_wait3A_312, %dma_wait3A_313] : memref<25x100xi32, #tpu.memory_space<vmem>> -> memref<1x100xi32, #tpu.memory_space<vmem>>
      %dma_wait3A_315 = tpu.memref_squeeze %dma_wait3A_314 : memref<1x100xi32, #tpu.memory_space<vmem>> -> memref<100xi32, #tpu.memory_space<vmem>>
      %dma_wait3A_316 = arith.constant 0 : i32
      %dma_wait3A_317 = arith.constant 0 : i32
      %dma_wait3A_318 = tpu.memref_slice %arg2[%dma_wait3A_316, %dma_wait3A_317] : memref<10000x128xf32, #tpu.memory_space<hbm>> -> memref<10000x128xf32, #tpu.memory_space<hbm>>
      tpu.wait_indirect_dma semaphore(%arg15 : memref<!tpu.dma_semaphore, #tpu.memory_space<semaphore_mem>>) src(%dma_wait3A_318 : memref<10000x128xf32, #tpu.memory_space<hbm>>) dst(%arg10 : memref<100x128xf32, #tpu.memory_space<vmem>>)
      %dma_start3A_319 = arith.constant 0 : i32
      %dma_start3A_320 = tpu.memref_slice %arg7[%add3A_311, %dma_start3A_319] : memref<25x100xi32, #tpu.memory_space<vmem>> -> memref<1x100xi32, #tpu.memory_space<vmem>>
      %dma_start3A_321 = tpu.memref_squeeze %dma_start3A_320 : memref<1x100xi32, #tpu.memory_space<vmem>> -> memref<100xi32, #tpu.memory_space<vmem>>
      %dma_start3A_322 = arith.constant 0 : i32
      %dma_start3A_323 = arith.constant 0 : i32
      %dma_start3A_324 = tpu.memref_slice %arg12[%dma_start3A_322, %dma_start3A_323] : memref<10000x128xf32, #tpu.memory_space<vmem_shared>> -> memref<10000x128xf32, #tpu.memory_space<vmem_shared>>
      tpu.enqueue_indirect_dma source(%arg10 : memref<100x128xf32, #tpu.memory_space<vmem>>) target(%dma_start3A_324 : memref<10000x128xf32, #tpu.memory_space<vmem_shared>>) offsets(%dma_start3A_321 : memref<100xi32, #tpu.memory_space<vmem>>) semaphore(%arg18 : memref<!tpu.dma_semaphore, #tpu.memory_space<semaphore_mem>>) {add = true}
      %ge3A_325 = arith.constant 1 : i32
      %ge3A_326 = arith.cmpi sge, %add3A_311, %ge3A_325 : i32
      %convert_element_type3A_327 = arith.extui %ge3A_326 : i1 to i32
      %cond3A_328 = arith.constant 0 : i32
      %cond3A_329 = arith.cmpi ne, %convert_element_type3A_327, %cond3A_328 : i32
      scf.if %cond3A_329 {
        %dma_wait3A_337 = arith.constant 0 : i32
        %dma_wait3A_338 = arith.constant 0 : i32
        %dma_wait3A_339 = tpu.memref_slice %arg7[%dma_wait3A_337, %dma_wait3A_338] : memref<25x100xi32, #tpu.memory_space<vmem>> -> memref<1x100xi32, #tpu.memory_space<vmem>>
        %dma_wait3A_340 = tpu.memref_squeeze %dma_wait3A_339 : memref<1x100xi32, #tpu.memory_space<vmem>> -> memref<100xi32, #tpu.memory_space<vmem>>
        %dma_wait3A_341 = arith.constant 0 : i32
        %dma_wait3A_342 = arith.constant 0 : i32
        %dma_wait3A_343 = tpu.memref_slice %arg12[%dma_wait3A_341, %dma_wait3A_342] : memref<10000x128xf32, #tpu.memory_space<vmem_shared>> -> memref<10000x128xf32, #tpu.memory_space<vmem_shared>>
        tpu.wait_indirect_dma semaphore(%arg17 : memref<!tpu.dma_semaphore, #tpu.memory_space<semaphore_mem>>) src(%arg9 : memref<100x128xf32, #tpu.memory_space<vmem>>) dst(%dma_wait3A_343 : memref<10000x128xf32, #tpu.memory_space<vmem_shared>>)
      } else {
      }
      %add3A_330 = arith.constant 2 : i32
      %add3A_331 = arith.addi %add3A_311, %add3A_330 : i32
      %lt3A_332 = arith.constant 25 : i32
      %lt3A_333 = arith.cmpi slt, %add3A_331, %lt3A_332 : i32
      %convert_element_type3A_334 = arith.extui %lt3A_333 : i1 to i32
      %cond3A_335 = arith.constant 0 : i32
      %cond3A_336 = arith.cmpi ne, %convert_element_type3A_334, %cond3A_335 : i32
      scf.if %cond3A_336 {
        %add3A_337 = arith.constant 2 : i32
        %add3A_338 = arith.addi %add3A_311, %add3A_337 : i32
        %dma_start3A_339 = arith.constant 0 : i32
        %dma_start3A_340 = tpu.memref_slice %arg6[%add3A_338, %dma_start3A_339] : memref<25x100xi32, #tpu.memory_space<vmem>> -> memref<1x100xi32, #tpu.memory_space<vmem>>
        %dma_start3A_341 = tpu.memref_squeeze %dma_start3A_340 : memref<1x100xi32, #tpu.memory_space<vmem>> -> memref<100xi32, #tpu.memory_space<vmem>>
        %dma_start3A_342 = arith.constant 0 : i32
        %dma_start3A_343 = arith.constant 0 : i32
        %dma_start3A_344 = tpu.memref_slice %arg2[%dma_start3A_342, %dma_start3A_343] : memref<10000x128xf32, #tpu.memory_space<hbm>> -> memref<10000x128xf32, #tpu.memory_space<hbm>>
        tpu.enqueue_indirect_dma source(%dma_start3A_344 : memref<10000x128xf32, #tpu.memory_space<hbm>>) target(%arg9 : memref<100x128xf32, #tpu.memory_space<vmem>>) offsets(%dma_start3A_341 : memref<100xi32, #tpu.memory_space<vmem>>) semaphore(%arg14 : memref<!tpu.dma_semaphore, #tpu.memory_space<semaphore_mem>>)
      } else {
      }
    }
    %scan3A_98 = arith.constant 8 : i32
    %dma_wait3A_99 = arith.constant 0 : i32
    %dma_wait3A_100 = arith.constant 0 : i32
    %dma_wait3A_101 = tpu.memref_slice %arg6[%dma_wait3A_99, %dma_wait3A_100] : memref<25x100xi32, #tpu.memory_space<vmem>> -> memref<1x100xi32, #tpu.memory_space<vmem>>
    %dma_wait3A_102 = tpu.memref_squeeze %dma_wait3A_101 : memref<1x100xi32, #tpu.memory_space<vmem>> -> memref<100xi32, #tpu.memory_space<vmem>>
    %dma_wait3A_103 = arith.constant 0 : i32
    %dma_wait3A_104 = arith.constant 0 : i32
    %dma_wait3A_105 = tpu.memref_slice %arg2[%dma_wait3A_103, %dma_wait3A_104] : memref<10000x128xf32, #tpu.memory_space<hbm>> -> memref<10000x128xf32, #tpu.memory_space<hbm>>
    tpu.wait_indirect_dma semaphore(%arg13 : memref<!tpu.dma_semaphore, #tpu.memory_space<semaphore_mem>>) src(%dma_wait3A_105 : memref<10000x128xf32, #tpu.memory_space<hbm>>) dst(%arg8 : memref<100x128xf32, #tpu.memory_space<vmem>>)
    %dma_start3A_106 = arith.constant 24 : i32
    %dma_start3A_107 = arith.constant 0 : i32
    %dma_start3A_108 = tpu.memref_slice %arg7[%dma_start3A_106, %dma_start3A_107] : memref<25x100xi32, #tpu.memory_space<vmem>> -> memref<1x100xi32, #tpu.memory_space<vmem>>
    %dma_start3A_109 = tpu.memref_squeeze %dma_start3A_108 : memref<1x100xi32, #tpu.memory_space<vmem>> -> memref<100xi32, #tpu.memory_space<vmem>>
    %dma_start3A_110 = arith.constant 0 : i32
    %dma_start3A_111 = arith.constant 0 : i32
    %dma_start3A_112 = tpu.memref_slice %arg12[%dma_start3A_110, %dma_start3A_111] : memref<10000x128xf32, #tpu.memory_space<vmem_shared>> -> memref<10000x128xf32, #tpu.memory_space<vmem_shared>>
    tpu.enqueue_indirect_dma source(%arg8 : memref<100x128xf32, #tpu.memory_space<vmem>>) target(%dma_start3A_112 : memref<10000x128xf32, #tpu.memory_space<vmem_shared>>) offsets(%dma_start3A_109 : memref<100xi32, #tpu.memory_space<vmem>>) semaphore(%arg16 : memref<!tpu.dma_semaphore, #tpu.memory_space<semaphore_mem>>) {add = true}
    %dma_wait3A_113 = arith.constant 0 : i32
    %dma_wait3A_114 = arith.constant 0 : i32
    %dma_wait3A_115 = tpu.memref_slice %arg7[%dma_wait3A_113, %dma_wait3A_114] : memref<25x100xi32, #tpu.memory_space<vmem>> -> memref<1x100xi32, #tpu.memory_space<vmem>>
    %dma_wait3A_116 = tpu.memref_squeeze %dma_wait3A_115 : memref<1x100xi32, #tpu.memory_space<vmem>> -> memref<100xi32, #tpu.memory_space<vmem>>
    %dma_wait3A_117 = arith.constant 0 : i32
    %dma_wait3A_118 = arith.constant 0 : i32
    %dma_wait3A_119 = tpu.memref_slice %arg12[%dma_wait3A_117, %dma_wait3A_118] : memref<10000x128xf32, #tpu.memory_space<vmem_shared>> -> memref<10000x128xf32, #tpu.memory_space<vmem_shared>>
    tpu.wait_indirect_dma semaphore(%arg18 : memref<!tpu.dma_semaphore, #tpu.memory_space<semaphore_mem>>) src(%arg10 : memref<100x128xf32, #tpu.memory_space<vmem>>) dst(%dma_wait3A_119 : memref<10000x128xf32, #tpu.memory_space<vmem_shared>>)
    %dma_wait3A_120 = arith.constant 0 : i32
    %dma_wait3A_121 = arith.constant 0 : i32
    %dma_wait3A_122 = tpu.memref_slice %arg7[%dma_wait3A_120, %dma_wait3A_121] : memref<25x100xi32, #tpu.memory_space<vmem>> -> memref<1x100xi32, #tpu.memory_space<vmem>>
    %dma_wait3A_123 = tpu.memref_squeeze %dma_wait3A_122 : memref<1x100xi32, #tpu.memory_space<vmem>> -> memref<100xi32, #tpu.memory_space<vmem>>
    %dma_wait3A_124 = arith.constant 0 : i32
    %dma_wait3A_125 = arith.constant 0 : i32
    %dma_wait3A_126 = tpu.memref_slice %arg12[%dma_wait3A_124, %dma_wait3A_125] : memref<10000x128xf32, #tpu.memory_space<vmem_shared>> -> memref<10000x128xf32, #tpu.memory_space<vmem_shared>>
    tpu.wait_indirect_dma semaphore(%arg16 : memref<!tpu.dma_semaphore, #tpu.memory_space<semaphore_mem>>) src(%arg8 : memref<100x128xf32, #tpu.memory_space<vmem>>) dst(%dma_wait3A_126 : memref<10000x128xf32, #tpu.memory_space<vmem_shared>>)
    %run_scoped3A_127 = arith.constant 2 : i32
    "tpu.region"() ({
      %run_scoped3A_253 = tpu.sem_alloc : memref<!tpu.dma_semaphore, #tpu.memory_space<semaphore_mem>>
      %dma_start3A_254 = arith.constant 0 : i32
      %dma_start3A_255 = arith.constant 0 : i32
      %dma_start3A_256 = tpu.memref_slice %arg3[%add3A, %run_scoped3A_127, %dma_start3A_254, %dma_start3A_255] : memref<32x4x25x100xi32, #tpu.memory_space<hbm>> -> memref<1x1x25x100xi32, #tpu.memory_space<hbm>>
      %dma_start3A_257 = tpu.memref_squeeze %dma_start3A_256 : memref<1x1x25x100xi32, #tpu.memory_space<hbm>> -> memref<25x100xi32, #tpu.memory_space<hbm>>
      %dma_start3A_258 = arith.constant 0 : i32
      %dma_start3A_259 = arith.constant 0 : i32
      %dma_start3A_260 = tpu.memref_slice %arg3[%add3A, %run_scoped3A_127, %dma_start3A_258, %dma_start3A_259] : memref<32x4x25x100xi32, #tpu.memory_space<hbm>> -> memref<1x1x25x100xi32, #tpu.memory_space<hbm>>
      %dma_start3A_261 = tpu.memref_squeeze %dma_start3A_260 : memref<1x1x25x100xi32, #tpu.memory_space<hbm>> -> memref<25x100xi32, #tpu.memory_space<hbm>>
      tpu.enqueue_dma source(%dma_start3A_261 : memref<25x100xi32, #tpu.memory_space<hbm>>) target(%arg6 : memref<25x100xi32, #tpu.memory_space<vmem>>) target_semaphore(%run_scoped3A_253 : memref<!tpu.dma_semaphore, #tpu.memory_space<semaphore_mem>>)
      %dma_wait3A_262 = arith.constant 0 : i32
      %dma_wait3A_263 = arith.constant 0 : i32
      %dma_wait3A_264 = tpu.memref_slice %arg3[%add3A, %run_scoped3A_127, %dma_wait3A_262, %dma_wait3A_263] : memref<32x4x25x100xi32, #tpu.memory_space<hbm>> -> memref<1x1x25x100xi32, #tpu.memory_space<hbm>>
      %dma_wait3A_265 = tpu.memref_squeeze %dma_wait3A_264 : memref<1x1x25x100xi32, #tpu.memory_space<hbm>> -> memref<25x100xi32, #tpu.memory_space<hbm>>
      %dma_wait3A_266 = arith.constant 0 : i32
      %dma_wait3A_267 = arith.constant 0 : i32
      %dma_wait3A_268 = tpu.memref_slice %arg3[%add3A, %run_scoped3A_127, %dma_wait3A_266, %dma_wait3A_267] : memref<32x4x25x100xi32, #tpu.memory_space<hbm>> -> memref<1x1x25x100xi32, #tpu.memory_space<hbm>>
      %dma_wait3A_269 = tpu.memref_squeeze %dma_wait3A_268 : memref<1x1x25x100xi32, #tpu.memory_space<hbm>> -> memref<25x100xi32, #tpu.memory_space<hbm>>
      tpu.wait_dma2 semaphore(%run_scoped3A_253 : memref<!tpu.dma_semaphore, #tpu.memory_space<semaphore_mem>>) src(%dma_wait3A_269 : memref<25x100xi32, #tpu.memory_space<hbm>>) dst(%arg6 : memref<25x100xi32, #tpu.memory_space<vmem>>)
      tpu.yield
    }) : () -> ()
    %run_scoped3A_128 = arith.constant 2 : i32
    "tpu.region"() ({
      %run_scoped3A_253 = tpu.sem_alloc : memref<!tpu.dma_semaphore, #tpu.memory_space<semaphore_mem>>
      %dma_start3A_254 = arith.constant 0 : i32
      %dma_start3A_255 = arith.constant 0 : i32
      %dma_start3A_256 = tpu.memref_slice %arg4[%add3A, %run_scoped3A_128, %dma_start3A_254, %dma_start3A_255] : memref<32x4x25x100xi32, #tpu.memory_space<hbm>> -> memref<1x1x25x100xi32, #tpu.memory_space<hbm>>
      %dma_start3A_257 = tpu.memref_squeeze %dma_start3A_256 : memref<1x1x25x100xi32, #tpu.memory_space<hbm>> -> memref<25x100xi32, #tpu.memory_space<hbm>>
      %dma_start3A_258 = arith.constant 0 : i32
      %dma_start3A_259 = arith.constant 0 : i32
      %dma_start3A_260 = tpu.memref_slice %arg4[%add3A, %run_scoped3A_128, %dma_start3A_258, %dma_start3A_259] : memref<32x4x25x100xi32, #tpu.memory_space<hbm>> -> memref<1x1x25x100xi32, #tpu.memory_space<hbm>>
      %dma_start3A_261 = tpu.memref_squeeze %dma_start3A_260 : memref<1x1x25x100xi32, #tpu.memory_space<hbm>> -> memref<25x100xi32, #tpu.memory_space<hbm>>
      tpu.enqueue_dma source(%dma_start3A_261 : memref<25x100xi32, #tpu.memory_space<hbm>>) target(%arg7 : memref<25x100xi32, #tpu.memory_space<vmem>>) target_semaphore(%run_scoped3A_253 : memref<!tpu.dma_semaphore, #tpu.memory_space<semaphore_mem>>)
      %dma_wait3A_262 = arith.constant 0 : i32
      %dma_wait3A_263 = arith.constant 0 : i32
      %dma_wait3A_264 = tpu.memref_slice %arg4[%add3A, %run_scoped3A_128, %dma_wait3A_262, %dma_wait3A_263] : memref<32x4x25x100xi32, #tpu.memory_space<hbm>> -> memref<1x1x25x100xi32, #tpu.memory_space<hbm>>
      %dma_wait3A_265 = tpu.memref_squeeze %dma_wait3A_264 : memref<1x1x25x100xi32, #tpu.memory_space<hbm>> -> memref<25x100xi32, #tpu.memory_space<hbm>>
      %dma_wait3A_266 = arith.constant 0 : i32
      %dma_wait3A_267 = arith.constant 0 : i32
      %dma_wait3A_268 = tpu.memref_slice %arg4[%add3A, %run_scoped3A_128, %dma_wait3A_266, %dma_wait3A_267] : memref<32x4x25x100xi32, #tpu.memory_space<hbm>> -> memref<1x1x25x100xi32, #tpu.memory_space<hbm>>
      %dma_wait3A_269 = tpu.memref_squeeze %dma_wait3A_268 : memref<1x1x25x100xi32, #tpu.memory_space<hbm>> -> memref<25x100xi32, #tpu.memory_space<hbm>>
      tpu.wait_dma2 semaphore(%run_scoped3A_253 : memref<!tpu.dma_semaphore, #tpu.memory_space<semaphore_mem>>) src(%dma_wait3A_269 : memref<25x100xi32, #tpu.memory_space<hbm>>) dst(%arg7 : memref<25x100xi32, #tpu.memory_space<vmem>>)
      tpu.yield
    }) : () -> ()
    %dma_start3A_129 = arith.constant 0 : i32
    %dma_start3A_130 = arith.constant 0 : i32
    %dma_start3A_131 = tpu.memref_slice %arg6[%dma_start3A_129, %dma_start3A_130] : memref<25x100xi32, #tpu.memory_space<vmem>> -> memref<1x100xi32, #tpu.memory_space<vmem>>
    %dma_start3A_132 = tpu.memref_squeeze %dma_start3A_131 : memref<1x100xi32, #tpu.memory_space<vmem>> -> memref<100xi32, #tpu.memory_space<vmem>>
    %dma_start3A_133 = arith.constant 0 : i32
    %dma_start3A_134 = arith.constant 0 : i32
    %dma_start3A_135 = tpu.memref_slice %arg2[%dma_start3A_133, %dma_start3A_134] : memref<10000x128xf32, #tpu.memory_space<hbm>> -> memref<10000x128xf32, #tpu.memory_space<hbm>>
    tpu.enqueue_indirect_dma source(%dma_start3A_135 : memref<10000x128xf32, #tpu.memory_space<hbm>>) target(%arg8 : memref<100x128xf32, #tpu.memory_space<vmem>>) offsets(%dma_start3A_132 : memref<100xi32, #tpu.memory_space<vmem>>) semaphore(%arg13 : memref<!tpu.dma_semaphore, #tpu.memory_space<semaphore_mem>>)
    %dma_start3A_136 = arith.constant 1 : i32
    %dma_start3A_137 = arith.constant 0 : i32
    %dma_start3A_138 = tpu.memref_slice %arg6[%dma_start3A_136, %dma_start3A_137] : memref<25x100xi32, #tpu.memory_space<vmem>> -> memref<1x100xi32, #tpu.memory_space<vmem>>
    %dma_start3A_139 = tpu.memref_squeeze %dma_start3A_138 : memref<1x100xi32, #tpu.memory_space<vmem>> -> memref<100xi32, #tpu.memory_space<vmem>>
    %dma_start3A_140 = arith.constant 0 : i32
    %dma_start3A_141 = arith.constant 0 : i32
    %dma_start3A_142 = tpu.memref_slice %arg2[%dma_start3A_140, %dma_start3A_141] : memref<10000x128xf32, #tpu.memory_space<hbm>> -> memref<10000x128xf32, #tpu.memory_space<hbm>>
    tpu.enqueue_indirect_dma source(%dma_start3A_142 : memref<10000x128xf32, #tpu.memory_space<hbm>>) target(%arg9 : memref<100x128xf32, #tpu.memory_space<vmem>>) offsets(%dma_start3A_139 : memref<100xi32, #tpu.memory_space<vmem>>) semaphore(%arg14 : memref<!tpu.dma_semaphore, #tpu.memory_space<semaphore_mem>>)
    %scan3A_143 = arith.constant 0 : i32
    %scan3A_144 = arith.constant 0 : i32
    %scan3A_145 = arith.constant 8 : i32
    %scan3A_146 = arith.addi %scan3A_144, %scan3A_145 : i32
    %scan3A_147 = arith.constant 1 : i32
    scf.for %scan3A_253 = %scan3A_144 to %scan3A_146 step %scan3A_147  : i32 {
      %mul3A_254 = arith.constant 3 : i32
      %mul3A_255 = arith.muli %mul3A_254, %scan3A_253 : i32
      %add3A_256 = arith.constant 0 : i32
      %add3A_257 = arith.addi %mul3A_255, %add3A_256 : i32
      %dma_wait3A_258 = arith.constant 0 : i32
      %dma_wait3A_259 = arith.constant 0 : i32
      %dma_wait3A_260 = tpu.memref_slice %arg6[%dma_wait3A_258, %dma_wait3A_259] : memref<25x100xi32, #tpu.memory_space<vmem>> -> memref<1x100xi32, #tpu.memory_space<vmem>>
      %dma_wait3A_261 = tpu.memref_squeeze %dma_wait3A_260 : memref<1x100xi32, #tpu.memory_space<vmem>> -> memref<100xi32, #tpu.memory_space<vmem>>
      %dma_wait3A_262 = arith.constant 0 : i32
      %dma_wait3A_263 = arith.constant 0 : i32
      %dma_wait3A_264 = tpu.memref_slice %arg2[%dma_wait3A_262, %dma_wait3A_263] : memref<10000x128xf32, #tpu.memory_space<hbm>> -> memref<10000x128xf32, #tpu.memory_space<hbm>>
      tpu.wait_indirect_dma semaphore(%arg13 : memref<!tpu.dma_semaphore, #tpu.memory_space<semaphore_mem>>) src(%dma_wait3A_264 : memref<10000x128xf32, #tpu.memory_space<hbm>>) dst(%arg8 : memref<100x128xf32, #tpu.memory_space<vmem>>)
      %dma_start3A_265 = arith.constant 0 : i32
      %dma_start3A_266 = tpu.memref_slice %arg7[%add3A_257, %dma_start3A_265] : memref<25x100xi32, #tpu.memory_space<vmem>> -> memref<1x100xi32, #tpu.memory_space<vmem>>
      %dma_start3A_267 = tpu.memref_squeeze %dma_start3A_266 : memref<1x100xi32, #tpu.memory_space<vmem>> -> memref<100xi32, #tpu.memory_space<vmem>>
      %dma_start3A_268 = arith.constant 0 : i32
      %dma_start3A_269 = arith.constant 0 : i32
      %dma_start3A_270 = tpu.memref_slice %arg12[%dma_start3A_268, %dma_start3A_269] : memref<10000x128xf32, #tpu.memory_space<vmem_shared>> -> memref<10000x128xf32, #tpu.memory_space<vmem_shared>>
      tpu.enqueue_indirect_dma source(%arg8 : memref<100x128xf32, #tpu.memory_space<vmem>>) target(%dma_start3A_270 : memref<10000x128xf32, #tpu.memory_space<vmem_shared>>) offsets(%dma_start3A_267 : memref<100xi32, #tpu.memory_space<vmem>>) semaphore(%arg16 : memref<!tpu.dma_semaphore, #tpu.memory_space<semaphore_mem>>) {add = true}
      %ge3A = arith.constant 1 : i32
      %ge3A_271 = arith.cmpi sge, %add3A_257, %ge3A : i32
      %convert_element_type3A = arith.extui %ge3A_271 : i1 to i32
      %cond3A = arith.constant 0 : i32
      %cond3A_272 = arith.cmpi ne, %convert_element_type3A, %cond3A : i32
      scf.if %cond3A_272 {
        %dma_wait3A_337 = arith.constant 0 : i32
        %dma_wait3A_338 = arith.constant 0 : i32
        %dma_wait3A_339 = tpu.memref_slice %arg7[%dma_wait3A_337, %dma_wait3A_338] : memref<25x100xi32, #tpu.memory_space<vmem>> -> memref<1x100xi32, #tpu.memory_space<vmem>>
        %dma_wait3A_340 = tpu.memref_squeeze %dma_wait3A_339 : memref<1x100xi32, #tpu.memory_space<vmem>> -> memref<100xi32, #tpu.memory_space<vmem>>
        %dma_wait3A_341 = arith.constant 0 : i32
        %dma_wait3A_342 = arith.constant 0 : i32
        %dma_wait3A_343 = tpu.memref_slice %arg12[%dma_wait3A_341, %dma_wait3A_342] : memref<10000x128xf32, #tpu.memory_space<vmem_shared>> -> memref<10000x128xf32, #tpu.memory_space<vmem_shared>>
        tpu.wait_indirect_dma semaphore(%arg18 : memref<!tpu.dma_semaphore, #tpu.memory_space<semaphore_mem>>) src(%arg10 : memref<100x128xf32, #tpu.memory_space<vmem>>) dst(%dma_wait3A_343 : memref<10000x128xf32, #tpu.memory_space<vmem_shared>>)
      } else {
      }
      %add3A_273 = arith.constant 2 : i32
      %add3A_274 = arith.addi %add3A_257, %add3A_273 : i32
      %lt3A = arith.constant 25 : i32
      %lt3A_275 = arith.cmpi slt, %add3A_274, %lt3A : i32
      %convert_element_type3A_276 = arith.extui %lt3A_275 : i1 to i32
      %cond3A_277 = arith.constant 0 : i32
      %cond3A_278 = arith.cmpi ne, %convert_element_type3A_276, %cond3A_277 : i32
      scf.if %cond3A_278 {
        %add3A_337 = arith.constant 2 : i32
        %add3A_338 = arith.addi %add3A_257, %add3A_337 : i32
        %dma_start3A_339 = arith.constant 0 : i32
        %dma_start3A_340 = tpu.memref_slice %arg6[%add3A_338, %dma_start3A_339] : memref<25x100xi32, #tpu.memory_space<vmem>> -> memref<1x100xi32, #tpu.memory_space<vmem>>
        %dma_start3A_341 = tpu.memref_squeeze %dma_start3A_340 : memref<1x100xi32, #tpu.memory_space<vmem>> -> memref<100xi32, #tpu.memory_space<vmem>>
        %dma_start3A_342 = arith.constant 0 : i32
        %dma_start3A_343 = arith.constant 0 : i32
        %dma_start3A_344 = tpu.memref_slice %arg2[%dma_start3A_342, %dma_start3A_343] : memref<10000x128xf32, #tpu.memory_space<hbm>> -> memref<10000x128xf32, #tpu.memory_space<hbm>>
        tpu.enqueue_indirect_dma source(%dma_start3A_344 : memref<10000x128xf32, #tpu.memory_space<hbm>>) target(%arg10 : memref<100x128xf32, #tpu.memory_space<vmem>>) offsets(%dma_start3A_341 : memref<100xi32, #tpu.memory_space<vmem>>) semaphore(%arg15 : memref<!tpu.dma_semaphore, #tpu.memory_space<semaphore_mem>>)
      } else {
      }
      %mul3A_279 = arith.constant 3 : i32
      %mul3A_280 = arith.muli %mul3A_279, %scan3A_253 : i32
      %add3A_281 = arith.constant 1 : i32
      %add3A_282 = arith.addi %mul3A_280, %add3A_281 : i32
      %dma_wait3A_283 = arith.constant 0 : i32
      %dma_wait3A_284 = arith.constant 0 : i32
      %dma_wait3A_285 = tpu.memref_slice %arg6[%dma_wait3A_283, %dma_wait3A_284] : memref<25x100xi32, #tpu.memory_space<vmem>> -> memref<1x100xi32, #tpu.memory_space<vmem>>
      %dma_wait3A_286 = tpu.memref_squeeze %dma_wait3A_285 : memref<1x100xi32, #tpu.memory_space<vmem>> -> memref<100xi32, #tpu.memory_space<vmem>>
      %dma_wait3A_287 = arith.constant 0 : i32
      %dma_wait3A_288 = arith.constant 0 : i32
      %dma_wait3A_289 = tpu.memref_slice %arg2[%dma_wait3A_287, %dma_wait3A_288] : memref<10000x128xf32, #tpu.memory_space<hbm>> -> memref<10000x128xf32, #tpu.memory_space<hbm>>
      tpu.wait_indirect_dma semaphore(%arg14 : memref<!tpu.dma_semaphore, #tpu.memory_space<semaphore_mem>>) src(%dma_wait3A_289 : memref<10000x128xf32, #tpu.memory_space<hbm>>) dst(%arg9 : memref<100x128xf32, #tpu.memory_space<vmem>>)
      %dma_start3A_290 = arith.constant 0 : i32
      %dma_start3A_291 = tpu.memref_slice %arg7[%add3A_282, %dma_start3A_290] : memref<25x100xi32, #tpu.memory_space<vmem>> -> memref<1x100xi32, #tpu.memory_space<vmem>>
      %dma_start3A_292 = tpu.memref_squeeze %dma_start3A_291 : memref<1x100xi32, #tpu.memory_space<vmem>> -> memref<100xi32, #tpu.memory_space<vmem>>
      %dma_start3A_293 = arith.constant 0 : i32
      %dma_start3A_294 = arith.constant 0 : i32
      %dma_start3A_295 = tpu.memref_slice %arg12[%dma_start3A_293, %dma_start3A_294] : memref<10000x128xf32, #tpu.memory_space<vmem_shared>> -> memref<10000x128xf32, #tpu.memory_space<vmem_shared>>
      tpu.enqueue_indirect_dma source(%arg9 : memref<100x128xf32, #tpu.memory_space<vmem>>) target(%dma_start3A_295 : memref<10000x128xf32, #tpu.memory_space<vmem_shared>>) offsets(%dma_start3A_292 : memref<100xi32, #tpu.memory_space<vmem>>) semaphore(%arg17 : memref<!tpu.dma_semaphore, #tpu.memory_space<semaphore_mem>>) {add = true}
      %ge3A_296 = arith.constant 1 : i32
      %ge3A_297 = arith.cmpi sge, %add3A_282, %ge3A_296 : i32
      %convert_element_type3A_298 = arith.extui %ge3A_297 : i1 to i32
      %cond3A_299 = arith.constant 0 : i32
      %cond3A_300 = arith.cmpi ne, %convert_element_type3A_298, %cond3A_299 : i32
      scf.if %cond3A_300 {
        %dma_wait3A_337 = arith.constant 0 : i32
        %dma_wait3A_338 = arith.constant 0 : i32
        %dma_wait3A_339 = tpu.memref_slice %arg7[%dma_wait3A_337, %dma_wait3A_338] : memref<25x100xi32, #tpu.memory_space<vmem>> -> memref<1x100xi32, #tpu.memory_space<vmem>>
        %dma_wait3A_340 = tpu.memref_squeeze %dma_wait3A_339 : memref<1x100xi32, #tpu.memory_space<vmem>> -> memref<100xi32, #tpu.memory_space<vmem>>
        %dma_wait3A_341 = arith.constant 0 : i32
        %dma_wait3A_342 = arith.constant 0 : i32
        %dma_wait3A_343 = tpu.memref_slice %arg12[%dma_wait3A_341, %dma_wait3A_342] : memref<10000x128xf32, #tpu.memory_space<vmem_shared>> -> memref<10000x128xf32, #tpu.memory_space<vmem_shared>>
        tpu.wait_indirect_dma semaphore(%arg16 : memref<!tpu.dma_semaphore, #tpu.memory_space<semaphore_mem>>) src(%arg8 : memref<100x128xf32, #tpu.memory_space<vmem>>) dst(%dma_wait3A_343 : memref<10000x128xf32, #tpu.memory_space<vmem_shared>>)
      } else {
      }
      %add3A_301 = arith.constant 2 : i32
      %add3A_302 = arith.addi %add3A_282, %add3A_301 : i32
      %lt3A_303 = arith.constant 25 : i32
      %lt3A_304 = arith.cmpi slt, %add3A_302, %lt3A_303 : i32
      %convert_element_type3A_305 = arith.extui %lt3A_304 : i1 to i32
      %cond3A_306 = arith.constant 0 : i32
      %cond3A_307 = arith.cmpi ne, %convert_element_type3A_305, %cond3A_306 : i32
      scf.if %cond3A_307 {
        %add3A_337 = arith.constant 2 : i32
        %add3A_338 = arith.addi %add3A_282, %add3A_337 : i32
        %dma_start3A_339 = arith.constant 0 : i32
        %dma_start3A_340 = tpu.memref_slice %arg6[%add3A_338, %dma_start3A_339] : memref<25x100xi32, #tpu.memory_space<vmem>> -> memref<1x100xi32, #tpu.memory_space<vmem>>
        %dma_start3A_341 = tpu.memref_squeeze %dma_start3A_340 : memref<1x100xi32, #tpu.memory_space<vmem>> -> memref<100xi32, #tpu.memory_space<vmem>>
        %dma_start3A_342 = arith.constant 0 : i32
        %dma_start3A_343 = arith.constant 0 : i32
        %dma_start3A_344 = tpu.memref_slice %arg2[%dma_start3A_342, %dma_start3A_343] : memref<10000x128xf32, #tpu.memory_space<hbm>> -> memref<10000x128xf32, #tpu.memory_space<hbm>>
        tpu.enqueue_indirect_dma source(%dma_start3A_344 : memref<10000x128xf32, #tpu.memory_space<hbm>>) target(%arg8 : memref<100x128xf32, #tpu.memory_space<vmem>>) offsets(%dma_start3A_341 : memref<100xi32, #tpu.memory_space<vmem>>) semaphore(%arg13 : memref<!tpu.dma_semaphore, #tpu.memory_space<semaphore_mem>>)
      } else {
      }
      %mul3A_308 = arith.constant 3 : i32
      %mul3A_309 = arith.muli %mul3A_308, %scan3A_253 : i32
      %add3A_310 = arith.constant 2 : i32
      %add3A_311 = arith.addi %mul3A_309, %add3A_310 : i32
      %dma_wait3A_312 = arith.constant 0 : i32
      %dma_wait3A_313 = arith.constant 0 : i32
      %dma_wait3A_314 = tpu.memref_slice %arg6[%dma_wait3A_312, %dma_wait3A_313] : memref<25x100xi32, #tpu.memory_space<vmem>> -> memref<1x100xi32, #tpu.memory_space<vmem>>
      %dma_wait3A_315 = tpu.memref_squeeze %dma_wait3A_314 : memref<1x100xi32, #tpu.memory_space<vmem>> -> memref<100xi32, #tpu.memory_space<vmem>>
      %dma_wait3A_316 = arith.constant 0 : i32
      %dma_wait3A_317 = arith.constant 0 : i32
      %dma_wait3A_318 = tpu.memref_slice %arg2[%dma_wait3A_316, %dma_wait3A_317] : memref<10000x128xf32, #tpu.memory_space<hbm>> -> memref<10000x128xf32, #tpu.memory_space<hbm>>
      tpu.wait_indirect_dma semaphore(%arg15 : memref<!tpu.dma_semaphore, #tpu.memory_space<semaphore_mem>>) src(%dma_wait3A_318 : memref<10000x128xf32, #tpu.memory_space<hbm>>) dst(%arg10 : memref<100x128xf32, #tpu.memory_space<vmem>>)
      %dma_start3A_319 = arith.constant 0 : i32
      %dma_start3A_320 = tpu.memref_slice %arg7[%add3A_311, %dma_start3A_319] : memref<25x100xi32, #tpu.memory_space<vmem>> -> memref<1x100xi32, #tpu.memory_space<vmem>>
      %dma_start3A_321 = tpu.memref_squeeze %dma_start3A_320 : memref<1x100xi32, #tpu.memory_space<vmem>> -> memref<100xi32, #tpu.memory_space<vmem>>
      %dma_start3A_322 = arith.constant 0 : i32
      %dma_start3A_323 = arith.constant 0 : i32
      %dma_start3A_324 = tpu.memref_slice %arg12[%dma_start3A_322, %dma_start3A_323] : memref<10000x128xf32, #tpu.memory_space<vmem_shared>> -> memref<10000x128xf32, #tpu.memory_space<vmem_shared>>
      tpu.enqueue_indirect_dma source(%arg10 : memref<100x128xf32, #tpu.memory_space<vmem>>) target(%dma_start3A_324 : memref<10000x128xf32, #tpu.memory_space<vmem_shared>>) offsets(%dma_start3A_321 : memref<100xi32, #tpu.memory_space<vmem>>) semaphore(%arg18 : memref<!tpu.dma_semaphore, #tpu.memory_space<semaphore_mem>>) {add = true}
      %ge3A_325 = arith.constant 1 : i32
      %ge3A_326 = arith.cmpi sge, %add3A_311, %ge3A_325 : i32
      %convert_element_type3A_327 = arith.extui %ge3A_326 : i1 to i32
      %cond3A_328 = arith.constant 0 : i32
      %cond3A_329 = arith.cmpi ne, %convert_element_type3A_327, %cond3A_328 : i32
      scf.if %cond3A_329 {
        %dma_wait3A_337 = arith.constant 0 : i32
        %dma_wait3A_338 = arith.constant 0 : i32
        %dma_wait3A_339 = tpu.memref_slice %arg7[%dma_wait3A_337, %dma_wait3A_338] : memref<25x100xi32, #tpu.memory_space<vmem>> -> memref<1x100xi32, #tpu.memory_space<vmem>>
        %dma_wait3A_340 = tpu.memref_squeeze %dma_wait3A_339 : memref<1x100xi32, #tpu.memory_space<vmem>> -> memref<100xi32, #tpu.memory_space<vmem>>
        %dma_wait3A_341 = arith.constant 0 : i32
        %dma_wait3A_342 = arith.constant 0 : i32
        %dma_wait3A_343 = tpu.memref_slice %arg12[%dma_wait3A_341, %dma_wait3A_342] : memref<10000x128xf32, #tpu.memory_space<vmem_shared>> -> memref<10000x128xf32, #tpu.memory_space<vmem_shared>>
        tpu.wait_indirect_dma semaphore(%arg17 : memref<!tpu.dma_semaphore, #tpu.memory_space<semaphore_mem>>) src(%arg9 : memref<100x128xf32, #tpu.memory_space<vmem>>) dst(%dma_wait3A_343 : memref<10000x128xf32, #tpu.memory_space<vmem_shared>>)
      } else {
      }
      %add3A_330 = arith.constant 2 : i32
      %add3A_331 = arith.addi %add3A_311, %add3A_330 : i32
      %lt3A_332 = arith.constant 25 : i32
      %lt3A_333 = arith.cmpi slt, %add3A_331, %lt3A_332 : i32
      %convert_element_type3A_334 = arith.extui %lt3A_333 : i1 to i32
      %cond3A_335 = arith.constant 0 : i32
      %cond3A_336 = arith.cmpi ne, %convert_element_type3A_334, %cond3A_335 : i32
      scf.if %cond3A_336 {
        %add3A_337 = arith.constant 2 : i32
        %add3A_338 = arith.addi %add3A_311, %add3A_337 : i32
        %dma_start3A_339 = arith.constant 0 : i32
        %dma_start3A_340 = tpu.memref_slice %arg6[%add3A_338, %dma_start3A_339] : memref<25x100xi32, #tpu.memory_space<vmem>> -> memref<1x100xi32, #tpu.memory_space<vmem>>
        %dma_start3A_341 = tpu.memref_squeeze %dma_start3A_340 : memref<1x100xi32, #tpu.memory_space<vmem>> -> memref<100xi32, #tpu.memory_space<vmem>>
        %dma_start3A_342 = arith.constant 0 : i32
        %dma_start3A_343 = arith.constant 0 : i32
        %dma_start3A_344 = tpu.memref_slice %arg2[%dma_start3A_342, %dma_start3A_343] : memref<10000x128xf32, #tpu.memory_space<hbm>> -> memref<10000x128xf32, #tpu.memory_space<hbm>>
        tpu.enqueue_indirect_dma source(%dma_start3A_344 : memref<10000x128xf32, #tpu.memory_space<hbm>>) target(%arg9 : memref<100x128xf32, #tpu.memory_space<vmem>>) offsets(%dma_start3A_341 : memref<100xi32, #tpu.memory_space<vmem>>) semaphore(%arg14 : memref<!tpu.dma_semaphore, #tpu.memory_space<semaphore_mem>>)
      } else {
      }
    }
    %scan3A_148 = arith.constant 8 : i32
    %dma_wait3A_149 = arith.constant 0 : i32
    %dma_wait3A_150 = arith.constant 0 : i32
    %dma_wait3A_151 = tpu.memref_slice %arg6[%dma_wait3A_149, %dma_wait3A_150] : memref<25x100xi32, #tpu.memory_space<vmem>> -> memref<1x100xi32, #tpu.memory_space<vmem>>
    %dma_wait3A_152 = tpu.memref_squeeze %dma_wait3A_151 : memref<1x100xi32, #tpu.memory_space<vmem>> -> memref<100xi32, #tpu.memory_space<vmem>>
    %dma_wait3A_153 = arith.constant 0 : i32
    %dma_wait3A_154 = arith.constant 0 : i32
    %dma_wait3A_155 = tpu.memref_slice %arg2[%dma_wait3A_153, %dma_wait3A_154] : memref<10000x128xf32, #tpu.memory_space<hbm>> -> memref<10000x128xf32, #tpu.memory_space<hbm>>
    tpu.wait_indirect_dma semaphore(%arg13 : memref<!tpu.dma_semaphore, #tpu.memory_space<semaphore_mem>>) src(%dma_wait3A_155 : memref<10000x128xf32, #tpu.memory_space<hbm>>) dst(%arg8 : memref<100x128xf32, #tpu.memory_space<vmem>>)
    %dma_start3A_156 = arith.constant 24 : i32
    %dma_start3A_157 = arith.constant 0 : i32
    %dma_start3A_158 = tpu.memref_slice %arg7[%dma_start3A_156, %dma_start3A_157] : memref<25x100xi32, #tpu.memory_space<vmem>> -> memref<1x100xi32, #tpu.memory_space<vmem>>
    %dma_start3A_159 = tpu.memref_squeeze %dma_start3A_158 : memref<1x100xi32, #tpu.memory_space<vmem>> -> memref<100xi32, #tpu.memory_space<vmem>>
    %dma_start3A_160 = arith.constant 0 : i32
    %dma_start3A_161 = arith.constant 0 : i32
    %dma_start3A_162 = tpu.memref_slice %arg12[%dma_start3A_160, %dma_start3A_161] : memref<10000x128xf32, #tpu.memory_space<vmem_shared>> -> memref<10000x128xf32, #tpu.memory_space<vmem_shared>>
    tpu.enqueue_indirect_dma source(%arg8 : memref<100x128xf32, #tpu.memory_space<vmem>>) target(%dma_start3A_162 : memref<10000x128xf32, #tpu.memory_space<vmem_shared>>) offsets(%dma_start3A_159 : memref<100xi32, #tpu.memory_space<vmem>>) semaphore(%arg16 : memref<!tpu.dma_semaphore, #tpu.memory_space<semaphore_mem>>) {add = true}
    %dma_wait3A_163 = arith.constant 0 : i32
    %dma_wait3A_164 = arith.constant 0 : i32
    %dma_wait3A_165 = tpu.memref_slice %arg7[%dma_wait3A_163, %dma_wait3A_164] : memref<25x100xi32, #tpu.memory_space<vmem>> -> memref<1x100xi32, #tpu.memory_space<vmem>>
    %dma_wait3A_166 = tpu.memref_squeeze %dma_wait3A_165 : memref<1x100xi32, #tpu.memory_space<vmem>> -> memref<100xi32, #tpu.memory_space<vmem>>
    %dma_wait3A_167 = arith.constant 0 : i32
    %dma_wait3A_168 = arith.constant 0 : i32
    %dma_wait3A_169 = tpu.memref_slice %arg12[%dma_wait3A_167, %dma_wait3A_168] : memref<10000x128xf32, #tpu.memory_space<vmem_shared>> -> memref<10000x128xf32, #tpu.memory_space<vmem_shared>>
    tpu.wait_indirect_dma semaphore(%arg18 : memref<!tpu.dma_semaphore, #tpu.memory_space<semaphore_mem>>) src(%arg10 : memref<100x128xf32, #tpu.memory_space<vmem>>) dst(%dma_wait3A_169 : memref<10000x128xf32, #tpu.memory_space<vmem_shared>>)
    %dma_wait3A_170 = arith.constant 0 : i32
    %dma_wait3A_171 = arith.constant 0 : i32
    %dma_wait3A_172 = tpu.memref_slice %arg7[%dma_wait3A_170, %dma_wait3A_171] : memref<25x100xi32, #tpu.memory_space<vmem>> -> memref<1x100xi32, #tpu.memory_space<vmem>>
    %dma_wait3A_173 = tpu.memref_squeeze %dma_wait3A_172 : memref<1x100xi32, #tpu.memory_space<vmem>> -> memref<100xi32, #tpu.memory_space<vmem>>
    %dma_wait3A_174 = arith.constant 0 : i32
    %dma_wait3A_175 = arith.constant 0 : i32
    %dma_wait3A_176 = tpu.memref_slice %arg12[%dma_wait3A_174, %dma_wait3A_175] : memref<10000x128xf32, #tpu.memory_space<vmem_shared>> -> memref<10000x128xf32, #tpu.memory_space<vmem_shared>>
    tpu.wait_indirect_dma semaphore(%arg16 : memref<!tpu.dma_semaphore, #tpu.memory_space<semaphore_mem>>) src(%arg8 : memref<100x128xf32, #tpu.memory_space<vmem>>) dst(%dma_wait3A_176 : memref<10000x128xf32, #tpu.memory_space<vmem_shared>>)
    %run_scoped3A_177 = arith.constant 3 : i32
    "tpu.region"() ({
      %run_scoped3A_253 = tpu.sem_alloc : memref<!tpu.dma_semaphore, #tpu.memory_space<semaphore_mem>>
      %dma_start3A_254 = arith.constant 0 : i32
      %dma_start3A_255 = arith.constant 0 : i32
      %dma_start3A_256 = tpu.memref_slice %arg3[%add3A, %run_scoped3A_177, %dma_start3A_254, %dma_start3A_255] : memref<32x4x25x100xi32, #tpu.memory_space<hbm>> -> memref<1x1x25x100xi32, #tpu.memory_space<hbm>>
      %dma_start3A_257 = tpu.memref_squeeze %dma_start3A_256 : memref<1x1x25x100xi32, #tpu.memory_space<hbm>> -> memref<25x100xi32, #tpu.memory_space<hbm>>
      %dma_start3A_258 = arith.constant 0 : i32
      %dma_start3A_259 = arith.constant 0 : i32
      %dma_start3A_260 = tpu.memref_slice %arg3[%add3A, %run_scoped3A_177, %dma_start3A_258, %dma_start3A_259] : memref<32x4x25x100xi32, #tpu.memory_space<hbm>> -> memref<1x1x25x100xi32, #tpu.memory_space<hbm>>
      %dma_start3A_261 = tpu.memref_squeeze %dma_start3A_260 : memref<1x1x25x100xi32, #tpu.memory_space<hbm>> -> memref<25x100xi32, #tpu.memory_space<hbm>>
      tpu.enqueue_dma source(%dma_start3A_261 : memref<25x100xi32, #tpu.memory_space<hbm>>) target(%arg6 : memref<25x100xi32, #tpu.memory_space<vmem>>) target_semaphore(%run_scoped3A_253 : memref<!tpu.dma_semaphore, #tpu.memory_space<semaphore_mem>>)
      %dma_wait3A_262 = arith.constant 0 : i32
      %dma_wait3A_263 = arith.constant 0 : i32
      %dma_wait3A_264 = tpu.memref_slice %arg3[%add3A, %run_scoped3A_177, %dma_wait3A_262, %dma_wait3A_263] : memref<32x4x25x100xi32, #tpu.memory_space<hbm>> -> memref<1x1x25x100xi32, #tpu.memory_space<hbm>>
      %dma_wait3A_265 = tpu.memref_squeeze %dma_wait3A_264 : memref<1x1x25x100xi32, #tpu.memory_space<hbm>> -> memref<25x100xi32, #tpu.memory_space<hbm>>
      %dma_wait3A_266 = arith.constant 0 : i32
      %dma_wait3A_267 = arith.constant 0 : i32
      %dma_wait3A_268 = tpu.memref_slice %arg3[%add3A, %run_scoped3A_177, %dma_wait3A_266, %dma_wait3A_267] : memref<32x4x25x100xi32, #tpu.memory_space<hbm>> -> memref<1x1x25x100xi32, #tpu.memory_space<hbm>>
      %dma_wait3A_269 = tpu.memref_squeeze %dma_wait3A_268 : memref<1x1x25x100xi32, #tpu.memory_space<hbm>> -> memref<25x100xi32, #tpu.memory_space<hbm>>
      tpu.wait_dma2 semaphore(%run_scoped3A_253 : memref<!tpu.dma_semaphore, #tpu.memory_space<semaphore_mem>>) src(%dma_wait3A_269 : memref<25x100xi32, #tpu.memory_space<hbm>>) dst(%arg6 : memref<25x100xi32, #tpu.memory_space<vmem>>)
      tpu.yield
    }) : () -> ()
    %run_scoped3A_178 = arith.constant 3 : i32
    "tpu.region"() ({
      %run_scoped3A_253 = tpu.sem_alloc : memref<!tpu.dma_semaphore, #tpu.memory_space<semaphore_mem>>
      %dma_start3A_254 = arith.constant 0 : i32
      %dma_start3A_255 = arith.constant 0 : i32
      %dma_start3A_256 = tpu.memref_slice %arg4[%add3A, %run_scoped3A_178, %dma_start3A_254, %dma_start3A_255] : memref<32x4x25x100xi32, #tpu.memory_space<hbm>> -> memref<1x1x25x100xi32, #tpu.memory_space<hbm>>
      %dma_start3A_257 = tpu.memref_squeeze %dma_start3A_256 : memref<1x1x25x100xi32, #tpu.memory_space<hbm>> -> memref<25x100xi32, #tpu.memory_space<hbm>>
      %dma_start3A_258 = arith.constant 0 : i32
      %dma_start3A_259 = arith.constant 0 : i32
      %dma_start3A_260 = tpu.memref_slice %arg4[%add3A, %run_scoped3A_178, %dma_start3A_258, %dma_start3A_259] : memref<32x4x25x100xi32, #tpu.memory_space<hbm>> -> memref<1x1x25x100xi32, #tpu.memory_space<hbm>>
      %dma_start3A_261 = tpu.memref_squeeze %dma_start3A_260 : memref<1x1x25x100xi32, #tpu.memory_space<hbm>> -> memref<25x100xi32, #tpu.memory_space<hbm>>
      tpu.enqueue_dma source(%dma_start3A_261 : memref<25x100xi32, #tpu.memory_space<hbm>>) target(%arg7 : memref<25x100xi32, #tpu.memory_space<vmem>>) target_semaphore(%run_scoped3A_253 : memref<!tpu.dma_semaphore, #tpu.memory_space<semaphore_mem>>)
      %dma_wait3A_262 = arith.constant 0 : i32
      %dma_wait3A_263 = arith.constant 0 : i32
      %dma_wait3A_264 = tpu.memref_slice %arg4[%add3A, %run_scoped3A_178, %dma_wait3A_262, %dma_wait3A_263] : memref<32x4x25x100xi32, #tpu.memory_space<hbm>> -> memref<1x1x25x100xi32, #tpu.memory_space<hbm>>
      %dma_wait3A_265 = tpu.memref_squeeze %dma_wait3A_264 : memref<1x1x25x100xi32, #tpu.memory_space<hbm>> -> memref<25x100xi32, #tpu.memory_space<hbm>>
      %dma_wait3A_266 = arith.constant 0 : i32
      %dma_wait3A_267 = arith.constant 0 : i32
      %dma_wait3A_268 = tpu.memref_slice %arg4[%add3A, %run_scoped3A_178, %dma_wait3A_266, %dma_wait3A_267] : memref<32x4x25x100xi32, #tpu.memory_space<hbm>> -> memref<1x1x25x100xi32, #tpu.memory_space<hbm>>
      %dma_wait3A_269 = tpu.memref_squeeze %dma_wait3A_268 : memref<1x1x25x100xi32, #tpu.memory_space<hbm>> -> memref<25x100xi32, #tpu.memory_space<hbm>>
      tpu.wait_dma2 semaphore(%run_scoped3A_253 : memref<!tpu.dma_semaphore, #tpu.memory_space<semaphore_mem>>) src(%dma_wait3A_269 : memref<25x100xi32, #tpu.memory_space<hbm>>) dst(%arg7 : memref<25x100xi32, #tpu.memory_space<vmem>>)
      tpu.yield
    }) : () -> ()
    %dma_start3A_179 = arith.constant 0 : i32
    %dma_start3A_180 = arith.constant 0 : i32
    %dma_start3A_181 = tpu.memref_slice %arg6[%dma_start3A_179, %dma_start3A_180] : memref<25x100xi32, #tpu.memory_space<vmem>> -> memref<1x100xi32, #tpu.memory_space<vmem>>
    %dma_start3A_182 = tpu.memref_squeeze %dma_start3A_181 : memref<1x100xi32, #tpu.memory_space<vmem>> -> memref<100xi32, #tpu.memory_space<vmem>>
    %dma_start3A_183 = arith.constant 0 : i32
    %dma_start3A_184 = arith.constant 0 : i32
    %dma_start3A_185 = tpu.memref_slice %arg2[%dma_start3A_183, %dma_start3A_184] : memref<10000x128xf32, #tpu.memory_space<hbm>> -> memref<10000x128xf32, #tpu.memory_space<hbm>>
    tpu.enqueue_indirect_dma source(%dma_start3A_185 : memref<10000x128xf32, #tpu.memory_space<hbm>>) target(%arg8 : memref<100x128xf32, #tpu.memory_space<vmem>>) offsets(%dma_start3A_182 : memref<100xi32, #tpu.memory_space<vmem>>) semaphore(%arg13 : memref<!tpu.dma_semaphore, #tpu.memory_space<semaphore_mem>>)
    %dma_start3A_186 = arith.constant 1 : i32
    %dma_start3A_187 = arith.constant 0 : i32
    %dma_start3A_188 = tpu.memref_slice %arg6[%dma_start3A_186, %dma_start3A_187] : memref<25x100xi32, #tpu.memory_space<vmem>> -> memref<1x100xi32, #tpu.memory_space<vmem>>
    %dma_start3A_189 = tpu.memref_squeeze %dma_start3A_188 : memref<1x100xi32, #tpu.memory_space<vmem>> -> memref<100xi32, #tpu.memory_space<vmem>>
    %dma_start3A_190 = arith.constant 0 : i32
    %dma_start3A_191 = arith.constant 0 : i32
    %dma_start3A_192 = tpu.memref_slice %arg2[%dma_start3A_190, %dma_start3A_191] : memref<10000x128xf32, #tpu.memory_space<hbm>> -> memref<10000x128xf32, #tpu.memory_space<hbm>>
    tpu.enqueue_indirect_dma source(%dma_start3A_192 : memref<10000x128xf32, #tpu.memory_space<hbm>>) target(%arg9 : memref<100x128xf32, #tpu.memory_space<vmem>>) offsets(%dma_start3A_189 : memref<100xi32, #tpu.memory_space<vmem>>) semaphore(%arg14 : memref<!tpu.dma_semaphore, #tpu.memory_space<semaphore_mem>>)
    %scan3A_193 = arith.constant 0 : i32
    %scan3A_194 = arith.constant 0 : i32
    %scan3A_195 = arith.constant 8 : i32
    %scan3A_196 = arith.addi %scan3A_194, %scan3A_195 : i32
    %scan3A_197 = arith.constant 1 : i32
    scf.for %scan3A_253 = %scan3A_194 to %scan3A_196 step %scan3A_197  : i32 {
      %mul3A_254 = arith.constant 3 : i32
      %mul3A_255 = arith.muli %mul3A_254, %scan3A_253 : i32
      %add3A_256 = arith.constant 0 : i32
      %add3A_257 = arith.addi %mul3A_255, %add3A_256 : i32
      %dma_wait3A_258 = arith.constant 0 : i32
      %dma_wait3A_259 = arith.constant 0 : i32
      %dma_wait3A_260 = tpu.memref_slice %arg6[%dma_wait3A_258, %dma_wait3A_259] : memref<25x100xi32, #tpu.memory_space<vmem>> -> memref<1x100xi32, #tpu.memory_space<vmem>>
      %dma_wait3A_261 = tpu.memref_squeeze %dma_wait3A_260 : memref<1x100xi32, #tpu.memory_space<vmem>> -> memref<100xi32, #tpu.memory_space<vmem>>
      %dma_wait3A_262 = arith.constant 0 : i32
      %dma_wait3A_263 = arith.constant 0 : i32
      %dma_wait3A_264 = tpu.memref_slice %arg2[%dma_wait3A_262, %dma_wait3A_263] : memref<10000x128xf32, #tpu.memory_space<hbm>> -> memref<10000x128xf32, #tpu.memory_space<hbm>>
      tpu.wait_indirect_dma semaphore(%arg13 : memref<!tpu.dma_semaphore, #tpu.memory_space<semaphore_mem>>) src(%dma_wait3A_264 : memref<10000x128xf32, #tpu.memory_space<hbm>>) dst(%arg8 : memref<100x128xf32, #tpu.memory_space<vmem>>)
      %dma_start3A_265 = arith.constant 0 : i32
      %dma_start3A_266 = tpu.memref_slice %arg7[%add3A_257, %dma_start3A_265] : memref<25x100xi32, #tpu.memory_space<vmem>> -> memref<1x100xi32, #tpu.memory_space<vmem>>
      %dma_start3A_267 = tpu.memref_squeeze %dma_start3A_266 : memref<1x100xi32, #tpu.memory_space<vmem>> -> memref<100xi32, #tpu.memory_space<vmem>>
      %dma_start3A_268 = arith.constant 0 : i32
      %dma_start3A_269 = arith.constant 0 : i32
      %dma_start3A_270 = tpu.memref_slice %arg12[%dma_start3A_268, %dma_start3A_269] : memref<10000x128xf32, #tpu.memory_space<vmem_shared>> -> memref<10000x128xf32, #tpu.memory_space<vmem_shared>>
      tpu.enqueue_indirect_dma source(%arg8 : memref<100x128xf32, #tpu.memory_space<vmem>>) target(%dma_start3A_270 : memref<10000x128xf32, #tpu.memory_space<vmem_shared>>) offsets(%dma_start3A_267 : memref<100xi32, #tpu.memory_space<vmem>>) semaphore(%arg16 : memref<!tpu.dma_semaphore, #tpu.memory_space<semaphore_mem>>) {add = true}
      %ge3A = arith.constant 1 : i32
      %ge3A_271 = arith.cmpi sge, %add3A_257, %ge3A : i32
      %convert_element_type3A = arith.extui %ge3A_271 : i1 to i32
      %cond3A = arith.constant 0 : i32
      %cond3A_272 = arith.cmpi ne, %convert_element_type3A, %cond3A : i32
      scf.if %cond3A_272 {
        %dma_wait3A_337 = arith.constant 0 : i32
        %dma_wait3A_338 = arith.constant 0 : i32
        %dma_wait3A_339 = tpu.memref_slice %arg7[%dma_wait3A_337, %dma_wait3A_338] : memref<25x100xi32, #tpu.memory_space<vmem>> -> memref<1x100xi32, #tpu.memory_space<vmem>>
        %dma_wait3A_340 = tpu.memref_squeeze %dma_wait3A_339 : memref<1x100xi32, #tpu.memory_space<vmem>> -> memref<100xi32, #tpu.memory_space<vmem>>
        %dma_wait3A_341 = arith.constant 0 : i32
        %dma_wait3A_342 = arith.constant 0 : i32
        %dma_wait3A_343 = tpu.memref_slice %arg12[%dma_wait3A_341, %dma_wait3A_342] : memref<10000x128xf32, #tpu.memory_space<vmem_shared>> -> memref<10000x128xf32, #tpu.memory_space<vmem_shared>>
        tpu.wait_indirect_dma semaphore(%arg18 : memref<!tpu.dma_semaphore, #tpu.memory_space<semaphore_mem>>) src(%arg10 : memref<100x128xf32, #tpu.memory_space<vmem>>) dst(%dma_wait3A_343 : memref<10000x128xf32, #tpu.memory_space<vmem_shared>>)
      } else {
      }
      %add3A_273 = arith.constant 2 : i32
      %add3A_274 = arith.addi %add3A_257, %add3A_273 : i32
      %lt3A = arith.constant 25 : i32
      %lt3A_275 = arith.cmpi slt, %add3A_274, %lt3A : i32
      %convert_element_type3A_276 = arith.extui %lt3A_275 : i1 to i32
      %cond3A_277 = arith.constant 0 : i32
      %cond3A_278 = arith.cmpi ne, %convert_element_type3A_276, %cond3A_277 : i32
      scf.if %cond3A_278 {
        %add3A_337 = arith.constant 2 : i32
        %add3A_338 = arith.addi %add3A_257, %add3A_337 : i32
        %dma_start3A_339 = arith.constant 0 : i32
        %dma_start3A_340 = tpu.memref_slice %arg6[%add3A_338, %dma_start3A_339] : memref<25x100xi32, #tpu.memory_space<vmem>> -> memref<1x100xi32, #tpu.memory_space<vmem>>
        %dma_start3A_341 = tpu.memref_squeeze %dma_start3A_340 : memref<1x100xi32, #tpu.memory_space<vmem>> -> memref<100xi32, #tpu.memory_space<vmem>>
        %dma_start3A_342 = arith.constant 0 : i32
        %dma_start3A_343 = arith.constant 0 : i32
        %dma_start3A_344 = tpu.memref_slice %arg2[%dma_start3A_342, %dma_start3A_343] : memref<10000x128xf32, #tpu.memory_space<hbm>> -> memref<10000x128xf32, #tpu.memory_space<hbm>>
        tpu.enqueue_indirect_dma source(%dma_start3A_344 : memref<10000x128xf32, #tpu.memory_space<hbm>>) target(%arg10 : memref<100x128xf32, #tpu.memory_space<vmem>>) offsets(%dma_start3A_341 : memref<100xi32, #tpu.memory_space<vmem>>) semaphore(%arg15 : memref<!tpu.dma_semaphore, #tpu.memory_space<semaphore_mem>>)
      } else {
      }
      %mul3A_279 = arith.constant 3 : i32
      %mul3A_280 = arith.muli %mul3A_279, %scan3A_253 : i32
      %add3A_281 = arith.constant 1 : i32
      %add3A_282 = arith.addi %mul3A_280, %add3A_281 : i32
      %dma_wait3A_283 = arith.constant 0 : i32
      %dma_wait3A_284 = arith.constant 0 : i32
      %dma_wait3A_285 = tpu.memref_slice %arg6[%dma_wait3A_283, %dma_wait3A_284] : memref<25x100xi32, #tpu.memory_space<vmem>> -> memref<1x100xi32, #tpu.memory_space<vmem>>
      %dma_wait3A_286 = tpu.memref_squeeze %dma_wait3A_285 : memref<1x100xi32, #tpu.memory_space<vmem>> -> memref<100xi32, #tpu.memory_space<vmem>>
      %dma_wait3A_287 = arith.constant 0 : i32
      %dma_wait3A_288 = arith.constant 0 : i32
      %dma_wait3A_289 = tpu.memref_slice %arg2[%dma_wait3A_287, %dma_wait3A_288] : memref<10000x128xf32, #tpu.memory_space<hbm>> -> memref<10000x128xf32, #tpu.memory_space<hbm>>
      tpu.wait_indirect_dma semaphore(%arg14 : memref<!tpu.dma_semaphore, #tpu.memory_space<semaphore_mem>>) src(%dma_wait3A_289 : memref<10000x128xf32, #tpu.memory_space<hbm>>) dst(%arg9 : memref<100x128xf32, #tpu.memory_space<vmem>>)
      %dma_start3A_290 = arith.constant 0 : i32
      %dma_start3A_291 = tpu.memref_slice %arg7[%add3A_282, %dma_start3A_290] : memref<25x100xi32, #tpu.memory_space<vmem>> -> memref<1x100xi32, #tpu.memory_space<vmem>>
      %dma_start3A_292 = tpu.memref_squeeze %dma_start3A_291 : memref<1x100xi32, #tpu.memory_space<vmem>> -> memref<100xi32, #tpu.memory_space<vmem>>
      %dma_start3A_293 = arith.constant 0 : i32
      %dma_start3A_294 = arith.constant 0 : i32
      %dma_start3A_295 = tpu.memref_slice %arg12[%dma_start3A_293, %dma_start3A_294] : memref<10000x128xf32, #tpu.memory_space<vmem_shared>> -> memref<10000x128xf32, #tpu.memory_space<vmem_shared>>
      tpu.enqueue_indirect_dma source(%arg9 : memref<100x128xf32, #tpu.memory_space<vmem>>) target(%dma_start3A_295 : memref<10000x128xf32, #tpu.memory_space<vmem_shared>>) offsets(%dma_start3A_292 : memref<100xi32, #tpu.memory_space<vmem>>) semaphore(%arg17 : memref<!tpu.dma_semaphore, #tpu.memory_space<semaphore_mem>>) {add = true}
      %ge3A_296 = arith.constant 1 : i32
      %ge3A_297 = arith.cmpi sge, %add3A_282, %ge3A_296 : i32
      %convert_element_type3A_298 = arith.extui %ge3A_297 : i1 to i32
      %cond3A_299 = arith.constant 0 : i32
      %cond3A_300 = arith.cmpi ne, %convert_element_type3A_298, %cond3A_299 : i32
      scf.if %cond3A_300 {
        %dma_wait3A_337 = arith.constant 0 : i32
        %dma_wait3A_338 = arith.constant 0 : i32
        %dma_wait3A_339 = tpu.memref_slice %arg7[%dma_wait3A_337, %dma_wait3A_338] : memref<25x100xi32, #tpu.memory_space<vmem>> -> memref<1x100xi32, #tpu.memory_space<vmem>>
        %dma_wait3A_340 = tpu.memref_squeeze %dma_wait3A_339 : memref<1x100xi32, #tpu.memory_space<vmem>> -> memref<100xi32, #tpu.memory_space<vmem>>
        %dma_wait3A_341 = arith.constant 0 : i32
        %dma_wait3A_342 = arith.constant 0 : i32
        %dma_wait3A_343 = tpu.memref_slice %arg12[%dma_wait3A_341, %dma_wait3A_342] : memref<10000x128xf32, #tpu.memory_space<vmem_shared>> -> memref<10000x128xf32, #tpu.memory_space<vmem_shared>>
        tpu.wait_indirect_dma semaphore(%arg16 : memref<!tpu.dma_semaphore, #tpu.memory_space<semaphore_mem>>) src(%arg8 : memref<100x128xf32, #tpu.memory_space<vmem>>) dst(%dma_wait3A_343 : memref<10000x128xf32, #tpu.memory_space<vmem_shared>>)
      } else {
      }
      %add3A_301 = arith.constant 2 : i32
      %add3A_302 = arith.addi %add3A_282, %add3A_301 : i32
      %lt3A_303 = arith.constant 25 : i32
      %lt3A_304 = arith.cmpi slt, %add3A_302, %lt3A_303 : i32
      %convert_element_type3A_305 = arith.extui %lt3A_304 : i1 to i32
      %cond3A_306 = arith.constant 0 : i32
      %cond3A_307 = arith.cmpi ne, %convert_element_type3A_305, %cond3A_306 : i32
      scf.if %cond3A_307 {
        %add3A_337 = arith.constant 2 : i32
        %add3A_338 = arith.addi %add3A_282, %add3A_337 : i32
        %dma_start3A_339 = arith.constant 0 : i32
        %dma_start3A_340 = tpu.memref_slice %arg6[%add3A_338, %dma_start3A_339] : memref<25x100xi32, #tpu.memory_space<vmem>> -> memref<1x100xi32, #tpu.memory_space<vmem>>
        %dma_start3A_341 = tpu.memref_squeeze %dma_start3A_340 : memref<1x100xi32, #tpu.memory_space<vmem>> -> memref<100xi32, #tpu.memory_space<vmem>>
        %dma_start3A_342 = arith.constant 0 : i32
        %dma_start3A_343 = arith.constant 0 : i32
        %dma_start3A_344 = tpu.memref_slice %arg2[%dma_start3A_342, %dma_start3A_343] : memref<10000x128xf32, #tpu.memory_space<hbm>> -> memref<10000x128xf32, #tpu.memory_space<hbm>>
        tpu.enqueue_indirect_dma source(%dma_start3A_344 : memref<10000x128xf32, #tpu.memory_space<hbm>>) target(%arg8 : memref<100x128xf32, #tpu.memory_space<vmem>>) offsets(%dma_start3A_341 : memref<100xi32, #tpu.memory_space<vmem>>) semaphore(%arg13 : memref<!tpu.dma_semaphore, #tpu.memory_space<semaphore_mem>>)
      } else {
      }
      %mul3A_308 = arith.constant 3 : i32
      %mul3A_309 = arith.muli %mul3A_308, %scan3A_253 : i32
      %add3A_310 = arith.constant 2 : i32
      %add3A_311 = arith.addi %mul3A_309, %add3A_310 : i32
      %dma_wait3A_312 = arith.constant 0 : i32
      %dma_wait3A_313 = arith.constant 0 : i32
      %dma_wait3A_314 = tpu.memref_slice %arg6[%dma_wait3A_312, %dma_wait3A_313] : memref<25x100xi32, #tpu.memory_space<vmem>> -> memref<1x100xi32, #tpu.memory_space<vmem>>
      %dma_wait3A_315 = tpu.memref_squeeze %dma_wait3A_314 : memref<1x100xi32, #tpu.memory_space<vmem>> -> memref<100xi32, #tpu.memory_space<vmem>>
      %dma_wait3A_316 = arith.constant 0 : i32
      %dma_wait3A_317 = arith.constant 0 : i32
      %dma_wait3A_318 = tpu.memref_slice %arg2[%dma_wait3A_316, %dma_wait3A_317] : memref<10000x128xf32, #tpu.memory_space<hbm>> -> memref<10000x128xf32, #tpu.memory_space<hbm>>
      tpu.wait_indirect_dma semaphore(%arg15 : memref<!tpu.dma_semaphore, #tpu.memory_space<semaphore_mem>>) src(%dma_wait3A_318 : memref<10000x128xf32, #tpu.memory_space<hbm>>) dst(%arg10 : memref<100x128xf32, #tpu.memory_space<vmem>>)
      %dma_start3A_319 = arith.constant 0 : i32
      %dma_start3A_320 = tpu.memref_slice %arg7[%add3A_311, %dma_start3A_319] : memref<25x100xi32, #tpu.memory_space<vmem>> -> memref<1x100xi32, #tpu.memory_space<vmem>>
      %dma_start3A_321 = tpu.memref_squeeze %dma_start3A_320 : memref<1x100xi32, #tpu.memory_space<vmem>> -> memref<100xi32, #tpu.memory_space<vmem>>
      %dma_start3A_322 = arith.constant 0 : i32
      %dma_start3A_323 = arith.constant 0 : i32
      %dma_start3A_324 = tpu.memref_slice %arg12[%dma_start3A_322, %dma_start3A_323] : memref<10000x128xf32, #tpu.memory_space<vmem_shared>> -> memref<10000x128xf32, #tpu.memory_space<vmem_shared>>
      tpu.enqueue_indirect_dma source(%arg10 : memref<100x128xf32, #tpu.memory_space<vmem>>) target(%dma_start3A_324 : memref<10000x128xf32, #tpu.memory_space<vmem_shared>>) offsets(%dma_start3A_321 : memref<100xi32, #tpu.memory_space<vmem>>) semaphore(%arg18 : memref<!tpu.dma_semaphore, #tpu.memory_space<semaphore_mem>>) {add = true}
      %ge3A_325 = arith.constant 1 : i32
      %ge3A_326 = arith.cmpi sge, %add3A_311, %ge3A_325 : i32
      %convert_element_type3A_327 = arith.extui %ge3A_326 : i1 to i32
      %cond3A_328 = arith.constant 0 : i32
      %cond3A_329 = arith.cmpi ne, %convert_element_type3A_327, %cond3A_328 : i32
      scf.if %cond3A_329 {
        %dma_wait3A_337 = arith.constant 0 : i32
        %dma_wait3A_338 = arith.constant 0 : i32
        %dma_wait3A_339 = tpu.memref_slice %arg7[%dma_wait3A_337, %dma_wait3A_338] : memref<25x100xi32, #tpu.memory_space<vmem>> -> memref<1x100xi32, #tpu.memory_space<vmem>>
        %dma_wait3A_340 = tpu.memref_squeeze %dma_wait3A_339 : memref<1x100xi32, #tpu.memory_space<vmem>> -> memref<100xi32, #tpu.memory_space<vmem>>
        %dma_wait3A_341 = arith.constant 0 : i32
        %dma_wait3A_342 = arith.constant 0 : i32
        %dma_wait3A_343 = tpu.memref_slice %arg12[%dma_wait3A_341, %dma_wait3A_342] : memref<10000x128xf32, #tpu.memory_space<vmem_shared>> -> memref<10000x128xf32, #tpu.memory_space<vmem_shared>>
        tpu.wait_indirect_dma semaphore(%arg17 : memref<!tpu.dma_semaphore, #tpu.memory_space<semaphore_mem>>) src(%arg9 : memref<100x128xf32, #tpu.memory_space<vmem>>) dst(%dma_wait3A_343 : memref<10000x128xf32, #tpu.memory_space<vmem_shared>>)
      } else {
      }
      %add3A_330 = arith.constant 2 : i32
      %add3A_331 = arith.addi %add3A_311, %add3A_330 : i32
      %lt3A_332 = arith.constant 25 : i32
      %lt3A_333 = arith.cmpi slt, %add3A_331, %lt3A_332 : i32
      %convert_element_type3A_334 = arith.extui %lt3A_333 : i1 to i32
      %cond3A_335 = arith.constant 0 : i32
      %cond3A_336 = arith.cmpi ne, %convert_element_type3A_334, %cond3A_335 : i32
      scf.if %cond3A_336 {
        %add3A_337 = arith.constant 2 : i32
        %add3A_338 = arith.addi %add3A_311, %add3A_337 : i32
        %dma_start3A_339 = arith.constant 0 : i32
        %dma_start3A_340 = tpu.memref_slice %arg6[%add3A_338, %dma_start3A_339] : memref<25x100xi32, #tpu.memory_space<vmem>> -> memref<1x100xi32, #tpu.memory_space<vmem>>
        %dma_start3A_341 = tpu.memref_squeeze %dma_start3A_340 : memref<1x100xi32, #tpu.memory_space<vmem>> -> memref<100xi32, #tpu.memory_space<vmem>>
        %dma_start3A_342 = arith.constant 0 : i32
        %dma_start3A_343 = arith.constant 0 : i32
        %dma_start3A_344 = tpu.memref_slice %arg2[%dma_start3A_342, %dma_start3A_343] : memref<10000x128xf32, #tpu.memory_space<hbm>> -> memref<10000x128xf32, #tpu.memory_space<hbm>>
        tpu.enqueue_indirect_dma source(%dma_start3A_344 : memref<10000x128xf32, #tpu.memory_space<hbm>>) target(%arg9 : memref<100x128xf32, #tpu.memory_space<vmem>>) offsets(%dma_start3A_341 : memref<100xi32, #tpu.memory_space<vmem>>) semaphore(%arg14 : memref<!tpu.dma_semaphore, #tpu.memory_space<semaphore_mem>>)
      } else {
      }
    }
    %scan3A_198 = arith.constant 8 : i32
    %dma_wait3A_199 = arith.constant 0 : i32
    %dma_wait3A_200 = arith.constant 0 : i32
    %dma_wait3A_201 = tpu.memref_slice %arg6[%dma_wait3A_199, %dma_wait3A_200] : memref<25x100xi32, #tpu.memory_space<vmem>> -> memref<1x100xi32, #tpu.memory_space<vmem>>
    %dma_wait3A_202 = tpu.memref_squeeze %dma_wait3A_201 : memref<1x100xi32, #tpu.memory_space<vmem>> -> memref<100xi32, #tpu.memory_space<vmem>>
    %dma_wait3A_203 = arith.constant 0 : i32
    %dma_wait3A_204 = arith.constant 0 : i32
    %dma_wait3A_205 = tpu.memref_slice %arg2[%dma_wait3A_203, %dma_wait3A_204] : memref<10000x128xf32, #tpu.memory_space<hbm>> -> memref<10000x128xf32, #tpu.memory_space<hbm>>
    tpu.wait_indirect_dma semaphore(%arg13 : memref<!tpu.dma_semaphore, #tpu.memory_space<semaphore_mem>>) src(%dma_wait3A_205 : memref<10000x128xf32, #tpu.memory_space<hbm>>) dst(%arg8 : memref<100x128xf32, #tpu.memory_space<vmem>>)
    %dma_start3A_206 = arith.constant 24 : i32
    %dma_start3A_207 = arith.constant 0 : i32
    %dma_start3A_208 = tpu.memref_slice %arg7[%dma_start3A_206, %dma_start3A_207] : memref<25x100xi32, #tpu.memory_space<vmem>> -> memref<1x100xi32, #tpu.memory_space<vmem>>
    %dma_start3A_209 = tpu.memref_squeeze %dma_start3A_208 : memref<1x100xi32, #tpu.memory_space<vmem>> -> memref<100xi32, #tpu.memory_space<vmem>>
    %dma_start3A_210 = arith.constant 0 : i32
    %dma_start3A_211 = arith.constant 0 : i32
    %dma_start3A_212 = tpu.memref_slice %arg12[%dma_start3A_210, %dma_start3A_211] : memref<10000x128xf32, #tpu.memory_space<vmem_shared>> -> memref<10000x128xf32, #tpu.memory_space<vmem_shared>>
    tpu.enqueue_indirect_dma source(%arg8 : memref<100x128xf32, #tpu.memory_space<vmem>>) target(%dma_start3A_212 : memref<10000x128xf32, #tpu.memory_space<vmem_shared>>) offsets(%dma_start3A_209 : memref<100xi32, #tpu.memory_space<vmem>>) semaphore(%arg16 : memref<!tpu.dma_semaphore, #tpu.memory_space<semaphore_mem>>) {add = true}
    %dma_wait3A_213 = arith.constant 0 : i32
    %dma_wait3A_214 = arith.constant 0 : i32
    %dma_wait3A_215 = tpu.memref_slice %arg7[%dma_wait3A_213, %dma_wait3A_214] : memref<25x100xi32, #tpu.memory_space<vmem>> -> memref<1x100xi32, #tpu.memory_space<vmem>>
    %dma_wait3A_216 = tpu.memref_squeeze %dma_wait3A_215 : memref<1x100xi32, #tpu.memory_space<vmem>> -> memref<100xi32, #tpu.memory_space<vmem>>
    %dma_wait3A_217 = arith.constant 0 : i32
    %dma_wait3A_218 = arith.constant 0 : i32
    %dma_wait3A_219 = tpu.memref_slice %arg12[%dma_wait3A_217, %dma_wait3A_218] : memref<10000x128xf32, #tpu.memory_space<vmem_shared>> -> memref<10000x128xf32, #tpu.memory_space<vmem_shared>>
    tpu.wait_indirect_dma semaphore(%arg18 : memref<!tpu.dma_semaphore, #tpu.memory_space<semaphore_mem>>) src(%arg10 : memref<100x128xf32, #tpu.memory_space<vmem>>) dst(%dma_wait3A_219 : memref<10000x128xf32, #tpu.memory_space<vmem_shared>>)
    %dma_wait3A_220 = arith.constant 0 : i32
    %dma_wait3A_221 = arith.constant 0 : i32
    %dma_wait3A_222 = tpu.memref_slice %arg7[%dma_wait3A_220, %dma_wait3A_221] : memref<25x100xi32, #tpu.memory_space<vmem>> -> memref<1x100xi32, #tpu.memory_space<vmem>>
    %dma_wait3A_223 = tpu.memref_squeeze %dma_wait3A_222 : memref<1x100xi32, #tpu.memory_space<vmem>> -> memref<100xi32, #tpu.memory_space<vmem>>
    %dma_wait3A_224 = arith.constant 0 : i32
    %dma_wait3A_225 = arith.constant 0 : i32
    %dma_wait3A_226 = tpu.memref_slice %arg12[%dma_wait3A_224, %dma_wait3A_225] : memref<10000x128xf32, #tpu.memory_space<vmem_shared>> -> memref<10000x128xf32, #tpu.memory_space<vmem_shared>>
    tpu.wait_indirect_dma semaphore(%arg16 : memref<!tpu.dma_semaphore, #tpu.memory_space<semaphore_mem>>) src(%arg8 : memref<100x128xf32, #tpu.memory_space<vmem>>) dst(%dma_wait3A_226 : memref<10000x128xf32, #tpu.memory_space<vmem_shared>>)
    %barrier3A_227 = arith.constant 0 : index
    tpu.barrier barrier_id(%barrier3A_227)
    %eq3A_228 = arith.constant 15 : i32
    %eq3A_229 = arith.cmpi eq, %arg1, %eq3A_228 : i32
    %jit3A_230 = arith.constant 40 : i32
    %jit3A_231 = arith.constant 39 : i32
    %select_n3A_232 = arith.select %eq3A_229, %jit3A_230, %jit3A_231 : i32
    %while3A_233 = arith.constant 0 : i32
    %while3A_234 = arith.constant 0 : i32
    %while3A_235 = arith.subi %select_n3A_232, %while3A_234 : i32
    %while3A_236 = arith.addi %while3A_234, %while3A_235 : i32
    %while3A_237 = arith.constant 1 : i32
    %while3A_238 = arith.divsi %while3A_235, %while3A_237 : i32
    %while3A_239 = arith.muli %while3A_238, %while3A_237 : i32
    %while3A_240 = arith.addi %while3A_234, %while3A_239 : i32
    %while3A_241 = arith.constant 1 : i32
    scf.for %while3A_253 = %while3A_234 to %while3A_240 step %while3A_241  : i32 {
      %mul3A_254 = arith.constant 16 : i32
      %mul3A_255 = arith.muli %while3A_253, %mul3A_254 : i32
      %add3A_256 = arith.addi %mul3A_8, %mul3A_255 : i32
      %dma_start3A_257 = arith.constant 0 : i32
      %dma_start3A_258 = tpu.memref_slice %arg5[%arg0, %add3A_256, %dma_start3A_257] : memref<2x10000x128xf32, #tpu.memory_space<hbm>> -> memref<1x16x128xf32, #tpu.memory_space<hbm>>
      %dma_start3A_259 = tpu.memref_squeeze %dma_start3A_258 : memref<1x16x128xf32, #tpu.memory_space<hbm>> -> memref<16x128xf32, #tpu.memory_space<hbm>>
      %dma_start3A_260 = arith.constant 0 : i32
      %dma_start3A_261 = tpu.memref_slice %arg12[%add3A_256, %dma_start3A_260] : memref<10000x128xf32, #tpu.memory_space<vmem_shared>> -> memref<16x128xf32, #tpu.memory_space<vmem_shared>>
      tpu.enqueue_dma source(%dma_start3A_261 : memref<16x128xf32, #tpu.memory_space<vmem_shared>>) target(%dma_start3A_259 : memref<16x128xf32, #tpu.memory_space<hbm>>) target_semaphore(%arg19 : memref<!tpu.dma_semaphore, #tpu.memory_space<semaphore_mem>>)
    }
    %while3A_242 = arith.constant 1 : i32
    scf.for %while3A_253 = %while3A_240 to %while3A_236 step %while3A_242  : i32 {
      %mul3A_254 = arith.constant 16 : i32
      %mul3A_255 = arith.muli %while3A_253, %mul3A_254 : i32
      %add3A_256 = arith.addi %mul3A_8, %mul3A_255 : i32
      %dma_start3A_257 = arith.constant 0 : i32
      %dma_start3A_258 = tpu.memref_slice %arg5[%arg0, %add3A_256, %dma_start3A_257] : memref<2x10000x128xf32, #tpu.memory_space<hbm>> -> memref<1x16x128xf32, #tpu.memory_space<hbm>>
      %dma_start3A_259 = tpu.memref_squeeze %dma_start3A_258 : memref<1x16x128xf32, #tpu.memory_space<hbm>> -> memref<16x128xf32, #tpu.memory_space<hbm>>
      %dma_start3A_260 = arith.constant 0 : i32
      %dma_start3A_261 = tpu.memref_slice %arg12[%add3A_256, %dma_start3A_260] : memref<10000x128xf32, #tpu.memory_space<vmem_shared>> -> memref<16x128xf32, #tpu.memory_space<vmem_shared>>
      tpu.enqueue_dma source(%dma_start3A_261 : memref<16x128xf32, #tpu.memory_space<vmem_shared>>) target(%dma_start3A_259 : memref<16x128xf32, #tpu.memory_space<hbm>>) target_semaphore(%arg19 : memref<!tpu.dma_semaphore, #tpu.memory_space<semaphore_mem>>)
    }
    %while3A_243 = arith.constant 0 : i32
    %while3A_244 = arith.constant 0 : i32
    %while3A_245 = arith.subi %select_n3A_232, %while3A_244 : i32
    %while3A_246 = arith.addi %while3A_244, %while3A_245 : i32
    %while3A_247 = arith.constant 1 : i32
    %while3A_248 = arith.divsi %while3A_245, %while3A_247 : i32
    %while3A_249 = arith.muli %while3A_248, %while3A_247 : i32
    %while3A_250 = arith.addi %while3A_244, %while3A_249 : i32
    %while3A_251 = arith.constant 1 : i32
    scf.for %while3A_253 = %while3A_244 to %while3A_250 step %while3A_251  : i32 {
      %dma_wait3A_254 = arith.constant 0 : i32
      %dma_wait3A_255 = tpu.memref_slice %arg5[%arg0, %mul3A_8, %dma_wait3A_254] : memref<2x10000x128xf32, #tpu.memory_space<hbm>> -> memref<1x16x128xf32, #tpu.memory_space<hbm>>
      %dma_wait3A_256 = tpu.memref_squeeze %dma_wait3A_255 : memref<1x16x128xf32, #tpu.memory_space<hbm>> -> memref<16x128xf32, #tpu.memory_space<hbm>>
      %dma_wait3A_257 = arith.constant 0 : i32
      %dma_wait3A_258 = tpu.memref_slice %arg12[%mul3A_8, %dma_wait3A_257] : memref<10000x128xf32, #tpu.memory_space<vmem_shared>> -> memref<16x128xf32, #tpu.memory_space<vmem_shared>>
      tpu.wait_dma2 semaphore(%arg19 : memref<!tpu.dma_semaphore, #tpu.memory_space<semaphore_mem>>) src(%dma_wait3A_258 : memref<16x128xf32, #tpu.memory_space<vmem_shared>>) dst(%dma_wait3A_256 : memref<16x128xf32, #tpu.memory_space<hbm>>)
    }
    %while3A_252 = arith.constant 1 : i32
    scf.for %while3A_253 = %while3A_250 to %while3A_246 step %while3A_252  : i32 {
      %dma_wait3A_254 = arith.constant 0 : i32
      %dma_wait3A_255 = tpu.memref_slice %arg5[%arg0, %mul3A_8, %dma_wait3A_254] : memref<2x10000x128xf32, #tpu.memory_space<hbm>> -> memref<1x16x128xf32, #tpu.memory_space<hbm>>
      %dma_wait3A_256 = tpu.memref_squeeze %dma_wait3A_255 : memref<1x16x128xf32, #tpu.memory_space<hbm>> -> memref<16x128xf32, #tpu.memory_space<hbm>>
      %dma_wait3A_257 = arith.constant 0 : i32
      %dma_wait3A_258 = tpu.memref_slice %arg12[%mul3A_8, %dma_wait3A_257] : memref<10000x128xf32, #tpu.memory_space<vmem_shared>> -> memref<16x128xf32, #tpu.memory_space<vmem_shared>>
      tpu.wait_dma2 semaphore(%arg19 : memref<!tpu.dma_semaphore, #tpu.memory_space<semaphore_mem>>) src(%dma_wait3A_258 : memref<16x128xf32, #tpu.memory_space<vmem_shared>>) dst(%dma_wait3A_256 : memref<16x128xf32, #tpu.memory_space<hbm>>)
    }
    return
  }
}

#map = affine_map<(d0, d1) -> (0, 0)>
#map1 = affine_map<(d0, d1) -> (0, 0, 0, 0)>
#map2 = affine_map<(d0, d1) -> (0, 0, 0)>
module attributes {stable_mosaic.version = 14 : i64} {
  func.func @_seg_body(%arg0: i32, %arg1: i32, %arg2: memref<10000x128xf32, #tpu.memory_space<hbm>>, %arg3: memref<32x4x25x100xi32, #tpu.memory_space<hbm>>, %arg4: memref<32x4x25x100xi32, #tpu.memory_space<hbm>>, %arg5: memref<2x10000x128xf32, #tpu.memory_space<hbm>>, %arg6: memref<25x100xi32, #tpu.memory_space<vmem>>, %arg7: memref<25x100xi32, #tpu.memory_space<vmem>>, %arg8: memref<100x128xf32, #tpu.memory_space<vmem>>, %arg9: memref<100x128xf32, #tpu.memory_space<vmem>>, %arg10: memref<100x128xf32, #tpu.memory_space<vmem>>, %arg11: memref<16x128xf32, #tpu.memory_space<vmem>>, %arg12: memref<10000x128xf32, #tpu.memory_space<vmem_shared>>, %arg13: memref<!tpu.dma_semaphore, #tpu.memory_space<semaphore_mem>>, %arg14: memref<!tpu.dma_semaphore, #tpu.memory_space<semaphore_mem>>, %arg15: memref<!tpu.dma_semaphore, #tpu.memory_space<semaphore_mem>>, %arg16: memref<!tpu.dma_semaphore, #tpu.memory_space<semaphore_mem>>, %arg17: memref<!tpu.dma_semaphore, #tpu.memory_space<semaphore_mem>>, %arg18: memref<!tpu.dma_semaphore, #tpu.memory_space<semaphore_mem>>, %arg19: memref<!tpu.dma_semaphore, #tpu.memory_space<semaphore_mem>>) attributes {dimension_semantics = [#tpu.dimension_semantics<core_parallel>, #tpu.dimension_semantics<subcore_parallel>], iteration_bounds = array<i64: 2, 16>, scalar_prefetch = 0 : i64, scratch_operands = 14 : i64, tpu.core_type = #tpu.core_type<sc_vector_subcore>, window_params = [{transform_indices = #map}, {transform_indices = #map1}, {transform_indices = #map1}, {transform_indices = #map2}]} {
    %mul3A = arith.constant 16 : i32
    %mul3A_0 = arith.muli %arg0, %mul3A : i32
    %add3A = arith.addi %mul3A_0, %arg1 : i32
    %broadcast_in_dim3A = arith.constant 0.000000e+00 : f32
    %broadcast_in_dim3A_1 = vector.broadcast %broadcast_in_dim3A : f32 to vector<16xf32>
    %scan3A = arith.constant 0 : i32
    %scan3A_2 = arith.constant 0 : i32
    %scan3A_3 = arith.constant 16 : i32
    %scan3A_4 = arith.addi %scan3A_2, %scan3A_3 : i32
    %scan3A_5 = arith.constant 1 : i32
    scf.for %scan3A_253 = %scan3A_2 to %scan3A_4 step %scan3A_5  : i32 {
      %swap3A = arith.index_cast %scan3A_253 : i32 to index
      %swap3A_254 = arith.constant 0 : index
      %swap3A_255 = tpu.vector_load %arg11[%swap3A, %swap3A_254] {strides = array<i32>} : memref<16x128xf32, #tpu.memory_space<vmem>>, vector<1x16xf32>,
      %swap3A_256 = vector.shape_cast %swap3A_255 : vector<1x16xf32> to vector<16xf32>
      %swap3A_257 = vector.shape_cast %broadcast_in_dim3A_1 : vector<16xf32> to vector<1x16xf32>
      tpu.vector_store %arg11[%swap3A, %swap3A_254], %swap3A_257 {strides = array<i32>} : memref<16x128xf32, #tpu.memory_space<vmem>>, vector<1x16xf32>,
      %swap3A_258 = arith.index_cast %scan3A_253 : i32 to index
      %swap3A_259 = arith.constant 16 : index
      %swap3A_260 = tpu.vector_load %arg11[%swap3A_258, %swap3A_259] {strides = array<i32>} : memref<16x128xf32, #tpu.memory_space<vmem>>, vector<1x16xf32>,
      %swap3A_261 = vector.shape_cast %swap3A_260 : vector<1x16xf32> to vector<16xf32>
      %swap3A_262 = vector.shape_cast %broadcast_in_dim3A_1 : vector<16xf32> to vector<1x16xf32>
      tpu.vector_store %arg11[%swap3A_258, %swap3A_259], %swap3A_262 {strides = array<i32>} : memref<16x128xf32, #tpu.memory_space<vmem>>, vector<1x16xf32>,
      %swap3A_263 = arith.index_cast %scan3A_253 : i32 to index
      %swap3A_264 = arith.constant 32 : index
      %swap3A_265 = tpu.vector_load %arg11[%swap3A_263, %swap3A_264] {strides = array<i32>} : memref<16x128xf32, #tpu.memory_space<vmem>>, vector<1x16xf32>,
      %swap3A_266 = vector.shape_cast %swap3A_265 : vector<1x16xf32> to vector<16xf32>
      %swap3A_267 = vector.shape_cast %broadcast_in_dim3A_1 : vector<16xf32> to vector<1x16xf32>
      tpu.vector_store %arg11[%swap3A_263, %swap3A_264], %swap3A_267 {strides = array<i32>} : memref<16x128xf32, #tpu.memory_space<vmem>>, vector<1x16xf32>,
      %swap3A_268 = arith.index_cast %scan3A_253 : i32 to index
      %swap3A_269 = arith.constant 48 : index
      %swap3A_270 = tpu.vector_load %arg11[%swap3A_268, %swap3A_269] {strides = array<i32>} : memref<16x128xf32, #tpu.memory_space<vmem>>, vector<1x16xf32>,
      %swap3A_271 = vector.shape_cast %swap3A_270 : vector<1x16xf32> to vector<16xf32>
      %swap3A_272 = vector.shape_cast %broadcast_in_dim3A_1 : vector<16xf32> to vector<1x16xf32>
      tpu.vector_store %arg11[%swap3A_268, %swap3A_269], %swap3A_272 {strides = array<i32>} : memref<16x128xf32, #tpu.memory_space<vmem>>, vector<1x16xf32>,
      %swap3A_273 = arith.index_cast %scan3A_253 : i32 to index
      %swap3A_274 = arith.constant 64 : index
      %swap3A_275 = tpu.vector_load %arg11[%swap3A_273, %swap3A_274] {strides = array<i32>} : memref<16x128xf32, #tpu.memory_space<vmem>>, vector<1x16xf32>,
      %swap3A_276 = vector.shape_cast %swap3A_275 : vector<1x16xf32> to vector<16xf32>
      %swap3A_277 = vector.shape_cast %broadcast_in_dim3A_1 : vector<16xf32> to vector<1x16xf32>
      tpu.vector_store %arg11[%swap3A_273, %swap3A_274], %swap3A_277 {strides = array<i32>} : memref<16x128xf32, #tpu.memory_space<vmem>>, vector<1x16xf32>,
      %swap3A_278 = arith.index_cast %scan3A_253 : i32 to index
      %swap3A_279 = arith.constant 80 : index
      %swap3A_280 = tpu.vector_load %arg11[%swap3A_278, %swap3A_279] {strides = array<i32>} : memref<16x128xf32, #tpu.memory_space<vmem>>, vector<1x16xf32>,
      %swap3A_281 = vector.shape_cast %swap3A_280 : vector<1x16xf32> to vector<16xf32>
      %swap3A_282 = vector.shape_cast %broadcast_in_dim3A_1 : vector<16xf32> to vector<1x16xf32>
      tpu.vector_store %arg11[%swap3A_278, %swap3A_279], %swap3A_282 {strides = array<i32>} : memref<16x128xf32, #tpu.memory_space<vmem>>, vector<1x16xf32>,
      %swap3A_283 = arith.index_cast %scan3A_253 : i32 to index
      %swap3A_284 = arith.constant 96 : index
      %swap3A_285 = tpu.vector_load %arg11[%swap3A_283, %swap3A_284] {strides = array<i32>} : memref<16x128xf32, #tpu.memory_space<vmem>>, vector<1x16xf32>,
      %swap3A_286 = vector.shape_cast %swap3A_285 : vector<1x16xf32> to vector<16xf32>
      %swap3A_287 = vector.shape_cast %broadcast_in_dim3A_1 : vector<16xf32> to vector<1x16xf32>
      tpu.vector_store %arg11[%swap3A_283, %swap3A_284], %swap3A_287 {strides = array<i32>} : memref<16x128xf32, #tpu.memory_space<vmem>>, vector<1x16xf32>,
      %swap3A_288 = arith.index_cast %scan3A_253 : i32 to index
      %swap3A_289 = arith.constant 112 : index
      %swap3A_290 = tpu.vector_load %arg11[%swap3A_288, %swap3A_289] {strides = array<i32>} : memref<16x128xf32, #tpu.memory_space<vmem>>, vector<1x16xf32>,
      %swap3A_291 = vector.shape_cast %swap3A_290 : vector<1x16xf32> to vector<16xf32>
      %swap3A_292 = vector.shape_cast %broadcast_in_dim3A_1 : vector<16xf32> to vector<1x16xf32>
      tpu.vector_store %arg11[%swap3A_288, %swap3A_289], %swap3A_292 {strides = array<i32>} : memref<16x128xf32, #tpu.memory_space<vmem>>, vector<1x16xf32>,
    }
    %scan3A_6 = arith.constant 16 : i32
    %mul3A_7 = arith.constant 624 : i32
    %mul3A_8 = arith.muli %arg1, %mul3A_7 : i32
    %eq3A = arith.constant 15 : i32
    %eq3A_9 = arith.cmpi eq, %arg1, %eq3A : i32
    %jit3A = arith.constant 40 : i32
    %jit3A_10 = arith.constant 39 : i32
    %select_n3A = arith.select %eq3A_9, %jit3A, %jit3A_10 : i32
    %while3A = arith.constant 0 : i32
    %while3A_11 = arith.constant 0 : i32
    %while3A_12 = arith.subi %select_n3A, %while3A_11 : i32
    %while3A_13 = arith.addi %while3A_11, %while3A_12 : i32
    %while3A_14 = arith.constant 1 : i32
    %while3A_15 = arith.divsi %while3A_12, %while3A_14 : i32
    %while3A_16 = arith.muli %while3A_15, %while3A_14 : i32
    %while3A_17 = arith.addi %while3A_11, %while3A_16 : i32
    %while3A_18 = arith.constant 1 : i32
    scf.for %while3A_253 = %while3A_11 to %while3A_17 step %while3A_18  : i32 {
      %mul3A_254 = arith.constant 16 : i32
      %mul3A_255 = arith.muli %while3A_253, %mul3A_254 : i32
      %add3A_256 = arith.addi %mul3A_8, %mul3A_255 : i32
      %dma_start3A_257 = arith.constant 0 : i32
      %dma_start3A_258 = tpu.memref_slice %arg12[%add3A_256, %dma_start3A_257] : memref<10000x128xf32, #tpu.memory_space<vmem_shared>> -> memref<16x128xf32, #tpu.memory_space<vmem_shared>>
      %dma_start3A_259 = arith.constant 0 : i32
      %dma_start3A_260 = tpu.memref_slice %arg12[%add3A_256, %dma_start3A_259] : memref<10000x128xf32, #tpu.memory_space<vmem_shared>> -> memref<16x128xf32, #tpu.memory_space<vmem_shared>>
      tpu.enqueue_dma source(%arg11 : memref<16x128xf32, #tpu.memory_space<vmem>>) target(%dma_start3A_260 : memref<16x128xf32, #tpu.memory_space<vmem_shared>>) target_semaphore(%arg19 : memref<!tpu.dma_semaphore, #tpu.memory_space<semaphore_mem>>)
    }
    %while3A_19 = arith.constant 1 : i32
    scf.for %while3A_253 = %while3A_17 to %while3A_13 step %while3A_19  : i32 {
      %mul3A_254 = arith.constant 16 : i32
      %mul3A_255 = arith.muli %while3A_253, %mul3A_254 : i32
      %add3A_256 = arith.addi %mul3A_8, %mul3A_255 : i32
      %dma_start3A_257 = arith.constant 0 : i32
      %dma_start3A_258 = tpu.memref_slice %arg12[%add3A_256, %dma_start3A_257] : memref<10000x128xf32, #tpu.memory_space<vmem_shared>> -> memref<16x128xf32, #tpu.memory_space<vmem_shared>>
      %dma_start3A_259 = arith.constant 0 : i32
      %dma_start3A_260 = tpu.memref_slice %arg12[%add3A_256, %dma_start3A_259] : memref<10000x128xf32, #tpu.memory_space<vmem_shared>> -> memref<16x128xf32, #tpu.memory_space<vmem_shared>>
      tpu.enqueue_dma source(%arg11 : memref<16x128xf32, #tpu.memory_space<vmem>>) target(%dma_start3A_260 : memref<16x128xf32, #tpu.memory_space<vmem_shared>>) target_semaphore(%arg19 : memref<!tpu.dma_semaphore, #tpu.memory_space<semaphore_mem>>)
    }
    %run_scoped3A = arith.constant 0 : i32
    "tpu.region"() ({
      %run_scoped3A_253 = tpu.sem_alloc : memref<!tpu.dma_semaphore, #tpu.memory_space<semaphore_mem>>
      %dma_start3A_254 = arith.constant 0 : i32
      %dma_start3A_255 = arith.constant 0 : i32
      %dma_start3A_256 = tpu.memref_slice %arg3[%add3A, %run_scoped3A, %dma_start3A_254, %dma_start3A_255] : memref<32x4x25x100xi32, #tpu.memory_space<hbm>> -> memref<1x1x25x100xi32, #tpu.memory_space<hbm>>
      %dma_start3A_257 = tpu.memref_squeeze %dma_start3A_256 : memref<1x1x25x100xi32, #tpu.memory_space<hbm>> -> memref<25x100xi32, #tpu.memory_space<hbm>>
      %dma_start3A_258 = arith.constant 0 : i32
      %dma_start3A_259 = arith.constant 0 : i32
      %dma_start3A_260 = tpu.memref_slice %arg3[%add3A, %run_scoped3A, %dma_start3A_258, %dma_start3A_259] : memref<32x4x25x100xi32, #tpu.memory_space<hbm>> -> memref<1x1x25x100xi32, #tpu.memory_space<hbm>>
      %dma_start3A_261 = tpu.memref_squeeze %dma_start3A_260 : memref<1x1x25x100xi32, #tpu.memory_space<hbm>> -> memref<25x100xi32, #tpu.memory_space<hbm>>
      tpu.enqueue_dma source(%dma_start3A_261 : memref<25x100xi32, #tpu.memory_space<hbm>>) target(%arg6 : memref<25x100xi32, #tpu.memory_space<vmem>>) target_semaphore(%run_scoped3A_253 : memref<!tpu.dma_semaphore, #tpu.memory_space<semaphore_mem>>)
      %dma_wait3A_262 = arith.constant 0 : i32
      %dma_wait3A_263 = arith.constant 0 : i32
      %dma_wait3A_264 = tpu.memref_slice %arg3[%add3A, %run_scoped3A, %dma_wait3A_262, %dma_wait3A_263] : memref<32x4x25x100xi32, #tpu.memory_space<hbm>> -> memref<1x1x25x100xi32, #tpu.memory_space<hbm>>
      %dma_wait3A_265 = tpu.memref_squeeze %dma_wait3A_264 : memref<1x1x25x100xi32, #tpu.memory_space<hbm>> -> memref<25x100xi32, #tpu.memory_space<hbm>>
      %dma_wait3A_266 = arith.constant 0 : i32
      %dma_wait3A_267 = arith.constant 0 : i32
      %dma_wait3A_268 = tpu.memref_slice %arg3[%add3A, %run_scoped3A, %dma_wait3A_266, %dma_wait3A_267] : memref<32x4x25x100xi32, #tpu.memory_space<hbm>> -> memref<1x1x25x100xi32, #tpu.memory_space<hbm>>
      %dma_wait3A_269 = tpu.memref_squeeze %dma_wait3A_268 : memref<1x1x25x100xi32, #tpu.memory_space<hbm>> -> memref<25x100xi32, #tpu.memory_space<hbm>>
      tpu.wait_dma2 semaphore(%run_scoped3A_253 : memref<!tpu.dma_semaphore, #tpu.memory_space<semaphore_mem>>) src(%dma_wait3A_269 : memref<25x100xi32, #tpu.memory_space<hbm>>) dst(%arg6 : memref<25x100xi32, #tpu.memory_space<vmem>>)
      tpu.yield
    }) : () -> ()
    %run_scoped3A_20 = arith.constant 0 : i32
    "tpu.region"() ({
      %run_scoped3A_253 = tpu.sem_alloc : memref<!tpu.dma_semaphore, #tpu.memory_space<semaphore_mem>>
      %dma_start3A_254 = arith.constant 0 : i32
      %dma_start3A_255 = arith.constant 0 : i32
      %dma_start3A_256 = tpu.memref_slice %arg4[%add3A, %run_scoped3A_20, %dma_start3A_254, %dma_start3A_255] : memref<32x4x25x100xi32, #tpu.memory_space<hbm>> -> memref<1x1x25x100xi32, #tpu.memory_space<hbm>>
      %dma_start3A_257 = tpu.memref_squeeze %dma_start3A_256 : memref<1x1x25x100xi32, #tpu.memory_space<hbm>> -> memref<25x100xi32, #tpu.memory_space<hbm>>
      %dma_start3A_258 = arith.constant 0 : i32
      %dma_start3A_259 = arith.constant 0 : i32
      %dma_start3A_260 = tpu.memref_slice %arg4[%add3A, %run_scoped3A_20, %dma_start3A_258, %dma_start3A_259] : memref<32x4x25x100xi32, #tpu.memory_space<hbm>> -> memref<1x1x25x100xi32, #tpu.memory_space<hbm>>
      %dma_start3A_261 = tpu.memref_squeeze %dma_start3A_260 : memref<1x1x25x100xi32, #tpu.memory_space<hbm>> -> memref<25x100xi32, #tpu.memory_space<hbm>>
      tpu.enqueue_dma source(%dma_start3A_261 : memref<25x100xi32, #tpu.memory_space<hbm>>) target(%arg7 : memref<25x100xi32, #tpu.memory_space<vmem>>) target_semaphore(%run_scoped3A_253 : memref<!tpu.dma_semaphore, #tpu.memory_space<semaphore_mem>>)
      %dma_wait3A_262 = arith.constant 0 : i32
      %dma_wait3A_263 = arith.constant 0 : i32
      %dma_wait3A_264 = tpu.memref_slice %arg4[%add3A, %run_scoped3A_20, %dma_wait3A_262, %dma_wait3A_263] : memref<32x4x25x100xi32, #tpu.memory_space<hbm>> -> memref<1x1x25x100xi32, #tpu.memory_space<hbm>>
      %dma_wait3A_265 = tpu.memref_squeeze %dma_wait3A_264 : memref<1x1x25x100xi32, #tpu.memory_space<hbm>> -> memref<25x100xi32, #tpu.memory_space<hbm>>
      %dma_wait3A_266 = arith.constant 0 : i32
      %dma_wait3A_267 = arith.constant 0 : i32
      %dma_wait3A_268 = tpu.memref_slice %arg4[%add3A, %run_scoped3A_20, %dma_wait3A_266, %dma_wait3A_267] : memref<32x4x25x100xi32, #tpu.memory_space<hbm>> -> memref<1x1x25x100xi32, #tpu.memory_space<hbm>>
      %dma_wait3A_269 = tpu.memref_squeeze %dma_wait3A_268 : memref<1x1x25x100xi32, #tpu.memory_space<hbm>> -> memref<25x100xi32, #tpu.memory_space<hbm>>
      tpu.wait_dma2 semaphore(%run_scoped3A_253 : memref<!tpu.dma_semaphore, #tpu.memory_space<semaphore_mem>>) src(%dma_wait3A_269 : memref<25x100xi32, #tpu.memory_space<hbm>>) dst(%arg7 : memref<25x100xi32, #tpu.memory_space<vmem>>)
      tpu.yield
    }) : () -> ()
    %dma_start3A = arith.constant 0 : i32
    %dma_start3A_21 = arith.constant 0 : i32
    %dma_start3A_22 = tpu.memref_slice %arg6[%dma_start3A, %dma_start3A_21] : memref<25x100xi32, #tpu.memory_space<vmem>> -> memref<1x100xi32, #tpu.memory_space<vmem>>
    %dma_start3A_23 = tpu.memref_squeeze %dma_start3A_22 : memref<1x100xi32, #tpu.memory_space<vmem>> -> memref<100xi32, #tpu.memory_space<vmem>>
    %dma_start3A_24 = arith.constant 0 : i32
    %dma_start3A_25 = arith.constant 0 : i32
    %dma_start3A_26 = tpu.memref_slice %arg2[%dma_start3A_24, %dma_start3A_25] : memref<10000x128xf32, #tpu.memory_space<hbm>> -> memref<10000x128xf32, #tpu.memory_space<hbm>>
    tpu.enqueue_indirect_dma source(%dma_start3A_26 : memref<10000x128xf32, #tpu.memory_space<hbm>>) target(%arg8 : memref<100x128xf32, #tpu.memory_space<vmem>>) offsets(%dma_start3A_23 : memref<100xi32, #tpu.memory_space<vmem>>) semaphore(%arg13 : memref<!tpu.dma_semaphore, #tpu.memory_space<semaphore_mem>>)
    %dma_start3A_27 = arith.constant 1 : i32
    %dma_start3A_28 = arith.constant 0 : i32
    %dma_start3A_29 = tpu.memref_slice %arg6[%dma_start3A_27, %dma_start3A_28] : memref<25x100xi32, #tpu.memory_space<vmem>> -> memref<1x100xi32, #tpu.memory_space<vmem>>
    %dma_start3A_30 = tpu.memref_squeeze %dma_start3A_29 : memref<1x100xi32, #tpu.memory_space<vmem>> -> memref<100xi32, #tpu.memory_space<vmem>>
    %dma_start3A_31 = arith.constant 0 : i32
    %dma_start3A_32 = arith.constant 0 : i32
    %dma_start3A_33 = tpu.memref_slice %arg2[%dma_start3A_31, %dma_start3A_32] : memref<10000x128xf32, #tpu.memory_space<hbm>> -> memref<10000x128xf32, #tpu.memory_space<hbm>>
    tpu.enqueue_indirect_dma source(%dma_start3A_33 : memref<10000x128xf32, #tpu.memory_space<hbm>>) target(%arg9 : memref<100x128xf32, #tpu.memory_space<vmem>>) offsets(%dma_start3A_30 : memref<100xi32, #tpu.memory_space<vmem>>) semaphore(%arg14 : memref<!tpu.dma_semaphore, #tpu.memory_space<semaphore_mem>>)
    %while3A_34 = arith.constant 0 : i32
    %while3A_35 = arith.constant 0 : i32
    %while3A_36 = arith.subi %select_n3A, %while3A_35 : i32
    %while3A_37 = arith.addi %while3A_35, %while3A_36 : i32
    %while3A_38 = arith.constant 1 : i32
    %while3A_39 = arith.divsi %while3A_36, %while3A_38 : i32
    %while3A_40 = arith.muli %while3A_39, %while3A_38 : i32
    %while3A_41 = arith.addi %while3A_35, %while3A_40 : i32
    %while3A_42 = arith.constant 1 : i32
    scf.for %while3A_253 = %while3A_35 to %while3A_41 step %while3A_42  : i32 {
      %dma_wait3A_254 = arith.constant 0 : i32
      %dma_wait3A_255 = tpu.memref_slice %arg12[%mul3A_8, %dma_wait3A_254] : memref<10000x128xf32, #tpu.memory_space<vmem_shared>> -> memref<16x128xf32, #tpu.memory_space<vmem_shared>>
      %dma_wait3A_256 = arith.constant 0 : i32
      %dma_wait3A_257 = tpu.memref_slice %arg12[%mul3A_8, %dma_wait3A_256] : memref<10000x128xf32, #tpu.memory_space<vmem_shared>> -> memref<16x128xf32, #tpu.memory_space<vmem_shared>>
      tpu.wait_dma2 semaphore(%arg19 : memref<!tpu.dma_semaphore, #tpu.memory_space<semaphore_mem>>) src(%arg11 : memref<16x128xf32, #tpu.memory_space<vmem>>) dst(%dma_wait3A_257 : memref<16x128xf32, #tpu.memory_space<vmem_shared>>)
    }
    %while3A_43 = arith.constant 1 : i32
    scf.for %while3A_253 = %while3A_41 to %while3A_37 step %while3A_43  : i32 {
      %dma_wait3A_254 = arith.constant 0 : i32
      %dma_wait3A_255 = tpu.memref_slice %arg12[%mul3A_8, %dma_wait3A_254] : memref<10000x128xf32, #tpu.memory_space<vmem_shared>> -> memref<16x128xf32, #tpu.memory_space<vmem_shared>>
      %dma_wait3A_256 = arith.constant 0 : i32
      %dma_wait3A_257 = tpu.memref_slice %arg12[%mul3A_8, %dma_wait3A_256] : memref<10000x128xf32, #tpu.memory_space<vmem_shared>> -> memref<16x128xf32, #tpu.memory_space<vmem_shared>>
      tpu.wait_dma2 semaphore(%arg19 : memref<!tpu.dma_semaphore, #tpu.memory_space<semaphore_mem>>) src(%arg11 : memref<16x128xf32, #tpu.memory_space<vmem>>) dst(%dma_wait3A_257 : memref<16x128xf32, #tpu.memory_space<vmem_shared>>)
    }
    %barrier3A = arith.constant 0 : index
    tpu.barrier barrier_id(%barrier3A)
    %scan3A_44 = arith.constant 0 : i32
    %scan3A_45 = arith.constant 0 : i32
    %scan3A_46 = arith.constant 8 : i32
    %scan3A_47 = arith.addi %scan3A_45, %scan3A_46 : i32
    %scan3A_48 = arith.constant 1 : i32
    scf.for %scan3A_253 = %scan3A_45 to %scan3A_47 step %scan3A_48  : i32 {
      %mul3A_254 = arith.constant 3 : i32
      %mul3A_255 = arith.muli %mul3A_254, %scan3A_253 : i32
      %add3A_256 = arith.constant 0 : i32
      %add3A_257 = arith.addi %mul3A_255, %add3A_256 : i32
      %dma_wait3A_258 = arith.constant 0 : i32
      %dma_wait3A_259 = arith.constant 0 : i32
      %dma_wait3A_260 = tpu.memref_slice %arg6[%dma_wait3A_258, %dma_wait3A_259] : memref<25x100xi32, #tpu.memory_space<vmem>> -> memref<1x100xi32, #tpu.memory_space<vmem>>
      %dma_wait3A_261 = tpu.memref_squeeze %dma_wait3A_260 : memref<1x100xi32, #tpu.memory_space<vmem>> -> memref<100xi32, #tpu.memory_space<vmem>>
      %dma_wait3A_262 = arith.constant 0 : i32
      %dma_wait3A_263 = arith.constant 0 : i32
      %dma_wait3A_264 = tpu.memref_slice %arg2[%dma_wait3A_262, %dma_wait3A_263] : memref<10000x128xf32, #tpu.memory_space<hbm>> -> memref<10000x128xf32, #tpu.memory_space<hbm>>
      tpu.wait_indirect_dma semaphore(%arg13 : memref<!tpu.dma_semaphore, #tpu.memory_space<semaphore_mem>>) src(%dma_wait3A_264 : memref<10000x128xf32, #tpu.memory_space<hbm>>) dst(%arg8 : memref<100x128xf32, #tpu.memory_space<vmem>>)
      %dma_start3A_265 = arith.constant 0 : i32
      %dma_start3A_266 = tpu.memref_slice %arg7[%add3A_257, %dma_start3A_265] : memref<25x100xi32, #tpu.memory_space<vmem>> -> memref<1x100xi32, #tpu.memory_space<vmem>>
      %dma_start3A_267 = tpu.memref_squeeze %dma_start3A_266 : memref<1x100xi32, #tpu.memory_space<vmem>> -> memref<100xi32, #tpu.memory_space<vmem>>
      %dma_start3A_268 = arith.constant 0 : i32
      %dma_start3A_269 = arith.constant 0 : i32
      %dma_start3A_270 = tpu.memref_slice %arg12[%dma_start3A_268, %dma_start3A_269] : memref<10000x128xf32, #tpu.memory_space<vmem_shared>> -> memref<10000x128xf32, #tpu.memory_space<vmem_shared>>
      tpu.enqueue_indirect_dma source(%arg8 : memref<100x128xf32, #tpu.memory_space<vmem>>) target(%dma_start3A_270 : memref<10000x128xf32, #tpu.memory_space<vmem_shared>>) offsets(%dma_start3A_267 : memref<100xi32, #tpu.memory_space<vmem>>) semaphore(%arg16 : memref<!tpu.dma_semaphore, #tpu.memory_space<semaphore_mem>>) {add = true}
      %ge3A = arith.constant 1 : i32
      %ge3A_271 = arith.cmpi sge, %add3A_257, %ge3A : i32
      %convert_element_type3A = arith.extui %ge3A_271 : i1 to i32
      %cond3A = arith.constant 0 : i32
      %cond3A_272 = arith.cmpi ne, %convert_element_type3A, %cond3A : i32
      scf.if %cond3A_272 {
        %dma_wait3A_337 = arith.constant 0 : i32
        %dma_wait3A_338 = arith.constant 0 : i32
        %dma_wait3A_339 = tpu.memref_slice %arg7[%dma_wait3A_337, %dma_wait3A_338] : memref<25x100xi32, #tpu.memory_space<vmem>> -> memref<1x100xi32, #tpu.memory_space<vmem>>
        %dma_wait3A_340 = tpu.memref_squeeze %dma_wait3A_339 : memref<1x100xi32, #tpu.memory_space<vmem>> -> memref<100xi32, #tpu.memory_space<vmem>>
        %dma_wait3A_341 = arith.constant 0 : i32
        %dma_wait3A_342 = arith.constant 0 : i32
        %dma_wait3A_343 = tpu.memref_slice %arg12[%dma_wait3A_341, %dma_wait3A_342] : memref<10000x128xf32, #tpu.memory_space<vmem_shared>> -> memref<10000x128xf32, #tpu.memory_space<vmem_shared>>
        tpu.wait_indirect_dma semaphore(%arg18 : memref<!tpu.dma_semaphore, #tpu.memory_space<semaphore_mem>>) src(%arg10 : memref<100x128xf32, #tpu.memory_space<vmem>>) dst(%dma_wait3A_343 : memref<10000x128xf32, #tpu.memory_space<vmem_shared>>)
      } else {
      }
      %add3A_273 = arith.constant 2 : i32
      %add3A_274 = arith.addi %add3A_257, %add3A_273 : i32
      %lt3A = arith.constant 25 : i32
      %lt3A_275 = arith.cmpi slt, %add3A_274, %lt3A : i32
      %convert_element_type3A_276 = arith.extui %lt3A_275 : i1 to i32
      %cond3A_277 = arith.constant 0 : i32
      %cond3A_278 = arith.cmpi ne, %convert_element_type3A_276, %cond3A_277 : i32
      scf.if %cond3A_278 {
        %add3A_337 = arith.constant 2 : i32
        %add3A_338 = arith.addi %add3A_257, %add3A_337 : i32
        %dma_start3A_339 = arith.constant 0 : i32
        %dma_start3A_340 = tpu.memref_slice %arg6[%add3A_338, %dma_start3A_339] : memref<25x100xi32, #tpu.memory_space<vmem>> -> memref<1x100xi32, #tpu.memory_space<vmem>>
        %dma_start3A_341 = tpu.memref_squeeze %dma_start3A_340 : memref<1x100xi32, #tpu.memory_space<vmem>> -> memref<100xi32, #tpu.memory_space<vmem>>
        %dma_start3A_342 = arith.constant 0 : i32
        %dma_start3A_343 = arith.constant 0 : i32
        %dma_start3A_344 = tpu.memref_slice %arg2[%dma_start3A_342, %dma_start3A_343] : memref<10000x128xf32, #tpu.memory_space<hbm>> -> memref<10000x128xf32, #tpu.memory_space<hbm>>
        tpu.enqueue_indirect_dma source(%dma_start3A_344 : memref<10000x128xf32, #tpu.memory_space<hbm>>) target(%arg10 : memref<100x128xf32, #tpu.memory_space<vmem>>) offsets(%dma_start3A_341 : memref<100xi32, #tpu.memory_space<vmem>>) semaphore(%arg15 : memref<!tpu.dma_semaphore, #tpu.memory_space<semaphore_mem>>)
      } else {
      }
      %mul3A_279 = arith.constant 3 : i32
      %mul3A_280 = arith.muli %mul3A_279, %scan3A_253 : i32
      %add3A_281 = arith.constant 1 : i32
      %add3A_282 = arith.addi %mul3A_280, %add3A_281 : i32
      %dma_wait3A_283 = arith.constant 0 : i32
      %dma_wait3A_284 = arith.constant 0 : i32
      %dma_wait3A_285 = tpu.memref_slice %arg6[%dma_wait3A_283, %dma_wait3A_284] : memref<25x100xi32, #tpu.memory_space<vmem>> -> memref<1x100xi32, #tpu.memory_space<vmem>>
      %dma_wait3A_286 = tpu.memref_squeeze %dma_wait3A_285 : memref<1x100xi32, #tpu.memory_space<vmem>> -> memref<100xi32, #tpu.memory_space<vmem>>
      %dma_wait3A_287 = arith.constant 0 : i32
      %dma_wait3A_288 = arith.constant 0 : i32
      %dma_wait3A_289 = tpu.memref_slice %arg2[%dma_wait3A_287, %dma_wait3A_288] : memref<10000x128xf32, #tpu.memory_space<hbm>> -> memref<10000x128xf32, #tpu.memory_space<hbm>>
      tpu.wait_indirect_dma semaphore(%arg14 : memref<!tpu.dma_semaphore, #tpu.memory_space<semaphore_mem>>) src(%dma_wait3A_289 : memref<10000x128xf32, #tpu.memory_space<hbm>>) dst(%arg9 : memref<100x128xf32, #tpu.memory_space<vmem>>)
      %dma_start3A_290 = arith.constant 0 : i32
      %dma_start3A_291 = tpu.memref_slice %arg7[%add3A_282, %dma_start3A_290] : memref<25x100xi32, #tpu.memory_space<vmem>> -> memref<1x100xi32, #tpu.memory_space<vmem>>
      %dma_start3A_292 = tpu.memref_squeeze %dma_start3A_291 : memref<1x100xi32, #tpu.memory_space<vmem>> -> memref<100xi32, #tpu.memory_space<vmem>>
      %dma_start3A_293 = arith.constant 0 : i32
      %dma_start3A_294 = arith.constant 0 : i32
      %dma_start3A_295 = tpu.memref_slice %arg12[%dma_start3A_293, %dma_start3A_294] : memref<10000x128xf32, #tpu.memory_space<vmem_shared>> -> memref<10000x128xf32, #tpu.memory_space<vmem_shared>>
      tpu.enqueue_indirect_dma source(%arg9 : memref<100x128xf32, #tpu.memory_space<vmem>>) target(%dma_start3A_295 : memref<10000x128xf32, #tpu.memory_space<vmem_shared>>) offsets(%dma_start3A_292 : memref<100xi32, #tpu.memory_space<vmem>>) semaphore(%arg17 : memref<!tpu.dma_semaphore, #tpu.memory_space<semaphore_mem>>) {add = true}
      %ge3A_296 = arith.constant 1 : i32
      %ge3A_297 = arith.cmpi sge, %add3A_282, %ge3A_296 : i32
      %convert_element_type3A_298 = arith.extui %ge3A_297 : i1 to i32
      %cond3A_299 = arith.constant 0 : i32
      %cond3A_300 = arith.cmpi ne, %convert_element_type3A_298, %cond3A_299 : i32
      scf.if %cond3A_300 {
        %dma_wait3A_337 = arith.constant 0 : i32
        %dma_wait3A_338 = arith.constant 0 : i32
        %dma_wait3A_339 = tpu.memref_slice %arg7[%dma_wait3A_337, %dma_wait3A_338] : memref<25x100xi32, #tpu.memory_space<vmem>> -> memref<1x100xi32, #tpu.memory_space<vmem>>
        %dma_wait3A_340 = tpu.memref_squeeze %dma_wait3A_339 : memref<1x100xi32, #tpu.memory_space<vmem>> -> memref<100xi32, #tpu.memory_space<vmem>>
        %dma_wait3A_341 = arith.constant 0 : i32
        %dma_wait3A_342 = arith.constant 0 : i32
        %dma_wait3A_343 = tpu.memref_slice %arg12[%dma_wait3A_341, %dma_wait3A_342] : memref<10000x128xf32, #tpu.memory_space<vmem_shared>> -> memref<10000x128xf32, #tpu.memory_space<vmem_shared>>
        tpu.wait_indirect_dma semaphore(%arg16 : memref<!tpu.dma_semaphore, #tpu.memory_space<semaphore_mem>>) src(%arg8 : memref<100x128xf32, #tpu.memory_space<vmem>>) dst(%dma_wait3A_343 : memref<10000x128xf32, #tpu.memory_space<vmem_shared>>)
      } else {
      }
      %add3A_301 = arith.constant 2 : i32
      %add3A_302 = arith.addi %add3A_282, %add3A_301 : i32
      %lt3A_303 = arith.constant 25 : i32
      %lt3A_304 = arith.cmpi slt, %add3A_302, %lt3A_303 : i32
      %convert_element_type3A_305 = arith.extui %lt3A_304 : i1 to i32
      %cond3A_306 = arith.constant 0 : i32
      %cond3A_307 = arith.cmpi ne, %convert_element_type3A_305, %cond3A_306 : i32
      scf.if %cond3A_307 {
        %add3A_337 = arith.constant 2 : i32
        %add3A_338 = arith.addi %add3A_282, %add3A_337 : i32
        %dma_start3A_339 = arith.constant 0 : i32
        %dma_start3A_340 = tpu.memref_slice %arg6[%add3A_338, %dma_start3A_339] : memref<25x100xi32, #tpu.memory_space<vmem>> -> memref<1x100xi32, #tpu.memory_space<vmem>>
        %dma_start3A_341 = tpu.memref_squeeze %dma_start3A_340 : memref<1x100xi32, #tpu.memory_space<vmem>> -> memref<100xi32, #tpu.memory_space<vmem>>
        %dma_start3A_342 = arith.constant 0 : i32
        %dma_start3A_343 = arith.constant 0 : i32
        %dma_start3A_344 = tpu.memref_slice %arg2[%dma_start3A_342, %dma_start3A_343] : memref<10000x128xf32, #tpu.memory_space<hbm>> -> memref<10000x128xf32, #tpu.memory_space<hbm>>
        tpu.enqueue_indirect_dma source(%dma_start3A_344 : memref<10000x128xf32, #tpu.memory_space<hbm>>) target(%arg8 : memref<100x128xf32, #tpu.memory_space<vmem>>) offsets(%dma_start3A_341 : memref<100xi32, #tpu.memory_space<vmem>>) semaphore(%arg13 : memref<!tpu.dma_semaphore, #tpu.memory_space<semaphore_mem>>)
      } else {
      }
      %mul3A_308 = arith.constant 3 : i32
      %mul3A_309 = arith.muli %mul3A_308, %scan3A_253 : i32
      %add3A_310 = arith.constant 2 : i32
      %add3A_311 = arith.addi %mul3A_309, %add3A_310 : i32
      %dma_wait3A_312 = arith.constant 0 : i32
      %dma_wait3A_313 = arith.constant 0 : i32
      %dma_wait3A_314 = tpu.memref_slice %arg6[%dma_wait3A_312, %dma_wait3A_313] : memref<25x100xi32, #tpu.memory_space<vmem>> -> memref<1x100xi32, #tpu.memory_space<vmem>>
      %dma_wait3A_315 = tpu.memref_squeeze %dma_wait3A_314 : memref<1x100xi32, #tpu.memory_space<vmem>> -> memref<100xi32, #tpu.memory_space<vmem>>
      %dma_wait3A_316 = arith.constant 0 : i32
      %dma_wait3A_317 = arith.constant 0 : i32
      %dma_wait3A_318 = tpu.memref_slice %arg2[%dma_wait3A_316, %dma_wait3A_317] : memref<10000x128xf32, #tpu.memory_space<hbm>> -> memref<10000x128xf32, #tpu.memory_space<hbm>>
      tpu.wait_indirect_dma semaphore(%arg15 : memref<!tpu.dma_semaphore, #tpu.memory_space<semaphore_mem>>) src(%dma_wait3A_318 : memref<10000x128xf32, #tpu.memory_space<hbm>>) dst(%arg10 : memref<100x128xf32, #tpu.memory_space<vmem>>)
      %dma_start3A_319 = arith.constant 0 : i32
      %dma_start3A_320 = tpu.memref_slice %arg7[%add3A_311, %dma_start3A_319] : memref<25x100xi32, #tpu.memory_space<vmem>> -> memref<1x100xi32, #tpu.memory_space<vmem>>
      %dma_start3A_321 = tpu.memref_squeeze %dma_start3A_320 : memref<1x100xi32, #tpu.memory_space<vmem>> -> memref<100xi32, #tpu.memory_space<vmem>>
      %dma_start3A_322 = arith.constant 0 : i32
      %dma_start3A_323 = arith.constant 0 : i32
      %dma_start3A_324 = tpu.memref_slice %arg12[%dma_start3A_322, %dma_start3A_323] : memref<10000x128xf32, #tpu.memory_space<vmem_shared>> -> memref<10000x128xf32, #tpu.memory_space<vmem_shared>>
      tpu.enqueue_indirect_dma source(%arg10 : memref<100x128xf32, #tpu.memory_space<vmem>>) target(%dma_start3A_324 : memref<10000x128xf32, #tpu.memory_space<vmem_shared>>) offsets(%dma_start3A_321 : memref<100xi32, #tpu.memory_space<vmem>>) semaphore(%arg18 : memref<!tpu.dma_semaphore, #tpu.memory_space<semaphore_mem>>) {add = true}
      %ge3A_325 = arith.constant 1 : i32
      %ge3A_326 = arith.cmpi sge, %add3A_311, %ge3A_325 : i32
      %convert_element_type3A_327 = arith.extui %ge3A_326 : i1 to i32
      %cond3A_328 = arith.constant 0 : i32
      %cond3A_329 = arith.cmpi ne, %convert_element_type3A_327, %cond3A_328 : i32
      scf.if %cond3A_329 {
        %dma_wait3A_337 = arith.constant 0 : i32
        %dma_wait3A_338 = arith.constant 0 : i32
        %dma_wait3A_339 = tpu.memref_slice %arg7[%dma_wait3A_337, %dma_wait3A_338] : memref<25x100xi32, #tpu.memory_space<vmem>> -> memref<1x100xi32, #tpu.memory_space<vmem>>
        %dma_wait3A_340 = tpu.memref_squeeze %dma_wait3A_339 : memref<1x100xi32, #tpu.memory_space<vmem>> -> memref<100xi32, #tpu.memory_space<vmem>>
        %dma_wait3A_341 = arith.constant 0 : i32
        %dma_wait3A_342 = arith.constant 0 : i32
        %dma_wait3A_343 = tpu.memref_slice %arg12[%dma_wait3A_341, %dma_wait3A_342] : memref<10000x128xf32, #tpu.memory_space<vmem_shared>> -> memref<10000x128xf32, #tpu.memory_space<vmem_shared>>
        tpu.wait_indirect_dma semaphore(%arg17 : memref<!tpu.dma_semaphore, #tpu.memory_space<semaphore_mem>>) src(%arg9 : memref<100x128xf32, #tpu.memory_space<vmem>>) dst(%dma_wait3A_343 : memref<10000x128xf32, #tpu.memory_space<vmem_shared>>)
      } else {
      }
      %add3A_330 = arith.constant 2 : i32
      %add3A_331 = arith.addi %add3A_311, %add3A_330 : i32
      %lt3A_332 = arith.constant 25 : i32
      %lt3A_333 = arith.cmpi slt, %add3A_331, %lt3A_332 : i32
      %convert_element_type3A_334 = arith.extui %lt3A_333 : i1 to i32
      %cond3A_335 = arith.constant 0 : i32
      %cond3A_336 = arith.cmpi ne, %convert_element_type3A_334, %cond3A_335 : i32
      scf.if %cond3A_336 {
        %add3A_337 = arith.constant 2 : i32
        %add3A_338 = arith.addi %add3A_311, %add3A_337 : i32
        %dma_start3A_339 = arith.constant 0 : i32
        %dma_start3A_340 = tpu.memref_slice %arg6[%add3A_338, %dma_start3A_339] : memref<25x100xi32, #tpu.memory_space<vmem>> -> memref<1x100xi32, #tpu.memory_space<vmem>>
        %dma_start3A_341 = tpu.memref_squeeze %dma_start3A_340 : memref<1x100xi32, #tpu.memory_space<vmem>> -> memref<100xi32, #tpu.memory_space<vmem>>
        %dma_start3A_342 = arith.constant 0 : i32
        %dma_start3A_343 = arith.constant 0 : i32
        %dma_start3A_344 = tpu.memref_slice %arg2[%dma_start3A_342, %dma_start3A_343] : memref<10000x128xf32, #tpu.memory_space<hbm>> -> memref<10000x128xf32, #tpu.memory_space<hbm>>
        tpu.enqueue_indirect_dma source(%dma_start3A_344 : memref<10000x128xf32, #tpu.memory_space<hbm>>) target(%arg9 : memref<100x128xf32, #tpu.memory_space<vmem>>) offsets(%dma_start3A_341 : memref<100xi32, #tpu.memory_space<vmem>>) semaphore(%arg14 : memref<!tpu.dma_semaphore, #tpu.memory_space<semaphore_mem>>)
      } else {
      }
    }
    %scan3A_49 = arith.constant 8 : i32
    %dma_wait3A = arith.constant 0 : i32
    %dma_wait3A_50 = arith.constant 0 : i32
    %dma_wait3A_51 = tpu.memref_slice %arg6[%dma_wait3A, %dma_wait3A_50] : memref<25x100xi32, #tpu.memory_space<vmem>> -> memref<1x100xi32, #tpu.memory_space<vmem>>
    %dma_wait3A_52 = tpu.memref_squeeze %dma_wait3A_51 : memref<1x100xi32, #tpu.memory_space<vmem>> -> memref<100xi32, #tpu.memory_space<vmem>>
    %dma_wait3A_53 = arith.constant 0 : i32
    %dma_wait3A_54 = arith.constant 0 : i32
    %dma_wait3A_55 = tpu.memref_slice %arg2[%dma_wait3A_53, %dma_wait3A_54] : memref<10000x128xf32, #tpu.memory_space<hbm>> -> memref<10000x128xf32, #tpu.memory_space<hbm>>
    tpu.wait_indirect_dma semaphore(%arg13 : memref<!tpu.dma_semaphore, #tpu.memory_space<semaphore_mem>>) src(%dma_wait3A_55 : memref<10000x128xf32, #tpu.memory_space<hbm>>) dst(%arg8 : memref<100x128xf32, #tpu.memory_space<vmem>>)
    %dma_start3A_56 = arith.constant 24 : i32
    %dma_start3A_57 = arith.constant 0 : i32
    %dma_start3A_58 = tpu.memref_slice %arg7[%dma_start3A_56, %dma_start3A_57] : memref<25x100xi32, #tpu.memory_space<vmem>> -> memref<1x100xi32, #tpu.memory_space<vmem>>
    %dma_start3A_59 = tpu.memref_squeeze %dma_start3A_58 : memref<1x100xi32, #tpu.memory_space<vmem>> -> memref<100xi32, #tpu.memory_space<vmem>>
    %dma_start3A_60 = arith.constant 0 : i32
    %dma_start3A_61 = arith.constant 0 : i32
    %dma_start3A_62 = tpu.memref_slice %arg12[%dma_start3A_60, %dma_start3A_61] : memref<10000x128xf32, #tpu.memory_space<vmem_shared>> -> memref<10000x128xf32, #tpu.memory_space<vmem_shared>>
    tpu.enqueue_indirect_dma source(%arg8 : memref<100x128xf32, #tpu.memory_space<vmem>>) target(%dma_start3A_62 : memref<10000x128xf32, #tpu.memory_space<vmem_shared>>) offsets(%dma_start3A_59 : memref<100xi32, #tpu.memory_space<vmem>>) semaphore(%arg16 : memref<!tpu.dma_semaphore, #tpu.memory_space<semaphore_mem>>) {add = true}
    %dma_wait3A_63 = arith.constant 0 : i32
    %dma_wait3A_64 = arith.constant 0 : i32
    %dma_wait3A_65 = tpu.memref_slice %arg7[%dma_wait3A_63, %dma_wait3A_64] : memref<25x100xi32, #tpu.memory_space<vmem>> -> memref<1x100xi32, #tpu.memory_space<vmem>>
    %dma_wait3A_66 = tpu.memref_squeeze %dma_wait3A_65 : memref<1x100xi32, #tpu.memory_space<vmem>> -> memref<100xi32, #tpu.memory_space<vmem>>
    %dma_wait3A_67 = arith.constant 0 : i32
    %dma_wait3A_68 = arith.constant 0 : i32
    %dma_wait3A_69 = tpu.memref_slice %arg12[%dma_wait3A_67, %dma_wait3A_68] : memref<10000x128xf32, #tpu.memory_space<vmem_shared>> -> memref<10000x128xf32, #tpu.memory_space<vmem_shared>>
    tpu.wait_indirect_dma semaphore(%arg18 : memref<!tpu.dma_semaphore, #tpu.memory_space<semaphore_mem>>) src(%arg10 : memref<100x128xf32, #tpu.memory_space<vmem>>) dst(%dma_wait3A_69 : memref<10000x128xf32, #tpu.memory_space<vmem_shared>>)
    %dma_wait3A_70 = arith.constant 0 : i32
    %dma_wait3A_71 = arith.constant 0 : i32
    %dma_wait3A_72 = tpu.memref_slice %arg7[%dma_wait3A_70, %dma_wait3A_71] : memref<25x100xi32, #tpu.memory_space<vmem>> -> memref<1x100xi32, #tpu.memory_space<vmem>>
    %dma_wait3A_73 = tpu.memref_squeeze %dma_wait3A_72 : memref<1x100xi32, #tpu.memory_space<vmem>> -> memref<100xi32, #tpu.memory_space<vmem>>
    %dma_wait3A_74 = arith.constant 0 : i32
    %dma_wait3A_75 = arith.constant 0 : i32
    %dma_wait3A_76 = tpu.memref_slice %arg12[%dma_wait3A_74, %dma_wait3A_75] : memref<10000x128xf32, #tpu.memory_space<vmem_shared>> -> memref<10000x128xf32, #tpu.memory_space<vmem_shared>>
    tpu.wait_indirect_dma semaphore(%arg16 : memref<!tpu.dma_semaphore, #tpu.memory_space<semaphore_mem>>) src(%arg8 : memref<100x128xf32, #tpu.memory_space<vmem>>) dst(%dma_wait3A_76 : memref<10000x128xf32, #tpu.memory_space<vmem_shared>>)
    %run_scoped3A_77 = arith.constant 1 : i32
    "tpu.region"() ({
      %run_scoped3A_253 = tpu.sem_alloc : memref<!tpu.dma_semaphore, #tpu.memory_space<semaphore_mem>>
      %dma_start3A_254 = arith.constant 0 : i32
      %dma_start3A_255 = arith.constant 0 : i32
      %dma_start3A_256 = tpu.memref_slice %arg3[%add3A, %run_scoped3A_77, %dma_start3A_254, %dma_start3A_255] : memref<32x4x25x100xi32, #tpu.memory_space<hbm>> -> memref<1x1x25x100xi32, #tpu.memory_space<hbm>>
      %dma_start3A_257 = tpu.memref_squeeze %dma_start3A_256 : memref<1x1x25x100xi32, #tpu.memory_space<hbm>> -> memref<25x100xi32, #tpu.memory_space<hbm>>
      %dma_start3A_258 = arith.constant 0 : i32
      %dma_start3A_259 = arith.constant 0 : i32
      %dma_start3A_260 = tpu.memref_slice %arg3[%add3A, %run_scoped3A_77, %dma_start3A_258, %dma_start3A_259] : memref<32x4x25x100xi32, #tpu.memory_space<hbm>> -> memref<1x1x25x100xi32, #tpu.memory_space<hbm>>
      %dma_start3A_261 = tpu.memref_squeeze %dma_start3A_260 : memref<1x1x25x100xi32, #tpu.memory_space<hbm>> -> memref<25x100xi32, #tpu.memory_space<hbm>>
      tpu.enqueue_dma source(%dma_start3A_261 : memref<25x100xi32, #tpu.memory_space<hbm>>) target(%arg6 : memref<25x100xi32, #tpu.memory_space<vmem>>) target_semaphore(%run_scoped3A_253 : memref<!tpu.dma_semaphore, #tpu.memory_space<semaphore_mem>>)
      %dma_wait3A_262 = arith.constant 0 : i32
      %dma_wait3A_263 = arith.constant 0 : i32
      %dma_wait3A_264 = tpu.memref_slice %arg3[%add3A, %run_scoped3A_77, %dma_wait3A_262, %dma_wait3A_263] : memref<32x4x25x100xi32, #tpu.memory_space<hbm>> -> memref<1x1x25x100xi32, #tpu.memory_space<hbm>>
      %dma_wait3A_265 = tpu.memref_squeeze %dma_wait3A_264 : memref<1x1x25x100xi32, #tpu.memory_space<hbm>> -> memref<25x100xi32, #tpu.memory_space<hbm>>
      %dma_wait3A_266 = arith.constant 0 : i32
      %dma_wait3A_267 = arith.constant 0 : i32
      %dma_wait3A_268 = tpu.memref_slice %arg3[%add3A, %run_scoped3A_77, %dma_wait3A_266, %dma_wait3A_267] : memref<32x4x25x100xi32, #tpu.memory_space<hbm>> -> memref<1x1x25x100xi32, #tpu.memory_space<hbm>>
      %dma_wait3A_269 = tpu.memref_squeeze %dma_wait3A_268 : memref<1x1x25x100xi32, #tpu.memory_space<hbm>> -> memref<25x100xi32, #tpu.memory_space<hbm>>
      tpu.wait_dma2 semaphore(%run_scoped3A_253 : memref<!tpu.dma_semaphore, #tpu.memory_space<semaphore_mem>>) src(%dma_wait3A_269 : memref<25x100xi32, #tpu.memory_space<hbm>>) dst(%arg6 : memref<25x100xi32, #tpu.memory_space<vmem>>)
      tpu.yield
    }) : () -> ()
    %run_scoped3A_78 = arith.constant 1 : i32
    "tpu.region"() ({
      %run_scoped3A_253 = tpu.sem_alloc : memref<!tpu.dma_semaphore, #tpu.memory_space<semaphore_mem>>
      %dma_start3A_254 = arith.constant 0 : i32
      %dma_start3A_255 = arith.constant 0 : i32
      %dma_start3A_256 = tpu.memref_slice %arg4[%add3A, %run_scoped3A_78, %dma_start3A_254, %dma_start3A_255] : memref<32x4x25x100xi32, #tpu.memory_space<hbm>> -> memref<1x1x25x100xi32, #tpu.memory_space<hbm>>
      %dma_start3A_257 = tpu.memref_squeeze %dma_start3A_256 : memref<1x1x25x100xi32, #tpu.memory_space<hbm>> -> memref<25x100xi32, #tpu.memory_space<hbm>>
      %dma_start3A_258 = arith.constant 0 : i32
      %dma_start3A_259 = arith.constant 0 : i32
      %dma_start3A_260 = tpu.memref_slice %arg4[%add3A, %run_scoped3A_78, %dma_start3A_258, %dma_start3A_259] : memref<32x4x25x100xi32, #tpu.memory_space<hbm>> -> memref<1x1x25x100xi32, #tpu.memory_space<hbm>>
      %dma_start3A_261 = tpu.memref_squeeze %dma_start3A_260 : memref<1x1x25x100xi32, #tpu.memory_space<hbm>> -> memref<25x100xi32, #tpu.memory_space<hbm>>
      tpu.enqueue_dma source(%dma_start3A_261 : memref<25x100xi32, #tpu.memory_space<hbm>>) target(%arg7 : memref<25x100xi32, #tpu.memory_space<vmem>>) target_semaphore(%run_scoped3A_253 : memref<!tpu.dma_semaphore, #tpu.memory_space<semaphore_mem>>)
      %dma_wait3A_262 = arith.constant 0 : i32
      %dma_wait3A_263 = arith.constant 0 : i32
      %dma_wait3A_264 = tpu.memref_slice %arg4[%add3A, %run_scoped3A_78, %dma_wait3A_262, %dma_wait3A_263] : memref<32x4x25x100xi32, #tpu.memory_space<hbm>> -> memref<1x1x25x100xi32, #tpu.memory_space<hbm>>
      %dma_wait3A_265 = tpu.memref_squeeze %dma_wait3A_264 : memref<1x1x25x100xi32, #tpu.memory_space<hbm>> -> memref<25x100xi32, #tpu.memory_space<hbm>>
      %dma_wait3A_266 = arith.constant 0 : i32
      %dma_wait3A_267 = arith.constant 0 : i32
      %dma_wait3A_268 = tpu.memref_slice %arg4[%add3A, %run_scoped3A_78, %dma_wait3A_266, %dma_wait3A_267] : memref<32x4x25x100xi32, #tpu.memory_space<hbm>> -> memref<1x1x25x100xi32, #tpu.memory_space<hbm>>
      %dma_wait3A_269 = tpu.memref_squeeze %dma_wait3A_268 : memref<1x1x25x100xi32, #tpu.memory_space<hbm>> -> memref<25x100xi32, #tpu.memory_space<hbm>>
      tpu.wait_dma2 semaphore(%run_scoped3A_253 : memref<!tpu.dma_semaphore, #tpu.memory_space<semaphore_mem>>) src(%dma_wait3A_269 : memref<25x100xi32, #tpu.memory_space<hbm>>) dst(%arg7 : memref<25x100xi32, #tpu.memory_space<vmem>>)
      tpu.yield
    }) : () -> ()
    %dma_start3A_79 = arith.constant 0 : i32
    %dma_start3A_80 = arith.constant 0 : i32
    %dma_start3A_81 = tpu.memref_slice %arg6[%dma_start3A_79, %dma_start3A_80] : memref<25x100xi32, #tpu.memory_space<vmem>> -> memref<1x100xi32, #tpu.memory_space<vmem>>
    %dma_start3A_82 = tpu.memref_squeeze %dma_start3A_81 : memref<1x100xi32, #tpu.memory_space<vmem>> -> memref<100xi32, #tpu.memory_space<vmem>>
    %dma_start3A_83 = arith.constant 0 : i32
    %dma_start3A_84 = arith.constant 0 : i32
    %dma_start3A_85 = tpu.memref_slice %arg2[%dma_start3A_83, %dma_start3A_84] : memref<10000x128xf32, #tpu.memory_space<hbm>> -> memref<10000x128xf32, #tpu.memory_space<hbm>>
    tpu.enqueue_indirect_dma source(%dma_start3A_85 : memref<10000x128xf32, #tpu.memory_space<hbm>>) target(%arg8 : memref<100x128xf32, #tpu.memory_space<vmem>>) offsets(%dma_start3A_82 : memref<100xi32, #tpu.memory_space<vmem>>) semaphore(%arg13 : memref<!tpu.dma_semaphore, #tpu.memory_space<semaphore_mem>>)
    %dma_start3A_86 = arith.constant 1 : i32
    %dma_start3A_87 = arith.constant 0 : i32
    %dma_start3A_88 = tpu.memref_slice %arg6[%dma_start3A_86, %dma_start3A_87] : memref<25x100xi32, #tpu.memory_space<vmem>> -> memref<1x100xi32, #tpu.memory_space<vmem>>
    %dma_start3A_89 = tpu.memref_squeeze %dma_start3A_88 : memref<1x100xi32, #tpu.memory_space<vmem>> -> memref<100xi32, #tpu.memory_space<vmem>>
    %dma_start3A_90 = arith.constant 0 : i32
    %dma_start3A_91 = arith.constant 0 : i32
    %dma_start3A_92 = tpu.memref_slice %arg2[%dma_start3A_90, %dma_start3A_91] : memref<10000x128xf32, #tpu.memory_space<hbm>> -> memref<10000x128xf32, #tpu.memory_space<hbm>>
    tpu.enqueue_indirect_dma source(%dma_start3A_92 : memref<10000x128xf32, #tpu.memory_space<hbm>>) target(%arg9 : memref<100x128xf32, #tpu.memory_space<vmem>>) offsets(%dma_start3A_89 : memref<100xi32, #tpu.memory_space<vmem>>) semaphore(%arg14 : memref<!tpu.dma_semaphore, #tpu.memory_space<semaphore_mem>>)
    %scan3A_93 = arith.constant 0 : i32
    %scan3A_94 = arith.constant 0 : i32
    %scan3A_95 = arith.constant 8 : i32
    %scan3A_96 = arith.addi %scan3A_94, %scan3A_95 : i32
    %scan3A_97 = arith.constant 1 : i32
    scf.for %scan3A_253 = %scan3A_94 to %scan3A_96 step %scan3A_97  : i32 {
      %mul3A_254 = arith.constant 3 : i32
      %mul3A_255 = arith.muli %mul3A_254, %scan3A_253 : i32
      %add3A_256 = arith.constant 0 : i32
      %add3A_257 = arith.addi %mul3A_255, %add3A_256 : i32
      %dma_wait3A_258 = arith.constant 0 : i32
      %dma_wait3A_259 = arith.constant 0 : i32
      %dma_wait3A_260 = tpu.memref_slice %arg6[%dma_wait3A_258, %dma_wait3A_259] : memref<25x100xi32, #tpu.memory_space<vmem>> -> memref<1x100xi32, #tpu.memory_space<vmem>>
      %dma_wait3A_261 = tpu.memref_squeeze %dma_wait3A_260 : memref<1x100xi32, #tpu.memory_space<vmem>> -> memref<100xi32, #tpu.memory_space<vmem>>
      %dma_wait3A_262 = arith.constant 0 : i32
      %dma_wait3A_263 = arith.constant 0 : i32
      %dma_wait3A_264 = tpu.memref_slice %arg2[%dma_wait3A_262, %dma_wait3A_263] : memref<10000x128xf32, #tpu.memory_space<hbm>> -> memref<10000x128xf32, #tpu.memory_space<hbm>>
      tpu.wait_indirect_dma semaphore(%arg13 : memref<!tpu.dma_semaphore, #tpu.memory_space<semaphore_mem>>) src(%dma_wait3A_264 : memref<10000x128xf32, #tpu.memory_space<hbm>>) dst(%arg8 : memref<100x128xf32, #tpu.memory_space<vmem>>)
      %dma_start3A_265 = arith.constant 0 : i32
      %dma_start3A_266 = tpu.memref_slice %arg7[%add3A_257, %dma_start3A_265] : memref<25x100xi32, #tpu.memory_space<vmem>> -> memref<1x100xi32, #tpu.memory_space<vmem>>
      %dma_start3A_267 = tpu.memref_squeeze %dma_start3A_266 : memref<1x100xi32, #tpu.memory_space<vmem>> -> memref<100xi32, #tpu.memory_space<vmem>>
      %dma_start3A_268 = arith.constant 0 : i32
      %dma_start3A_269 = arith.constant 0 : i32
      %dma_start3A_270 = tpu.memref_slice %arg12[%dma_start3A_268, %dma_start3A_269] : memref<10000x128xf32, #tpu.memory_space<vmem_shared>> -> memref<10000x128xf32, #tpu.memory_space<vmem_shared>>
      tpu.enqueue_indirect_dma source(%arg8 : memref<100x128xf32, #tpu.memory_space<vmem>>) target(%dma_start3A_270 : memref<10000x128xf32, #tpu.memory_space<vmem_shared>>) offsets(%dma_start3A_267 : memref<100xi32, #tpu.memory_space<vmem>>) semaphore(%arg16 : memref<!tpu.dma_semaphore, #tpu.memory_space<semaphore_mem>>) {add = true}
      %ge3A = arith.constant 1 : i32
      %ge3A_271 = arith.cmpi sge, %add3A_257, %ge3A : i32
      %convert_element_type3A = arith.extui %ge3A_271 : i1 to i32
      %cond3A = arith.constant 0 : i32
      %cond3A_272 = arith.cmpi ne, %convert_element_type3A, %cond3A : i32
      scf.if %cond3A_272 {
        %dma_wait3A_337 = arith.constant 0 : i32
        %dma_wait3A_338 = arith.constant 0 : i32
        %dma_wait3A_339 = tpu.memref_slice %arg7[%dma_wait3A_337, %dma_wait3A_338] : memref<25x100xi32, #tpu.memory_space<vmem>> -> memref<1x100xi32, #tpu.memory_space<vmem>>
        %dma_wait3A_340 = tpu.memref_squeeze %dma_wait3A_339 : memref<1x100xi32, #tpu.memory_space<vmem>> -> memref<100xi32, #tpu.memory_space<vmem>>
        %dma_wait3A_341 = arith.constant 0 : i32
        %dma_wait3A_342 = arith.constant 0 : i32
        %dma_wait3A_343 = tpu.memref_slice %arg12[%dma_wait3A_341, %dma_wait3A_342] : memref<10000x128xf32, #tpu.memory_space<vmem_shared>> -> memref<10000x128xf32, #tpu.memory_space<vmem_shared>>
        tpu.wait_indirect_dma semaphore(%arg18 : memref<!tpu.dma_semaphore, #tpu.memory_space<semaphore_mem>>) src(%arg10 : memref<100x128xf32, #tpu.memory_space<vmem>>) dst(%dma_wait3A_343 : memref<10000x128xf32, #tpu.memory_space<vmem_shared>>)
      } else {
      }
      %add3A_273 = arith.constant 2 : i32
      %add3A_274 = arith.addi %add3A_257, %add3A_273 : i32
      %lt3A = arith.constant 25 : i32
      %lt3A_275 = arith.cmpi slt, %add3A_274, %lt3A : i32
      %convert_element_type3A_276 = arith.extui %lt3A_275 : i1 to i32
      %cond3A_277 = arith.constant 0 : i32
      %cond3A_278 = arith.cmpi ne, %convert_element_type3A_276, %cond3A_277 : i32
      scf.if %cond3A_278 {
        %add3A_337 = arith.constant 2 : i32
        %add3A_338 = arith.addi %add3A_257, %add3A_337 : i32
        %dma_start3A_339 = arith.constant 0 : i32
        %dma_start3A_340 = tpu.memref_slice %arg6[%add3A_338, %dma_start3A_339] : memref<25x100xi32, #tpu.memory_space<vmem>> -> memref<1x100xi32, #tpu.memory_space<vmem>>
        %dma_start3A_341 = tpu.memref_squeeze %dma_start3A_340 : memref<1x100xi32, #tpu.memory_space<vmem>> -> memref<100xi32, #tpu.memory_space<vmem>>
        %dma_start3A_342 = arith.constant 0 : i32
        %dma_start3A_343 = arith.constant 0 : i32
        %dma_start3A_344 = tpu.memref_slice %arg2[%dma_start3A_342, %dma_start3A_343] : memref<10000x128xf32, #tpu.memory_space<hbm>> -> memref<10000x128xf32, #tpu.memory_space<hbm>>
        tpu.enqueue_indirect_dma source(%dma_start3A_344 : memref<10000x128xf32, #tpu.memory_space<hbm>>) target(%arg10 : memref<100x128xf32, #tpu.memory_space<vmem>>) offsets(%dma_start3A_341 : memref<100xi32, #tpu.memory_space<vmem>>) semaphore(%arg15 : memref<!tpu.dma_semaphore, #tpu.memory_space<semaphore_mem>>)
      } else {
      }
      %mul3A_279 = arith.constant 3 : i32
      %mul3A_280 = arith.muli %mul3A_279, %scan3A_253 : i32
      %add3A_281 = arith.constant 1 : i32
      %add3A_282 = arith.addi %mul3A_280, %add3A_281 : i32
      %dma_wait3A_283 = arith.constant 0 : i32
      %dma_wait3A_284 = arith.constant 0 : i32
      %dma_wait3A_285 = tpu.memref_slice %arg6[%dma_wait3A_283, %dma_wait3A_284] : memref<25x100xi32, #tpu.memory_space<vmem>> -> memref<1x100xi32, #tpu.memory_space<vmem>>
      %dma_wait3A_286 = tpu.memref_squeeze %dma_wait3A_285 : memref<1x100xi32, #tpu.memory_space<vmem>> -> memref<100xi32, #tpu.memory_space<vmem>>
      %dma_wait3A_287 = arith.constant 0 : i32
      %dma_wait3A_288 = arith.constant 0 : i32
      %dma_wait3A_289 = tpu.memref_slice %arg2[%dma_wait3A_287, %dma_wait3A_288] : memref<10000x128xf32, #tpu.memory_space<hbm>> -> memref<10000x128xf32, #tpu.memory_space<hbm>>
      tpu.wait_indirect_dma semaphore(%arg14 : memref<!tpu.dma_semaphore, #tpu.memory_space<semaphore_mem>>) src(%dma_wait3A_289 : memref<10000x128xf32, #tpu.memory_space<hbm>>) dst(%arg9 : memref<100x128xf32, #tpu.memory_space<vmem>>)
      %dma_start3A_290 = arith.constant 0 : i32
      %dma_start3A_291 = tpu.memref_slice %arg7[%add3A_282, %dma_start3A_290] : memref<25x100xi32, #tpu.memory_space<vmem>> -> memref<1x100xi32, #tpu.memory_space<vmem>>
      %dma_start3A_292 = tpu.memref_squeeze %dma_start3A_291 : memref<1x100xi32, #tpu.memory_space<vmem>> -> memref<100xi32, #tpu.memory_space<vmem>>
      %dma_start3A_293 = arith.constant 0 : i32
      %dma_start3A_294 = arith.constant 0 : i32
      %dma_start3A_295 = tpu.memref_slice %arg12[%dma_start3A_293, %dma_start3A_294] : memref<10000x128xf32, #tpu.memory_space<vmem_shared>> -> memref<10000x128xf32, #tpu.memory_space<vmem_shared>>
      tpu.enqueue_indirect_dma source(%arg9 : memref<100x128xf32, #tpu.memory_space<vmem>>) target(%dma_start3A_295 : memref<10000x128xf32, #tpu.memory_space<vmem_shared>>) offsets(%dma_start3A_292 : memref<100xi32, #tpu.memory_space<vmem>>) semaphore(%arg17 : memref<!tpu.dma_semaphore, #tpu.memory_space<semaphore_mem>>) {add = true}
      %ge3A_296 = arith.constant 1 : i32
      %ge3A_297 = arith.cmpi sge, %add3A_282, %ge3A_296 : i32
      %convert_element_type3A_298 = arith.extui %ge3A_297 : i1 to i32
      %cond3A_299 = arith.constant 0 : i32
      %cond3A_300 = arith.cmpi ne, %convert_element_type3A_298, %cond3A_299 : i32
      scf.if %cond3A_300 {
        %dma_wait3A_337 = arith.constant 0 : i32
        %dma_wait3A_338 = arith.constant 0 : i32
        %dma_wait3A_339 = tpu.memref_slice %arg7[%dma_wait3A_337, %dma_wait3A_338] : memref<25x100xi32, #tpu.memory_space<vmem>> -> memref<1x100xi32, #tpu.memory_space<vmem>>
        %dma_wait3A_340 = tpu.memref_squeeze %dma_wait3A_339 : memref<1x100xi32, #tpu.memory_space<vmem>> -> memref<100xi32, #tpu.memory_space<vmem>>
        %dma_wait3A_341 = arith.constant 0 : i32
        %dma_wait3A_342 = arith.constant 0 : i32
        %dma_wait3A_343 = tpu.memref_slice %arg12[%dma_wait3A_341, %dma_wait3A_342] : memref<10000x128xf32, #tpu.memory_space<vmem_shared>> -> memref<10000x128xf32, #tpu.memory_space<vmem_shared>>
        tpu.wait_indirect_dma semaphore(%arg16 : memref<!tpu.dma_semaphore, #tpu.memory_space<semaphore_mem>>) src(%arg8 : memref<100x128xf32, #tpu.memory_space<vmem>>) dst(%dma_wait3A_343 : memref<10000x128xf32, #tpu.memory_space<vmem_shared>>)
      } else {
      }
      %add3A_301 = arith.constant 2 : i32
      %add3A_302 = arith.addi %add3A_282, %add3A_301 : i32
      %lt3A_303 = arith.constant 25 : i32
      %lt3A_304 = arith.cmpi slt, %add3A_302, %lt3A_303 : i32
      %convert_element_type3A_305 = arith.extui %lt3A_304 : i1 to i32
      %cond3A_306 = arith.constant 0 : i32
      %cond3A_307 = arith.cmpi ne, %convert_element_type3A_305, %cond3A_306 : i32
      scf.if %cond3A_307 {
        %add3A_337 = arith.constant 2 : i32
        %add3A_338 = arith.addi %add3A_282, %add3A_337 : i32
        %dma_start3A_339 = arith.constant 0 : i32
        %dma_start3A_340 = tpu.memref_slice %arg6[%add3A_338, %dma_start3A_339] : memref<25x100xi32, #tpu.memory_space<vmem>> -> memref<1x100xi32, #tpu.memory_space<vmem>>
        %dma_start3A_341 = tpu.memref_squeeze %dma_start3A_340 : memref<1x100xi32, #tpu.memory_space<vmem>> -> memref<100xi32, #tpu.memory_space<vmem>>
        %dma_start3A_342 = arith.constant 0 : i32
        %dma_start3A_343 = arith.constant 0 : i32
        %dma_start3A_344 = tpu.memref_slice %arg2[%dma_start3A_342, %dma_start3A_343] : memref<10000x128xf32, #tpu.memory_space<hbm>> -> memref<10000x128xf32, #tpu.memory_space<hbm>>
        tpu.enqueue_indirect_dma source(%dma_start3A_344 : memref<10000x128xf32, #tpu.memory_space<hbm>>) target(%arg8 : memref<100x128xf32, #tpu.memory_space<vmem>>) offsets(%dma_start3A_341 : memref<100xi32, #tpu.memory_space<vmem>>) semaphore(%arg13 : memref<!tpu.dma_semaphore, #tpu.memory_space<semaphore_mem>>)
      } else {
      }
      %mul3A_308 = arith.constant 3 : i32
      %mul3A_309 = arith.muli %mul3A_308, %scan3A_253 : i32
      %add3A_310 = arith.constant 2 : i32
      %add3A_311 = arith.addi %mul3A_309, %add3A_310 : i32
      %dma_wait3A_312 = arith.constant 0 : i32
      %dma_wait3A_313 = arith.constant 0 : i32
      %dma_wait3A_314 = tpu.memref_slice %arg6[%dma_wait3A_312, %dma_wait3A_313] : memref<25x100xi32, #tpu.memory_space<vmem>> -> memref<1x100xi32, #tpu.memory_space<vmem>>
      %dma_wait3A_315 = tpu.memref_squeeze %dma_wait3A_314 : memref<1x100xi32, #tpu.memory_space<vmem>> -> memref<100xi32, #tpu.memory_space<vmem>>
      %dma_wait3A_316 = arith.constant 0 : i32
      %dma_wait3A_317 = arith.constant 0 : i32
      %dma_wait3A_318 = tpu.memref_slice %arg2[%dma_wait3A_316, %dma_wait3A_317] : memref<10000x128xf32, #tpu.memory_space<hbm>> -> memref<10000x128xf32, #tpu.memory_space<hbm>>
      tpu.wait_indirect_dma semaphore(%arg15 : memref<!tpu.dma_semaphore, #tpu.memory_space<semaphore_mem>>) src(%dma_wait3A_318 : memref<10000x128xf32, #tpu.memory_space<hbm>>) dst(%arg10 : memref<100x128xf32, #tpu.memory_space<vmem>>)
      %dma_start3A_319 = arith.constant 0 : i32
      %dma_start3A_320 = tpu.memref_slice %arg7[%add3A_311, %dma_start3A_319] : memref<25x100xi32, #tpu.memory_space<vmem>> -> memref<1x100xi32, #tpu.memory_space<vmem>>
      %dma_start3A_321 = tpu.memref_squeeze %dma_start3A_320 : memref<1x100xi32, #tpu.memory_space<vmem>> -> memref<100xi32, #tpu.memory_space<vmem>>
      %dma_start3A_322 = arith.constant 0 : i32
      %dma_start3A_323 = arith.constant 0 : i32
      %dma_start3A_324 = tpu.memref_slice %arg12[%dma_start3A_322, %dma_start3A_323] : memref<10000x128xf32, #tpu.memory_space<vmem_shared>> -> memref<10000x128xf32, #tpu.memory_space<vmem_shared>>
      tpu.enqueue_indirect_dma source(%arg10 : memref<100x128xf32, #tpu.memory_space<vmem>>) target(%dma_start3A_324 : memref<10000x128xf32, #tpu.memory_space<vmem_shared>>) offsets(%dma_start3A_321 : memref<100xi32, #tpu.memory_space<vmem>>) semaphore(%arg18 : memref<!tpu.dma_semaphore, #tpu.memory_space<semaphore_mem>>) {add = true}
      %ge3A_325 = arith.constant 1 : i32
      %ge3A_326 = arith.cmpi sge, %add3A_311, %ge3A_325 : i32
      %convert_element_type3A_327 = arith.extui %ge3A_326 : i1 to i32
      %cond3A_328 = arith.constant 0 : i32
      %cond3A_329 = arith.cmpi ne, %convert_element_type3A_327, %cond3A_328 : i32
      scf.if %cond3A_329 {
        %dma_wait3A_337 = arith.constant 0 : i32
        %dma_wait3A_338 = arith.constant 0 : i32
        %dma_wait3A_339 = tpu.memref_slice %arg7[%dma_wait3A_337, %dma_wait3A_338] : memref<25x100xi32, #tpu.memory_space<vmem>> -> memref<1x100xi32, #tpu.memory_space<vmem>>
        %dma_wait3A_340 = tpu.memref_squeeze %dma_wait3A_339 : memref<1x100xi32, #tpu.memory_space<vmem>> -> memref<100xi32, #tpu.memory_space<vmem>>
        %dma_wait3A_341 = arith.constant 0 : i32
        %dma_wait3A_342 = arith.constant 0 : i32
        %dma_wait3A_343 = tpu.memref_slice %arg12[%dma_wait3A_341, %dma_wait3A_342] : memref<10000x128xf32, #tpu.memory_space<vmem_shared>> -> memref<10000x128xf32, #tpu.memory_space<vmem_shared>>
        tpu.wait_indirect_dma semaphore(%arg17 : memref<!tpu.dma_semaphore, #tpu.memory_space<semaphore_mem>>) src(%arg9 : memref<100x128xf32, #tpu.memory_space<vmem>>) dst(%dma_wait3A_343 : memref<10000x128xf32, #tpu.memory_space<vmem_shared>>)
      } else {
      }
      %add3A_330 = arith.constant 2 : i32
      %add3A_331 = arith.addi %add3A_311, %add3A_330 : i32
      %lt3A_332 = arith.constant 25 : i32
      %lt3A_333 = arith.cmpi slt, %add3A_331, %lt3A_332 : i32
      %convert_element_type3A_334 = arith.extui %lt3A_333 : i1 to i32
      %cond3A_335 = arith.constant 0 : i32
      %cond3A_336 = arith.cmpi ne, %convert_element_type3A_334, %cond3A_335 : i32
      scf.if %cond3A_336 {
        %add3A_337 = arith.constant 2 : i32
        %add3A_338 = arith.addi %add3A_311, %add3A_337 : i32
        %dma_start3A_339 = arith.constant 0 : i32
        %dma_start3A_340 = tpu.memref_slice %arg6[%add3A_338, %dma_start3A_339] : memref<25x100xi32, #tpu.memory_space<vmem>> -> memref<1x100xi32, #tpu.memory_space<vmem>>
        %dma_start3A_341 = tpu.memref_squeeze %dma_start3A_340 : memref<1x100xi32, #tpu.memory_space<vmem>> -> memref<100xi32, #tpu.memory_space<vmem>>
        %dma_start3A_342 = arith.constant 0 : i32
        %dma_start3A_343 = arith.constant 0 : i32
        %dma_start3A_344 = tpu.memref_slice %arg2[%dma_start3A_342, %dma_start3A_343] : memref<10000x128xf32, #tpu.memory_space<hbm>> -> memref<10000x128xf32, #tpu.memory_space<hbm>>
        tpu.enqueue_indirect_dma source(%dma_start3A_344 : memref<10000x128xf32, #tpu.memory_space<hbm>>) target(%arg9 : memref<100x128xf32, #tpu.memory_space<vmem>>) offsets(%dma_start3A_341 : memref<100xi32, #tpu.memory_space<vmem>>) semaphore(%arg14 : memref<!tpu.dma_semaphore, #tpu.memory_space<semaphore_mem>>)
      } else {
      }
    }
    %scan3A_98 = arith.constant 8 : i32
    %dma_wait3A_99 = arith.constant 0 : i32
    %dma_wait3A_100 = arith.constant 0 : i32
    %dma_wait3A_101 = tpu.memref_slice %arg6[%dma_wait3A_99, %dma_wait3A_100] : memref<25x100xi32, #tpu.memory_space<vmem>> -> memref<1x100xi32, #tpu.memory_space<vmem>>
    %dma_wait3A_102 = tpu.memref_squeeze %dma_wait3A_101 : memref<1x100xi32, #tpu.memory_space<vmem>> -> memref<100xi32, #tpu.memory_space<vmem>>
    %dma_wait3A_103 = arith.constant 0 : i32
    %dma_wait3A_104 = arith.constant 0 : i32
    %dma_wait3A_105 = tpu.memref_slice %arg2[%dma_wait3A_103, %dma_wait3A_104] : memref<10000x128xf32, #tpu.memory_space<hbm>> -> memref<10000x128xf32, #tpu.memory_space<hbm>>
    tpu.wait_indirect_dma semaphore(%arg13 : memref<!tpu.dma_semaphore, #tpu.memory_space<semaphore_mem>>) src(%dma_wait3A_105 : memref<10000x128xf32, #tpu.memory_space<hbm>>) dst(%arg8 : memref<100x128xf32, #tpu.memory_space<vmem>>)
    %dma_start3A_106 = arith.constant 24 : i32
    %dma_start3A_107 = arith.constant 0 : i32
    %dma_start3A_108 = tpu.memref_slice %arg7[%dma_start3A_106, %dma_start3A_107] : memref<25x100xi32, #tpu.memory_space<vmem>> -> memref<1x100xi32, #tpu.memory_space<vmem>>
    %dma_start3A_109 = tpu.memref_squeeze %dma_start3A_108 : memref<1x100xi32, #tpu.memory_space<vmem>> -> memref<100xi32, #tpu.memory_space<vmem>>
    %dma_start3A_110 = arith.constant 0 : i32
    %dma_start3A_111 = arith.constant 0 : i32
    %dma_start3A_112 = tpu.memref_slice %arg12[%dma_start3A_110, %dma_start3A_111] : memref<10000x128xf32, #tpu.memory_space<vmem_shared>> -> memref<10000x128xf32, #tpu.memory_space<vmem_shared>>
    tpu.enqueue_indirect_dma source(%arg8 : memref<100x128xf32, #tpu.memory_space<vmem>>) target(%dma_start3A_112 : memref<10000x128xf32, #tpu.memory_space<vmem_shared>>) offsets(%dma_start3A_109 : memref<100xi32, #tpu.memory_space<vmem>>) semaphore(%arg16 : memref<!tpu.dma_semaphore, #tpu.memory_space<semaphore_mem>>) {add = true}
    %dma_wait3A_113 = arith.constant 0 : i32
    %dma_wait3A_114 = arith.constant 0 : i32
    %dma_wait3A_115 = tpu.memref_slice %arg7[%dma_wait3A_113, %dma_wait3A_114] : memref<25x100xi32, #tpu.memory_space<vmem>> -> memref<1x100xi32, #tpu.memory_space<vmem>>
    %dma_wait3A_116 = tpu.memref_squeeze %dma_wait3A_115 : memref<1x100xi32, #tpu.memory_space<vmem>> -> memref<100xi32, #tpu.memory_space<vmem>>
    %dma_wait3A_117 = arith.constant 0 : i32
    %dma_wait3A_118 = arith.constant 0 : i32
    %dma_wait3A_119 = tpu.memref_slice %arg12[%dma_wait3A_117, %dma_wait3A_118] : memref<10000x128xf32, #tpu.memory_space<vmem_shared>> -> memref<10000x128xf32, #tpu.memory_space<vmem_shared>>
    tpu.wait_indirect_dma semaphore(%arg18 : memref<!tpu.dma_semaphore, #tpu.memory_space<semaphore_mem>>) src(%arg10 : memref<100x128xf32, #tpu.memory_space<vmem>>) dst(%dma_wait3A_119 : memref<10000x128xf32, #tpu.memory_space<vmem_shared>>)
    %dma_wait3A_120 = arith.constant 0 : i32
    %dma_wait3A_121 = arith.constant 0 : i32
    %dma_wait3A_122 = tpu.memref_slice %arg7[%dma_wait3A_120, %dma_wait3A_121] : memref<25x100xi32, #tpu.memory_space<vmem>> -> memref<1x100xi32, #tpu.memory_space<vmem>>
    %dma_wait3A_123 = tpu.memref_squeeze %dma_wait3A_122 : memref<1x100xi32, #tpu.memory_space<vmem>> -> memref<100xi32, #tpu.memory_space<vmem>>
    %dma_wait3A_124 = arith.constant 0 : i32
    %dma_wait3A_125 = arith.constant 0 : i32
    %dma_wait3A_126 = tpu.memref_slice %arg12[%dma_wait3A_124, %dma_wait3A_125] : memref<10000x128xf32, #tpu.memory_space<vmem_shared>> -> memref<10000x128xf32, #tpu.memory_space<vmem_shared>>
    tpu.wait_indirect_dma semaphore(%arg16 : memref<!tpu.dma_semaphore, #tpu.memory_space<semaphore_mem>>) src(%arg8 : memref<100x128xf32, #tpu.memory_space<vmem>>) dst(%dma_wait3A_126 : memref<10000x128xf32, #tpu.memory_space<vmem_shared>>)
    %run_scoped3A_127 = arith.constant 2 : i32
    "tpu.region"() ({
      %run_scoped3A_253 = tpu.sem_alloc : memref<!tpu.dma_semaphore, #tpu.memory_space<semaphore_mem>>
      %dma_start3A_254 = arith.constant 0 : i32
      %dma_start3A_255 = arith.constant 0 : i32
      %dma_start3A_256 = tpu.memref_slice %arg3[%add3A, %run_scoped3A_127, %dma_start3A_254, %dma_start3A_255] : memref<32x4x25x100xi32, #tpu.memory_space<hbm>> -> memref<1x1x25x100xi32, #tpu.memory_space<hbm>>
      %dma_start3A_257 = tpu.memref_squeeze %dma_start3A_256 : memref<1x1x25x100xi32, #tpu.memory_space<hbm>> -> memref<25x100xi32, #tpu.memory_space<hbm>>
      %dma_start3A_258 = arith.constant 0 : i32
      %dma_start3A_259 = arith.constant 0 : i32
      %dma_start3A_260 = tpu.memref_slice %arg3[%add3A, %run_scoped3A_127, %dma_start3A_258, %dma_start3A_259] : memref<32x4x25x100xi32, #tpu.memory_space<hbm>> -> memref<1x1x25x100xi32, #tpu.memory_space<hbm>>
      %dma_start3A_261 = tpu.memref_squeeze %dma_start3A_260 : memref<1x1x25x100xi32, #tpu.memory_space<hbm>> -> memref<25x100xi32, #tpu.memory_space<hbm>>
      tpu.enqueue_dma source(%dma_start3A_261 : memref<25x100xi32, #tpu.memory_space<hbm>>) target(%arg6 : memref<25x100xi32, #tpu.memory_space<vmem>>) target_semaphore(%run_scoped3A_253 : memref<!tpu.dma_semaphore, #tpu.memory_space<semaphore_mem>>)
      %dma_wait3A_262 = arith.constant 0 : i32
      %dma_wait3A_263 = arith.constant 0 : i32
      %dma_wait3A_264 = tpu.memref_slice %arg3[%add3A, %run_scoped3A_127, %dma_wait3A_262, %dma_wait3A_263] : memref<32x4x25x100xi32, #tpu.memory_space<hbm>> -> memref<1x1x25x100xi32, #tpu.memory_space<hbm>>
      %dma_wait3A_265 = tpu.memref_squeeze %dma_wait3A_264 : memref<1x1x25x100xi32, #tpu.memory_space<hbm>> -> memref<25x100xi32, #tpu.memory_space<hbm>>
      %dma_wait3A_266 = arith.constant 0 : i32
      %dma_wait3A_267 = arith.constant 0 : i32
      %dma_wait3A_268 = tpu.memref_slice %arg3[%add3A, %run_scoped3A_127, %dma_wait3A_266, %dma_wait3A_267] : memref<32x4x25x100xi32, #tpu.memory_space<hbm>> -> memref<1x1x25x100xi32, #tpu.memory_space<hbm>>
      %dma_wait3A_269 = tpu.memref_squeeze %dma_wait3A_268 : memref<1x1x25x100xi32, #tpu.memory_space<hbm>> -> memref<25x100xi32, #tpu.memory_space<hbm>>
      tpu.wait_dma2 semaphore(%run_scoped3A_253 : memref<!tpu.dma_semaphore, #tpu.memory_space<semaphore_mem>>) src(%dma_wait3A_269 : memref<25x100xi32, #tpu.memory_space<hbm>>) dst(%arg6 : memref<25x100xi32, #tpu.memory_space<vmem>>)
      tpu.yield
    }) : () -> ()
    %run_scoped3A_128 = arith.constant 2 : i32
    "tpu.region"() ({
      %run_scoped3A_253 = tpu.sem_alloc : memref<!tpu.dma_semaphore, #tpu.memory_space<semaphore_mem>>
      %dma_start3A_254 = arith.constant 0 : i32
      %dma_start3A_255 = arith.constant 0 : i32
      %dma_start3A_256 = tpu.memref_slice %arg4[%add3A, %run_scoped3A_128, %dma_start3A_254, %dma_start3A_255] : memref<32x4x25x100xi32, #tpu.memory_space<hbm>> -> memref<1x1x25x100xi32, #tpu.memory_space<hbm>>
      %dma_start3A_257 = tpu.memref_squeeze %dma_start3A_256 : memref<1x1x25x100xi32, #tpu.memory_space<hbm>> -> memref<25x100xi32, #tpu.memory_space<hbm>>
      %dma_start3A_258 = arith.constant 0 : i32
      %dma_start3A_259 = arith.constant 0 : i32
      %dma_start3A_260 = tpu.memref_slice %arg4[%add3A, %run_scoped3A_128, %dma_start3A_258, %dma_start3A_259] : memref<32x4x25x100xi32, #tpu.memory_space<hbm>> -> memref<1x1x25x100xi32, #tpu.memory_space<hbm>>
      %dma_start3A_261 = tpu.memref_squeeze %dma_start3A_260 : memref<1x1x25x100xi32, #tpu.memory_space<hbm>> -> memref<25x100xi32, #tpu.memory_space<hbm>>
      tpu.enqueue_dma source(%dma_start3A_261 : memref<25x100xi32, #tpu.memory_space<hbm>>) target(%arg7 : memref<25x100xi32, #tpu.memory_space<vmem>>) target_semaphore(%run_scoped3A_253 : memref<!tpu.dma_semaphore, #tpu.memory_space<semaphore_mem>>)
      %dma_wait3A_262 = arith.constant 0 : i32
      %dma_wait3A_263 = arith.constant 0 : i32
      %dma_wait3A_264 = tpu.memref_slice %arg4[%add3A, %run_scoped3A_128, %dma_wait3A_262, %dma_wait3A_263] : memref<32x4x25x100xi32, #tpu.memory_space<hbm>> -> memref<1x1x25x100xi32, #tpu.memory_space<hbm>>
      %dma_wait3A_265 = tpu.memref_squeeze %dma_wait3A_264 : memref<1x1x25x100xi32, #tpu.memory_space<hbm>> -> memref<25x100xi32, #tpu.memory_space<hbm>>
      %dma_wait3A_266 = arith.constant 0 : i32
      %dma_wait3A_267 = arith.constant 0 : i32
      %dma_wait3A_268 = tpu.memref_slice %arg4[%add3A, %run_scoped3A_128, %dma_wait3A_266, %dma_wait3A_267] : memref<32x4x25x100xi32, #tpu.memory_space<hbm>> -> memref<1x1x25x100xi32, #tpu.memory_space<hbm>>
      %dma_wait3A_269 = tpu.memref_squeeze %dma_wait3A_268 : memref<1x1x25x100xi32, #tpu.memory_space<hbm>> -> memref<25x100xi32, #tpu.memory_space<hbm>>
      tpu.wait_dma2 semaphore(%run_scoped3A_253 : memref<!tpu.dma_semaphore, #tpu.memory_space<semaphore_mem>>) src(%dma_wait3A_269 : memref<25x100xi32, #tpu.memory_space<hbm>>) dst(%arg7 : memref<25x100xi32, #tpu.memory_space<vmem>>)
      tpu.yield
    }) : () -> ()
    %dma_start3A_129 = arith.constant 0 : i32
    %dma_start3A_130 = arith.constant 0 : i32
    %dma_start3A_131 = tpu.memref_slice %arg6[%dma_start3A_129, %dma_start3A_130] : memref<25x100xi32, #tpu.memory_space<vmem>> -> memref<1x100xi32, #tpu.memory_space<vmem>>
    %dma_start3A_132 = tpu.memref_squeeze %dma_start3A_131 : memref<1x100xi32, #tpu.memory_space<vmem>> -> memref<100xi32, #tpu.memory_space<vmem>>
    %dma_start3A_133 = arith.constant 0 : i32
    %dma_start3A_134 = arith.constant 0 : i32
    %dma_start3A_135 = tpu.memref_slice %arg2[%dma_start3A_133, %dma_start3A_134] : memref<10000x128xf32, #tpu.memory_space<hbm>> -> memref<10000x128xf32, #tpu.memory_space<hbm>>
    tpu.enqueue_indirect_dma source(%dma_start3A_135 : memref<10000x128xf32, #tpu.memory_space<hbm>>) target(%arg8 : memref<100x128xf32, #tpu.memory_space<vmem>>) offsets(%dma_start3A_132 : memref<100xi32, #tpu.memory_space<vmem>>) semaphore(%arg13 : memref<!tpu.dma_semaphore, #tpu.memory_space<semaphore_mem>>)
    %dma_start3A_136 = arith.constant 1 : i32
    %dma_start3A_137 = arith.constant 0 : i32
    %dma_start3A_138 = tpu.memref_slice %arg6[%dma_start3A_136, %dma_start3A_137] : memref<25x100xi32, #tpu.memory_space<vmem>> -> memref<1x100xi32, #tpu.memory_space<vmem>>
    %dma_start3A_139 = tpu.memref_squeeze %dma_start3A_138 : memref<1x100xi32, #tpu.memory_space<vmem>> -> memref<100xi32, #tpu.memory_space<vmem>>
    %dma_start3A_140 = arith.constant 0 : i32
    %dma_start3A_141 = arith.constant 0 : i32
    %dma_start3A_142 = tpu.memref_slice %arg2[%dma_start3A_140, %dma_start3A_141] : memref<10000x128xf32, #tpu.memory_space<hbm>> -> memref<10000x128xf32, #tpu.memory_space<hbm>>
    tpu.enqueue_indirect_dma source(%dma_start3A_142 : memref<10000x128xf32, #tpu.memory_space<hbm>>) target(%arg9 : memref<100x128xf32, #tpu.memory_space<vmem>>) offsets(%dma_start3A_139 : memref<100xi32, #tpu.memory_space<vmem>>) semaphore(%arg14 : memref<!tpu.dma_semaphore, #tpu.memory_space<semaphore_mem>>)
    %scan3A_143 = arith.constant 0 : i32
    %scan3A_144 = arith.constant 0 : i32
    %scan3A_145 = arith.constant 8 : i32
    %scan3A_146 = arith.addi %scan3A_144, %scan3A_145 : i32
    %scan3A_147 = arith.constant 1 : i32
    scf.for %scan3A_253 = %scan3A_144 to %scan3A_146 step %scan3A_147  : i32 {
      %mul3A_254 = arith.constant 3 : i32
      %mul3A_255 = arith.muli %mul3A_254, %scan3A_253 : i32
      %add3A_256 = arith.constant 0 : i32
      %add3A_257 = arith.addi %mul3A_255, %add3A_256 : i32
      %dma_wait3A_258 = arith.constant 0 : i32
      %dma_wait3A_259 = arith.constant 0 : i32
      %dma_wait3A_260 = tpu.memref_slice %arg6[%dma_wait3A_258, %dma_wait3A_259] : memref<25x100xi32, #tpu.memory_space<vmem>> -> memref<1x100xi32, #tpu.memory_space<vmem>>
      %dma_wait3A_261 = tpu.memref_squeeze %dma_wait3A_260 : memref<1x100xi32, #tpu.memory_space<vmem>> -> memref<100xi32, #tpu.memory_space<vmem>>
      %dma_wait3A_262 = arith.constant 0 : i32
      %dma_wait3A_263 = arith.constant 0 : i32
      %dma_wait3A_264 = tpu.memref_slice %arg2[%dma_wait3A_262, %dma_wait3A_263] : memref<10000x128xf32, #tpu.memory_space<hbm>> -> memref<10000x128xf32, #tpu.memory_space<hbm>>
      tpu.wait_indirect_dma semaphore(%arg13 : memref<!tpu.dma_semaphore, #tpu.memory_space<semaphore_mem>>) src(%dma_wait3A_264 : memref<10000x128xf32, #tpu.memory_space<hbm>>) dst(%arg8 : memref<100x128xf32, #tpu.memory_space<vmem>>)
      %dma_start3A_265 = arith.constant 0 : i32
      %dma_start3A_266 = tpu.memref_slice %arg7[%add3A_257, %dma_start3A_265] : memref<25x100xi32, #tpu.memory_space<vmem>> -> memref<1x100xi32, #tpu.memory_space<vmem>>
      %dma_start3A_267 = tpu.memref_squeeze %dma_start3A_266 : memref<1x100xi32, #tpu.memory_space<vmem>> -> memref<100xi32, #tpu.memory_space<vmem>>
      %dma_start3A_268 = arith.constant 0 : i32
      %dma_start3A_269 = arith.constant 0 : i32
      %dma_start3A_270 = tpu.memref_slice %arg12[%dma_start3A_268, %dma_start3A_269] : memref<10000x128xf32, #tpu.memory_space<vmem_shared>> -> memref<10000x128xf32, #tpu.memory_space<vmem_shared>>
      tpu.enqueue_indirect_dma source(%arg8 : memref<100x128xf32, #tpu.memory_space<vmem>>) target(%dma_start3A_270 : memref<10000x128xf32, #tpu.memory_space<vmem_shared>>) offsets(%dma_start3A_267 : memref<100xi32, #tpu.memory_space<vmem>>) semaphore(%arg16 : memref<!tpu.dma_semaphore, #tpu.memory_space<semaphore_mem>>) {add = true}
      %ge3A = arith.constant 1 : i32
      %ge3A_271 = arith.cmpi sge, %add3A_257, %ge3A : i32
      %convert_element_type3A = arith.extui %ge3A_271 : i1 to i32
      %cond3A = arith.constant 0 : i32
      %cond3A_272 = arith.cmpi ne, %convert_element_type3A, %cond3A : i32
      scf.if %cond3A_272 {
        %dma_wait3A_337 = arith.constant 0 : i32
        %dma_wait3A_338 = arith.constant 0 : i32
        %dma_wait3A_339 = tpu.memref_slice %arg7[%dma_wait3A_337, %dma_wait3A_338] : memref<25x100xi32, #tpu.memory_space<vmem>> -> memref<1x100xi32, #tpu.memory_space<vmem>>
        %dma_wait3A_340 = tpu.memref_squeeze %dma_wait3A_339 : memref<1x100xi32, #tpu.memory_space<vmem>> -> memref<100xi32, #tpu.memory_space<vmem>>
        %dma_wait3A_341 = arith.constant 0 : i32
        %dma_wait3A_342 = arith.constant 0 : i32
        %dma_wait3A_343 = tpu.memref_slice %arg12[%dma_wait3A_341, %dma_wait3A_342] : memref<10000x128xf32, #tpu.memory_space<vmem_shared>> -> memref<10000x128xf32, #tpu.memory_space<vmem_shared>>
        tpu.wait_indirect_dma semaphore(%arg18 : memref<!tpu.dma_semaphore, #tpu.memory_space<semaphore_mem>>) src(%arg10 : memref<100x128xf32, #tpu.memory_space<vmem>>) dst(%dma_wait3A_343 : memref<10000x128xf32, #tpu.memory_space<vmem_shared>>)
      } else {
      }
      %add3A_273 = arith.constant 2 : i32
      %add3A_274 = arith.addi %add3A_257, %add3A_273 : i32
      %lt3A = arith.constant 25 : i32
      %lt3A_275 = arith.cmpi slt, %add3A_274, %lt3A : i32
      %convert_element_type3A_276 = arith.extui %lt3A_275 : i1 to i32
      %cond3A_277 = arith.constant 0 : i32
      %cond3A_278 = arith.cmpi ne, %convert_element_type3A_276, %cond3A_277 : i32
      scf.if %cond3A_278 {
        %add3A_337 = arith.constant 2 : i32
        %add3A_338 = arith.addi %add3A_257, %add3A_337 : i32
        %dma_start3A_339 = arith.constant 0 : i32
        %dma_start3A_340 = tpu.memref_slice %arg6[%add3A_338, %dma_start3A_339] : memref<25x100xi32, #tpu.memory_space<vmem>> -> memref<1x100xi32, #tpu.memory_space<vmem>>
        %dma_start3A_341 = tpu.memref_squeeze %dma_start3A_340 : memref<1x100xi32, #tpu.memory_space<vmem>> -> memref<100xi32, #tpu.memory_space<vmem>>
        %dma_start3A_342 = arith.constant 0 : i32
        %dma_start3A_343 = arith.constant 0 : i32
        %dma_start3A_344 = tpu.memref_slice %arg2[%dma_start3A_342, %dma_start3A_343] : memref<10000x128xf32, #tpu.memory_space<hbm>> -> memref<10000x128xf32, #tpu.memory_space<hbm>>
        tpu.enqueue_indirect_dma source(%dma_start3A_344 : memref<10000x128xf32, #tpu.memory_space<hbm>>) target(%arg10 : memref<100x128xf32, #tpu.memory_space<vmem>>) offsets(%dma_start3A_341 : memref<100xi32, #tpu.memory_space<vmem>>) semaphore(%arg15 : memref<!tpu.dma_semaphore, #tpu.memory_space<semaphore_mem>>)
      } else {
      }
      %mul3A_279 = arith.constant 3 : i32
      %mul3A_280 = arith.muli %mul3A_279, %scan3A_253 : i32
      %add3A_281 = arith.constant 1 : i32
      %add3A_282 = arith.addi %mul3A_280, %add3A_281 : i32
      %dma_wait3A_283 = arith.constant 0 : i32
      %dma_wait3A_284 = arith.constant 0 : i32
      %dma_wait3A_285 = tpu.memref_slice %arg6[%dma_wait3A_283, %dma_wait3A_284] : memref<25x100xi32, #tpu.memory_space<vmem>> -> memref<1x100xi32, #tpu.memory_space<vmem>>
      %dma_wait3A_286 = tpu.memref_squeeze %dma_wait3A_285 : memref<1x100xi32, #tpu.memory_space<vmem>> -> memref<100xi32, #tpu.memory_space<vmem>>
      %dma_wait3A_287 = arith.constant 0 : i32
      %dma_wait3A_288 = arith.constant 0 : i32
      %dma_wait3A_289 = tpu.memref_slice %arg2[%dma_wait3A_287, %dma_wait3A_288] : memref<10000x128xf32, #tpu.memory_space<hbm>> -> memref<10000x128xf32, #tpu.memory_space<hbm>>
      tpu.wait_indirect_dma semaphore(%arg14 : memref<!tpu.dma_semaphore, #tpu.memory_space<semaphore_mem>>) src(%dma_wait3A_289 : memref<10000x128xf32, #tpu.memory_space<hbm>>) dst(%arg9 : memref<100x128xf32, #tpu.memory_space<vmem>>)
      %dma_start3A_290 = arith.constant 0 : i32
      %dma_start3A_291 = tpu.memref_slice %arg7[%add3A_282, %dma_start3A_290] : memref<25x100xi32, #tpu.memory_space<vmem>> -> memref<1x100xi32, #tpu.memory_space<vmem>>
      %dma_start3A_292 = tpu.memref_squeeze %dma_start3A_291 : memref<1x100xi32, #tpu.memory_space<vmem>> -> memref<100xi32, #tpu.memory_space<vmem>>
      %dma_start3A_293 = arith.constant 0 : i32
      %dma_start3A_294 = arith.constant 0 : i32
      %dma_start3A_295 = tpu.memref_slice %arg12[%dma_start3A_293, %dma_start3A_294] : memref<10000x128xf32, #tpu.memory_space<vmem_shared>> -> memref<10000x128xf32, #tpu.memory_space<vmem_shared>>
      tpu.enqueue_indirect_dma source(%arg9 : memref<100x128xf32, #tpu.memory_space<vmem>>) target(%dma_start3A_295 : memref<10000x128xf32, #tpu.memory_space<vmem_shared>>) offsets(%dma_start3A_292 : memref<100xi32, #tpu.memory_space<vmem>>) semaphore(%arg17 : memref<!tpu.dma_semaphore, #tpu.memory_space<semaphore_mem>>) {add = true}
      %ge3A_296 = arith.constant 1 : i32
      %ge3A_297 = arith.cmpi sge, %add3A_282, %ge3A_296 : i32
      %convert_element_type3A_298 = arith.extui %ge3A_297 : i1 to i32
      %cond3A_299 = arith.constant 0 : i32
      %cond3A_300 = arith.cmpi ne, %convert_element_type3A_298, %cond3A_299 : i32
      scf.if %cond3A_300 {
        %dma_wait3A_337 = arith.constant 0 : i32
        %dma_wait3A_338 = arith.constant 0 : i32
        %dma_wait3A_339 = tpu.memref_slice %arg7[%dma_wait3A_337, %dma_wait3A_338] : memref<25x100xi32, #tpu.memory_space<vmem>> -> memref<1x100xi32, #tpu.memory_space<vmem>>
        %dma_wait3A_340 = tpu.memref_squeeze %dma_wait3A_339 : memref<1x100xi32, #tpu.memory_space<vmem>> -> memref<100xi32, #tpu.memory_space<vmem>>
        %dma_wait3A_341 = arith.constant 0 : i32
        %dma_wait3A_342 = arith.constant 0 : i32
        %dma_wait3A_343 = tpu.memref_slice %arg12[%dma_wait3A_341, %dma_wait3A_342] : memref<10000x128xf32, #tpu.memory_space<vmem_shared>> -> memref<10000x128xf32, #tpu.memory_space<vmem_shared>>
        tpu.wait_indirect_dma semaphore(%arg16 : memref<!tpu.dma_semaphore, #tpu.memory_space<semaphore_mem>>) src(%arg8 : memref<100x128xf32, #tpu.memory_space<vmem>>) dst(%dma_wait3A_343 : memref<10000x128xf32, #tpu.memory_space<vmem_shared>>)
      } else {
      }
      %add3A_301 = arith.constant 2 : i32
      %add3A_302 = arith.addi %add3A_282, %add3A_301 : i32
      %lt3A_303 = arith.constant 25 : i32
      %lt3A_304 = arith.cmpi slt, %add3A_302, %lt3A_303 : i32
      %convert_element_type3A_305 = arith.extui %lt3A_304 : i1 to i32
      %cond3A_306 = arith.constant 0 : i32
      %cond3A_307 = arith.cmpi ne, %convert_element_type3A_305, %cond3A_306 : i32
      scf.if %cond3A_307 {
        %add3A_337 = arith.constant 2 : i32
        %add3A_338 = arith.addi %add3A_282, %add3A_337 : i32
        %dma_start3A_339 = arith.constant 0 : i32
        %dma_start3A_340 = tpu.memref_slice %arg6[%add3A_338, %dma_start3A_339] : memref<25x100xi32, #tpu.memory_space<vmem>> -> memref<1x100xi32, #tpu.memory_space<vmem>>
        %dma_start3A_341 = tpu.memref_squeeze %dma_start3A_340 : memref<1x100xi32, #tpu.memory_space<vmem>> -> memref<100xi32, #tpu.memory_space<vmem>>
        %dma_start3A_342 = arith.constant 0 : i32
        %dma_start3A_343 = arith.constant 0 : i32
        %dma_start3A_344 = tpu.memref_slice %arg2[%dma_start3A_342, %dma_start3A_343] : memref<10000x128xf32, #tpu.memory_space<hbm>> -> memref<10000x128xf32, #tpu.memory_space<hbm>>
        tpu.enqueue_indirect_dma source(%dma_start3A_344 : memref<10000x128xf32, #tpu.memory_space<hbm>>) target(%arg8 : memref<100x128xf32, #tpu.memory_space<vmem>>) offsets(%dma_start3A_341 : memref<100xi32, #tpu.memory_space<vmem>>) semaphore(%arg13 : memref<!tpu.dma_semaphore, #tpu.memory_space<semaphore_mem>>)
      } else {
      }
      %mul3A_308 = arith.constant 3 : i32
      %mul3A_309 = arith.muli %mul3A_308, %scan3A_253 : i32
      %add3A_310 = arith.constant 2 : i32
      %add3A_311 = arith.addi %mul3A_309, %add3A_310 : i32
      %dma_wait3A_312 = arith.constant 0 : i32
      %dma_wait3A_313 = arith.constant 0 : i32
      %dma_wait3A_314 = tpu.memref_slice %arg6[%dma_wait3A_312, %dma_wait3A_313] : memref<25x100xi32, #tpu.memory_space<vmem>> -> memref<1x100xi32, #tpu.memory_space<vmem>>
      %dma_wait3A_315 = tpu.memref_squeeze %dma_wait3A_314 : memref<1x100xi32, #tpu.memory_space<vmem>> -> memref<100xi32, #tpu.memory_space<vmem>>
      %dma_wait3A_316 = arith.constant 0 : i32
      %dma_wait3A_317 = arith.constant 0 : i32
      %dma_wait3A_318 = tpu.memref_slice %arg2[%dma_wait3A_316, %dma_wait3A_317] : memref<10000x128xf32, #tpu.memory_space<hbm>> -> memref<10000x128xf32, #tpu.memory_space<hbm>>
      tpu.wait_indirect_dma semaphore(%arg15 : memref<!tpu.dma_semaphore, #tpu.memory_space<semaphore_mem>>) src(%dma_wait3A_318 : memref<10000x128xf32, #tpu.memory_space<hbm>>) dst(%arg10 : memref<100x128xf32, #tpu.memory_space<vmem>>)
      %dma_start3A_319 = arith.constant 0 : i32
      %dma_start3A_320 = tpu.memref_slice %arg7[%add3A_311, %dma_start3A_319] : memref<25x100xi32, #tpu.memory_space<vmem>> -> memref<1x100xi32, #tpu.memory_space<vmem>>
      %dma_start3A_321 = tpu.memref_squeeze %dma_start3A_320 : memref<1x100xi32, #tpu.memory_space<vmem>> -> memref<100xi32, #tpu.memory_space<vmem>>
      %dma_start3A_322 = arith.constant 0 : i32
      %dma_start3A_323 = arith.constant 0 : i32
      %dma_start3A_324 = tpu.memref_slice %arg12[%dma_start3A_322, %dma_start3A_323] : memref<10000x128xf32, #tpu.memory_space<vmem_shared>> -> memref<10000x128xf32, #tpu.memory_space<vmem_shared>>
      tpu.enqueue_indirect_dma source(%arg10 : memref<100x128xf32, #tpu.memory_space<vmem>>) target(%dma_start3A_324 : memref<10000x128xf32, #tpu.memory_space<vmem_shared>>) offsets(%dma_start3A_321 : memref<100xi32, #tpu.memory_space<vmem>>) semaphore(%arg18 : memref<!tpu.dma_semaphore, #tpu.memory_space<semaphore_mem>>) {add = true}
      %ge3A_325 = arith.constant 1 : i32
      %ge3A_326 = arith.cmpi sge, %add3A_311, %ge3A_325 : i32
      %convert_element_type3A_327 = arith.extui %ge3A_326 : i1 to i32
      %cond3A_328 = arith.constant 0 : i32
      %cond3A_329 = arith.cmpi ne, %convert_element_type3A_327, %cond3A_328 : i32
      scf.if %cond3A_329 {
        %dma_wait3A_337 = arith.constant 0 : i32
        %dma_wait3A_338 = arith.constant 0 : i32
        %dma_wait3A_339 = tpu.memref_slice %arg7[%dma_wait3A_337, %dma_wait3A_338] : memref<25x100xi32, #tpu.memory_space<vmem>> -> memref<1x100xi32, #tpu.memory_space<vmem>>
        %dma_wait3A_340 = tpu.memref_squeeze %dma_wait3A_339 : memref<1x100xi32, #tpu.memory_space<vmem>> -> memref<100xi32, #tpu.memory_space<vmem>>
        %dma_wait3A_341 = arith.constant 0 : i32
        %dma_wait3A_342 = arith.constant 0 : i32
        %dma_wait3A_343 = tpu.memref_slice %arg12[%dma_wait3A_341, %dma_wait3A_342] : memref<10000x128xf32, #tpu.memory_space<vmem_shared>> -> memref<10000x128xf32, #tpu.memory_space<vmem_shared>>
        tpu.wait_indirect_dma semaphore(%arg17 : memref<!tpu.dma_semaphore, #tpu.memory_space<semaphore_mem>>) src(%arg9 : memref<100x128xf32, #tpu.memory_space<vmem>>) dst(%dma_wait3A_343 : memref<10000x128xf32, #tpu.memory_space<vmem_shared>>)
      } else {
      }
      %add3A_330 = arith.constant 2 : i32
      %add3A_331 = arith.addi %add3A_311, %add3A_330 : i32
      %lt3A_332 = arith.constant 25 : i32
      %lt3A_333 = arith.cmpi slt, %add3A_331, %lt3A_332 : i32
      %convert_element_type3A_334 = arith.extui %lt3A_333 : i1 to i32
      %cond3A_335 = arith.constant 0 : i32
      %cond3A_336 = arith.cmpi ne, %convert_element_type3A_334, %cond3A_335 : i32
      scf.if %cond3A_336 {
        %add3A_337 = arith.constant 2 : i32
        %add3A_338 = arith.addi %add3A_311, %add3A_337 : i32
        %dma_start3A_339 = arith.constant 0 : i32
        %dma_start3A_340 = tpu.memref_slice %arg6[%add3A_338, %dma_start3A_339] : memref<25x100xi32, #tpu.memory_space<vmem>> -> memref<1x100xi32, #tpu.memory_space<vmem>>
        %dma_start3A_341 = tpu.memref_squeeze %dma_start3A_340 : memref<1x100xi32, #tpu.memory_space<vmem>> -> memref<100xi32, #tpu.memory_space<vmem>>
        %dma_start3A_342 = arith.constant 0 : i32
        %dma_start3A_343 = arith.constant 0 : i32
        %dma_start3A_344 = tpu.memref_slice %arg2[%dma_start3A_342, %dma_start3A_343] : memref<10000x128xf32, #tpu.memory_space<hbm>> -> memref<10000x128xf32, #tpu.memory_space<hbm>>
        tpu.enqueue_indirect_dma source(%dma_start3A_344 : memref<10000x128xf32, #tpu.memory_space<hbm>>) target(%arg9 : memref<100x128xf32, #tpu.memory_space<vmem>>) offsets(%dma_start3A_341 : memref<100xi32, #tpu.memory_space<vmem>>) semaphore(%arg14 : memref<!tpu.dma_semaphore, #tpu.memory_space<semaphore_mem>>)
      } else {
      }
    }
    %scan3A_148 = arith.constant 8 : i32
    %dma_wait3A_149 = arith.constant 0 : i32
    %dma_wait3A_150 = arith.constant 0 : i32
    %dma_wait3A_151 = tpu.memref_slice %arg6[%dma_wait3A_149, %dma_wait3A_150] : memref<25x100xi32, #tpu.memory_space<vmem>> -> memref<1x100xi32, #tpu.memory_space<vmem>>
    %dma_wait3A_152 = tpu.memref_squeeze %dma_wait3A_151 : memref<1x100xi32, #tpu.memory_space<vmem>> -> memref<100xi32, #tpu.memory_space<vmem>>
    %dma_wait3A_153 = arith.constant 0 : i32
    %dma_wait3A_154 = arith.constant 0 : i32
    %dma_wait3A_155 = tpu.memref_slice %arg2[%dma_wait3A_153, %dma_wait3A_154] : memref<10000x128xf32, #tpu.memory_space<hbm>> -> memref<10000x128xf32, #tpu.memory_space<hbm>>
    tpu.wait_indirect_dma semaphore(%arg13 : memref<!tpu.dma_semaphore, #tpu.memory_space<semaphore_mem>>) src(%dma_wait3A_155 : memref<10000x128xf32, #tpu.memory_space<hbm>>) dst(%arg8 : memref<100x128xf32, #tpu.memory_space<vmem>>)
    %dma_start3A_156 = arith.constant 24 : i32
    %dma_start3A_157 = arith.constant 0 : i32
    %dma_start3A_158 = tpu.memref_slice %arg7[%dma_start3A_156, %dma_start3A_157] : memref<25x100xi32, #tpu.memory_space<vmem>> -> memref<1x100xi32, #tpu.memory_space<vmem>>
    %dma_start3A_159 = tpu.memref_squeeze %dma_start3A_158 : memref<1x100xi32, #tpu.memory_space<vmem>> -> memref<100xi32, #tpu.memory_space<vmem>>
    %dma_start3A_160 = arith.constant 0 : i32
    %dma_start3A_161 = arith.constant 0 : i32
    %dma_start3A_162 = tpu.memref_slice %arg12[%dma_start3A_160, %dma_start3A_161] : memref<10000x128xf32, #tpu.memory_space<vmem_shared>> -> memref<10000x128xf32, #tpu.memory_space<vmem_shared>>
    tpu.enqueue_indirect_dma source(%arg8 : memref<100x128xf32, #tpu.memory_space<vmem>>) target(%dma_start3A_162 : memref<10000x128xf32, #tpu.memory_space<vmem_shared>>) offsets(%dma_start3A_159 : memref<100xi32, #tpu.memory_space<vmem>>) semaphore(%arg16 : memref<!tpu.dma_semaphore, #tpu.memory_space<semaphore_mem>>) {add = true}
    %dma_wait3A_163 = arith.constant 0 : i32
    %dma_wait3A_164 = arith.constant 0 : i32
    %dma_wait3A_165 = tpu.memref_slice %arg7[%dma_wait3A_163, %dma_wait3A_164] : memref<25x100xi32, #tpu.memory_space<vmem>> -> memref<1x100xi32, #tpu.memory_space<vmem>>
    %dma_wait3A_166 = tpu.memref_squeeze %dma_wait3A_165 : memref<1x100xi32, #tpu.memory_space<vmem>> -> memref<100xi32, #tpu.memory_space<vmem>>
    %dma_wait3A_167 = arith.constant 0 : i32
    %dma_wait3A_168 = arith.constant 0 : i32
    %dma_wait3A_169 = tpu.memref_slice %arg12[%dma_wait3A_167, %dma_wait3A_168] : memref<10000x128xf32, #tpu.memory_space<vmem_shared>> -> memref<10000x128xf32, #tpu.memory_space<vmem_shared>>
    tpu.wait_indirect_dma semaphore(%arg18 : memref<!tpu.dma_semaphore, #tpu.memory_space<semaphore_mem>>) src(%arg10 : memref<100x128xf32, #tpu.memory_space<vmem>>) dst(%dma_wait3A_169 : memref<10000x128xf32, #tpu.memory_space<vmem_shared>>)
    %dma_wait3A_170 = arith.constant 0 : i32
    %dma_wait3A_171 = arith.constant 0 : i32
    %dma_wait3A_172 = tpu.memref_slice %arg7[%dma_wait3A_170, %dma_wait3A_171] : memref<25x100xi32, #tpu.memory_space<vmem>> -> memref<1x100xi32, #tpu.memory_space<vmem>>
    %dma_wait3A_173 = tpu.memref_squeeze %dma_wait3A_172 : memref<1x100xi32, #tpu.memory_space<vmem>> -> memref<100xi32, #tpu.memory_space<vmem>>
    %dma_wait3A_174 = arith.constant 0 : i32
    %dma_wait3A_175 = arith.constant 0 : i32
    %dma_wait3A_176 = tpu.memref_slice %arg12[%dma_wait3A_174, %dma_wait3A_175] : memref<10000x128xf32, #tpu.memory_space<vmem_shared>> -> memref<10000x128xf32, #tpu.memory_space<vmem_shared>>
    tpu.wait_indirect_dma semaphore(%arg16 : memref<!tpu.dma_semaphore, #tpu.memory_space<semaphore_mem>>) src(%arg8 : memref<100x128xf32, #tpu.memory_space<vmem>>) dst(%dma_wait3A_176 : memref<10000x128xf32, #tpu.memory_space<vmem_shared>>)
    %run_scoped3A_177 = arith.constant 3 : i32
    "tpu.region"() ({
      %run_scoped3A_253 = tpu.sem_alloc : memref<!tpu.dma_semaphore, #tpu.memory_space<semaphore_mem>>
      %dma_start3A_254 = arith.constant 0 : i32
      %dma_start3A_255 = arith.constant 0 : i32
      %dma_start3A_256 = tpu.memref_slice %arg3[%add3A, %run_scoped3A_177, %dma_start3A_254, %dma_start3A_255] : memref<32x4x25x100xi32, #tpu.memory_space<hbm>> -> memref<1x1x25x100xi32, #tpu.memory_space<hbm>>
      %dma_start3A_257 = tpu.memref_squeeze %dma_start3A_256 : memref<1x1x25x100xi32, #tpu.memory_space<hbm>> -> memref<25x100xi32, #tpu.memory_space<hbm>>
      %dma_start3A_258 = arith.constant 0 : i32
      %dma_start3A_259 = arith.constant 0 : i32
      %dma_start3A_260 = tpu.memref_slice %arg3[%add3A, %run_scoped3A_177, %dma_start3A_258, %dma_start3A_259] : memref<32x4x25x100xi32, #tpu.memory_space<hbm>> -> memref<1x1x25x100xi32, #tpu.memory_space<hbm>>
      %dma_start3A_261 = tpu.memref_squeeze %dma_start3A_260 : memref<1x1x25x100xi32, #tpu.memory_space<hbm>> -> memref<25x100xi32, #tpu.memory_space<hbm>>
      tpu.enqueue_dma source(%dma_start3A_261 : memref<25x100xi32, #tpu.memory_space<hbm>>) target(%arg6 : memref<25x100xi32, #tpu.memory_space<vmem>>) target_semaphore(%run_scoped3A_253 : memref<!tpu.dma_semaphore, #tpu.memory_space<semaphore_mem>>)
      %dma_wait3A_262 = arith.constant 0 : i32
      %dma_wait3A_263 = arith.constant 0 : i32
      %dma_wait3A_264 = tpu.memref_slice %arg3[%add3A, %run_scoped3A_177, %dma_wait3A_262, %dma_wait3A_263] : memref<32x4x25x100xi32, #tpu.memory_space<hbm>> -> memref<1x1x25x100xi32, #tpu.memory_space<hbm>>
      %dma_wait3A_265 = tpu.memref_squeeze %dma_wait3A_264 : memref<1x1x25x100xi32, #tpu.memory_space<hbm>> -> memref<25x100xi32, #tpu.memory_space<hbm>>
      %dma_wait3A_266 = arith.constant 0 : i32
      %dma_wait3A_267 = arith.constant 0 : i32
      %dma_wait3A_268 = tpu.memref_slice %arg3[%add3A, %run_scoped3A_177, %dma_wait3A_266, %dma_wait3A_267] : memref<32x4x25x100xi32, #tpu.memory_space<hbm>> -> memref<1x1x25x100xi32, #tpu.memory_space<hbm>>
      %dma_wait3A_269 = tpu.memref_squeeze %dma_wait3A_268 : memref<1x1x25x100xi32, #tpu.memory_space<hbm>> -> memref<25x100xi32, #tpu.memory_space<hbm>>
      tpu.wait_dma2 semaphore(%run_scoped3A_253 : memref<!tpu.dma_semaphore, #tpu.memory_space<semaphore_mem>>) src(%dma_wait3A_269 : memref<25x100xi32, #tpu.memory_space<hbm>>) dst(%arg6 : memref<25x100xi32, #tpu.memory_space<vmem>>)
      tpu.yield
    }) : () -> ()
    %run_scoped3A_178 = arith.constant 3 : i32
    "tpu.region"() ({
      %run_scoped3A_253 = tpu.sem_alloc : memref<!tpu.dma_semaphore, #tpu.memory_space<semaphore_mem>>
      %dma_start3A_254 = arith.constant 0 : i32
      %dma_start3A_255 = arith.constant 0 : i32
      %dma_start3A_256 = tpu.memref_slice %arg4[%add3A, %run_scoped3A_178, %dma_start3A_254, %dma_start3A_255] : memref<32x4x25x100xi32, #tpu.memory_space<hbm>> -> memref<1x1x25x100xi32, #tpu.memory_space<hbm>>
      %dma_start3A_257 = tpu.memref_squeeze %dma_start3A_256 : memref<1x1x25x100xi32, #tpu.memory_space<hbm>> -> memref<25x100xi32, #tpu.memory_space<hbm>>
      %dma_start3A_258 = arith.constant 0 : i32
      %dma_start3A_259 = arith.constant 0 : i32
      %dma_start3A_260 = tpu.memref_slice %arg4[%add3A, %run_scoped3A_178, %dma_start3A_258, %dma_start3A_259] : memref<32x4x25x100xi32, #tpu.memory_space<hbm>> -> memref<1x1x25x100xi32, #tpu.memory_space<hbm>>
      %dma_start3A_261 = tpu.memref_squeeze %dma_start3A_260 : memref<1x1x25x100xi32, #tpu.memory_space<hbm>> -> memref<25x100xi32, #tpu.memory_space<hbm>>
      tpu.enqueue_dma source(%dma_start3A_261 : memref<25x100xi32, #tpu.memory_space<hbm>>) target(%arg7 : memref<25x100xi32, #tpu.memory_space<vmem>>) target_semaphore(%run_scoped3A_253 : memref<!tpu.dma_semaphore, #tpu.memory_space<semaphore_mem>>)
      %dma_wait3A_262 = arith.constant 0 : i32
      %dma_wait3A_263 = arith.constant 0 : i32
      %dma_wait3A_264 = tpu.memref_slice %arg4[%add3A, %run_scoped3A_178, %dma_wait3A_262, %dma_wait3A_263] : memref<32x4x25x100xi32, #tpu.memory_space<hbm>> -> memref<1x1x25x100xi32, #tpu.memory_space<hbm>>
      %dma_wait3A_265 = tpu.memref_squeeze %dma_wait3A_264 : memref<1x1x25x100xi32, #tpu.memory_space<hbm>> -> memref<25x100xi32, #tpu.memory_space<hbm>>
      %dma_wait3A_266 = arith.constant 0 : i32
      %dma_wait3A_267 = arith.constant 0 : i32
      %dma_wait3A_268 = tpu.memref_slice %arg4[%add3A, %run_scoped3A_178, %dma_wait3A_266, %dma_wait3A_267] : memref<32x4x25x100xi32, #tpu.memory_space<hbm>> -> memref<1x1x25x100xi32, #tpu.memory_space<hbm>>
      %dma_wait3A_269 = tpu.memref_squeeze %dma_wait3A_268 : memref<1x1x25x100xi32, #tpu.memory_space<hbm>> -> memref<25x100xi32, #tpu.memory_space<hbm>>
      tpu.wait_dma2 semaphore(%run_scoped3A_253 : memref<!tpu.dma_semaphore, #tpu.memory_space<semaphore_mem>>) src(%dma_wait3A_269 : memref<25x100xi32, #tpu.memory_space<hbm>>) dst(%arg7 : memref<25x100xi32, #tpu.memory_space<vmem>>)
      tpu.yield
    }) : () -> ()
    %dma_start3A_179 = arith.constant 0 : i32
    %dma_start3A_180 = arith.constant 0 : i32
    %dma_start3A_181 = tpu.memref_slice %arg6[%dma_start3A_179, %dma_start3A_180] : memref<25x100xi32, #tpu.memory_space<vmem>> -> memref<1x100xi32, #tpu.memory_space<vmem>>
    %dma_start3A_182 = tpu.memref_squeeze %dma_start3A_181 : memref<1x100xi32, #tpu.memory_space<vmem>> -> memref<100xi32, #tpu.memory_space<vmem>>
    %dma_start3A_183 = arith.constant 0 : i32
    %dma_start3A_184 = arith.constant 0 : i32
    %dma_start3A_185 = tpu.memref_slice %arg2[%dma_start3A_183, %dma_start3A_184] : memref<10000x128xf32, #tpu.memory_space<hbm>> -> memref<10000x128xf32, #tpu.memory_space<hbm>>
    tpu.enqueue_indirect_dma source(%dma_start3A_185 : memref<10000x128xf32, #tpu.memory_space<hbm>>) target(%arg8 : memref<100x128xf32, #tpu.memory_space<vmem>>) offsets(%dma_start3A_182 : memref<100xi32, #tpu.memory_space<vmem>>) semaphore(%arg13 : memref<!tpu.dma_semaphore, #tpu.memory_space<semaphore_mem>>)
    %dma_start3A_186 = arith.constant 1 : i32
    %dma_start3A_187 = arith.constant 0 : i32
    %dma_start3A_188 = tpu.memref_slice %arg6[%dma_start3A_186, %dma_start3A_187] : memref<25x100xi32, #tpu.memory_space<vmem>> -> memref<1x100xi32, #tpu.memory_space<vmem>>
    %dma_start3A_189 = tpu.memref_squeeze %dma_start3A_188 : memref<1x100xi32, #tpu.memory_space<vmem>> -> memref<100xi32, #tpu.memory_space<vmem>>
    %dma_start3A_190 = arith.constant 0 : i32
    %dma_start3A_191 = arith.constant 0 : i32
    %dma_start3A_192 = tpu.memref_slice %arg2[%dma_start3A_190, %dma_start3A_191] : memref<10000x128xf32, #tpu.memory_space<hbm>> -> memref<10000x128xf32, #tpu.memory_space<hbm>>
    tpu.enqueue_indirect_dma source(%dma_start3A_192 : memref<10000x128xf32, #tpu.memory_space<hbm>>) target(%arg9 : memref<100x128xf32, #tpu.memory_space<vmem>>) offsets(%dma_start3A_189 : memref<100xi32, #tpu.memory_space<vmem>>) semaphore(%arg14 : memref<!tpu.dma_semaphore, #tpu.memory_space<semaphore_mem>>)
    %scan3A_193 = arith.constant 0 : i32
    %scan3A_194 = arith.constant 0 : i32
    %scan3A_195 = arith.constant 8 : i32
    %scan3A_196 = arith.addi %scan3A_194, %scan3A_195 : i32
    %scan3A_197 = arith.constant 1 : i32
    scf.for %scan3A_253 = %scan3A_194 to %scan3A_196 step %scan3A_197  : i32 {
      %mul3A_254 = arith.constant 3 : i32
      %mul3A_255 = arith.muli %mul3A_254, %scan3A_253 : i32
      %add3A_256 = arith.constant 0 : i32
      %add3A_257 = arith.addi %mul3A_255, %add3A_256 : i32
      %dma_wait3A_258 = arith.constant 0 : i32
      %dma_wait3A_259 = arith.constant 0 : i32
      %dma_wait3A_260 = tpu.memref_slice %arg6[%dma_wait3A_258, %dma_wait3A_259] : memref<25x100xi32, #tpu.memory_space<vmem>> -> memref<1x100xi32, #tpu.memory_space<vmem>>
      %dma_wait3A_261 = tpu.memref_squeeze %dma_wait3A_260 : memref<1x100xi32, #tpu.memory_space<vmem>> -> memref<100xi32, #tpu.memory_space<vmem>>
      %dma_wait3A_262 = arith.constant 0 : i32
      %dma_wait3A_263 = arith.constant 0 : i32
      %dma_wait3A_264 = tpu.memref_slice %arg2[%dma_wait3A_262, %dma_wait3A_263] : memref<10000x128xf32, #tpu.memory_space<hbm>> -> memref<10000x128xf32, #tpu.memory_space<hbm>>
      tpu.wait_indirect_dma semaphore(%arg13 : memref<!tpu.dma_semaphore, #tpu.memory_space<semaphore_mem>>) src(%dma_wait3A_264 : memref<10000x128xf32, #tpu.memory_space<hbm>>) dst(%arg8 : memref<100x128xf32, #tpu.memory_space<vmem>>)
      %dma_start3A_265 = arith.constant 0 : i32
      %dma_start3A_266 = tpu.memref_slice %arg7[%add3A_257, %dma_start3A_265] : memref<25x100xi32, #tpu.memory_space<vmem>> -> memref<1x100xi32, #tpu.memory_space<vmem>>
      %dma_start3A_267 = tpu.memref_squeeze %dma_start3A_266 : memref<1x100xi32, #tpu.memory_space<vmem>> -> memref<100xi32, #tpu.memory_space<vmem>>
      %dma_start3A_268 = arith.constant 0 : i32
      %dma_start3A_269 = arith.constant 0 : i32
      %dma_start3A_270 = tpu.memref_slice %arg12[%dma_start3A_268, %dma_start3A_269] : memref<10000x128xf32, #tpu.memory_space<vmem_shared>> -> memref<10000x128xf32, #tpu.memory_space<vmem_shared>>
      tpu.enqueue_indirect_dma source(%arg8 : memref<100x128xf32, #tpu.memory_space<vmem>>) target(%dma_start3A_270 : memref<10000x128xf32, #tpu.memory_space<vmem_shared>>) offsets(%dma_start3A_267 : memref<100xi32, #tpu.memory_space<vmem>>) semaphore(%arg16 : memref<!tpu.dma_semaphore, #tpu.memory_space<semaphore_mem>>) {add = true}
      %ge3A = arith.constant 1 : i32
      %ge3A_271 = arith.cmpi sge, %add3A_257, %ge3A : i32
      %convert_element_type3A = arith.extui %ge3A_271 : i1 to i32
      %cond3A = arith.constant 0 : i32
      %cond3A_272 = arith.cmpi ne, %convert_element_type3A, %cond3A : i32
      scf.if %cond3A_272 {
        %dma_wait3A_337 = arith.constant 0 : i32
        %dma_wait3A_338 = arith.constant 0 : i32
        %dma_wait3A_339 = tpu.memref_slice %arg7[%dma_wait3A_337, %dma_wait3A_338] : memref<25x100xi32, #tpu.memory_space<vmem>> -> memref<1x100xi32, #tpu.memory_space<vmem>>
        %dma_wait3A_340 = tpu.memref_squeeze %dma_wait3A_339 : memref<1x100xi32, #tpu.memory_space<vmem>> -> memref<100xi32, #tpu.memory_space<vmem>>
        %dma_wait3A_341 = arith.constant 0 : i32
        %dma_wait3A_342 = arith.constant 0 : i32
        %dma_wait3A_343 = tpu.memref_slice %arg12[%dma_wait3A_341, %dma_wait3A_342] : memref<10000x128xf32, #tpu.memory_space<vmem_shared>> -> memref<10000x128xf32, #tpu.memory_space<vmem_shared>>
        tpu.wait_indirect_dma semaphore(%arg18 : memref<!tpu.dma_semaphore, #tpu.memory_space<semaphore_mem>>) src(%arg10 : memref<100x128xf32, #tpu.memory_space<vmem>>) dst(%dma_wait3A_343 : memref<10000x128xf32, #tpu.memory_space<vmem_shared>>)
      } else {
      }
      %add3A_273 = arith.constant 2 : i32
      %add3A_274 = arith.addi %add3A_257, %add3A_273 : i32
      %lt3A = arith.constant 25 : i32
      %lt3A_275 = arith.cmpi slt, %add3A_274, %lt3A : i32
      %convert_element_type3A_276 = arith.extui %lt3A_275 : i1 to i32
      %cond3A_277 = arith.constant 0 : i32
      %cond3A_278 = arith.cmpi ne, %convert_element_type3A_276, %cond3A_277 : i32
      scf.if %cond3A_278 {
        %add3A_337 = arith.constant 2 : i32
        %add3A_338 = arith.addi %add3A_257, %add3A_337 : i32
        %dma_start3A_339 = arith.constant 0 : i32
        %dma_start3A_340 = tpu.memref_slice %arg6[%add3A_338, %dma_start3A_339] : memref<25x100xi32, #tpu.memory_space<vmem>> -> memref<1x100xi32, #tpu.memory_space<vmem>>
        %dma_start3A_341 = tpu.memref_squeeze %dma_start3A_340 : memref<1x100xi32, #tpu.memory_space<vmem>> -> memref<100xi32, #tpu.memory_space<vmem>>
        %dma_start3A_342 = arith.constant 0 : i32
        %dma_start3A_343 = arith.constant 0 : i32
        %dma_start3A_344 = tpu.memref_slice %arg2[%dma_start3A_342, %dma_start3A_343] : memref<10000x128xf32, #tpu.memory_space<hbm>> -> memref<10000x128xf32, #tpu.memory_space<hbm>>
        tpu.enqueue_indirect_dma source(%dma_start3A_344 : memref<10000x128xf32, #tpu.memory_space<hbm>>) target(%arg10 : memref<100x128xf32, #tpu.memory_space<vmem>>) offsets(%dma_start3A_341 : memref<100xi32, #tpu.memory_space<vmem>>) semaphore(%arg15 : memref<!tpu.dma_semaphore, #tpu.memory_space<semaphore_mem>>)
      } else {
      }
      %mul3A_279 = arith.constant 3 : i32
      %mul3A_280 = arith.muli %mul3A_279, %scan3A_253 : i32
      %add3A_281 = arith.constant 1 : i32
      %add3A_282 = arith.addi %mul3A_280, %add3A_281 : i32
      %dma_wait3A_283 = arith.constant 0 : i32
      %dma_wait3A_284 = arith.constant 0 : i32
      %dma_wait3A_285 = tpu.memref_slice %arg6[%dma_wait3A_283, %dma_wait3A_284] : memref<25x100xi32, #tpu.memory_space<vmem>> -> memref<1x100xi32, #tpu.memory_space<vmem>>
      %dma_wait3A_286 = tpu.memref_squeeze %dma_wait3A_285 : memref<1x100xi32, #tpu.memory_space<vmem>> -> memref<100xi32, #tpu.memory_space<vmem>>
      %dma_wait3A_287 = arith.constant 0 : i32
      %dma_wait3A_288 = arith.constant 0 : i32
      %dma_wait3A_289 = tpu.memref_slice %arg2[%dma_wait3A_287, %dma_wait3A_288] : memref<10000x128xf32, #tpu.memory_space<hbm>> -> memref<10000x128xf32, #tpu.memory_space<hbm>>
      tpu.wait_indirect_dma semaphore(%arg14 : memref<!tpu.dma_semaphore, #tpu.memory_space<semaphore_mem>>) src(%dma_wait3A_289 : memref<10000x128xf32, #tpu.memory_space<hbm>>) dst(%arg9 : memref<100x128xf32, #tpu.memory_space<vmem>>)
      %dma_start3A_290 = arith.constant 0 : i32
      %dma_start3A_291 = tpu.memref_slice %arg7[%add3A_282, %dma_start3A_290] : memref<25x100xi32, #tpu.memory_space<vmem>> -> memref<1x100xi32, #tpu.memory_space<vmem>>
      %dma_start3A_292 = tpu.memref_squeeze %dma_start3A_291 : memref<1x100xi32, #tpu.memory_space<vmem>> -> memref<100xi32, #tpu.memory_space<vmem>>
      %dma_start3A_293 = arith.constant 0 : i32
      %dma_start3A_294 = arith.constant 0 : i32
      %dma_start3A_295 = tpu.memref_slice %arg12[%dma_start3A_293, %dma_start3A_294] : memref<10000x128xf32, #tpu.memory_space<vmem_shared>> -> memref<10000x128xf32, #tpu.memory_space<vmem_shared>>
      tpu.enqueue_indirect_dma source(%arg9 : memref<100x128xf32, #tpu.memory_space<vmem>>) target(%dma_start3A_295 : memref<10000x128xf32, #tpu.memory_space<vmem_shared>>) offsets(%dma_start3A_292 : memref<100xi32, #tpu.memory_space<vmem>>) semaphore(%arg17 : memref<!tpu.dma_semaphore, #tpu.memory_space<semaphore_mem>>) {add = true}
      %ge3A_296 = arith.constant 1 : i32
      %ge3A_297 = arith.cmpi sge, %add3A_282, %ge3A_296 : i32
      %convert_element_type3A_298 = arith.extui %ge3A_297 : i1 to i32
      %cond3A_299 = arith.constant 0 : i32
      %cond3A_300 = arith.cmpi ne, %convert_element_type3A_298, %cond3A_299 : i32
      scf.if %cond3A_300 {
        %dma_wait3A_337 = arith.constant 0 : i32
        %dma_wait3A_338 = arith.constant 0 : i32
        %dma_wait3A_339 = tpu.memref_slice %arg7[%dma_wait3A_337, %dma_wait3A_338] : memref<25x100xi32, #tpu.memory_space<vmem>> -> memref<1x100xi32, #tpu.memory_space<vmem>>
        %dma_wait3A_340 = tpu.memref_squeeze %dma_wait3A_339 : memref<1x100xi32, #tpu.memory_space<vmem>> -> memref<100xi32, #tpu.memory_space<vmem>>
        %dma_wait3A_341 = arith.constant 0 : i32
        %dma_wait3A_342 = arith.constant 0 : i32
        %dma_wait3A_343 = tpu.memref_slice %arg12[%dma_wait3A_341, %dma_wait3A_342] : memref<10000x128xf32, #tpu.memory_space<vmem_shared>> -> memref<10000x128xf32, #tpu.memory_space<vmem_shared>>
        tpu.wait_indirect_dma semaphore(%arg16 : memref<!tpu.dma_semaphore, #tpu.memory_space<semaphore_mem>>) src(%arg8 : memref<100x128xf32, #tpu.memory_space<vmem>>) dst(%dma_wait3A_343 : memref<10000x128xf32, #tpu.memory_space<vmem_shared>>)
      } else {
      }
      %add3A_301 = arith.constant 2 : i32
      %add3A_302 = arith.addi %add3A_282, %add3A_301 : i32
      %lt3A_303 = arith.constant 25 : i32
      %lt3A_304 = arith.cmpi slt, %add3A_302, %lt3A_303 : i32
      %convert_element_type3A_305 = arith.extui %lt3A_304 : i1 to i32
      %cond3A_306 = arith.constant 0 : i32
      %cond3A_307 = arith.cmpi ne, %convert_element_type3A_305, %cond3A_306 : i32
      scf.if %cond3A_307 {
        %add3A_337 = arith.constant 2 : i32
        %add3A_338 = arith.addi %add3A_282, %add3A_337 : i32
        %dma_start3A_339 = arith.constant 0 : i32
        %dma_start3A_340 = tpu.memref_slice %arg6[%add3A_338, %dma_start3A_339] : memref<25x100xi32, #tpu.memory_space<vmem>> -> memref<1x100xi32, #tpu.memory_space<vmem>>
        %dma_start3A_341 = tpu.memref_squeeze %dma_start3A_340 : memref<1x100xi32, #tpu.memory_space<vmem>> -> memref<100xi32, #tpu.memory_space<vmem>>
        %dma_start3A_342 = arith.constant 0 : i32
        %dma_start3A_343 = arith.constant 0 : i32
        %dma_start3A_344 = tpu.memref_slice %arg2[%dma_start3A_342, %dma_start3A_343] : memref<10000x128xf32, #tpu.memory_space<hbm>> -> memref<10000x128xf32, #tpu.memory_space<hbm>>
        tpu.enqueue_indirect_dma source(%dma_start3A_344 : memref<10000x128xf32, #tpu.memory_space<hbm>>) target(%arg8 : memref<100x128xf32, #tpu.memory_space<vmem>>) offsets(%dma_start3A_341 : memref<100xi32, #tpu.memory_space<vmem>>) semaphore(%arg13 : memref<!tpu.dma_semaphore, #tpu.memory_space<semaphore_mem>>)
      } else {
      }
      %mul3A_308 = arith.constant 3 : i32
      %mul3A_309 = arith.muli %mul3A_308, %scan3A_253 : i32
      %add3A_310 = arith.constant 2 : i32
      %add3A_311 = arith.addi %mul3A_309, %add3A_310 : i32
      %dma_wait3A_312 = arith.constant 0 : i32
      %dma_wait3A_313 = arith.constant 0 : i32
      %dma_wait3A_314 = tpu.memref_slice %arg6[%dma_wait3A_312, %dma_wait3A_313] : memref<25x100xi32, #tpu.memory_space<vmem>> -> memref<1x100xi32, #tpu.memory_space<vmem>>
      %dma_wait3A_315 = tpu.memref_squeeze %dma_wait3A_314 : memref<1x100xi32, #tpu.memory_space<vmem>> -> memref<100xi32, #tpu.memory_space<vmem>>
      %dma_wait3A_316 = arith.constant 0 : i32
      %dma_wait3A_317 = arith.constant 0 : i32
      %dma_wait3A_318 = tpu.memref_slice %arg2[%dma_wait3A_316, %dma_wait3A_317] : memref<10000x128xf32, #tpu.memory_space<hbm>> -> memref<10000x128xf32, #tpu.memory_space<hbm>>
      tpu.wait_indirect_dma semaphore(%arg15 : memref<!tpu.dma_semaphore, #tpu.memory_space<semaphore_mem>>) src(%dma_wait3A_318 : memref<10000x128xf32, #tpu.memory_space<hbm>>) dst(%arg10 : memref<100x128xf32, #tpu.memory_space<vmem>>)
      %dma_start3A_319 = arith.constant 0 : i32
      %dma_start3A_320 = tpu.memref_slice %arg7[%add3A_311, %dma_start3A_319] : memref<25x100xi32, #tpu.memory_space<vmem>> -> memref<1x100xi32, #tpu.memory_space<vmem>>
      %dma_start3A_321 = tpu.memref_squeeze %dma_start3A_320 : memref<1x100xi32, #tpu.memory_space<vmem>> -> memref<100xi32, #tpu.memory_space<vmem>>
      %dma_start3A_322 = arith.constant 0 : i32
      %dma_start3A_323 = arith.constant 0 : i32
      %dma_start3A_324 = tpu.memref_slice %arg12[%dma_start3A_322, %dma_start3A_323] : memref<10000x128xf32, #tpu.memory_space<vmem_shared>> -> memref<10000x128xf32, #tpu.memory_space<vmem_shared>>
      tpu.enqueue_indirect_dma source(%arg10 : memref<100x128xf32, #tpu.memory_space<vmem>>) target(%dma_start3A_324 : memref<10000x128xf32, #tpu.memory_space<vmem_shared>>) offsets(%dma_start3A_321 : memref<100xi32, #tpu.memory_space<vmem>>) semaphore(%arg18 : memref<!tpu.dma_semaphore, #tpu.memory_space<semaphore_mem>>) {add = true}
      %ge3A_325 = arith.constant 1 : i32
      %ge3A_326 = arith.cmpi sge, %add3A_311, %ge3A_325 : i32
      %convert_element_type3A_327 = arith.extui %ge3A_326 : i1 to i32
      %cond3A_328 = arith.constant 0 : i32
      %cond3A_329 = arith.cmpi ne, %convert_element_type3A_327, %cond3A_328 : i32
      scf.if %cond3A_329 {
        %dma_wait3A_337 = arith.constant 0 : i32
        %dma_wait3A_338 = arith.constant 0 : i32
        %dma_wait3A_339 = tpu.memref_slice %arg7[%dma_wait3A_337, %dma_wait3A_338] : memref<25x100xi32, #tpu.memory_space<vmem>> -> memref<1x100xi32, #tpu.memory_space<vmem>>
        %dma_wait3A_340 = tpu.memref_squeeze %dma_wait3A_339 : memref<1x100xi32, #tpu.memory_space<vmem>> -> memref<100xi32, #tpu.memory_space<vmem>>
        %dma_wait3A_341 = arith.constant 0 : i32
        %dma_wait3A_342 = arith.constant 0 : i32
        %dma_wait3A_343 = tpu.memref_slice %arg12[%dma_wait3A_341, %dma_wait3A_342] : memref<10000x128xf32, #tpu.memory_space<vmem_shared>> -> memref<10000x128xf32, #tpu.memory_space<vmem_shared>>
        tpu.wait_indirect_dma semaphore(%arg17 : memref<!tpu.dma_semaphore, #tpu.memory_space<semaphore_mem>>) src(%arg9 : memref<100x128xf32, #tpu.memory_space<vmem>>) dst(%dma_wait3A_343 : memref<10000x128xf32, #tpu.memory_space<vmem_shared>>)
      } else {
      }
      %add3A_330 = arith.constant 2 : i32
      %add3A_331 = arith.addi %add3A_311, %add3A_330 : i32
      %lt3A_332 = arith.constant 25 : i32
      %lt3A_333 = arith.cmpi slt, %add3A_331, %lt3A_332 : i32
      %convert_element_type3A_334 = arith.extui %lt3A_333 : i1 to i32
      %cond3A_335 = arith.constant 0 : i32
      %cond3A_336 = arith.cmpi ne, %convert_element_type3A_334, %cond3A_335 : i32
      scf.if %cond3A_336 {
        %add3A_337 = arith.constant 2 : i32
        %add3A_338 = arith.addi %add3A_311, %add3A_337 : i32
        %dma_start3A_339 = arith.constant 0 : i32
        %dma_start3A_340 = tpu.memref_slice %arg6[%add3A_338, %dma_start3A_339] : memref<25x100xi32, #tpu.memory_space<vmem>> -> memref<1x100xi32, #tpu.memory_space<vmem>>
        %dma_start3A_341 = tpu.memref_squeeze %dma_start3A_340 : memref<1x100xi32, #tpu.memory_space<vmem>> -> memref<100xi32, #tpu.memory_space<vmem>>
        %dma_start3A_342 = arith.constant 0 : i32
        %dma_start3A_343 = arith.constant 0 : i32
        %dma_start3A_344 = tpu.memref_slice %arg2[%dma_start3A_342, %dma_start3A_343] : memref<10000x128xf32, #tpu.memory_space<hbm>> -> memref<10000x128xf32, #tpu.memory_space<hbm>>
        tpu.enqueue_indirect_dma source(%dma_start3A_344 : memref<10000x128xf32, #tpu.memory_space<hbm>>) target(%arg9 : memref<100x128xf32, #tpu.memory_space<vmem>>) offsets(%dma_start3A_341 : memref<100xi32, #tpu.memory_space<vmem>>) semaphore(%arg14 : memref<!tpu.dma_semaphore, #tpu.memory_space<semaphore_mem>>)
      } else {
      }
    }
    %scan3A_198 = arith.constant 8 : i32
    %dma_wait3A_199 = arith.constant 0 : i32
    %dma_wait3A_200 = arith.constant 0 : i32
    %dma_wait3A_201 = tpu.memref_slice %arg6[%dma_wait3A_199, %dma_wait3A_200] : memref<25x100xi32, #tpu.memory_space<vmem>> -> memref<1x100xi32, #tpu.memory_space<vmem>>
    %dma_wait3A_202 = tpu.memref_squeeze %dma_wait3A_201 : memref<1x100xi32, #tpu.memory_space<vmem>> -> memref<100xi32, #tpu.memory_space<vmem>>
    %dma_wait3A_203 = arith.constant 0 : i32
    %dma_wait3A_204 = arith.constant 0 : i32
    %dma_wait3A_205 = tpu.memref_slice %arg2[%dma_wait3A_203, %dma_wait3A_204] : memref<10000x128xf32, #tpu.memory_space<hbm>> -> memref<10000x128xf32, #tpu.memory_space<hbm>>
    tpu.wait_indirect_dma semaphore(%arg13 : memref<!tpu.dma_semaphore, #tpu.memory_space<semaphore_mem>>) src(%dma_wait3A_205 : memref<10000x128xf32, #tpu.memory_space<hbm>>) dst(%arg8 : memref<100x128xf32, #tpu.memory_space<vmem>>)
    %dma_start3A_206 = arith.constant 24 : i32
    %dma_start3A_207 = arith.constant 0 : i32
    %dma_start3A_208 = tpu.memref_slice %arg7[%dma_start3A_206, %dma_start3A_207] : memref<25x100xi32, #tpu.memory_space<vmem>> -> memref<1x100xi32, #tpu.memory_space<vmem>>
    %dma_start3A_209 = tpu.memref_squeeze %dma_start3A_208 : memref<1x100xi32, #tpu.memory_space<vmem>> -> memref<100xi32, #tpu.memory_space<vmem>>
    %dma_start3A_210 = arith.constant 0 : i32
    %dma_start3A_211 = arith.constant 0 : i32
    %dma_start3A_212 = tpu.memref_slice %arg12[%dma_start3A_210, %dma_start3A_211] : memref<10000x128xf32, #tpu.memory_space<vmem_shared>> -> memref<10000x128xf32, #tpu.memory_space<vmem_shared>>
    tpu.enqueue_indirect_dma source(%arg8 : memref<100x128xf32, #tpu.memory_space<vmem>>) target(%dma_start3A_212 : memref<10000x128xf32, #tpu.memory_space<vmem_shared>>) offsets(%dma_start3A_209 : memref<100xi32, #tpu.memory_space<vmem>>) semaphore(%arg16 : memref<!tpu.dma_semaphore, #tpu.memory_space<semaphore_mem>>) {add = true}
    %dma_wait3A_213 = arith.constant 0 : i32
    %dma_wait3A_214 = arith.constant 0 : i32
    %dma_wait3A_215 = tpu.memref_slice %arg7[%dma_wait3A_213, %dma_wait3A_214] : memref<25x100xi32, #tpu.memory_space<vmem>> -> memref<1x100xi32, #tpu.memory_space<vmem>>
    %dma_wait3A_216 = tpu.memref_squeeze %dma_wait3A_215 : memref<1x100xi32, #tpu.memory_space<vmem>> -> memref<100xi32, #tpu.memory_space<vmem>>
    %dma_wait3A_217 = arith.constant 0 : i32
    %dma_wait3A_218 = arith.constant 0 : i32
    %dma_wait3A_219 = tpu.memref_slice %arg12[%dma_wait3A_217, %dma_wait3A_218] : memref<10000x128xf32, #tpu.memory_space<vmem_shared>> -> memref<10000x128xf32, #tpu.memory_space<vmem_shared>>
    tpu.wait_indirect_dma semaphore(%arg18 : memref<!tpu.dma_semaphore, #tpu.memory_space<semaphore_mem>>) src(%arg10 : memref<100x128xf32, #tpu.memory_space<vmem>>) dst(%dma_wait3A_219 : memref<10000x128xf32, #tpu.memory_space<vmem_shared>>)
    %dma_wait3A_220 = arith.constant 0 : i32
    %dma_wait3A_221 = arith.constant 0 : i32
    %dma_wait3A_222 = tpu.memref_slice %arg7[%dma_wait3A_220, %dma_wait3A_221] : memref<25x100xi32, #tpu.memory_space<vmem>> -> memref<1x100xi32, #tpu.memory_space<vmem>>
    %dma_wait3A_223 = tpu.memref_squeeze %dma_wait3A_222 : memref<1x100xi32, #tpu.memory_space<vmem>> -> memref<100xi32, #tpu.memory_space<vmem>>
    %dma_wait3A_224 = arith.constant 0 : i32
    %dma_wait3A_225 = arith.constant 0 : i32
    %dma_wait3A_226 = tpu.memref_slice %arg12[%dma_wait3A_224, %dma_wait3A_225] : memref<10000x128xf32, #tpu.memory_space<vmem_shared>> -> memref<10000x128xf32, #tpu.memory_space<vmem_shared>>
    tpu.wait_indirect_dma semaphore(%arg16 : memref<!tpu.dma_semaphore, #tpu.memory_space<semaphore_mem>>) src(%arg8 : memref<100x128xf32, #tpu.memory_space<vmem>>) dst(%dma_wait3A_226 : memref<10000x128xf32, #tpu.memory_space<vmem_shared>>)
    %barrier3A_227 = arith.constant 0 : index
    tpu.barrier barrier_id(%barrier3A_227)
    %eq3A_228 = arith.constant 15 : i32
    %eq3A_229 = arith.cmpi eq, %arg1, %eq3A_228 : i32
    %jit3A_230 = arith.constant 40 : i32
    %jit3A_231 = arith.constant 39 : i32
    %select_n3A_232 = arith.select %eq3A_229, %jit3A_230, %jit3A_231 : i32
    %while3A_233 = arith.constant 0 : i32
    %while3A_234 = arith.constant 0 : i32
    %while3A_235 = arith.subi %select_n3A_232, %while3A_234 : i32
    %while3A_236 = arith.addi %while3A_234, %while3A_235 : i32
    %while3A_237 = arith.constant 1 : i32
    %while3A_238 = arith.divsi %while3A_235, %while3A_237 : i32
    %while3A_239 = arith.muli %while3A_238, %while3A_237 : i32
    %while3A_240 = arith.addi %while3A_234, %while3A_239 : i32
    %while3A_241 = arith.constant 1 : i32
    scf.for %while3A_253 = %while3A_234 to %while3A_240 step %while3A_241  : i32 {
      %mul3A_254 = arith.constant 16 : i32
      %mul3A_255 = arith.muli %while3A_253, %mul3A_254 : i32
      %add3A_256 = arith.addi %mul3A_8, %mul3A_255 : i32
      %dma_start3A_257 = arith.constant 0 : i32
      %dma_start3A_258 = tpu.memref_slice %arg5[%arg0, %add3A_256, %dma_start3A_257] : memref<2x10000x128xf32, #tpu.memory_space<hbm>> -> memref<1x16x128xf32, #tpu.memory_space<hbm>>
      %dma_start3A_259 = tpu.memref_squeeze %dma_start3A_258 : memref<1x16x128xf32, #tpu.memory_space<hbm>> -> memref<16x128xf32, #tpu.memory_space<hbm>>
      %dma_start3A_260 = arith.constant 0 : i32
      %dma_start3A_261 = tpu.memref_slice %arg12[%add3A_256, %dma_start3A_260] : memref<10000x128xf32, #tpu.memory_space<vmem_shared>> -> memref<16x128xf32, #tpu.memory_space<vmem_shared>>
      tpu.enqueue_dma source(%dma_start3A_261 : memref<16x128xf32, #tpu.memory_space<vmem_shared>>) target(%dma_start3A_259 : memref<16x128xf32, #tpu.memory_space<hbm>>) target_semaphore(%arg19 : memref<!tpu.dma_semaphore, #tpu.memory_space<semaphore_mem>>)
    }
    %while3A_242 = arith.constant 1 : i32
    scf.for %while3A_253 = %while3A_240 to %while3A_236 step %while3A_242  : i32 {
      %mul3A_254 = arith.constant 16 : i32
      %mul3A_255 = arith.muli %while3A_253, %mul3A_254 : i32
      %add3A_256 = arith.addi %mul3A_8, %mul3A_255 : i32
      %dma_start3A_257 = arith.constant 0 : i32
      %dma_start3A_258 = tpu.memref_slice %arg5[%arg0, %add3A_256, %dma_start3A_257] : memref<2x10000x128xf32, #tpu.memory_space<hbm>> -> memref<1x16x128xf32, #tpu.memory_space<hbm>>
      %dma_start3A_259 = tpu.memref_squeeze %dma_start3A_258 : memref<1x16x128xf32, #tpu.memory_space<hbm>> -> memref<16x128xf32, #tpu.memory_space<hbm>>
      %dma_start3A_260 = arith.constant 0 : i32
      %dma_start3A_261 = tpu.memref_slice %arg12[%add3A_256, %dma_start3A_260] : memref<10000x128xf32, #tpu.memory_space<vmem_shared>> -> memref<16x128xf32, #tpu.memory_space<vmem_shared>>
      tpu.enqueue_dma source(%dma_start3A_261 : memref<16x128xf32, #tpu.memory_space<vmem_shared>>) target(%dma_start3A_259 : memref<16x128xf32, #tpu.memory_space<hbm>>) target_semaphore(%arg19 : memref<!tpu.dma_semaphore, #tpu.memory_space<semaphore_mem>>)
    }
    %while3A_243 = arith.constant 0 : i32
    %while3A_244 = arith.constant 0 : i32
    %while3A_245 = arith.subi %select_n3A_232, %while3A_244 : i32
    %while3A_246 = arith.addi %while3A_244, %while3A_245 : i32
    %while3A_247 = arith.constant 1 : i32
    %while3A_248 = arith.divsi %while3A_245, %while3A_247 : i32
    %while3A_249 = arith.muli %while3A_248, %while3A_247 : i32
    %while3A_250 = arith.addi %while3A_244, %while3A_249 : i32
    %while3A_251 = arith.constant 1 : i32
    scf.for %while3A_253 = %while3A_244 to %while3A_250 step %while3A_251  : i32 {
      %dma_wait3A_254 = arith.constant 0 : i32
      %dma_wait3A_255 = tpu.memref_slice %arg5[%arg0, %mul3A_8, %dma_wait3A_254] : memref<2x10000x128xf32, #tpu.memory_space<hbm>> -> memref<1x16x128xf32, #tpu.memory_space<hbm>>
      %dma_wait3A_256 = tpu.memref_squeeze %dma_wait3A_255 : memref<1x16x128xf32, #tpu.memory_space<hbm>> -> memref<16x128xf32, #tpu.memory_space<hbm>>
      %dma_wait3A_257 = arith.constant 0 : i32
      %dma_wait3A_258 = tpu.memref_slice %arg12[%mul3A_8, %dma_wait3A_257] : memref<10000x128xf32, #tpu.memory_space<vmem_shared>> -> memref<16x128xf32, #tpu.memory_space<vmem_shared>>
      tpu.wait_dma2 semaphore(%arg19 : memref<!tpu.dma_semaphore, #tpu.memory_space<semaphore_mem>>) src(%dma_wait3A_258 : memref<16x128xf32, #tpu.memory_space<vmem_shared>>) dst(%dma_wait3A_256 : memref<16x128xf32, #tpu.memory_space<hbm>>)
    }
    %while3A_252 = arith.constant 1 : i32
    scf.for %while3A_253 = %while3A_250 to %while3A_246 step %while3A_252  : i32 {
      %dma_wait3A_254 = arith.constant 0 : i32
      %dma_wait3A_255 = tpu.memref_slice %arg5[%arg0, %mul3A_8, %dma_wait3A_254] : memref<2x10000x128xf32, #tpu.memory_space<hbm>> -> memref<1x16x128xf32, #tpu.memory_space<hbm>>
      %dma_wait3A_256 = tpu.memref_squeeze %dma_wait3A_255 : memref<1x16x128xf32, #tpu.memory_space<hbm>> -> memref<16x128xf32, #tpu.memory_space<hbm>>
      %dma_wait3A_257 = arith.constant 0 : i32
      %dma_wait3A_258 = tpu.memref_slice %arg12[%mul3A_8, %dma_wait3A_257] : memref<10000x128xf32, #tpu.memory_space<vmem_shared>> -> memref<16x128xf32, #tpu.memory_space<vmem_shared>>
      tpu.wait_dma2 semaphore(%arg19 : memref<!tpu.dma_semaphore, #tpu.memory_space<semaphore_mem>>) src(%dma_wait3A_258 : memref<16x128xf32, #tpu.memory_space<vmem_shared>>) dst(%dma_wait3A_256 : memref<16x128xf32, #tpu.memory_space<hbm>>)
    }
    return
  }
}

module attributes {stable_mosaic.version = 14 : i64} {
  func.func @_enc_body(%arg0: i32, %arg1: memref<2000x128xf32, #tpu.memory_space<vmem>>, %arg2: memref<128x128xf32, #tpu.memory_space<vmem>>, %arg3: memref<1x128xf32, #tpu.memory_space<vmem>>, %arg4: memref<128x128xf32, #tpu.memory_space<vmem>>, %arg5: memref<2000x128xf32, #tpu.memory_space<vmem>>) attributes {dimension_semantics = [#tpu.dimension_semantics<arbitrary>], iteration_bounds = array<i64: 5>, scalar_prefetch = 0 : i64, scratch_operands = 0 : i64, tpu.core_type = #tpu.core_type<tc>, window_params = [{transform_indices = @transform_0, window_bounds = array<i64: 2000, 128>}, {pipeline_mode = #tpu.pipeline_mode<synchronous>, transform_indices = @transform_1, window_bounds = array<i64: 128, 128>}, {pipeline_mode = #tpu.pipeline_mode<synchronous>, transform_indices = @transform_2, window_bounds = array<i64: 1, 128>}, {pipeline_mode = #tpu.pipeline_mode<synchronous>, transform_indices = @transform_3, window_bounds = array<i64: 128, 128>}, {transform_indices = @transform_4, window_bounds = array<i64: 2000, 128>}]} {
    %get3A = arith.constant 0 : index
    %get3A_0 = arith.constant 0 : index
    %get3A_1 = vector.load %arg1[%get3A, %get3A_0] : memref<2000x128xf32, #tpu.memory_space<vmem>>, vector<2000x128xf32>
    %get3A_2 = arith.constant 0 : index
    %get3A_3 = arith.constant 0 : index
    %get3A_4 = vector.load %arg2[%get3A_2, %get3A_3] : memref<128x128xf32, #tpu.memory_space<vmem>>, vector<128x128xf32>
    %dot_general3A = arith.constant dense<0.000000e+00> : vector<2000x128xf32>
    %dot_general3A_5 = tpu.matmul %get3A_1, %get3A_4, %dot_general3A {dimension_numbers = #tpu.dot_dimension_numbers<[1], [0], [0], [1], [0, 0, 1, 1], [], []>, transpose_lhs_hint = false} : vector<2000x128xf32>, vector<128x128xf32>, vector<2000x128xf32> -> vector<2000x128xf32>
    %get3A_6 = arith.constant 0 : index
    %get3A_7 = arith.constant 0 : index
    %get3A_8 = vector.load %arg3[%get3A_6, %get3A_7] : memref<1x128xf32, #tpu.memory_space<vmem>>, vector<1x128xf32>
    %add3A = vector.broadcast %get3A_8 : vector<1x128xf32> to vector<2000x128xf32>
    %add3A_9 = arith.addf %dot_general3A_5, %add3A : vector<2000x128xf32>
    %get3A_10 = arith.constant 0 : index
    %get3A_11 = arith.constant 0 : index
    %get3A_12 = vector.load %arg4[%get3A_10, %get3A_11] : memref<128x128xf32, #tpu.memory_space<vmem>>, vector<128x128xf32>
    %dot_general3A_13 = arith.constant dense<0.000000e+00> : vector<2000x128xf32>
    %dot_general3A_14 = tpu.matmul %add3A_9, %get3A_12, %dot_general3A_13 {dimension_numbers = #tpu.dot_dimension_numbers<[1], [0], [0], [1], [0, 0, 1, 1], [], []>, transpose_lhs_hint = false} : vector<2000x128xf32>, vector<128x128xf32>, vector<2000x128xf32> -> vector<2000x128xf32>
    %swap3A = arith.constant 0 : index
    %swap3A_15 = arith.constant 0 : index
    %swap3A_16 = vector.load %arg5[%swap3A, %swap3A_15] : memref<2000x128xf32, #tpu.memory_space<vmem>>, vector<2000x128xf32>
    tpu.vector_store %arg5[%swap3A, %swap3A_15], %dot_general3A_14 {strides = array<i32>} : memref<2000x128xf32, #tpu.memory_space<vmem>>, vector<2000x128xf32>,
    return
  }
  func.func @transform_0(%arg0: i32) -> (i32, i32) {
    %c0_i32 = arith.constant 0 : i32
    %c0_i32_0 = arith.constant 0 : i32
    return %arg0, %c0_i32 : i32, i32
  }
  func.func @transform_1(%arg0: i32) -> (i32, i32) {
    %c0_i32 = arith.constant 0 : i32
    %c0_i32_0 = arith.constant 0 : i32
    %c0_i32_1 = arith.constant 0 : i32
    return %c0_i32, %c0_i32_0 : i32, i32
  }
  func.func @transform_2(%arg0: i32) -> (i32, i32) {
    %c0_i32 = arith.constant 0 : i32
    %c0_i32_0 = arith.constant 0 : i32
    %c0_i32_1 = arith.constant 0 : i32
    return %c0_i32, %c0_i32_0 : i32, i32
  }
  func.func @transform_3(%arg0: i32) -> (i32, i32) {
    %c0_i32 = arith.constant 0 : i32
    %c0_i32_0 = arith.constant 0 : i32
    %c0_i32_1 = arith.constant 0 : i32
    return %c0_i32, %c0_i32_0 : i32, i32
  }
  func.func @transform_4(%arg0: i32) -> (i32, i32) {
    %c0_i32 = arith.constant 0 : i32
    %c0_i32_0 = arith.constant 0 : i32
    return %arg0, %c0_i32 : i32, i32
  }
}

module attributes {stable_mosaic.version = 14 : i64} {
  func.func @_gcn_body(%arg0: i32, %arg1: memref<2x2000x128xf32, #tpu.memory_space<vmem>>, %arg2: memref<1x128xf32, #tpu.memory_space<vmem>>, %arg3: memref<128x128xf32, #tpu.memory_space<vmem>>, %arg4: memref<2000x128xf32, #tpu.memory_space<vmem>>) attributes {dimension_semantics = [#tpu.dimension_semantics<arbitrary>], iteration_bounds = array<i64: 5>, scalar_prefetch = 0 : i64, scratch_operands = 0 : i64, tpu.core_type = #tpu.core_type<tc>, window_params = [{transform_indices = @transform_0, window_bounds = array<i64: 2, 2000, 128>}, {pipeline_mode = #tpu.pipeline_mode<synchronous>, transform_indices = @transform_1, window_bounds = array<i64: 1, 128>}, {pipeline_mode = #tpu.pipeline_mode<synchronous>, transform_indices = @transform_2, window_bounds = array<i64: 128, 128>}, {transform_indices = @transform_3, window_bounds = array<i64: 2000, 128>}]} {
    %get3A = arith.constant 0 : index
    %get3A_0 = arith.constant 0 : index
    %get3A_1 = arith.constant 0 : index
    %get3A_2 = vector.load %arg1[%get3A, %get3A_0, %get3A_1] : memref<2x2000x128xf32, #tpu.memory_space<vmem>>, vector<1x2000x128xf32>
    %get3A_3 = vector.shape_cast %get3A_2 : vector<1x2000x128xf32> to vector<2000x128xf32>
    %get3A_4 = arith.constant 1 : index
    %get3A_5 = arith.constant 0 : index
    %get3A_6 = arith.constant 0 : index
    %get3A_7 = vector.load %arg1[%get3A_4, %get3A_5, %get3A_6] : memref<2x2000x128xf32, #tpu.memory_space<vmem>>, vector<1x2000x128xf32>
    %get3A_8 = vector.shape_cast %get3A_7 : vector<1x2000x128xf32> to vector<2000x128xf32>
    %add3A = arith.addf %get3A_3, %get3A_8 : vector<2000x128xf32>
    %get3A_9 = arith.constant 0 : index
    %get3A_10 = arith.constant 0 : index
    %get3A_11 = vector.load %arg2[%get3A_9, %get3A_10] : memref<1x128xf32, #tpu.memory_space<vmem>>, vector<1x128xf32>
    %add3A_12 = vector.broadcast %get3A_11 : vector<1x128xf32> to vector<2000x128xf32>
    %add3A_13 = arith.addf %add3A, %add3A_12 : vector<2000x128xf32>
    %max3A = arith.constant 0.000000e+00 : f32
    %max3A_14 = vector.broadcast %max3A : f32 to vector<2000x128xf32>
    %max3A_15 = arith.maximumf %add3A_13, %max3A_14 : vector<2000x128xf32>
    %get3A_16 = arith.constant 0 : index
    %get3A_17 = arith.constant 0 : index
    %get3A_18 = vector.load %arg3[%get3A_16, %get3A_17] : memref<128x128xf32, #tpu.memory_space<vmem>>, vector<128x128xf32>
    %dot_general3A = arith.constant dense<0.000000e+00> : vector<2000x128xf32>
    %dot_general3A_19 = tpu.matmul %max3A_15, %get3A_18, %dot_general3A {dimension_numbers = #tpu.dot_dimension_numbers<[1], [0], [0], [1], [0, 0, 1, 1], [], []>, transpose_lhs_hint = false} : vector<2000x128xf32>, vector<128x128xf32>, vector<2000x128xf32> -> vector<2000x128xf32>
    %swap3A = arith.constant 0 : index
    %swap3A_20 = arith.constant 0 : index
    %swap3A_21 = vector.load %arg4[%swap3A, %swap3A_20] : memref<2000x128xf32, #tpu.memory_space<vmem>>, vector<2000x128xf32>
    tpu.vector_store %arg4[%swap3A, %swap3A_20], %dot_general3A_19 {strides = array<i32>} : memref<2000x128xf32, #tpu.memory_space<vmem>>, vector<2000x128xf32>,
    return
  }
  func.func @transform_0(%arg0: i32) -> (i32, i32, i32) {
    %c0_i32 = arith.constant 0 : i32
    %c0_i32_0 = arith.constant 0 : i32
    %c0_i32_1 = arith.constant 0 : i32
    return %c0_i32, %arg0, %c0_i32_0 : i32, i32, i32
  }
  func.func @transform_1(%arg0: i32) -> (i32, i32) {
    %c0_i32 = arith.constant 0 : i32
    %c0_i32_0 = arith.constant 0 : i32
    %c0_i32_1 = arith.constant 0 : i32
    return %c0_i32, %c0_i32_0 : i32, i32
  }
  func.func @transform_2(%arg0: i32) -> (i32, i32) {
    %c0_i32 = arith.constant 0 : i32
    %c0_i32_0 = arith.constant 0 : i32
    %c0_i32_1 = arith.constant 0 : i32
    return %c0_i32, %c0_i32_0 : i32, i32
  }
  func.func @transform_3(%arg0: i32) -> (i32, i32) {
    %c0_i32 = arith.constant 0 : i32
    %c0_i32_0 = arith.constant 0 : i32
    return %arg0, %c0_i32 : i32, i32
  }
}

module attributes {stable_mosaic.version = 14 : i64} {
  func.func @_dec_body(%arg0: i32, %arg1: memref<2x2000x128xf32, #tpu.memory_space<vmem>>, %arg2: memref<1x128xf32, #tpu.memory_space<vmem>>, %arg3: memref<128x40xf32, #tpu.memory_space<vmem>>, %arg4: memref<1x40xf32, #tpu.memory_space<vmem>>, %arg5: memref<2000x40xf32, #tpu.memory_space<vmem>>) attributes {dimension_semantics = [#tpu.dimension_semantics<arbitrary>], iteration_bounds = array<i64: 5>, scalar_prefetch = 0 : i64, scratch_operands = 0 : i64, tpu.core_type = #tpu.core_type<tc>, window_params = [{transform_indices = @transform_0, window_bounds = array<i64: 2, 2000, 128>}, {pipeline_mode = #tpu.pipeline_mode<synchronous>, transform_indices = @transform_1, window_bounds = array<i64: 1, 128>}, {pipeline_mode = #tpu.pipeline_mode<synchronous>, transform_indices = @transform_2, window_bounds = array<i64: 128, 40>}, {pipeline_mode = #tpu.pipeline_mode<synchronous>, transform_indices = @transform_3, window_bounds = array<i64: 1, 40>}, {transform_indices = @transform_4, window_bounds = array<i64: 2000, 40>}]} {
    %get3A = arith.constant 0 : index
    %get3A_0 = arith.constant 0 : index
    %get3A_1 = arith.constant 0 : index
    %get3A_2 = vector.load %arg1[%get3A, %get3A_0, %get3A_1] : memref<2x2000x128xf32, #tpu.memory_space<vmem>>, vector<1x2000x128xf32>
    %get3A_3 = vector.shape_cast %get3A_2 : vector<1x2000x128xf32> to vector<2000x128xf32>
    %get3A_4 = arith.constant 1 : index
    %get3A_5 = arith.constant 0 : index
    %get3A_6 = arith.constant 0 : index
    %get3A_7 = vector.load %arg1[%get3A_4, %get3A_5, %get3A_6] : memref<2x2000x128xf32, #tpu.memory_space<vmem>>, vector<1x2000x128xf32>
    %get3A_8 = vector.shape_cast %get3A_7 : vector<1x2000x128xf32> to vector<2000x128xf32>
    %add3A = arith.addf %get3A_3, %get3A_8 : vector<2000x128xf32>
    %get3A_9 = arith.constant 0 : index
    %get3A_10 = arith.constant 0 : index
    %get3A_11 = vector.load %arg2[%get3A_9, %get3A_10] : memref<1x128xf32, #tpu.memory_space<vmem>>, vector<1x128xf32>
    %add3A_12 = vector.broadcast %get3A_11 : vector<1x128xf32> to vector<2000x128xf32>
    %add3A_13 = arith.addf %add3A, %add3A_12 : vector<2000x128xf32>
    %max3A = arith.constant 0.000000e+00 : f32
    %max3A_14 = vector.broadcast %max3A : f32 to vector<2000x128xf32>
    %max3A_15 = arith.maximumf %add3A_13, %max3A_14 : vector<2000x128xf32>
    %get3A_16 = arith.constant 0 : index
    %get3A_17 = arith.constant 0 : index
    %get3A_18 = vector.load %arg3[%get3A_16, %get3A_17] : memref<128x40xf32, #tpu.memory_space<vmem>>, vector<128x40xf32>
    %dot_general3A = arith.constant dense<0.000000e+00> : vector<2000x40xf32>
    %dot_general3A_19 = tpu.matmul %max3A_15, %get3A_18, %dot_general3A {dimension_numbers = #tpu.dot_dimension_numbers<[1], [0], [0], [1], [0, 0, 1, 1], [], []>, transpose_lhs_hint = false} : vector<2000x128xf32>, vector<128x40xf32>, vector<2000x40xf32> -> vector<2000x40xf32>
    %get3A_20 = arith.constant 0 : index
    %get3A_21 = arith.constant 0 : index
    %get3A_22 = vector.load %arg4[%get3A_20, %get3A_21] : memref<1x40xf32, #tpu.memory_space<vmem>>, vector<1x40xf32>
    %add3A_23 = vector.broadcast %get3A_22 : vector<1x40xf32> to vector<2000x40xf32>
    %add3A_24 = arith.addf %dot_general3A_19, %add3A_23 : vector<2000x40xf32>
    %reduce_max3A = arith.constant dense<0xFF800000> : vector<2000xf32>
    %reduce_max3A_25 = vector.multi_reduction <maximumf>, %add3A_24, %reduce_max3A [1] : vector<2000x40xf32> to vector<2000xf32>
    %broadcast_in_dim3A = vector.shape_cast %reduce_max3A_25 : vector<2000xf32> to vector<2000x1xf32>
    %sub3A = vector.broadcast %broadcast_in_dim3A : vector<2000x1xf32> to vector<2000x40xf32>
    %sub3A_26 = arith.subf %add3A_24, %sub3A : vector<2000x40xf32>
    %exp3A = math.exp %sub3A_26 : vector<2000x40xf32>
    %reduce_sum3A = arith.constant dense<0.000000e+00> : vector<2000xf32>
    %reduce_sum3A_27 = vector.multi_reduction <add>, %exp3A, %reduce_sum3A [1] : vector<2000x40xf32> to vector<2000xf32>
    %broadcast_in_dim3A_28 = vector.shape_cast %reduce_sum3A_27 : vector<2000xf32> to vector<2000x1xf32>
    %log3A = math.log %broadcast_in_dim3A_28 : vector<2000x1xf32>
    %sub3A_29 = vector.broadcast %log3A : vector<2000x1xf32> to vector<2000x40xf32>
    %sub3A_30 = arith.subf %sub3A_26, %sub3A_29 : vector<2000x40xf32>
    %swap3A = arith.constant 0 : index
    %swap3A_31 = arith.constant 0 : index
    %swap3A_32 = vector.load %arg5[%swap3A, %swap3A_31] : memref<2000x40xf32, #tpu.memory_space<vmem>>, vector<2000x40xf32>
    tpu.vector_store %arg5[%swap3A, %swap3A_31], %sub3A_30 {strides = array<i32>} : memref<2000x40xf32, #tpu.memory_space<vmem>>, vector<2000x40xf32>,
    return
  }
  func.func @transform_0(%arg0: i32) -> (i32, i32, i32) {
    %c0_i32 = arith.constant 0 : i32
    %c0_i32_0 = arith.constant 0 : i32
    %c0_i32_1 = arith.constant 0 : i32
    return %c0_i32, %arg0, %c0_i32_0 : i32, i32, i32
  }
  func.func @transform_1(%arg0: i32) -> (i32, i32) {
    %c0_i32 = arith.constant 0 : i32
    %c0_i32_0 = arith.constant 0 : i32
    %c0_i32_1 = arith.constant 0 : i32
    return %c0_i32, %c0_i32_0 : i32, i32
  }
  func.func @transform_2(%arg0: i32) -> (i32, i32) {
    %c0_i32 = arith.constant 0 : i32
    %c0_i32_0 = arith.constant 0 : i32
    %c0_i32_1 = arith.constant 0 : i32
    return %c0_i32, %c0_i32_0 : i32, i32
  }
  func.func @transform_3(%arg0: i32) -> (i32, i32) {
    %c0_i32 = arith.constant 0 : i32
    %c0_i32_0 = arith.constant 0 : i32
    %c0_i32_1 = arith.constant 0 : i32
    return %c0_i32, %c0_i32_0 : i32, i32
  }
  func.func @transform_4(%arg0: i32) -> (i32, i32) {
    %c0_i32 = arith.constant 0 : i32
    %c0_i32_0 = arith.constant 0 : i32
    return %arg0, %c0_i32 : i32, i32
  }
}

</mosaic_0001>

<sc_bundles>
// kernel: kernel.10.cloned.1.call-start
scs
__scs_entry_jumppad:
0x0: {  	(pc) =	sbr.rel $0x88, $3  }
0x1: {  	(tag) =	ssettag $0x0;
	lr =	simm.s32 $0x1  }
0x2: {  	[smem:$0x3F97] =	sst lr;
	_ =	strace $0xD0000000  }
0x3: {  	_ = 	snop  }
0x4: {  	_ = 	snop  }
0x5: {  	_ = 	snop  }
0x6: {  	_ = 	snop  }
0x7: {  	_ = 	snop  }
__scs_overlays_trampoline_lowered:
0x8: {  	[smem:$0x3FA6] =	sst s0  }
0x9: {  	[smem:$0x3FA7] =	sst s1  }
0xa: {  	[smem:$0x3FA8] =	sst s2  }
0xb: {  	[smem:$0x3FA9] =	sst s3  }
0xc: {  	[smem:$0x3FAA] =	sst s4  }
0xd: {  	[smem:$0x3FAB] =	sst s5  }
0xe: {  	[smem:$0x3FAC] =	sst s6  }
0xf: {  	[smem:$0x3FAD] =	sst s7  }
0x10: {  	[smem:$0x3FAE] =	sst s8  }
0x11: {  	[smem:$0x3FAF] =	sst s9;
	s0 =	simm.s32 @!p0 $0x0  }
0x12: {  	s1 =	sld [smem:$0x3F95];
	s0 =	simm.s32 @p0 $0x1  }
0x13: {  	[smem:$0x3FB0] =	sst s0;
	s0 =	simm.s32 @!p1 $0x0  }
0x14: {  	s2 =	sld [smem:$0x3F94];
	s0 =	simm.s32 @p1 $0x1  }
0x15: {  	[smem:$0x3FB1] =	sst s0;
	s0 =	simm.s32 @!p2 $0x0  }
0x16: {  	s3 =	sld [smem:$0x3FDB];
	s0 =	simm.s32 @p2 $0x1  }
0x17: {  	s4 =	simm.s32 $0x1BF5;
	[smem:$0x3FB3] =	sst s0  }
0x18: {  	s0 =	sld [smem:$0x3F96];
	_ =	swait.ge [sflag:s4], $0x0  }
0x19: {  	s7 =	sld [smem:$0x3F97]  }
0x1a: {  	s8 =	sadd.s32 $0xFFFFE003, lr  }
0x1b: {  	s9 =	sadd.s32 $0xFFFFFEF7, lr;
	s5 =	simm.s32 $0xFFFFFFFF;
	p2 =	slt.u32 s8, $0xFFFFF086  }
0x1c: {  	p1 =	slt.u32 s9, $0xF7A;
	s5 =	simm.s32 @!p2 $0x0  }
0x1d: {  	s5 =	simm.s32 @p1 $0x1;
	p0 =	seq.s32 s7, s2  }
0x1e: {  	s7 =	smul.u32 @!p0 $0xF7A, s2;
	p2 =	seq.s32 @!p0 s5, $0x0  }
0x1f: {  	s9 =	smul.u32 $0xF7A, s1;
	s8 =	simm.s32 @!p0 $0x1BF5;
	p2 =	por !p2, p0  }
0x20: {  	[sflag:s8] =	ssyncset.s32 @!p0 $0xFFFFF086;
	s6 =	sadd.s32 @!p0 s3, s7;
	s7 =	simm.s32 @!p0 $0x108  }
0x21: {  	s3 =	sadd.s32 s3, s9;
	s6 =	sadd.s32 @!p0 $0x88, s6;
	s7 =	simm.s32 @p2 $0x1082  }
0x22: {  	[simem:s7], [sflag:s8] =	dma.local @!p0 [hbm:s6], $0xF7A  }
0x23: {  	s9 =	sor.u32 $0xD0000000, s2;
	s6 =	simm.s32 $0x108;
	_ =	swait.ge @!p0 [sflag:s8], $0x0  }
0x24: {  	s3 =	sadd.s32 $0x88, s3;
	s6 =	simm.s32 @!p1 $0x1082;
	[sflag:s4] =	ssyncset.s32 $0xFFFFF086  }
0x25: {  	[simem:s6], [sflag:s4] =	dma.local [hbm:s3], $0xF7A  }
0x26: {  	[smem:$0x3F97] =	sst s1;
	(tag) =	ssettag s2;
	_ =	strace s9  }
0x27: {  	s1 =	sld [smem:$0x3FA7]  }
0x28: {  	s2 =	sld [smem:$0x3FA8]  }
0x29: {  	s4 =	sld [smem:$0x3FAA]  }
0x2a: {  	p0 =	seq.s32 s5, $0x0;
	s5 =	sld [smem:$0x3FAB]  }
0x2b: {  	s6 =	sld [smem:$0x3FAC]  }
0x2c: {  	s7 =	sld [smem:$0x3FAD]  }
0x2d: {  	s3 =	simm.s32 $0x108;
	s8 =	sld [smem:$0x3FAE]  }
0x2e: {  	s3 =	simm.s32 @!p0 $0x1082;
	s9 =	sld [smem:$0x3FAF]  }
0x2f: {  	lr =	sadd.s32 s0, s3;
	s0 =	sld [smem:$0x3FA6]  }
0x30: {  	s3 =	sld [smem:$0x3FA9]  }
0x31: {  	[smem:$0x3FB2] =	sst s10  }
0x32: {  	s10 =	sld [smem:$0x3FB0];
	_ =	sdelay $0x3  }
0x33: {  	p0 =	seq.s32 s10, $0x1;
	s10 =	sld [smem:$0x3FB2];
	_ =	sdelay $0x3  }
0x34: {  	[smem:$0x3FB2] =	sst s10  }
0x35: {  	s10 =	sld [smem:$0x3FB1];
	_ =	sdelay $0x3  }
0x36: {  	p1 =	seq.s32 s10, $0x1;
	s10 =	sld [smem:$0x3FB2];
	_ =	sdelay $0x3  }
0x37: {  	[smem:$0x3FB2] =	sst s10  }
0x38: {  	s10 =	sld [smem:$0x3FB3]  }
0x39: {  	_ = 	snop;
	(pc) =	sbr.ind lr, $3  }
0x3a: {  	_ = 	snop  }
0x3b: {  	_ = 	snop  }
0x3c: {  	p2 =	seq.s32 s10, $0x1;
	s10 =	sld [smem:$0x3FB2]  }
0x3d: {  	_ =	shalt  }
0x3e: {  	_ =	shalt  }
0x3f: {  	_ =	shalt  }
0x40: {  	_ =	shalt  }
0x41: {  	_ =	shalt  }
0x42: {  	_ =	shalt  }
0x43: {  	_ =	shalt  }
0x44: {  	_ =	shalt  }
0x45: {  	_ =	shalt  }
0x46: {  	_ =	shalt  }
0x47: {  	_ =	shalt  }
0x48: {  	_ =	shalt  }
0x49: {  	_ =	shalt  }
0x4a: {  	_ =	shalt  }
0x4b: {  	_ =	shalt  }
0x4c: {  	_ =	shalt  }
0x4d: {  	_ =	shalt  }
0x4e: {  	_ =	shalt  }
0x4f: {  	_ =	shalt  }
0x50: {  	_ =	shalt  }
0x51: {  	_ =	shalt  }
0x52: {  	_ =	shalt  }
0x53: {  	_ =	shalt  }
0x54: {  	_ =	shalt  }
0x55: {  	_ =	shalt  }
0x56: {  	_ =	shalt  }
0x57: {  	_ =	shalt  }
0x58: {  	_ =	shalt  }
0x59: {  	_ =	shalt  }
0x5a: {  	_ =	shalt  }
0x5b: {  	_ =	shalt  }
0x5c: {  	_ =	shalt  }
0x5d: {  	_ =	shalt  }
0x5e: {  	_ =	shalt  }
0x5f: {  	_ =	shalt  }
0x60: {  	_ =	shalt  }
0x61: {  	_ =	shalt  }
0x62: {  	_ =	shalt  }
0x63: {  	_ =	shalt  }
0x64: {  	_ =	shalt  }
0x65: {  	_ =	shalt  }
0x66: {  	_ =	shalt  }
0x67: {  	_ =	shalt  }
0x68: {  	_ =	shalt  }
0x69: {  	_ =	shalt  }
0x6a: {  	_ =	shalt  }
0x6b: {  	_ =	shalt  }
0x6c: {  	_ =	shalt  }
0x6d: {  	_ =	shalt  }
0x6e: {  	_ =	shalt  }
0x6f: {  	_ =	shalt  }
0x70: {  	_ =	shalt  }
0x71: {  	_ =	shalt  }
0x72: {  	_ =	shalt  }
0x73: {  	_ =	shalt  }
0x74: {  	_ =	shalt  }
0x75: {  	_ =	shalt  }
0x76: {  	_ =	shalt  }
0x77: {  	_ =	shalt  }
0x78: {  	_ =	shalt  }
0x79: {  	_ =	shalt  }
0x7a: {  	_ =	shalt  }
0x7b: {  	_ =	shalt  }
0x7c: {  	_ =	shalt  }
0x7d: {  	_ =	shalt  }
0x7e: {  	_ =	shalt  }
0x7f: {  	_ =	shalt  }
0x80: {  	_ =	shalt  }
0x81: {  	_ =	shalt  }
0x82: {  	_ =	shalt  }
0x83: {  	_ =	shalt  }
0x84: {  	_ =	shalt  }
0x85: {  	_ =	shalt  }
0x86: {  	_ =	shalt  }
0x87: {  	_ =	shalt  }
.Lfunc_end0:
.L_simem_size_0:
called_computation.1_lowered:
.L_overlay_start_0:
0x88: {  	s2 =	sld [smem:$0x3FD9]  }
0x89: {  	s3 =	sld [smem:$0x3FFE];
	_ =	sdelay $0x1  }
0x8a: {  	s1 =	srdreg.scid  }
0x8b: {  	s0 =	sand.u32 $0x1, s1  }
0x8c: {  	s16 =	sshll.u32 s0, $0xA;
	s2 =	sadd.s32 s3, s2  }
0x8d: {  	s2 =	sadd.s32 s2, s16  }
0x8e: {  	[smem:$0x3FBE] =	sst s2  }
0x8f: {  	_ = 	snop  }
0x90: {  	(tm) =	ssettm $0x1  }
0x91: {  	s17 =	sld [smem:$0x3FFB];
	_ =	sdelay $0x3  }
0x92: {  	_ =	strace s17  }
0x93: {  	s2 =	sld [smem:$0x3FFC];
	_ =	sdelay $0x3  }
0x94: {  	_ =	strace s2  }
0x95: {  	s2 =	sld [smem:$0x3FFD];
	_ =	sdelay $0x3  }
0x96: {  	_ =	strace s2  }
0x97: {  	_ =	strace $0x8FFFFFFF  }
0x98: {  	s18 =	sld [smem:$0x3FDB];
	_ =	sdelay $0x1  }
0x99: {  	s19 =	simm.s32 $_scs_section_size  }
0x9a: {  	s4 =	simm.s32 $_size__tile_overlayer_lowered;
	s5 =	simm.s32 $_tile_overlayer_lowered  }
0x9b: {  	s22 =	simm.s32 $0x1BFF;
	s21 =	sshll.u32 s5, $0x1;
	s2 =	sadd.s32 s19, s18  }
0x9c: {  	s6 =	simm.s32 $0x0;
	s20 =	sshll.u32 s4, $0x1;
	s4 =	sadd.s32 s21, s2  }
0x9d: {  	[timem:s6], [sflag:s22] =	dma.local [hbm:s4], s20  }
0x9e: {  	_ =	swait.ge [sflag:s22], s20  }
0x9f: {  	s3 =	ssub.s32 $0x0, s20;
	[sflag:s22] =	ssyncset.done $0x0  }
0xa0: {  	[sflag:s22] =	ssyncadd.s32 s3;
	_ =	sdelay $0x1  }
0xa1: {  	s23 =	simm.s32 $0x1B8B  }
0xa2: {  	_ =	swait.ge [sflag:s23], $0x1  }
0xa3: {  	[sflag:s23] =	ssyncset.done $0x0  }
0xa4: {  	s25 =	simm.s32 $0x1B8E;
	s24 =	sld [smem:$0x3FFE];
	[sflag:s23] =	ssyncadd.s32 $0xFFFFFFFF  }
0xa5: {  	s26 =	simm.s32 $execute0_lowered;
	[smem:$0x3FD2] =	sst s25  }
0xa6: {  	s4 =	sshll.u32 s26, $0x1;
	_ =	strace $0x80000049;
	[dreg:$0x1] =	wrdreg $0xFFFFFFFF  }
0xa7: {  	s28 =	simm.s32 $_size_execute0_lowered;
	s2 =	sadd.s32 s2, s4;
	[dreg:$0x0] =	wrdreg $0x0  }
0xa8: {  	s4 =	sshll.u32 s28, $0x1;
	[dreg:$0x2] =	wrdreg s2  }
0xa9: {  	[dreg:$0x3] =	wrdreg s4  }
0xaa: {  	[dreg:$0x4] =	wrdreg $0xC0  }
0xab: {  	_ =	task [dreg:s6], $0x5FFFF  }
0xac: {  	[dreg:$0x1] =	wrdreg $0xFFFFFFFF  }
0xad: {  	[dreg:$0x0] =	wrdreg $0x60  }
0xae: {  	[dreg:$0x2] =	wrdreg s24  }
0xaf: {  	[dreg:$0x3] =	wrdreg $0xC4000  }
0xb0: {  	[dreg:$0x4] =	wrdreg $0x9  }
0xb1: {  	_ =	task.clear_ibuf [dreg:s6], $0x5FFFF;
	_ =	strace $0x90000049  }
0xb2: {  	s29 =	simm.s32 $0x9;
	_ =	strace $0x8000004B  }
0xb3: {  	_ =	swait.ge [sflag:s29], $0x1  }
0xb4: {  	[sflag:s29] =	ssyncadd.s32 $0xFFFFFFFF  }
0xb5: {  	_ =	strace $0x9000004B  }
0xb6: {  	_ =	sfence  }
0xb7: {  	s30 =	sld [smem:$0x0];
	_ =	sdelay $0x2  }
0xb8: {  	s31 =	sshll.u32 s1, $0xD;
	s1 =	sshrl.u32 s1, $0x2  }
0xb9: {  	s3 =	sand.u32 $0x4000, s31;
	s1 =	sadd.s32 s1, s30  }
0xba: {  	s0 =	sor.u32 s3, s0;
	s1 =	sshll.u32 s1, $0x11  }
0xbb: {  	s0 =	sor.u32 s1, s0  }
0xbc: {  	s0 =	sadd.s32 $0x8F2B, s0  }
0xbd: {  	[sflag:s0] =	ssyncadd.remote.s32 $0x1  }
0xbe: {  	_ =	sfence.sel $0xFFFF  }
0xbf: {  	[dreg:$0x0] =	wrdreg $0xFFFFFFFF;
	(pc) =	sbr.abs _section_cstart, $3  }
0xc0: {  	[dreg:$0x1] =	wrdreg $0xFFFFFFFF  }
0xc1: {  	_ =	task.clear_ibuf [dreg:s6], $0x2FFFF;
	_ =	strace $0x9FFFFFFF  }
0xc2: {  	(tm) =	ssettm $0x7FFFFFFF  }
0xc3: {  	_ =	shalt  }
tec
execute0_lowered:
.L_overlay_start_1:
0x0: {  	(tag) =	ssettag $0x1  }
0x1: {  	s0 =	rddreg [dreg:$0x0]  }
0x2: {  	s1 =	rddreg [dreg:$0x1];
	s2 =	srdreg.scid  }
0x3: {  	s3 =	simm.s32 $0x0;
	s10 =	stileid.u32;
	s17 =	simm.s32 $0xBC00  }
0x4: {  	s18 =	simm.s32 $0x8;
	s20 =	simm.s32 $0x64;
	s28 =	simm.s32 $0x8800  }
0x5: {  	s29 =	simm.s32 $0x2;
	s31 =	simm.s32 $0x4;
	s2 =	sand.u32 $0x1, s2  }
0x6: {  	[smem:$0x7FF] =	sst s3;
	s6 =	smul.u32 $0x13800, s10;
	s4 =	sadd.s32 $0x21A00, s0  }
0x7: {  	s7 =	sadd.s32 $0x1A00, s0;
	s8 =	sadd.s32 $0x11A00, s0;
	s22 =	smul.u32 $0x4E000, s10  }
0x8: {  	p0 =	seq.s32 s10, $0xF;
	s10 =	sshll.u32 s10, $0xB;
	s5 =	smul.u32 $0x138800, s2  }
0x9: {  	_ =	strace $0x8000004A;
	s21 =	ssub.s32 $0x2, s2;
	s2 =	sshll.u32 s2, $0xF  }
0xa: {  	s9 =	sshrl.u32 s21, $0x1;
	s2 =	sor.u32 s10, s2;
	s5 =	sadd.s32 s6, s5  }
0xb: {  	s9 =	ssub.s32 s21, s9;
	s6 =	sshrl.u32 s22, $0x2;
	s10 =	sor.u32 $0x200, s2  }
0xc: {  	s11 =	sadd.s32 s7, s2;
	s23 =	sadd.s32 s8, s2;
	s25 =	sor.u32 $0x400, s2  }
0xd: {  	s2 =	sor.u32 $0x600, s2;
	s22 =	simm.s32 $0x1000;
	[dreg:$0x3] =	wrdreg s11  }
0xe: {  	s21 =	simm.s32 $0x2000;
	[dreg:$0x4] =	wrdreg s23;
	s24 =	sadd.s32 s7, s10  }
0xf: {  	s5 =	sshrl.u32 s5, $0x3;
	s10 =	sadd.s32 s8, s10;
	[dreg:$0x5] =	wrdreg s24  }
0x10: {  	s6 =	sadd.s32 s6, s1;
	s26 =	sadd.s32 s7, s25;
	[dreg:$0x6] =	wrdreg s10  }
0x11: {  	s7 =	sadd.s32 s7, s2;
	s2 =	sadd.s32 s8, s2;
	[dreg:$0x7] =	wrdreg s26  }
0x12: {  	s30 =	smax.u32 s9, $0x1;
	s9 =	simm.s32 $0x80;
	[dreg:$0x9] =	wrdreg s7  }
0x13: {  	s23 =	simm.s32 $0x5400;
	s11 =	simm.s32 $0x6;
	[dreg:$0xa] =	wrdreg s2  }
0x14: {  	s0 =	sadd.s32 s5, s0;
	s5 =	simm.s32 $0x28;
	[dreg:$0xb] =	wrdreg s30  }
0x15: {  	s10 =	sadd.s32 s8, s25;
	s24 =	simm.s32 $0x7;
	[dreg:$0xd] =	wrdreg s6  }
0x16: {  	s25 =	simm.s32 $0x1;
	[dreg:$0x8] =	wrdreg s10;
	s0 =	sadd.s32 $0x48C00, s0  }
0x17: {  	s2 =	simm.s32 $0x3;
	s5 =	simm.s32 @!p0 $0x27;
	[dreg:$0xc] =	wrdreg s0  }
0x18: {  	v0 =	vimm.f32 $0.0e+00;
	s8 =	simm.s32 $0x5;
	s26 =	simm.s32 $0x0;
	[dreg:$0xe] =	wrdreg s5  }
.LBB2_1:
0x19: {  	s30 =	simm.s32 $0x0;
	s0 =	simm.s32 $0x200  }
.LBB2_2:
0x1a: {  	p0 =	sne.s32 s0, $0x1E00;
	[tilespmem:s30+$0xBC70] =	vst v0  }
0x1b: {  	[tilespmem:s30+$0xBC00] =	vst v0  }
0x1c: {  	[tilespmem:s30+$0xBC10] =	vst v0  }
.Ltmp0:
0x1d: {  	[tilespmem:s30+$0xBC20] =	vst v0;
	(pc) =	sbr.rel @p0 .LBB2_2-.Ltmp0, $4  }
0x1e: {  	[tilespmem:s30+$0xBC30] =	vst v0  }
0x1f: {  	[tilespmem:s30+$0xBC40] =	vst v0  }
0x20: {  	[tilespmem:s30+$0xBC50] =	vst v0  }
0x21: {  	[tilespmem:s30+$0xBC60] =	vst v0;
	s30 =	sshra.s32 s0, $0x2;
	s0 =	sadd.s32 $0x200, s0  }
0x22: {  	[tilespmem:s30+$0xBC70] =	vst v0  }
0x23: {  	[tilespmem:s30+$0xBC00] =	vst v0  }
0x24: {  	[tilespmem:s30+$0xBC10] =	vst v0  }
0x25: {  	[tilespmem:s30+$0xBC20] =	vst v0;
	p0 =	sne.s32 s5, $0x1  }
.Ltmp1:
0x26: {  	[tilespmem:s30+$0xBC30] =	vst v0;
	(pc) =	sbr.rel @!p0 .LBB2_5-.Ltmp1, $4  }
0x27: {  	[tilespmem:s30+$0xBC40] =	vst v0  }
0x28: {  	[tilespmem:s30+$0xBC50] =	vst v0  }
0x29: {  	[tilespmem:s30+$0xBC60] =	vst v0;
	s0 =	sadd.s32 $0xFFFFFFFF, s5;
	s7 =	smov.u32 s6  }
0x2a: {  	[spmem:s6] =	stream.linear.scatter [tilespmem:s17], [sflag:$0x7], $0x800, $0x38;
	[tilespmem:$0x1FC80] =	vst v63  }
.LBB2_4:
0x2b: {  	p1 =	sne.s32 s0, $0x1  }
.Ltmp2:
0x2c: {  	_ = 	snop;
	(pc) =	sbr.rel @p1 .LBB2_4-.Ltmp2, $3  }
0x2d: {  	_ = 	snop  }
0x2e: {  	s0 =	sadd.s32 $0xFFFFFFFF, s0;
	s7 =	sadd.s32 $0x800, s7;
	_ =	sdelay $0x1  }
0x2f: {  	[spmem:s7] =	stream.linear.scatter [tilespmem:s17], [sflag:$0x7], $0x800, $0x38;
	[tilespmem:$0x1FC80] =	vst v63  }
.LBB2_5:
0x30: {  	s0 =	rddreg [dreg:$0x3];
	s3 =	simm.s32 $0x0  }
0x31: {  	[tilespmem:s3], [sflag:$0x8] =	stream.linear.gather [hbm4b:s0+s3], $0xC80, $0x38;
	[tilespmem:$0x1FC80] =	vst v63  }
0x32: {  	_ =	swait.ge [sflag:s18], $0xC80  }
0x33: {  	[sflag:s18] =	ssyncset.done $0x0  }
0x34: {  	s30 =	rddreg [dreg:$0x4];
	[sflag:s18] =	ssyncadd.s32 $0xFFFFF380  }
0x35: {  	[tilespmem:s22], [sflag:$0x8] =	stream.linear.gather [hbm4b:s30+s3], $0xC80, $0x38;
	[tilespmem:$0x1FC80] =	vst v63  }
0x36: {  	_ =	swait.ge [sflag:s18], $0xC80  }
0x37: {  	[sflag:s18] =	ssyncset.done $0x0  }
0x38: {  	[sflag:s18] =	ssyncadd.s32 $0xFFFFF380  }
0x39: {  	[tilespmem:s21], [sflag:$0x1] =	stream.indirect.gather [hbm4b:s4+s20], $0x80, s3, s20, $0xb8;
	[tilespmem:$0x1FC80] =	vst v63  }
.Ltmp3:
0x3a: {  	_ = 	snop;
	(pc) =	sbr.rel @!p0 .LBB2_7-.Ltmp3, $4  }
0x3b: {  	_ = 	snop  }
0x3c: {  	[tilespmem:s23], [sflag:$0x2] =	stream.indirect.gather [hbm4b:s4+s20], $0x80, s9, s20, $0xb8;
	[tilespmem:$0x1FC80] =	vst v63  }
0x3d: {  	_ =	swait.ge [sflag:s24], $0x800  }
0x3e: {  	s0 =	sadd.s32 $0xFFFFFFFF, s5;
	[sflag:s24] =	ssyncset.done $0x0  }
.LBB2_6:
0x3f: {  	p1 =	sne.s32 s0, $0x1;
	s0 =	sadd.s32 $0xFFFFFFFF, s0;
	[sflag:s24] =	ssyncadd.s32 $0xFFFFF800  }
.Ltmp4:
0x40: {  	(pc) =	sbr.rel @p1 .LBB2_6-.Ltmp4, $3  }
0x41: {  	_ =	sdelay $0x1  }
0x42: {  	_ =	swait.ge [sflag:s24], $0x800  }
0x43: {  	[sflag:s24] =	ssyncset.done $0x0  }
.LBB2_7:
0x44: {  	[sflag:s24] =	ssyncadd.s32 $0xFFFFF800  }
0x45: {  	[bflag:$0x0] =	sbarrier.arrive $0xFFFF  }
0x46: {  	_ =	swait.ge [sflag:s25], $0x3200  }
0x47: {  	[sflag:s25] =	ssyncset.done $0x0  }
0x48: {  	[sflag:s25] =	ssyncadd.s32 $0xFFFFCE00  }
0x49: {  	[spmem:s1] =	stream.indirect.scatter.add.f32 [tilespmem:s21], [sflag:$0x4], $0x80, s22, s20, $0xb8;
	[tilespmem:$0x1FC80] =	vst v63  }
0x4a: {  	s0 =	simm.s32 $0x100  }
0x4b: {  	[tilespmem:s28], [sflag:$0x3] =	stream.indirect.gather [hbm4b:s4+s20], $0x80, s0, s20, $0xb8;
	[tilespmem:$0x1FC80] =	vst v63  }
0x4c: {  	_ =	swait.ge [sflag:s29], $0x3200  }
0x4d: {  	[sflag:s29] =	ssyncset.done $0x0  }
0x4e: {  	s15 =	simm.s32 $0x1080;
	[sflag:s29] =	ssyncadd.s32 $0xFFFFCE00  }
0x4f: {  	[spmem:s1] =	stream.indirect.scatter.add.f32 [tilespmem:s23], [sflag:$0x5], $0x80, s15, s20, $0xb8;
	[tilespmem:$0x1FC80] =	vst v63  }
0x50: {  	_ =	swait.ge [sflag:s31], $0x3200  }
0x51: {  	[sflag:s31] =	ssyncset.done $0x0  }
0x52: {  	s16 =	simm.s32 $0x180;
	[sflag:s31] =	ssyncadd.s32 $0xFFFFCE00  }
0x53: {  	[tilespmem:s21], [sflag:$0x1] =	stream.indirect.gather [hbm4b:s4+s20], $0x80, s16, s20, $0xb8;
	[tilespmem:$0x1FC80] =	vst v63  }
0x54: {  	_ =	swait.ge [sflag:s2], $0x3200  }
0x55: {  	[sflag:s2] =	ssyncset.done $0x0  }
0x56: {  	s19 =	simm.s32 $0x1100;
	[sflag:s2] =	ssyncadd.s32 $0xFFFFCE00  }
0x57: {  	[spmem:s1] =	stream.indirect.scatter.add.f32 [tilespmem:s28], [sflag:$0x6], $0x80, s19, s20, $0xb8;
	[tilespmem:$0x1FC80] =	vst v63  }
0x58: {  	_ =	swait.ge [sflag:s8], $0x3200  }
0x59: {  	[sflag:s8] =	ssyncset.done $0x0  }
0x5a: {  	s22 =	simm.s32 $0x200;
	[sflag:s8] =	ssyncadd.s32 $0xFFFFCE00  }
0x5b: {  	[tilespmem:s23], [sflag:$0x2] =	stream.indirect.gather [hbm4b:s4+s20], $0x80, s22, s20, $0xb8;
	[tilespmem:$0x1FC80] =	vst v63  }
0x5c: {  	_ =	swait.ge [sflag:s25], $0x3200  }
0x5d: {  	[sflag:s25] =	ssyncset.done $0x0  }
0x5e: {  	s3 =	simm.s32 $0x1180;
	[sflag:s25] =	ssyncadd.s32 $0xFFFFCE00  }
0x5f: {  	[spmem:s1] =	stream.indirect.scatter.add.f32 [tilespmem:s21], [sflag:$0x4], $0x80, s3, s20, $0xb8;
	[tilespmem:$0x1FC80] =	vst v63  }
0x60: {  	_ =	swait.ge [sflag:s11], $0x3200  }
0x61: {  	[sflag:s11] =	ssyncset.done $0x0  }
0x62: {  	s5 =	simm.s32 $0x280;
	[sflag:s11] =	ssyncadd.s32 $0xFFFFCE00  }
0x63: {  	[tilespmem:s28], [sflag:$0x3] =	stream.indirect.gather [hbm4b:s4+s20], $0x80, s5, s20, $0xb8;
	[tilespmem:$0x1FC80] =	vst v63  }
0x64: {  	_ =	swait.ge [sflag:s29], $0x3200  }
0x65: {  	[sflag:s29] =	ssyncset.done $0x0  }
0x66: {  	s6 =	simm.s32 $0x1200;
	[sflag:s29] =	ssyncadd.s32 $0xFFFFCE00  }
0x67: {  	[spmem:s1] =	stream.indirect.scatter.add.f32 [tilespmem:s23], [sflag:$0x5], $0x80, s6, s20, $0xb8;
	[tilespmem:$0x1FC80] =	vst v63  }
0x68: {  	_ =	swait.ge [sflag:s31], $0x3200  }
0x69: {  	[sflag:s31] =	ssyncset.done $0x0  }
0x6a: {  	s7 =	simm.s32 $0x300;
	[sflag:s31] =	ssyncadd.s32 $0xFFFFCE00  }
0x6b: {  	[tilespmem:s21], [sflag:$0x1] =	stream.indirect.gather [hbm4b:s4+s20], $0x80, s7, s20, $0xb8;
	[tilespmem:$0x1FC80] =	vst v63  }
0x6c: {  	_ =	swait.ge [sflag:s2], $0x3200  }
0x6d: {  	[sflag:s2] =	ssyncset.done $0x0  }
0x6e: {  	s10 =	simm.s32 $0x1280;
	[sflag:s2] =	ssyncadd.s32 $0xFFFFCE00  }
0x6f: {  	[spmem:s1] =	stream.indirect.scatter.add.f32 [tilespmem:s28], [sflag:$0x6], $0x80, s10, s20, $0xb8;
	[tilespmem:$0x1FC80] =	vst v63  }
0x70: {  	_ =	swait.ge [sflag:s8], $0x3200  }
0x71: {  	[sflag:s8] =	ssyncset.done $0x0  }
0x72: {  	s12 =	simm.s32 $0x380;
	[sflag:s8] =	ssyncadd.s32 $0xFFFFCE00  }
0x73: {  	[tilespmem:s23], [sflag:$0x2] =	stream.indirect.gather [hbm4b:s4+s20], $0x80, s12, s20, $0xb8;
	[tilespmem:$0x1FC80] =	vst v63  }
0x74: {  	_ =	swait.ge [sflag:s25], $0x3200  }
0x75: {  	[sflag:s25] =	ssyncset.done $0x0  }
0x76: {  	s13 =	simm.s32 $0x1300;
	[sflag:s25] =	ssyncadd.s32 $0xFFFFCE00  }
0x77: {  	[spmem:s1] =	stream.indirect.scatter.add.f32 [tilespmem:s21], [sflag:$0x4], $0x80, s13, s20, $0xb8;
	[tilespmem:$0x1FC80] =	vst v63  }
0x78: {  	_ =	swait.ge [sflag:s11], $0x3200  }
0x79: {  	[sflag:s11] =	ssyncset.done $0x0  }
0x7a: {  	s14 =	simm.s32 $0x400;
	[sflag:s11] =	ssyncadd.s32 $0xFFFFCE00  }
0x7b: {  	[tilespmem:s28], [sflag:$0x3] =	stream.indirect.gather [hbm4b:s4+s20], $0x80, s14, s20, $0xb8;
	[tilespmem:$0x1FC80] =	vst v63  }
0x7c: {  	_ =	swait.ge [sflag:s29], $0x3200  }
0x7d: {  	[sflag:s29] =	ssyncset.done $0x0  }
0x7e: {  	s15 =	simm.s32 $0x1380;
	[sflag:s29] =	ssyncadd.s32 $0xFFFFCE00  }
0x7f: {  	[spmem:s1] =	stream.indirect.scatter.add.f32 [tilespmem:s23], [sflag:$0x5], $0x80, s15, s20, $0xb8;
	[tilespmem:$0x1FC80] =	vst v63  }
0x80: {  	_ =	swait.ge [sflag:s31], $0x3200  }
0x81: {  	[sflag:s31] =	ssyncset.done $0x0  }
0x82: {  	s16 =	simm.s32 $0x480;
	[sflag:s31] =	ssyncadd.s32 $0xFFFFCE00  }
0x83: {  	[tilespmem:s21], [sflag:$0x1] =	stream.indirect.gather [hbm4b:s4+s20], $0x80, s16, s20, $0xb8;
	[tilespmem:$0x1FC80] =	vst v63  }
0x84: {  	_ =	swait.ge [sflag:s2], $0x3200  }
0x85: {  	[sflag:s2] =	ssyncset.done $0x0  }
0x86: {  	s22 =	simm.s32 $0x1400;
	[sflag:s2] =	ssyncadd.s32 $0xFFFFCE00  }
0x87: {  	[spmem:s1] =	stream.indirect.scatter.add.f32 [tilespmem:s28], [sflag:$0x6], $0x80, s22, s20, $0xb8;
	[tilespmem:$0x1FC80] =	vst v63  }
0x88: {  	_ =	swait.ge [sflag:s8], $0x3200  }
0x89: {  	[sflag:s8] =	ssyncset.done $0x0  }
0x8a: {  	s3 =	simm.s32 $0x500;
	[sflag:s8] =	ssyncadd.s32 $0xFFFFCE00  }
0x8b: {  	[tilespmem:s23], [sflag:$0x2] =	stream.indirect.gather [hbm4b:s4+s20], $0x80, s3, s20, $0xb8;
	[tilespmem:$0x1FC80] =	vst v63  }
0x8c: {  	_ =	swait.ge [sflag:s25], $0x3200  }
0x8d: {  	[sflag:s25] =	ssyncset.done $0x0  }
0x8e: {  	s5 =	simm.s32 $0x1480;
	[sflag:s25] =	ssyncadd.s32 $0xFFFFCE00  }
0x8f: {  	[spmem:s1] =	stream.indirect.scatter.add.f32 [tilespmem:s21], [sflag:$0x4], $0x80, s5, s20, $0xb8;
	[tilespmem:$0x1FC80] =	vst v63  }
0x90: {  	_ =	swait.ge [sflag:s11], $0x3200  }
0x91: {  	[sflag:s11] =	ssyncset.done $0x0  }
0x92: {  	s15 =	simm.s32 $0x580;
	[sflag:s11] =	ssyncadd.s32 $0xFFFFCE00  }
0x93: {  	[tilespmem:s28], [sflag:$0x3] =	stream.indirect.gather [hbm4b:s4+s20], $0x80, s15, s20, $0xb8;
	[tilespmem:$0x1FC80] =	vst v63  }
0x94: {  	_ =	swait.ge [sflag:s29], $0x3200  }
0x95: {  	[sflag:s29] =	ssyncset.done $0x0  }
0x96: {  	s22 =	simm.s32 $0x1500;
	[sflag:s29] =	ssyncadd.s32 $0xFFFFCE00  }
0x97: {  	[spmem:s1] =	stream.indirect.scatter.add.f32 [tilespmem:s23], [sflag:$0x5], $0x80, s22, s20, $0xb8;
	[tilespmem:$0x1FC80] =	vst v63  }
0x98: {  	_ =	swait.ge [sflag:s31], $0x3200  }
0x99: {  	[sflag:s31] =	ssyncset.done $0x0  }
0x9a: {  	s3 =	simm.s32 $0x600;
	[sflag:s31] =	ssyncadd.s32 $0xFFFFCE00  }
0x9b: {  	[tilespmem:s21], [sflag:$0x1] =	stream.indirect.gather [hbm4b:s4+s20], $0x80, s3, s20, $0xb8;
	[tilespmem:$0x1FC80] =	vst v63  }
0x9c: {  	_ =	swait.ge [sflag:s2], $0x3200  }
0x9d: {  	[sflag:s2] =	ssyncset.done $0x0  }
0x9e: {  	s3 =	simm.s32 $0x1580;
	[sflag:s2] =	ssyncadd.s32 $0xFFFFCE00  }
0x9f: {  	[spmem:s1] =	stream.indirect.scatter.add.f32 [tilespmem:s28], [sflag:$0x6], $0x80, s3, s20, $0xb8;
	[tilespmem:$0x1FC80] =	vst v63  }
0xa0: {  	_ =	swait.ge [sflag:s8], $0x3200  }
0xa1: {  	[sflag:s8] =	ssyncset.done $0x0  }
0xa2: {  	s3 =	simm.s32 $0x680;
	[sflag:s8] =	ssyncadd.s32 $0xFFFFCE00  }
0xa3: {  	[tilespmem:s23], [sflag:$0x2] =	stream.indirect.gather [hbm4b:s4+s20], $0x80, s3, s20, $0xb8;
	[tilespmem:$0x1FC80] =	vst v63  }
0xa4: {  	_ =	swait.ge [sflag:s25], $0x3200  }
0xa5: {  	[sflag:s25] =	ssyncset.done $0x0  }
0xa6: {  	s3 =	simm.s32 $0x1600;
	[sflag:s25] =	ssyncadd.s32 $0xFFFFCE00  }
0xa7: {  	[spmem:s1] =	stream.indirect.scatter.add.f32 [tilespmem:s21], [sflag:$0x4], $0x80, s3, s20, $0xb8;
	[tilespmem:$0x1FC80] =	vst v63  }
0xa8: {  	_ =	swait.ge [sflag:s11], $0x3200  }
0xa9: {  	[sflag:s11] =	ssyncset.done $0x0  }
0xaa: {  	s3 =	simm.s32 $0x700;
	[sflag:s11] =	ssyncadd.s32 $0xFFFFCE00  }
0xab: {  	[tilespmem:s28], [sflag:$0x3] =	stream.indirect.gather [hbm4b:s4+s20], $0x80, s3, s20, $0xb8;
	[tilespmem:$0x1FC80] =	vst v63  }
0xac: {  	_ =	swait.ge [sflag:s29], $0x3200  }
0xad: {  	[sflag:s29] =	ssyncset.done $0x0  }
0xae: {  	s3 =	simm.s32 $0x1680;
	[sflag:s29] =	ssyncadd.s32 $0xFFFFCE00  }
0xaf: {  	[spmem:s1] =	stream.indirect.scatter.add.f32 [tilespmem:s23], [sflag:$0x5], $0x80, s3, s20, $0xb8;
	[tilespmem:$0x1FC80] =	vst v63  }
0xb0: {  	_ =	swait.ge [sflag:s31], $0x3200  }
0xb1: {  	[sflag:s31] =	ssyncset.done $0x0  }
0xb2: {  	s3 =	simm.s32 $0x780;
	[sflag:s31] =	ssyncadd.s32 $0xFFFFCE00  }
0xb3: {  	[tilespmem:s21], [sflag:$0x1] =	stream.indirect.gather [hbm4b:s4+s20], $0x80, s3, s20, $0xb8;
	[tilespmem:$0x1FC80] =	vst v63  }
0xb4: {  	_ =	swait.ge [sflag:s2], $0x3200  }
0xb5: {  	[sflag:s2] =	ssyncset.done $0x0  }
0xb6: {  	s3 =	simm.s32 $0x1700;
	[sflag:s2] =	ssyncadd.s32 $0xFFFFCE00  }
0xb7: {  	[spmem:s1] =	stream.indirect.scatter.add.f32 [tilespmem:s28], [sflag:$0x6], $0x80, s3, s20, $0xb8;
	[tilespmem:$0x1FC80] =	vst v63  }
0xb8: {  	_ =	swait.ge [sflag:s8], $0x3200  }
0xb9: {  	[sflag:s8] =	ssyncset.done $0x0  }
0xba: {  	s3 =	simm.s32 $0x800;
	[sflag:s8] =	ssyncadd.s32 $0xFFFFCE00  }
0xbb: {  	[tilespmem:s23], [sflag:$0x2] =	stream.indirect.gather [hbm4b:s4+s20], $0x80, s3, s20, $0xb8;
	[tilespmem:$0x1FC80] =	vst v63  }
0xbc: {  	_ =	swait.ge [sflag:s25], $0x3200  }
0xbd: {  	[sflag:s25] =	ssyncset.done $0x0  }
0xbe: {  	s3 =	simm.s32 $0x1780;
	[sflag:s25] =	ssyncadd.s32 $0xFFFFCE00  }
0xbf: {  	[spmem:s1] =	stream.indirect.scatter.add.f32 [tilespmem:s21], [sflag:$0x4], $0x80, s3, s20, $0xb8;
	[tilespmem:$0x1FC80] =	vst v63  }
0xc0: {  	_ =	swait.ge [sflag:s11], $0x3200  }
0xc1: {  	[sflag:s11] =	ssyncset.done $0x0  }
0xc2: {  	s3 =	simm.s32 $0x880;
	[sflag:s11] =	ssyncadd.s32 $0xFFFFCE00  }
0xc3: {  	[tilespmem:s28], [sflag:$0x3] =	stream.indirect.gather [hbm4b:s4+s20], $0x80, s3, s20, $0xb8;
	[tilespmem:$0x1FC80] =	vst v63  }
0xc4: {  	_ =	swait.ge [sflag:s29], $0x3200  }
0xc5: {  	[sflag:s29] =	ssyncset.done $0x0  }
0xc6: {  	s3 =	simm.s32 $0x1800;
	[sflag:s29] =	ssyncadd.s32 $0xFFFFCE00  }
0xc7: {  	[spmem:s1] =	stream.indirect.scatter.add.f32 [tilespmem:s23], [sflag:$0x5], $0x80, s3, s20, $0xb8;
	[tilespmem:$0x1FC80] =	vst v63  }
0xc8: {  	_ =	swait.ge [sflag:s31], $0x3200  }
0xc9: {  	[sflag:s31] =	ssyncset.done $0x0  }
0xca: {  	s3 =	simm.s32 $0x900;
	[sflag:s31] =	ssyncadd.s32 $0xFFFFCE00  }
0xcb: {  	[tilespmem:s21], [sflag:$0x1] =	stream.indirect.gather [hbm4b:s4+s20], $0x80, s3, s20, $0xb8;
	[tilespmem:$0x1FC80] =	vst v63  }
0xcc: {  	_ =	swait.ge [sflag:s2], $0x3200  }
0xcd: {  	[sflag:s2] =	ssyncset.done $0x0  }
0xce: {  	s3 =	simm.s32 $0x1880;
	[sflag:s2] =	ssyncadd.s32 $0xFFFFCE00  }
0xcf: {  	[spmem:s1] =	stream.indirect.scatter.add.f32 [tilespmem:s28], [sflag:$0x6], $0x80, s3, s20, $0xb8;
	[tilespmem:$0x1FC80] =	vst v63  }
0xd0: {  	_ =	swait.ge [sflag:s8], $0x3200  }
0xd1: {  	[sflag:s8] =	ssyncset.done $0x0  }
0xd2: {  	s3 =	simm.s32 $0x980;
	[sflag:s8] =	ssyncadd.s32 $0xFFFFCE00  }
0xd3: {  	[tilespmem:s23], [sflag:$0x2] =	stream.indirect.gather [hbm4b:s4+s20], $0x80, s3, s20, $0xb8;
	[tilespmem:$0x1FC80] =	vst v63  }
0xd4: {  	_ =	swait.ge [sflag:s25], $0x3200  }
0xd5: {  	[sflag:s25] =	ssyncset.done $0x0  }
0xd6: {  	s3 =	simm.s32 $0x1900;
	[sflag:s25] =	ssyncadd.s32 $0xFFFFCE00  }
0xd7: {  	[spmem:s1] =	stream.indirect.scatter.add.f32 [tilespmem:s21], [sflag:$0x4], $0x80, s3, s20, $0xb8;
	[tilespmem:$0x1FC80] =	vst v63  }
0xd8: {  	_ =	swait.ge [sflag:s11], $0x3200  }
0xd9: {  	[sflag:s11] =	ssyncset.done $0x0  }
0xda: {  	s3 =	simm.s32 $0xA00;
	[sflag:s11] =	ssyncadd.s32 $0xFFFFCE00  }
0xdb: {  	[tilespmem:s28], [sflag:$0x3] =	stream.indirect.gather [hbm4b:s4+s20], $0x80, s3, s20, $0xb8;
	[tilespmem:$0x1FC80] =	vst v63  }
0xdc: {  	_ =	swait.ge [sflag:s29], $0x3200  }
0xdd: {  	[sflag:s29] =	ssyncset.done $0x0  }
0xde: {  	s3 =	simm.s32 $0x1980;
	[sflag:s29] =	ssyncadd.s32 $0xFFFFCE00  }
0xdf: {  	[spmem:s1] =	stream.indirect.scatter.add.f32 [tilespmem:s23], [sflag:$0x5], $0x80, s3, s20, $0xb8;
	[tilespmem:$0x1FC80] =	vst v63  }
0xe0: {  	_ =	swait.ge [sflag:s31], $0x3200  }
0xe1: {  	[sflag:s31] =	ssyncset.done $0x0  }
0xe2: {  	s3 =	simm.s32 $0xA80;
	[sflag:s31] =	ssyncadd.s32 $0xFFFFCE00  }
0xe3: {  	[tilespmem:s21], [sflag:$0x1] =	stream.indirect.gather [hbm4b:s4+s20], $0x80, s3, s20, $0xb8;
	[tilespmem:$0x1FC80] =	vst v63  }
0xe4: {  	_ =	swait.ge [sflag:s2], $0x3200  }
0xe5: {  	[sflag:s2] =	ssyncset.done $0x0  }
0xe6: {  	s3 =	simm.s32 $0x1A00;
	[sflag:s2] =	ssyncadd.s32 $0xFFFFCE00  }
0xe7: {  	[spmem:s1] =	stream.indirect.scatter.add.f32 [tilespmem:s28], [sflag:$0x6], $0x80, s3, s20, $0xb8;
	[tilespmem:$0x1FC80] =	vst v63  }
0xe8: {  	_ =	swait.ge [sflag:s8], $0x3200  }
0xe9: {  	[sflag:s8] =	ssyncset.done $0x0  }
0xea: {  	s3 =	simm.s32 $0xB00;
	[sflag:s8] =	ssyncadd.s32 $0xFFFFCE00  }
0xeb: {  	[tilespmem:s23], [sflag:$0x2] =	stream.indirect.gather [hbm4b:s4+s20], $0x80, s3, s20, $0xb8;
	[tilespmem:$0x1FC80] =	vst v63  }
0xec: {  	_ =	swait.ge [sflag:s25], $0x3200  }
0xed: {  	[sflag:s25] =	ssyncset.done $0x0  }
0xee: {  	s3 =	simm.s32 $0x1A80;
	[sflag:s25] =	ssyncadd.s32 $0xFFFFCE00  }
0xef: {  	[spmem:s1] =	stream.indirect.scatter.add.f32 [tilespmem:s21], [sflag:$0x4], $0x80, s3, s20, $0xb8;
	[tilespmem:$0x1FC80] =	vst v63  }
0xf0: {  	_ =	swait.ge [sflag:s11], $0x3200  }
0xf1: {  	[sflag:s11] =	ssyncset.done $0x0  }
0xf2: {  	s3 =	simm.s32 $0xB80;
	[sflag:s11] =	ssyncadd.s32 $0xFFFFCE00  }
0xf3: {  	[tilespmem:s28], [sflag:$0x3] =	stream.indirect.gather [hbm4b:s4+s20], $0x80, s3, s20, $0xb8;
	[tilespmem:$0x1FC80] =	vst v63  }
0xf4: {  	_ =	swait.ge [sflag:s29], $0x3200  }
0xf5: {  	[sflag:s29] =	ssyncset.done $0x0  }
0xf6: {  	s3 =	simm.s32 $0x1B00;
	[sflag:s29] =	ssyncadd.s32 $0xFFFFCE00  }
0xf7: {  	[spmem:s1] =	stream.indirect.scatter.add.f32 [tilespmem:s23], [sflag:$0x5], $0x80, s3, s20, $0xb8;
	[tilespmem:$0x1FC80] =	vst v63  }
0xf8: {  	_ =	swait.ge [sflag:s31], $0x3200  }
0xf9: {  	[sflag:s31] =	ssyncset.done $0x0  }
0xfa: {  	s3 =	simm.s32 $0xC00;
	[sflag:s31] =	ssyncadd.s32 $0xFFFFCE00  }
0xfb: {  	[tilespmem:s21], [sflag:$0x1] =	stream.indirect.gather [hbm4b:s4+s20], $0x80, s3, s20, $0xb8;
	[tilespmem:$0x1FC80] =	vst v63  }
0xfc: {  	_ =	swait.ge [sflag:s2], $0x3200  }
0xfd: {  	[sflag:s2] =	ssyncset.done $0x0  }
0xfe: {  	s3 =	simm.s32 $0x1B80;
	[sflag:s2] =	ssyncadd.s32 $0xFFFFCE00  }
0xff: {  	[spmem:s1] =	stream.indirect.scatter.add.f32 [tilespmem:s28], [sflag:$0x6], $0x80, s3, s20, $0xb8;
	[tilespmem:$0x1FC80] =	vst v63  }
0x100: {  	_ =	swait.ge [sflag:s8], $0x3200  }
0x101: {  	[sflag:s8] =	ssyncset.done $0x0  }
0x102: {  	[sflag:s8] =	ssyncadd.s32 $0xFFFFCE00  }
0x103: {  	_ =	swait.ge [sflag:s25], $0x3200  }
0x104: {  	[sflag:s25] =	ssyncset.done $0x0  }
0x105: {  	s3 =	simm.s32 $0x1C00;
	[sflag:s25] =	ssyncadd.s32 $0xFFFFCE00  }
0x106: {  	[spmem:s1] =	stream.indirect.scatter.add.f32 [tilespmem:s21], [sflag:$0x4], $0x80, s3, s20, $0xb8;
	[tilespmem:$0x1FC80] =	vst v63  }
0x107: {  	_ =	swait.ge [sflag:s11], $0x3200  }
0x108: {  	[sflag:s11] =	ssyncset.done $0x0  }
0x109: {  	[sflag:s11] =	ssyncadd.s32 $0xFFFFCE00  }
0x10a: {  	_ =	swait.ge [sflag:s31], $0x3200  }
0x10b: {  	[sflag:s31] =	ssyncset.done $0x0  }
0x10c: {  	s3 =	simm.s32 $0x0;
	s0 =	rddreg [dreg:$0x5];
	[sflag:s31] =	ssyncadd.s32 $0xFFFFCE00  }
0x10d: {  	[tilespmem:s3], [sflag:$0x8] =	stream.linear.gather [hbm4b:s0+s3], $0xC80, $0x38;
	[tilespmem:$0x1FC80] =	vst v63  }
0x10e: {  	_ =	swait.ge [sflag:s18], $0xC80  }
0x10f: {  	[sflag:s18] =	ssyncset.done $0x0  }
0x110: {  	s5 =	simm.s32 $0x1000;
	s0 =	rddreg [dreg:$0x6];
	[sflag:s18] =	ssyncadd.s32 $0xFFFFF380  }
0x111: {  	[tilespmem:s5], [sflag:$0x8] =	stream.linear.gather [hbm4b:s0+s3], $0xC80, $0x38;
	[tilespmem:$0x1FC80] =	vst v63  }
0x112: {  	_ =	swait.ge [sflag:s18], $0xC80  }
0x113: {  	[sflag:s18] =	ssyncset.done $0x0  }
0x114: {  	[sflag:s18] =	ssyncadd.s32 $0xFFFFF380  }
0x115: {  	[tilespmem:s21], [sflag:$0x1] =	stream.indirect.gather [hbm4b:s4+s20], $0x80, s3, s20, $0xb8;
	[tilespmem:$0x1FC80] =	vst v63  }
0x116: {  	_ = 	snop  }
0x117: {  	[tilespmem:s23], [sflag:$0x2] =	stream.indirect.gather [hbm4b:s4+s20], $0x80, s9, s20, $0xb8;
	[tilespmem:$0x1FC80] =	vst v63  }
0x118: {  	_ =	swait.ge [sflag:s25], $0x3200  }
0x119: {  	[sflag:s25] =	ssyncset.done $0x0  }
0x11a: {  	[sflag:s25] =	ssyncadd.s32 $0xFFFFCE00  }
0x11b: {  	[spmem:s1] =	stream.indirect.scatter.add.f32 [tilespmem:s21], [sflag:$0x4], $0x80, s5, s20, $0xb8;
	[tilespmem:$0x1FC80] =	vst v63  }
0x11c: {  	s5 =	simm.s32 $0x100  }
0x11d: {  	[tilespmem:s28], [sflag:$0x3] =	stream.indirect.gather [hbm4b:s4+s20], $0x80, s5, s20, $0xb8;
	[tilespmem:$0x1FC80] =	vst v63  }
0x11e: {  	_ =	swait.ge [sflag:s29], $0x3200  }
0x11f: {  	[sflag:s29] =	ssyncset.done $0x0  }
0x120: {  	s5 =	simm.s32 $0x1080;
	[sflag:s29] =	ssyncadd.s32 $0xFFFFCE00  }
0x121: {  	[spmem:s1] =	stream.indirect.scatter.add.f32 [tilespmem:s23], [sflag:$0x5], $0x80, s5, s20, $0xb8;
	[tilespmem:$0x1FC80] =	vst v63  }
0x122: {  	_ =	swait.ge [sflag:s31], $0x3200  }
0x123: {  	[sflag:s31] =	ssyncset.done $0x0  }
0x124: {  	s5 =	simm.s32 $0x180;
	[sflag:s31] =	ssyncadd.s32 $0xFFFFCE00  }
0x125: {  	[tilespmem:s21], [sflag:$0x1] =	stream.indirect.gather [hbm4b:s4+s20], $0x80, s5, s20, $0xb8;
	[tilespmem:$0x1FC80] =	vst v63  }
0x126: {  	_ =	swait.ge [sflag:s2], $0x3200  }
0x127: {  	[sflag:s2] =	ssyncset.done $0x0  }
0x128: {  	s5 =	simm.s32 $0x1100;
	[sflag:s2] =	ssyncadd.s32 $0xFFFFCE00  }
0x129: {  	[spmem:s1] =	stream.indirect.scatter.add.f32 [tilespmem:s28], [sflag:$0x6], $0x80, s5, s20, $0xb8;
	[tilespmem:$0x1FC80] =	vst v63  }
0x12a: {  	_ =	swait.ge [sflag:s8], $0x3200  }
0x12b: {  	[sflag:s8] =	ssyncset.done $0x0  }
0x12c: {  	s5 =	simm.s32 $0x200;
	[sflag:s8] =	ssyncadd.s32 $0xFFFFCE00  }
0x12d: {  	[tilespmem:s23], [sflag:$0x2] =	stream.indirect.gather [hbm4b:s4+s20], $0x80, s5, s20, $0xb8;
	[tilespmem:$0x1FC80] =	vst v63  }
0x12e: {  	_ =	swait.ge [sflag:s25], $0x3200  }
0x12f: {  	[sflag:s25] =	ssyncset.done $0x0  }
0x130: {  	s5 =	simm.s32 $0x1180;
	[sflag:s25] =	ssyncadd.s32 $0xFFFFCE00  }
0x131: {  	[spmem:s1] =	stream.indirect.scatter.add.f32 [tilespmem:s21], [sflag:$0x4], $0x80, s5, s20, $0xb8;
	[tilespmem:$0x1FC80] =	vst v63  }
0x132: {  	_ =	swait.ge [sflag:s11], $0x3200  }
0x133: {  	[sflag:s11] =	ssyncset.done $0x0  }
0x134: {  	s5 =	simm.s32 $0x280;
	[sflag:s11] =	ssyncadd.s32 $0xFFFFCE00  }
0x135: {  	[tilespmem:s28], [sflag:$0x3] =	stream.indirect.gather [hbm4b:s4+s20], $0x80, s5, s20, $0xb8;
	[tilespmem:$0x1FC80] =	vst v63  }
0x136: {  	_ =	swait.ge [sflag:s29], $0x3200  }
0x137: {  	[sflag:s29] =	ssyncset.done $0x0  }
0x138: {  	s5 =	simm.s32 $0x1200;
	[sflag:s29] =	ssyncadd.s32 $0xFFFFCE00  }
0x139: {  	[spmem:s1] =	stream.indirect.scatter.add.f32 [tilespmem:s23], [sflag:$0x5], $0x80, s5, s20, $0xb8;
	[tilespmem:$0x1FC80] =	vst v63  }
0x13a: {  	_ =	swait.ge [sflag:s31], $0x3200  }
0x13b: {  	[sflag:s31] =	ssyncset.done $0x0  }
0x13c: {  	s5 =	simm.s32 $0x300;
	[sflag:s31] =	ssyncadd.s32 $0xFFFFCE00  }
0x13d: {  	[tilespmem:s21], [sflag:$0x1] =	stream.indirect.gather [hbm4b:s4+s20], $0x80, s5, s20, $0xb8;
	[tilespmem:$0x1FC80] =	vst v63  }
0x13e: {  	_ =	swait.ge [sflag:s2], $0x3200  }
0x13f: {  	[sflag:s2] =	ssyncset.done $0x0  }
0x140: {  	s19 =	simm.s32 $0x1280;
	[sflag:s2] =	ssyncadd.s32 $0xFFFFCE00  }
0x141: {  	[spmem:s1] =	stream.indirect.scatter.add.f32 [tilespmem:s28], [sflag:$0x6], $0x80, s19, s20, $0xb8;
	[tilespmem:$0x1FC80] =	vst v63  }
0x142: {  	_ =	swait.ge [sflag:s8], $0x3200  }
0x143: {  	[sflag:s8] =	ssyncset.done $0x0  }
0x144: {  	s6 =	simm.s32 $0x380;
	[sflag:s8] =	ssyncadd.s32 $0xFFFFCE00  }
0x145: {  	[tilespmem:s23], [sflag:$0x2] =	stream.indirect.gather [hbm4b:s4+s20], $0x80, s6, s20, $0xb8;
	[tilespmem:$0x1FC80] =	vst v63  }
0x146: {  	_ =	swait.ge [sflag:s25], $0x3200  }
0x147: {  	[sflag:s25] =	ssyncset.done $0x0  }
0x148: {  	s7 =	simm.s32 $0x1300;
	[sflag:s25] =	ssyncadd.s32 $0xFFFFCE00  }
0x149: {  	[spmem:s1] =	stream.indirect.scatter.add.f32 [tilespmem:s21], [sflag:$0x4], $0x80, s7, s20, $0xb8;
	[tilespmem:$0x1FC80] =	vst v63  }
0x14a: {  	_ =	swait.ge [sflag:s11], $0x3200  }
0x14b: {  	[sflag:s11] =	ssyncset.done $0x0  }
0x14c: {  	s10 =	simm.s32 $0x400;
	[sflag:s11] =	ssyncadd.s32 $0xFFFFCE00  }
0x14d: {  	[tilespmem:s28], [sflag:$0x3] =	stream.indirect.gather [hbm4b:s4+s20], $0x80, s10, s20, $0xb8;
	[tilespmem:$0x1FC80] =	vst v63  }
0x14e: {  	_ =	swait.ge [sflag:s29], $0x3200  }
0x14f: {  	[sflag:s29] =	ssyncset.done $0x0  }
0x150: {  	s30 =	simm.s32 $0x1380;
	[sflag:s29] =	ssyncadd.s32 $0xFFFFCE00  }
0x151: {  	[spmem:s1] =	stream.indirect.scatter.add.f32 [tilespmem:s23], [sflag:$0x5], $0x80, s30, s20, $0xb8;
	[tilespmem:$0x1FC80] =	vst v63  }
0x152: {  	_ =	swait.ge [sflag:s31], $0x3200  }
0x153: {  	[sflag:s31] =	ssyncset.done $0x0  }
0x154: {  	s12 =	simm.s32 $0x480;
	[sflag:s31] =	ssyncadd.s32 $0xFFFFCE00  }
0x155: {  	[tilespmem:s21], [sflag:$0x1] =	stream.indirect.gather [hbm4b:s4+s20], $0x80, s12, s20, $0xb8;
	[tilespmem:$0x1FC80] =	vst v63  }
0x156: {  	_ =	swait.ge [sflag:s2], $0x3200  }
0x157: {  	[sflag:s2] =	ssyncset.done $0x0  }
0x158: {  	s13 =	simm.s32 $0x1400;
	[sflag:s2] =	ssyncadd.s32 $0xFFFFCE00  }
0x159: {  	[spmem:s1] =	stream.indirect.scatter.add.f32 [tilespmem:s28], [sflag:$0x6], $0x80, s13, s20, $0xb8;
	[tilespmem:$0x1FC80] =	vst v63  }
0x15a: {  	_ =	swait.ge [sflag:s8], $0x3200  }
0x15b: {  	[sflag:s8] =	ssyncset.done $0x0  }
0x15c: {  	s14 =	simm.s32 $0x500;
	[sflag:s8] =	ssyncadd.s32 $0xFFFFCE00  }
0x15d: {  	[tilespmem:s23], [sflag:$0x2] =	stream.indirect.gather [hbm4b:s4+s20], $0x80, s14, s20, $0xb8;
	[tilespmem:$0x1FC80] =	vst v63  }
0x15e: {  	_ =	swait.ge [sflag:s25], $0x3200  }
0x15f: {  	[sflag:s25] =	ssyncset.done $0x0  }
0x160: {  	s16 =	simm.s32 $0x1480;
	[sflag:s25] =	ssyncadd.s32 $0xFFFFCE00  }
0x161: {  	[spmem:s1] =	stream.indirect.scatter.add.f32 [tilespmem:s21], [sflag:$0x4], $0x80, s16, s20, $0xb8;
	[tilespmem:$0x1FC80] =	vst v63  }
0x162: {  	_ =	swait.ge [sflag:s11], $0x3200  }
0x163: {  	[sflag:s11] =	ssyncset.done $0x0  }
0x164: {  	s15 =	simm.s32 $0x580;
	[sflag:s11] =	ssyncadd.s32 $0xFFFFCE00  }
0x165: {  	[tilespmem:s28], [sflag:$0x3] =	stream.indirect.gather [hbm4b:s4+s20], $0x80, s15, s20, $0xb8;
	[tilespmem:$0x1FC80] =	vst v63  }
0x166: {  	_ =	swait.ge [sflag:s29], $0x3200  }
0x167: {  	[sflag:s29] =	ssyncset.done $0x0  }
0x168: {  	s22 =	simm.s32 $0x1500;
	[sflag:s29] =	ssyncadd.s32 $0xFFFFCE00  }
0x169: {  	[spmem:s1] =	stream.indirect.scatter.add.f32 [tilespmem:s23], [sflag:$0x5], $0x80, s22, s20, $0xb8;
	[tilespmem:$0x1FC80] =	vst v63  }
0x16a: {  	_ =	swait.ge [sflag:s31], $0x3200  }
0x16b: {  	[sflag:s31] =	ssyncset.done $0x0  }
0x16c: {  	s30 =	simm.s32 $0x600;
	[sflag:s31] =	ssyncadd.s32 $0xFFFFCE00  }
0x16d: {  	[tilespmem:s21], [sflag:$0x1] =	stream.indirect.gather [hbm4b:s4+s20], $0x80, s30, s20, $0xb8;
	[tilespmem:$0x1FC80] =	vst v63  }
0x16e: {  	_ =	swait.ge [sflag:s2], $0x3200  }
0x16f: {  	[sflag:s2] =	ssyncset.done $0x0  }
0x170: {  	s12 =	simm.s32 $0x1580;
	[sflag:s2] =	ssyncadd.s32 $0xFFFFCE00  }
0x171: {  	[spmem:s1] =	stream.indirect.scatter.add.f32 [tilespmem:s28], [sflag:$0x6], $0x80, s12, s20, $0xb8;
	[tilespmem:$0x1FC80] =	vst v63  }
0x172: {  	_ =	swait.ge [sflag:s8], $0x3200  }
0x173: {  	[sflag:s8] =	ssyncset.done $0x0  }
0x174: {  	s13 =	simm.s32 $0x680;
	[sflag:s8] =	ssyncadd.s32 $0xFFFFCE00  }
0x175: {  	[tilespmem:s23], [sflag:$0x2] =	stream.indirect.gather [hbm4b:s4+s20], $0x80, s13, s20, $0xb8;
	[tilespmem:$0x1FC80] =	vst v63  }
0x176: {  	_ =	swait.ge [sflag:s25], $0x3200  }
0x177: {  	[sflag:s25] =	ssyncset.done $0x0  }
0x178: {  	s14 =	simm.s32 $0x1600;
	[sflag:s25] =	ssyncadd.s32 $0xFFFFCE00  }
0x179: {  	[spmem:s1] =	stream.indirect.scatter.add.f32 [tilespmem:s21], [sflag:$0x4], $0x80, s14, s20, $0xb8;
	[tilespmem:$0x1FC80] =	vst v63  }
0x17a: {  	_ =	swait.ge [sflag:s11], $0x3200  }
0x17b: {  	[sflag:s11] =	ssyncset.done $0x0  }
0x17c: {  	s15 =	simm.s32 $0x700;
	[sflag:s11] =	ssyncadd.s32 $0xFFFFCE00  }
0x17d: {  	[tilespmem:s28], [sflag:$0x3] =	stream.indirect.gather [hbm4b:s4+s20], $0x80, s15, s20, $0xb8;
	[tilespmem:$0x1FC80] =	vst v63  }
0x17e: {  	_ =	swait.ge [sflag:s29], $0x3200  }
0x17f: {  	[sflag:s29] =	ssyncset.done $0x0  }
0x180: {  	s19 =	simm.s32 $0x1680;
	[sflag:s29] =	ssyncadd.s32 $0xFFFFCE00  }
0x181: {  	[spmem:s1] =	stream.indirect.scatter.add.f32 [tilespmem:s23], [sflag:$0x5], $0x80, s19, s20, $0xb8;
	[tilespmem:$0x1FC80] =	vst v63  }
0x182: {  	_ =	swait.ge [sflag:s31], $0x3200  }
0x183: {  	[sflag:s31] =	ssyncset.done $0x0  }
0x184: {  	s5 =	simm.s32 $0x780;
	[sflag:s31] =	ssyncadd.s32 $0xFFFFCE00  }
0x185: {  	[tilespmem:s21], [sflag:$0x1] =	stream.indirect.gather [hbm4b:s4+s20], $0x80, s5, s20, $0xb8;
	[tilespmem:$0x1FC80] =	vst v63  }
0x186: {  	_ =	swait.ge [sflag:s2], $0x3200  }
0x187: {  	[sflag:s2] =	ssyncset.done $0x0  }
0x188: {  	s6 =	simm.s32 $0x1700;
	[sflag:s2] =	ssyncadd.s32 $0xFFFFCE00  }
0x189: {  	[spmem:s1] =	stream.indirect.scatter.add.f32 [tilespmem:s28], [sflag:$0x6], $0x80, s6, s20, $0xb8;
	[tilespmem:$0x1FC80] =	vst v63  }
0x18a: {  	_ =	swait.ge [sflag:s8], $0x3200  }
0x18b: {  	[sflag:s8] =	ssyncset.done $0x0  }
0x18c: {  	s7 =	simm.s32 $0x800;
	[sflag:s8] =	ssyncadd.s32 $0xFFFFCE00  }
0x18d: {  	[tilespmem:s23], [sflag:$0x2] =	stream.indirect.gather [hbm4b:s4+s20], $0x80, s7, s20, $0xb8;
	[tilespmem:$0x1FC80] =	vst v63  }
0x18e: {  	_ =	swait.ge [sflag:s25], $0x3200  }
0x18f: {  	[sflag:s25] =	ssyncset.done $0x0  }
0x190: {  	s10 =	simm.s32 $0x1780;
	[sflag:s25] =	ssyncadd.s32 $0xFFFFCE00  }
0x191: {  	[spmem:s1] =	stream.indirect.scatter.add.f32 [tilespmem:s21], [sflag:$0x4], $0x80, s10, s20, $0xb8;
	[tilespmem:$0x1FC80] =	vst v63  }
0x192: {  	_ =	swait.ge [sflag:s11], $0x3200  }
0x193: {  	[sflag:s11] =	ssyncset.done $0x0  }
0x194: {  	s16 =	simm.s32 $0x880;
	[sflag:s11] =	ssyncadd.s32 $0xFFFFCE00  }
0x195: {  	[tilespmem:s28], [sflag:$0x3] =	stream.indirect.gather [hbm4b:s4+s20], $0x80, s16, s20, $0xb8;
	[tilespmem:$0x1FC80] =	vst v63  }
0x196: {  	_ =	swait.ge [sflag:s29], $0x3200  }
0x197: {  	[sflag:s29] =	ssyncset.done $0x0  }
0x198: {  	s0 =	simm.s32 $0x1800;
	[sflag:s29] =	ssyncadd.s32 $0xFFFFCE00  }
0x199: {  	[spmem:s1] =	stream.indirect.scatter.add.f32 [tilespmem:s23], [sflag:$0x5], $0x80, s0, s20, $0xb8;
	[tilespmem:$0x1FC80] =	vst v63  }
0x19a: {  	_ =	swait.ge [sflag:s31], $0x3200  }
0x19b: {  	[sflag:s31] =	ssyncset.done $0x0  }
0x19c: {  	s0 =	simm.s32 $0x900;
	[sflag:s31] =	ssyncadd.s32 $0xFFFFCE00  }
0x19d: {  	[tilespmem:s21], [sflag:$0x1] =	stream.indirect.gather [hbm4b:s4+s20], $0x80, s0, s20, $0xb8;
	[tilespmem:$0x1FC80] =	vst v63  }
0x19e: {  	_ =	swait.ge [sflag:s2], $0x3200  }
0x19f: {  	[sflag:s2] =	ssyncset.done $0x0  }
0x1a0: {  	s0 =	simm.s32 $0x1880;
	[sflag:s2] =	ssyncadd.s32 $0xFFFFCE00  }
0x1a1: {  	[spmem:s1] =	stream.indirect.scatter.add.f32 [tilespmem:s28], [sflag:$0x6], $0x80, s0, s20, $0xb8;
	[tilespmem:$0x1FC80] =	vst v63  }
0x1a2: {  	_ =	swait.ge [sflag:s8], $0x3200  }
0x1a3: {  	[sflag:s8] =	ssyncset.done $0x0  }
0x1a4: {  	s0 =	simm.s32 $0x980;
	[sflag:s8] =	ssyncadd.s32 $0xFFFFCE00  }
0x1a5: {  	[tilespmem:s23], [sflag:$0x2] =	stream.indirect.gather [hbm4b:s4+s20], $0x80, s0, s20, $0xb8;
	[tilespmem:$0x1FC80] =	vst v63  }
0x1a6: {  	_ =	swait.ge [sflag:s25], $0x3200  }
0x1a7: {  	[sflag:s25] =	ssyncset.done $0x0  }
0x1a8: {  	s0 =	simm.s32 $0x1900;
	[sflag:s25] =	ssyncadd.s32 $0xFFFFCE00  }
0x1a9: {  	[spmem:s1] =	stream.indirect.scatter.add.f32 [tilespmem:s21], [sflag:$0x4], $0x80, s0, s20, $0xb8;
	[tilespmem:$0x1FC80] =	vst v63  }
0x1aa: {  	_ =	swait.ge [sflag:s11], $0x3200  }
0x1ab: {  	[sflag:s11] =	ssyncset.done $0x0  }
0x1ac: {  	s0 =	simm.s32 $0xA00;
	[sflag:s11] =	ssyncadd.s32 $0xFFFFCE00  }
0x1ad: {  	[tilespmem:s28], [sflag:$0x3] =	stream.indirect.gather [hbm4b:s4+s20], $0x80, s0, s20, $0xb8;
	[tilespmem:$0x1FC80] =	vst v63  }
0x1ae: {  	_ =	swait.ge [sflag:s29], $0x3200  }
0x1af: {  	[sflag:s29] =	ssyncset.done $0x0  }
0x1b0: {  	s0 =	simm.s32 $0x1980;
	[sflag:s29] =	ssyncadd.s32 $0xFFFFCE00  }
0x1b1: {  	[spmem:s1] =	stream.indirect.scatter.add.f32 [tilespmem:s23], [sflag:$0x5], $0x80, s0, s20, $0xb8;
	[tilespmem:$0x1FC80] =	vst v63  }
0x1b2: {  	_ =	swait.ge [sflag:s31], $0x3200  }
0x1b3: {  	[sflag:s31] =	ssyncset.done $0x0  }
0x1b4: {  	s0 =	simm.s32 $0xA80;
	[sflag:s31] =	ssyncadd.s32 $0xFFFFCE00  }
0x1b5: {  	[tilespmem:s21], [sflag:$0x1] =	stream.indirect.gather [hbm4b:s4+s20], $0x80, s0, s20, $0xb8;
	[tilespmem:$0x1FC80] =	vst v63  }
0x1b6: {  	_ =	swait.ge [sflag:s2], $0x3200  }
0x1b7: {  	[sflag:s2] =	ssyncset.done $0x0  }
0x1b8: {  	s0 =	simm.s32 $0x1A00;
	[sflag:s2] =	ssyncadd.s32 $0xFFFFCE00  }
0x1b9: {  	[spmem:s1] =	stream.indirect.scatter.add.f32 [tilespmem:s28], [sflag:$0x6], $0x80, s0, s20, $0xb8;
	[tilespmem:$0x1FC80] =	vst v63  }
0x1ba: {  	_ =	swait.ge [sflag:s8], $0x3200  }
0x1bb: {  	[sflag:s8] =	ssyncset.done $0x0  }
0x1bc: {  	s0 =	simm.s32 $0xB00;
	[sflag:s8] =	ssyncadd.s32 $0xFFFFCE00  }
0x1bd: {  	[tilespmem:s23], [sflag:$0x2] =	stream.indirect.gather [hbm4b:s4+s20], $0x80, s0, s20, $0xb8;
	[tilespmem:$0x1FC80] =	vst v63  }
0x1be: {  	_ =	swait.ge [sflag:s25], $0x3200  }
0x1bf: {  	[sflag:s25] =	ssyncset.done $0x0  }
0x1c0: {  	s0 =	simm.s32 $0x1A80;
	[sflag:s25] =	ssyncadd.s32 $0xFFFFCE00  }
0x1c1: {  	[spmem:s1] =	stream.indirect.scatter.add.f32 [tilespmem:s21], [sflag:$0x4], $0x80, s0, s20, $0xb8;
	[tilespmem:$0x1FC80] =	vst v63  }
0x1c2: {  	_ =	swait.ge [sflag:s11], $0x3200  }
0x1c3: {  	[sflag:s11] =	ssyncset.done $0x0  }
0x1c4: {  	s0 =	simm.s32 $0xB80;
	[sflag:s11] =	ssyncadd.s32 $0xFFFFCE00  }
0x1c5: {  	[tilespmem:s28], [sflag:$0x3] =	stream.indirect.gather [hbm4b:s4+s20], $0x80, s0, s20, $0xb8;
	[tilespmem:$0x1FC80] =	vst v63  }
0x1c6: {  	_ =	swait.ge [sflag:s29], $0x3200  }
0x1c7: {  	[sflag:s29] =	ssyncset.done $0x0  }
0x1c8: {  	s0 =	simm.s32 $0x1B00;
	[sflag:s29] =	ssyncadd.s32 $0xFFFFCE00  }
0x1c9: {  	[spmem:s1] =	stream.indirect.scatter.add.f32 [tilespmem:s23], [sflag:$0x5], $0x80, s0, s20, $0xb8;
	[tilespmem:$0x1FC80] =	vst v63  }
0x1ca: {  	_ =	swait.ge [sflag:s31], $0x3200  }
0x1cb: {  	[sflag:s31] =	ssyncset.done $0x0  }
0x1cc: {  	s0 =	simm.s32 $0xC00;
	[sflag:s31] =	ssyncadd.s32 $0xFFFFCE00  }
0x1cd: {  	[tilespmem:s21], [sflag:$0x1] =	stream.indirect.gather [hbm4b:s4+s20], $0x80, s0, s20, $0xb8;
	[tilespmem:$0x1FC80] =	vst v63  }
0x1ce: {  	_ =	swait.ge [sflag:s2], $0x3200  }
0x1cf: {  	[sflag:s2] =	ssyncset.done $0x0  }
0x1d0: {  	s0 =	simm.s32 $0x1B80;
	[sflag:s2] =	ssyncadd.s32 $0xFFFFCE00  }
0x1d1: {  	[spmem:s1] =	stream.indirect.scatter.add.f32 [tilespmem:s28], [sflag:$0x6], $0x80, s0, s20, $0xb8;
	[tilespmem:$0x1FC80] =	vst v63  }
0x1d2: {  	_ =	swait.ge [sflag:s8], $0x3200  }
0x1d3: {  	[sflag:s8] =	ssyncset.done $0x0  }
0x1d4: {  	[sflag:s8] =	ssyncadd.s32 $0xFFFFCE00  }
0x1d5: {  	_ =	swait.ge [sflag:s25], $0x3200  }
0x1d6: {  	[sflag:s25] =	ssyncset.done $0x0  }
0x1d7: {  	s0 =	simm.s32 $0x1C00;
	[sflag:s25] =	ssyncadd.s32 $0xFFFFCE00  }
0x1d8: {  	[spmem:s1] =	stream.indirect.scatter.add.f32 [tilespmem:s21], [sflag:$0x4], $0x80, s0, s20, $0xb8;
	[tilespmem:$0x1FC80] =	vst v63  }
0x1d9: {  	_ =	swait.ge [sflag:s11], $0x3200  }
0x1da: {  	[sflag:s11] =	ssyncset.done $0x0  }
0x1db: {  	[sflag:s11] =	ssyncadd.s32 $0xFFFFCE00  }
0x1dc: {  	_ =	swait.ge [sflag:s31], $0x3200  }
0x1dd: {  	[sflag:s31] =	ssyncset.done $0x0  }
0x1de: {  	s0 =	rddreg [dreg:$0x7];
	[sflag:s31] =	ssyncadd.s32 $0xFFFFCE00  }
0x1df: {  	[tilespmem:s3], [sflag:$0x8] =	stream.linear.gather [hbm4b:s0+s3], $0xC80, $0x38;
	[tilespmem:$0x1FC80] =	vst v63  }
0x1e0: {  	_ =	swait.ge [sflag:s18], $0xC80  }
0x1e1: {  	[sflag:s18] =	ssyncset.done $0x0  }
0x1e2: {  	s22 =	simm.s32 $0x1000;
	s0 =	rddreg [dreg:$0x8];
	[sflag:s18] =	ssyncadd.s32 $0xFFFFF380  }
0x1e3: {  	[tilespmem:s22], [sflag:$0x8] =	stream.linear.gather [hbm4b:s0+s3], $0xC80, $0x38;
	[tilespmem:$0x1FC80] =	vst v63  }
0x1e4: {  	_ =	swait.ge [sflag:s18], $0xC80  }
0x1e5: {  	[sflag:s18] =	ssyncset.done $0x0  }
0x1e6: {  	[sflag:s18] =	ssyncadd.s32 $0xFFFFF380  }
0x1e7: {  	[tilespmem:s21], [sflag:$0x1] =	stream.indirect.gather [hbm4b:s4+s20], $0x80, s3, s20, $0xb8;
	[tilespmem:$0x1FC80] =	vst v63  }
0x1e8: {  	_ = 	snop  }
0x1e9: {  	[tilespmem:s23], [sflag:$0x2] =	stream.indirect.gather [hbm4b:s4+s20], $0x80, s9, s20, $0xb8;
	[tilespmem:$0x1FC80] =	vst v63  }
0x1ea: {  	_ =	swait.ge [sflag:s25], $0x3200  }
0x1eb: {  	[sflag:s25] =	ssyncset.done $0x0  }
0x1ec: {  	[sflag:s25] =	ssyncadd.s32 $0xFFFFCE00  }
0x1ed: {  	[spmem:s1] =	stream.indirect.scatter.add.f32 [tilespmem:s21], [sflag:$0x4], $0x80, s22, s20, $0xb8;
	[tilespmem:$0x1FC80] =	vst v63  }
0x1ee: {  	s0 =	simm.s32 $0x100  }
0x1ef: {  	[tilespmem:s28], [sflag:$0x3] =	stream.indirect.gather [hbm4b:s4+s20], $0x80, s0, s20, $0xb8;
	[tilespmem:$0x1FC80] =	vst v63  }
0x1f0: {  	_ =	swait.ge [sflag:s29], $0x3200  }
0x1f1: {  	[sflag:s29] =	ssyncset.done $0x0  }
0x1f2: {  	s0 =	simm.s32 $0x1080;
	[sflag:s29] =	ssyncadd.s32 $0xFFFFCE00  }
0x1f3: {  	[spmem:s1] =	stream.indirect.scatter.add.f32 [tilespmem:s23], [sflag:$0x5], $0x80, s0, s20, $0xb8;
	[tilespmem:$0x1FC80] =	vst v63  }
0x1f4: {  	_ =	swait.ge [sflag:s31], $0x3200  }
0x1f5: {  	[sflag:s31] =	ssyncset.done $0x0  }
0x1f6: {  	s0 =	simm.s32 $0x180;
	[sflag:s31] =	ssyncadd.s32 $0xFFFFCE00  }
0x1f7: {  	[tilespmem:s21], [sflag:$0x1] =	stream.indirect.gather [hbm4b:s4+s20], $0x80, s0, s20, $0xb8;
	[tilespmem:$0x1FC80] =	vst v63  }
0x1f8: {  	_ =	swait.ge [sflag:s2], $0x3200  }
0x1f9: {  	[sflag:s2] =	ssyncset.done $0x0  }
0x1fa: {  	s0 =	simm.s32 $0x1100;
	[sflag:s2] =	ssyncadd.s32 $0xFFFFCE00  }
0x1fb: {  	[spmem:s1] =	stream.indirect.scatter.add.f32 [tilespmem:s28], [sflag:$0x6], $0x80, s0, s20, $0xb8;
	[tilespmem:$0x1FC80] =	vst v63  }
0x1fc: {  	_ =	swait.ge [sflag:s8], $0x3200  }
0x1fd: {  	[sflag:s8] =	ssyncset.done $0x0  }
0x1fe: {  	s0 =	simm.s32 $0x200;
	[sflag:s8] =	ssyncadd.s32 $0xFFFFCE00  }
0x1ff: {  	[tilespmem:s23], [sflag:$0x2] =	stream.indirect.gather [hbm4b:s4+s20], $0x80, s0, s20, $0xb8;
	[tilespmem:$0x1FC80] =	vst v63  }
0x200: {  	_ =	swait.ge [sflag:s25], $0x3200  }
0x201: {  	[sflag:s25] =	ssyncset.done $0x0  }
0x202: {  	s0 =	simm.s32 $0x1180;
	[sflag:s25] =	ssyncadd.s32 $0xFFFFCE00  }
0x203: {  	[spmem:s1] =	stream.indirect.scatter.add.f32 [tilespmem:s21], [sflag:$0x4], $0x80, s0, s20, $0xb8;
	[tilespmem:$0x1FC80] =	vst v63  }
0x204: {  	_ =	swait.ge [sflag:s11], $0x3200  }
0x205: {  	[sflag:s11] =	ssyncset.done $0x0  }
0x206: {  	s0 =	simm.s32 $0x280;
	[sflag:s11] =	ssyncadd.s32 $0xFFFFCE00  }
0x207: {  	[tilespmem:s28], [sflag:$0x3] =	stream.indirect.gather [hbm4b:s4+s20], $0x80, s0, s20, $0xb8;
	[tilespmem:$0x1FC80] =	vst v63  }
0x208: {  	_ =	swait.ge [sflag:s29], $0x3200  }
0x209: {  	[sflag:s29] =	ssyncset.done $0x0  }
0x20a: {  	s0 =	simm.s32 $0x1200;
	[sflag:s29] =	ssyncadd.s32 $0xFFFFCE00  }
0x20b: {  	[spmem:s1] =	stream.indirect.scatter.add.f32 [tilespmem:s23], [sflag:$0x5], $0x80, s0, s20, $0xb8;
	[tilespmem:$0x1FC80] =	vst v63  }
0x20c: {  	_ =	swait.ge [sflag:s31], $0x3200  }
0x20d: {  	[sflag:s31] =	ssyncset.done $0x0  }
0x20e: {  	s0 =	simm.s32 $0x300;
	[sflag:s31] =	ssyncadd.s32 $0xFFFFCE00  }
0x20f: {  	[tilespmem:s21], [sflag:$0x1] =	stream.indirect.gather [hbm4b:s4+s20], $0x80, s0, s20, $0xb8;
	[tilespmem:$0x1FC80] =	vst v63  }
0x210: {  	_ =	swait.ge [sflag:s2], $0x3200  }
0x211: {  	[sflag:s2] =	ssyncset.done $0x0  }
0x212: {  	s0 =	simm.s32 $0x1280;
	[sflag:s2] =	ssyncadd.s32 $0xFFFFCE00  }
0x213: {  	[spmem:s1] =	stream.indirect.scatter.add.f32 [tilespmem:s28], [sflag:$0x6], $0x80, s0, s20, $0xb8;
	[tilespmem:$0x1FC80] =	vst v63  }
0x214: {  	_ =	swait.ge [sflag:s8], $0x3200  }
0x215: {  	[sflag:s8] =	ssyncset.done $0x0  }
0x216: {  	s0 =	simm.s32 $0x380;
	[sflag:s8] =	ssyncadd.s32 $0xFFFFCE00  }
0x217: {  	[tilespmem:s23], [sflag:$0x2] =	stream.indirect.gather [hbm4b:s4+s20], $0x80, s0, s20, $0xb8;
	[tilespmem:$0x1FC80] =	vst v63  }
0x218: {  	_ =	swait.ge [sflag:s25], $0x3200  }
0x219: {  	[sflag:s25] =	ssyncset.done $0x0  }
0x21a: {  	s0 =	simm.s32 $0x1300;
	[sflag:s25] =	ssyncadd.s32 $0xFFFFCE00  }
0x21b: {  	[spmem:s1] =	stream.indirect.scatter.add.f32 [tilespmem:s21], [sflag:$0x4], $0x80, s0, s20, $0xb8;
	[tilespmem:$0x1FC80] =	vst v63  }
0x21c: {  	_ =	swait.ge [sflag:s11], $0x3200  }
0x21d: {  	[sflag:s11] =	ssyncset.done $0x0  }
0x21e: {  	s0 =	simm.s32 $0x400;
	[sflag:s11] =	ssyncadd.s32 $0xFFFFCE00  }
0x21f: {  	[tilespmem:s28], [sflag:$0x3] =	stream.indirect.gather [hbm4b:s4+s20], $0x80, s0, s20, $0xb8;
	[tilespmem:$0x1FC80] =	vst v63  }
0x220: {  	_ =	swait.ge [sflag:s29], $0x3200  }
0x221: {  	[sflag:s29] =	ssyncset.done $0x0  }
0x222: {  	s0 =	simm.s32 $0x1380;
	[sflag:s29] =	ssyncadd.s32 $0xFFFFCE00  }
0x223: {  	[spmem:s1] =	stream.indirect.scatter.add.f32 [tilespmem:s23], [sflag:$0x5], $0x80, s0, s20, $0xb8;
	[tilespmem:$0x1FC80] =	vst v63  }
0x224: {  	_ =	swait.ge [sflag:s31], $0x3200  }
0x225: {  	[sflag:s31] =	ssyncset.done $0x0  }
0x226: {  	s0 =	simm.s32 $0x480;
	[sflag:s31] =	ssyncadd.s32 $0xFFFFCE00  }
0x227: {  	[tilespmem:s21], [sflag:$0x1] =	stream.indirect.gather [hbm4b:s4+s20], $0x80, s0, s20, $0xb8;
	[tilespmem:$0x1FC80] =	vst v63  }
0x228: {  	_ =	swait.ge [sflag:s2], $0x3200  }
0x229: {  	[sflag:s2] =	ssyncset.done $0x0  }
0x22a: {  	s0 =	simm.s32 $0x1400;
	[sflag:s2] =	ssyncadd.s32 $0xFFFFCE00  }
0x22b: {  	[spmem:s1] =	stream.indirect.scatter.add.f32 [tilespmem:s28], [sflag:$0x6], $0x80, s0, s20, $0xb8;
	[tilespmem:$0x1FC80] =	vst v63  }
0x22c: {  	_ =	swait.ge [sflag:s8], $0x3200  }
0x22d: {  	[sflag:s8] =	ssyncset.done $0x0  }
0x22e: {  	s0 =	simm.s32 $0x500;
	[sflag:s8] =	ssyncadd.s32 $0xFFFFCE00  }
0x22f: {  	[tilespmem:s23], [sflag:$0x2] =	stream.indirect.gather [hbm4b:s4+s20], $0x80, s0, s20, $0xb8;
	[tilespmem:$0x1FC80] =	vst v63  }
0x230: {  	_ =	swait.ge [sflag:s25], $0x3200  }
0x231: {  	[sflag:s25] =	ssyncset.done $0x0  }
0x232: {  	s0 =	simm.s32 $0x1480;
	[sflag:s25] =	ssyncadd.s32 $0xFFFFCE00  }
0x233: {  	[spmem:s1] =	stream.indirect.scatter.add.f32 [tilespmem:s21], [sflag:$0x4], $0x80, s0, s20, $0xb8;
	[tilespmem:$0x1FC80] =	vst v63  }
0x234: {  	_ =	swait.ge [sflag:s11], $0x3200  }
0x235: {  	[sflag:s11] =	ssyncset.done $0x0  }
0x236: {  	s0 =	simm.s32 $0x580;
	[sflag:s11] =	ssyncadd.s32 $0xFFFFCE00  }
0x237: {  	[tilespmem:s28], [sflag:$0x3] =	stream.indirect.gather [hbm4b:s4+s20], $0x80, s0, s20, $0xb8;
	[tilespmem:$0x1FC80] =	vst v63  }
0x238: {  	_ =	swait.ge [sflag:s29], $0x3200  }
0x239: {  	[sflag:s29] =	ssyncset.done $0x0  }
0x23a: {  	s0 =	simm.s32 $0x1500;
	[sflag:s29] =	ssyncadd.s32 $0xFFFFCE00  }
0x23b: {  	[spmem:s1] =	stream.indirect.scatter.add.f32 [tilespmem:s23], [sflag:$0x5], $0x80, s0, s20, $0xb8;
	[tilespmem:$0x1FC80] =	vst v63  }
0x23c: {  	_ =	swait.ge [sflag:s31], $0x3200  }
0x23d: {  	[sflag:s31] =	ssyncset.done $0x0  }
0x23e: {  	[sflag:s31] =	ssyncadd.s32 $0xFFFFCE00  }
0x23f: {  	[tilespmem:s21], [sflag:$0x1] =	stream.indirect.gather [hbm4b:s4+s20], $0x80, s30, s20, $0xb8;
	[tilespmem:$0x1FC80] =	vst v63  }
0x240: {  	_ =	swait.ge [sflag:s2], $0x3200  }
0x241: {  	[sflag:s2] =	ssyncset.done $0x0  }
0x242: {  	[sflag:s2] =	ssyncadd.s32 $0xFFFFCE00  }
0x243: {  	[spmem:s1] =	stream.indirect.scatter.add.f32 [tilespmem:s28], [sflag:$0x6], $0x80, s12, s20, $0xb8;
	[tilespmem:$0x1FC80] =	vst v63  }
0x244: {  	_ =	swait.ge [sflag:s8], $0x3200  }
0x245: {  	[sflag:s8] =	ssyncset.done $0x0  }
0x246: {  	[sflag:s8] =	ssyncadd.s32 $0xFFFFCE00  }
0x247: {  	[tilespmem:s23], [sflag:$0x2] =	stream.indirect.gather [hbm4b:s4+s20], $0x80, s13, s20, $0xb8;
	[tilespmem:$0x1FC80] =	vst v63  }
0x248: {  	_ =	swait.ge [sflag:s25], $0x3200  }
0x249: {  	[sflag:s25] =	ssyncset.done $0x0  }
0x24a: {  	[sflag:s25] =	ssyncadd.s32 $0xFFFFCE00  }
0x24b: {  	[spmem:s1] =	stream.indirect.scatter.add.f32 [tilespmem:s21], [sflag:$0x4], $0x80, s14, s20, $0xb8;
	[tilespmem:$0x1FC80] =	vst v63  }
0x24c: {  	_ =	swait.ge [sflag:s11], $0x3200  }
0x24d: {  	[sflag:s11] =	ssyncset.done $0x0  }
0x24e: {  	[sflag:s11] =	ssyncadd.s32 $0xFFFFCE00  }
0x24f: {  	[tilespmem:s28], [sflag:$0x3] =	stream.indirect.gather [hbm4b:s4+s20], $0x80, s15, s20, $0xb8;
	[tilespmem:$0x1FC80] =	vst v63  }
0x250: {  	_ =	swait.ge [sflag:s29], $0x3200  }
0x251: {  	[sflag:s29] =	ssyncset.done $0x0  }
0x252: {  	[sflag:s29] =	ssyncadd.s32 $0xFFFFCE00  }
0x253: {  	[spmem:s1] =	stream.indirect.scatter.add.f32 [tilespmem:s23], [sflag:$0x5], $0x80, s19, s20, $0xb8;
	[tilespmem:$0x1FC80] =	vst v63  }
0x254: {  	_ =	swait.ge [sflag:s31], $0x3200  }
0x255: {  	[sflag:s31] =	ssyncset.done $0x0  }
0x256: {  	[sflag:s31] =	ssyncadd.s32 $0xFFFFCE00  }
0x257: {  	[tilespmem:s21], [sflag:$0x1] =	stream.indirect.gather [hbm4b:s4+s20], $0x80, s5, s20, $0xb8;
	[tilespmem:$0x1FC80] =	vst v63  }
0x258: {  	_ =	swait.ge [sflag:s2], $0x3200  }
0x259: {  	[sflag:s2] =	ssyncset.done $0x0  }
0x25a: {  	[sflag:s2] =	ssyncadd.s32 $0xFFFFCE00  }
0x25b: {  	[spmem:s1] =	stream.indirect.scatter.add.f32 [tilespmem:s28], [sflag:$0x6], $0x80, s6, s20, $0xb8;
	[tilespmem:$0x1FC80] =	vst v63  }
0x25c: {  	_ =	swait.ge [sflag:s8], $0x3200  }
0x25d: {  	[sflag:s8] =	ssyncset.done $0x0  }
0x25e: {  	[sflag:s8] =	ssyncadd.s32 $0xFFFFCE00  }
0x25f: {  	[tilespmem:s23], [sflag:$0x2] =	stream.indirect.gather [hbm4b:s4+s20], $0x80, s7, s20, $0xb8;
	[tilespmem:$0x1FC80] =	vst v63  }
0x260: {  	_ =	swait.ge [sflag:s25], $0x3200  }
0x261: {  	[sflag:s25] =	ssyncset.done $0x0  }
0x262: {  	[sflag:s25] =	ssyncadd.s32 $0xFFFFCE00  }
0x263: {  	[spmem:s1] =	stream.indirect.scatter.add.f32 [tilespmem:s21], [sflag:$0x4], $0x80, s10, s20, $0xb8;
	[tilespmem:$0x1FC80] =	vst v63  }
0x264: {  	_ =	swait.ge [sflag:s11], $0x3200  }
0x265: {  	[sflag:s11] =	ssyncset.done $0x0  }
0x266: {  	[sflag:s11] =	ssyncadd.s32 $0xFFFFCE00  }
0x267: {  	[tilespmem:s28], [sflag:$0x3] =	stream.indirect.gather [hbm4b:s4+s20], $0x80, s16, s20, $0xb8;
	[tilespmem:$0x1FC80] =	vst v63  }
0x268: {  	_ =	swait.ge [sflag:s29], $0x3200  }
0x269: {  	[sflag:s29] =	ssyncset.done $0x0  }
0x26a: {  	s0 =	simm.s32 $0x1800;
	[sflag:s29] =	ssyncadd.s32 $0xFFFFCE00  }
0x26b: {  	[spmem:s1] =	stream.indirect.scatter.add.f32 [tilespmem:s23], [sflag:$0x5], $0x80, s0, s20, $0xb8;
	[tilespmem:$0x1FC80] =	vst v63  }
0x26c: {  	_ =	swait.ge [sflag:s31], $0x3200  }
0x26d: {  	[sflag:s31] =	ssyncset.done $0x0  }
0x26e: {  	s0 =	simm.s32 $0x900;
	[sflag:s31] =	ssyncadd.s32 $0xFFFFCE00  }
0x26f: {  	[tilespmem:s21], [sflag:$0x1] =	stream.indirect.gather [hbm4b:s4+s20], $0x80, s0, s20, $0xb8;
	[tilespmem:$0x1FC80] =	vst v63  }
0x270: {  	_ =	swait.ge [sflag:s2], $0x3200  }
0x271: {  	[sflag:s2] =	ssyncset.done $0x0  }
0x272: {  	s0 =	simm.s32 $0x1880;
	[sflag:s2] =	ssyncadd.s32 $0xFFFFCE00  }
0x273: {  	[spmem:s1] =	stream.indirect.scatter.add.f32 [tilespmem:s28], [sflag:$0x6], $0x80, s0, s20, $0xb8;
	[tilespmem:$0x1FC80] =	vst v63  }
0x274: {  	_ =	swait.ge [sflag:s8], $0x3200  }
0x275: {  	[sflag:s8] =	ssyncset.done $0x0  }
0x276: {  	s0 =	simm.s32 $0x980;
	[sflag:s8] =	ssyncadd.s32 $0xFFFFCE00  }
0x277: {  	[tilespmem:s23], [sflag:$0x2] =	stream.indirect.gather [hbm4b:s4+s20], $0x80, s0, s20, $0xb8;
	[tilespmem:$0x1FC80] =	vst v63  }
0x278: {  	_ =	swait.ge [sflag:s25], $0x3200  }
0x279: {  	[sflag:s25] =	ssyncset.done $0x0  }
0x27a: {  	s0 =	simm.s32 $0x1900;
	[sflag:s25] =	ssyncadd.s32 $0xFFFFCE00  }
0x27b: {  	[spmem:s1] =	stream.indirect.scatter.add.f32 [tilespmem:s21], [sflag:$0x4], $0x80, s0, s20, $0xb8;
	[tilespmem:$0x1FC80] =	vst v63  }
0x27c: {  	_ =	swait.ge [sflag:s11], $0x3200  }
0x27d: {  	[sflag:s11] =	ssyncset.done $0x0  }
0x27e: {  	s0 =	simm.s32 $0xA00;
	[sflag:s11] =	ssyncadd.s32 $0xFFFFCE00  }
0x27f: {  	[tilespmem:s28], [sflag:$0x3] =	stream.indirect.gather [hbm4b:s4+s20], $0x80, s0, s20, $0xb8;
	[tilespmem:$0x1FC80] =	vst v63  }
0x280: {  	_ =	swait.ge [sflag:s29], $0x3200  }
0x281: {  	[sflag:s29] =	ssyncset.done $0x0  }
0x282: {  	s0 =	simm.s32 $0x1980;
	[sflag:s29] =	ssyncadd.s32 $0xFFFFCE00  }
0x283: {  	[spmem:s1] =	stream.indirect.scatter.add.f32 [tilespmem:s23], [sflag:$0x5], $0x80, s0, s20, $0xb8;
	[tilespmem:$0x1FC80] =	vst v63  }
0x284: {  	_ =	swait.ge [sflag:s31], $0x3200  }
0x285: {  	[sflag:s31] =	ssyncset.done $0x0  }
0x286: {  	s0 =	simm.s32 $0xA80;
	[sflag:s31] =	ssyncadd.s32 $0xFFFFCE00  }
0x287: {  	[tilespmem:s21], [sflag:$0x1] =	stream.indirect.gather [hbm4b:s4+s20], $0x80, s0, s20, $0xb8;
	[tilespmem:$0x1FC80] =	vst v63  }
0x288: {  	_ =	swait.ge [sflag:s2], $0x3200  }
0x289: {  	[sflag:s2] =	ssyncset.done $0x0  }
0x28a: {  	s0 =	simm.s32 $0x1A00;
	[sflag:s2] =	ssyncadd.s32 $0xFFFFCE00  }
0x28b: {  	[spmem:s1] =	stream.indirect.scatter.add.f32 [tilespmem:s28], [sflag:$0x6], $0x80, s0, s20, $0xb8;
	[tilespmem:$0x1FC80] =	vst v63  }
0x28c: {  	_ =	swait.ge [sflag:s8], $0x3200  }
0x28d: {  	[sflag:s8] =	ssyncset.done $0x0  }
0x28e: {  	s0 =	simm.s32 $0xB00;
	[sflag:s8] =	ssyncadd.s32 $0xFFFFCE00  }
0x28f: {  	[tilespmem:s23], [sflag:$0x2] =	stream.indirect.gather [hbm4b:s4+s20], $0x80, s0, s20, $0xb8;
	[tilespmem:$0x1FC80] =	vst v63  }
0x290: {  	_ =	swait.ge [sflag:s25], $0x3200  }
0x291: {  	[sflag:s25] =	ssyncset.done $0x0  }
0x292: {  	s0 =	simm.s32 $0x1A80;
	[sflag:s25] =	ssyncadd.s32 $0xFFFFCE00  }
0x293: {  	[spmem:s1] =	stream.indirect.scatter.add.f32 [tilespmem:s21], [sflag:$0x4], $0x80, s0, s20, $0xb8;
	[tilespmem:$0x1FC80] =	vst v63  }
0x294: {  	_ =	swait.ge [sflag:s11], $0x3200  }
0x295: {  	[sflag:s11] =	ssyncset.done $0x0  }
0x296: {  	s0 =	simm.s32 $0xB80;
	[sflag:s11] =	ssyncadd.s32 $0xFFFFCE00  }
0x297: {  	[tilespmem:s28], [sflag:$0x3] =	stream.indirect.gather [hbm4b:s4+s20], $0x80, s0, s20, $0xb8;
	[tilespmem:$0x1FC80] =	vst v63  }
0x298: {  	_ =	swait.ge [sflag:s29], $0x3200  }
0x299: {  	[sflag:s29] =	ssyncset.done $0x0  }
0x29a: {  	s0 =	simm.s32 $0x1B00;
	[sflag:s29] =	ssyncadd.s32 $0xFFFFCE00  }
0x29b: {  	[spmem:s1] =	stream.indirect.scatter.add.f32 [tilespmem:s23], [sflag:$0x5], $0x80, s0, s20, $0xb8;
	[tilespmem:$0x1FC80] =	vst v63  }
0x29c: {  	_ =	swait.ge [sflag:s31], $0x3200  }
0x29d: {  	[sflag:s31] =	ssyncset.done $0x0  }
0x29e: {  	s0 =	simm.s32 $0xC00;
	[sflag:s31] =	ssyncadd.s32 $0xFFFFCE00  }
0x29f: {  	[tilespmem:s21], [sflag:$0x1] =	stream.indirect.gather [hbm4b:s4+s20], $0x80, s0, s20, $0xb8;
	[tilespmem:$0x1FC80] =	vst v63  }
0x2a0: {  	_ =	swait.ge [sflag:s2], $0x3200  }
0x2a1: {  	[sflag:s2] =	ssyncset.done $0x0  }
0x2a2: {  	s0 =	simm.s32 $0x1B80;
	[sflag:s2] =	ssyncadd.s32 $0xFFFFCE00  }
0x2a3: {  	[spmem:s1] =	stream.indirect.scatter.add.f32 [tilespmem:s28], [sflag:$0x6], $0x80, s0, s20, $0xb8;
	[tilespmem:$0x1FC80] =	vst v63  }
0x2a4: {  	_ =	swait.ge [sflag:s8], $0x3200  }
0x2a5: {  	[sflag:s8] =	ssyncset.done $0x0  }
0x2a6: {  	[sflag:s8] =	ssyncadd.s32 $0xFFFFCE00  }
0x2a7: {  	_ =	swait.ge [sflag:s25], $0x3200  }
0x2a8: {  	[sflag:s25] =	ssyncset.done $0x0  }
0x2a9: {  	s0 =	simm.s32 $0x1C00;
	[sflag:s25] =	ssyncadd.s32 $0xFFFFCE00  }
0x2aa: {  	[spmem:s1] =	stream.indirect.scatter.add.f32 [tilespmem:s21], [sflag:$0x4], $0x80, s0, s20, $0xb8;
	[tilespmem:$0x1FC80] =	vst v63  }
0x2ab: {  	_ =	swait.ge [sflag:s11], $0x3200  }
0x2ac: {  	[sflag:s11] =	ssyncset.done $0x0  }
0x2ad: {  	[sflag:s11] =	ssyncadd.s32 $0xFFFFCE00  }
0x2ae: {  	_ =	swait.ge [sflag:s31], $0x3200  }
0x2af: {  	[sflag:s31] =	ssyncset.done $0x0  }
0x2b0: {  	s0 =	rddreg [dreg:$0x9];
	[sflag:s31] =	ssyncadd.s32 $0xFFFFCE00  }
0x2b1: {  	[tilespmem:s3], [sflag:$0x8] =	stream.linear.gather [hbm4b:s0+s3], $0xC80, $0x38;
	[tilespmem:$0x1FC80] =	vst v63  }
0x2b2: {  	_ =	swait.ge [sflag:s18], $0xC80  }
0x2b3: {  	[sflag:s18] =	ssyncset.done $0x0  }
0x2b4: {  	s0 =	rddreg [dreg:$0xa];
	[sflag:s18] =	ssyncadd.s32 $0xFFFFF380  }
0x2b5: {  	[tilespmem:s22], [sflag:$0x8] =	stream.linear.gather [hbm4b:s0+s3], $0xC80, $0x38;
	[tilespmem:$0x1FC80] =	vst v63  }
0x2b6: {  	_ =	swait.ge [sflag:s18], $0xC80  }
0x2b7: {  	[sflag:s18] =	ssyncset.done $0x0  }
0x2b8: {  	[sflag:s18] =	ssyncadd.s32 $0xFFFFF380  }
0x2b9: {  	[tilespmem:s21], [sflag:$0x1] =	stream.indirect.gather [hbm4b:s4+s20], $0x80, s3, s20, $0xb8;
	[tilespmem:$0x1FC80] =	vst v63  }
0x2ba: {  	_ = 	snop  }
0x2bb: {  	[tilespmem:s23], [sflag:$0x2] =	stream.indirect.gather [hbm4b:s4+s20], $0x80, s9, s20, $0xb8;
	[tilespmem:$0x1FC80] =	vst v63  }
0x2bc: {  	_ =	swait.ge [sflag:s25], $0x3200  }
0x2bd: {  	[sflag:s25] =	ssyncset.done $0x0  }
0x2be: {  	[sflag:s25] =	ssyncadd.s32 $0xFFFFCE00  }
0x2bf: {  	[spmem:s1] =	stream.indirect.scatter.add.f32 [tilespmem:s21], [sflag:$0x4], $0x80, s22, s20, $0xb8;
	[tilespmem:$0x1FC80] =	vst v63  }
0x2c0: {  	s3 =	simm.s32 $0x100  }
0x2c1: {  	[tilespmem:s28], [sflag:$0x3] =	stream.indirect.gather [hbm4b:s4+s20], $0x80, s3, s20, $0xb8;
	[tilespmem:$0x1FC80] =	vst v63  }
0x2c2: {  	_ =	swait.ge [sflag:s29], $0x3200  }
0x2c3: {  	[sflag:s29] =	ssyncset.done $0x0  }
0x2c4: {  	s9 =	simm.s32 $0x1080;
	[sflag:s29] =	ssyncadd.s32 $0xFFFFCE00  }
0x2c5: {  	[spmem:s1] =	stream.indirect.scatter.add.f32 [tilespmem:s23], [sflag:$0x5], $0x80, s9, s20, $0xb8;
	[tilespmem:$0x1FC80] =	vst v63  }
0x2c6: {  	_ =	swait.ge [sflag:s31], $0x3200  }
0x2c7: {  	[sflag:s31] =	ssyncset.done $0x0  }
0x2c8: {  	s3 =	simm.s32 $0x180;
	[sflag:s31] =	ssyncadd.s32 $0xFFFFCE00  }
0x2c9: {  	[tilespmem:s21], [sflag:$0x1] =	stream.indirect.gather [hbm4b:s4+s20], $0x80, s3, s20, $0xb8;
	[tilespmem:$0x1FC80] =	vst v63  }
0x2ca: {  	_ =	swait.ge [sflag:s2], $0x3200  }
0x2cb: {  	[sflag:s2] =	ssyncset.done $0x0  }
0x2cc: {  	s9 =	simm.s32 $0x1100;
	[sflag:s2] =	ssyncadd.s32 $0xFFFFCE00  }
0x2cd: {  	[spmem:s1] =	stream.indirect.scatter.add.f32 [tilespmem:s28], [sflag:$0x6], $0x80, s9, s20, $0xb8;
	[tilespmem:$0x1FC80] =	vst v63  }
0x2ce: {  	_ =	swait.ge [sflag:s8], $0x3200  }
0x2cf: {  	[sflag:s8] =	ssyncset.done $0x0  }
0x2d0: {  	s3 =	simm.s32 $0x200;
	[sflag:s8] =	ssyncadd.s32 $0xFFFFCE00  }
0x2d1: {  	[tilespmem:s23], [sflag:$0x2] =	stream.indirect.gather [hbm4b:s4+s20], $0x80, s3, s20, $0xb8;
	[tilespmem:$0x1FC80] =	vst v63  }
0x2d2: {  	_ =	swait.ge [sflag:s25], $0x3200  }
0x2d3: {  	[sflag:s25] =	ssyncset.done $0x0  }
0x2d4: {  	s9 =	simm.s32 $0x1180;
	[sflag:s25] =	ssyncadd.s32 $0xFFFFCE00  }
0x2d5: {  	[spmem:s1] =	stream.indirect.scatter.add.f32 [tilespmem:s21], [sflag:$0x4], $0x80, s9, s20, $0xb8;
	[tilespmem:$0x1FC80] =	vst v63  }
0x2d6: {  	_ =	swait.ge [sflag:s11], $0x3200  }
0x2d7: {  	[sflag:s11] =	ssyncset.done $0x0  }
0x2d8: {  	s3 =	simm.s32 $0x280;
	[sflag:s11] =	ssyncadd.s32 $0xFFFFCE00  }
0x2d9: {  	[tilespmem:s28], [sflag:$0x3] =	stream.indirect.gather [hbm4b:s4+s20], $0x80, s3, s20, $0xb8;
	[tilespmem:$0x1FC80] =	vst v63  }
0x2da: {  	_ =	swait.ge [sflag:s29], $0x3200  }
0x2db: {  	[sflag:s29] =	ssyncset.done $0x0  }
0x2dc: {  	s9 =	simm.s32 $0x1200;
	[sflag:s29] =	ssyncadd.s32 $0xFFFFCE00  }
0x2dd: {  	[spmem:s1] =	stream.indirect.scatter.add.f32 [tilespmem:s23], [sflag:$0x5], $0x80, s9, s20, $0xb8;
	[tilespmem:$0x1FC80] =	vst v63  }
0x2de: {  	_ =	swait.ge [sflag:s31], $0x3200  }
0x2df: {  	[sflag:s31] =	ssyncset.done $0x0  }
0x2e0: {  	s3 =	simm.s32 $0x300;
	[sflag:s31] =	ssyncadd.s32 $0xFFFFCE00  }
0x2e1: {  	[tilespmem:s21], [sflag:$0x1] =	stream.indirect.gather [hbm4b:s4+s20], $0x80, s3, s20, $0xb8;
	[tilespmem:$0x1FC80] =	vst v63  }
0x2e2: {  	_ =	swait.ge [sflag:s2], $0x3200  }
0x2e3: {  	[sflag:s2] =	ssyncset.done $0x0  }
0x2e4: {  	s9 =	simm.s32 $0x1280;
	[sflag:s2] =	ssyncadd.s32 $0xFFFFCE00  }
0x2e5: {  	[spmem:s1] =	stream.indirect.scatter.add.f32 [tilespmem:s28], [sflag:$0x6], $0x80, s9, s20, $0xb8;
	[tilespmem:$0x1FC80] =	vst v63  }
0x2e6: {  	_ =	swait.ge [sflag:s8], $0x3200  }
0x2e7: {  	[sflag:s8] =	ssyncset.done $0x0  }
0x2e8: {  	s3 =	simm.s32 $0x380;
	[sflag:s8] =	ssyncadd.s32 $0xFFFFCE00  }
0x2e9: {  	[tilespmem:s23], [sflag:$0x2] =	stream.indirect.gather [hbm4b:s4+s20], $0x80, s3, s20, $0xb8;
	[tilespmem:$0x1FC80] =	vst v63  }
0x2ea: {  	_ =	swait.ge [sflag:s25], $0x3200  }
0x2eb: {  	[sflag:s25] =	ssyncset.done $0x0  }
0x2ec: {  	s9 =	simm.s32 $0x1300;
	[sflag:s25] =	ssyncadd.s32 $0xFFFFCE00  }
0x2ed: {  	[spmem:s1] =	stream.indirect.scatter.add.f32 [tilespmem:s21], [sflag:$0x4], $0x80, s9, s20, $0xb8;
	[tilespmem:$0x1FC80] =	vst v63  }
0x2ee: {  	_ =	swait.ge [sflag:s11], $0x3200  }
0x2ef: {  	[sflag:s11] =	ssyncset.done $0x0  }
0x2f0: {  	s3 =	simm.s32 $0x400;
	[sflag:s11] =	ssyncadd.s32 $0xFFFFCE00  }
0x2f1: {  	[tilespmem:s28], [sflag:$0x3] =	stream.indirect.gather [hbm4b:s4+s20], $0x80, s3, s20, $0xb8;
	[tilespmem:$0x1FC80] =	vst v63  }
0x2f2: {  	_ =	swait.ge [sflag:s29], $0x3200  }
0x2f3: {  	[sflag:s29] =	ssyncset.done $0x0  }
0x2f4: {  	s9 =	simm.s32 $0x1380;
	[sflag:s29] =	ssyncadd.s32 $0xFFFFCE00  }
0x2f5: {  	[spmem:s1] =	stream.indirect.scatter.add.f32 [tilespmem:s23], [sflag:$0x5], $0x80, s9, s20, $0xb8;
	[tilespmem:$0x1FC80] =	vst v63  }
0x2f6: {  	_ =	swait.ge [sflag:s31], $0x3200  }
0x2f7: {  	[sflag:s31] =	ssyncset.done $0x0  }
0x2f8: {  	s3 =	simm.s32 $0x480;
	[sflag:s31] =	ssyncadd.s32 $0xFFFFCE00  }
0x2f9: {  	[tilespmem:s21], [sflag:$0x1] =	stream.indirect.gather [hbm4b:s4+s20], $0x80, s3, s20, $0xb8;
	[tilespmem:$0x1FC80] =	vst v63  }
0x2fa: {  	_ =	swait.ge [sflag:s2], $0x3200  }
0x2fb: {  	[sflag:s2] =	ssyncset.done $0x0  }
0x2fc: {  	s9 =	simm.s32 $0x1400;
	[sflag:s2] =	ssyncadd.s32 $0xFFFFCE00  }
0x2fd: {  	[spmem:s1] =	stream.indirect.scatter.add.f32 [tilespmem:s28], [sflag:$0x6], $0x80, s9, s20, $0xb8;
	[tilespmem:$0x1FC80] =	vst v63  }
0x2fe: {  	_ =	swait.ge [sflag:s8], $0x3200  }
0x2ff: {  	[sflag:s8] =	ssyncset.done $0x0  }
0x300: {  	s3 =	simm.s32 $0x500;
	[sflag:s8] =	ssyncadd.s32 $0xFFFFCE00  }
0x301: {  	[tilespmem:s23], [sflag:$0x2] =	stream.indirect.gather [hbm4b:s4+s20], $0x80, s3, s20, $0xb8;
	[tilespmem:$0x1FC80] =	vst v63  }
0x302: {  	_ =	swait.ge [sflag:s25], $0x3200  }
0x303: {  	[sflag:s25] =	ssyncset.done $0x0  }
0x304: {  	s9 =	simm.s32 $0x1480;
	[sflag:s25] =	ssyncadd.s32 $0xFFFFCE00  }
0x305: {  	[spmem:s1] =	stream.indirect.scatter.add.f32 [tilespmem:s21], [sflag:$0x4], $0x80, s9, s20, $0xb8;
	[tilespmem:$0x1FC80] =	vst v63  }
0x306: {  	_ =	swait.ge [sflag:s11], $0x3200  }
0x307: {  	[sflag:s11] =	ssyncset.done $0x0  }
0x308: {  	s3 =	simm.s32 $0x580;
	[sflag:s11] =	ssyncadd.s32 $0xFFFFCE00  }
0x309: {  	[tilespmem:s28], [sflag:$0x3] =	stream.indirect.gather [hbm4b:s4+s20], $0x80, s3, s20, $0xb8;
	[tilespmem:$0x1FC80] =	vst v63  }
0x30a: {  	_ =	swait.ge [sflag:s29], $0x3200  }
0x30b: {  	[sflag:s29] =	ssyncset.done $0x0  }
0x30c: {  	s9 =	simm.s32 $0x1500;
	[sflag:s29] =	ssyncadd.s32 $0xFFFFCE00  }
0x30d: {  	[spmem:s1] =	stream.indirect.scatter.add.f32 [tilespmem:s23], [sflag:$0x5], $0x80, s9, s20, $0xb8;
	[tilespmem:$0x1FC80] =	vst v63  }
0x30e: {  	_ =	swait.ge [sflag:s31], $0x3200  }
0x30f: {  	[sflag:s31] =	ssyncset.done $0x0  }
0x310: {  	s30 =	simm.s32 $0x600;
	[sflag:s31] =	ssyncadd.s32 $0xFFFFCE00  }
0x311: {  	[tilespmem:s21], [sflag:$0x1] =	stream.indirect.gather [hbm4b:s4+s20], $0x80, s30, s20, $0xb8;
	[tilespmem:$0x1FC80] =	vst v63  }
0x312: {  	_ =	swait.ge [sflag:s2], $0x3200  }
0x313: {  	[sflag:s2] =	ssyncset.done $0x0  }
0x314: {  	s12 =	simm.s32 $0x1580;
	[sflag:s2] =	ssyncadd.s32 $0xFFFFCE00  }
0x315: {  	[spmem:s1] =	stream.indirect.scatter.add.f32 [tilespmem:s28], [sflag:$0x6], $0x80, s12, s20, $0xb8;
	[tilespmem:$0x1FC80] =	vst v63  }
0x316: {  	_ =	swait.ge [sflag:s8], $0x3200  }
0x317: {  	[sflag:s8] =	ssyncset.done $0x0  }
0x318: {  	s13 =	simm.s32 $0x680;
	[sflag:s8] =	ssyncadd.s32 $0xFFFFCE00  }
0x319: {  	[tilespmem:s23], [sflag:$0x2] =	stream.indirect.gather [hbm4b:s4+s20], $0x80, s13, s20, $0xb8;
	[tilespmem:$0x1FC80] =	vst v63  }
0x31a: {  	_ =	swait.ge [sflag:s25], $0x3200  }
0x31b: {  	[sflag:s25] =	ssyncset.done $0x0  }
0x31c: {  	s14 =	simm.s32 $0x1600;
	[sflag:s25] =	ssyncadd.s32 $0xFFFFCE00  }
0x31d: {  	[spmem:s1] =	stream.indirect.scatter.add.f32 [tilespmem:s21], [sflag:$0x4], $0x80, s14, s20, $0xb8;
	[tilespmem:$0x1FC80] =	vst v63  }
0x31e: {  	_ =	swait.ge [sflag:s11], $0x3200  }
0x31f: {  	[sflag:s11] =	ssyncset.done $0x0  }
0x320: {  	s15 =	simm.s32 $0x700;
	[sflag:s11] =	ssyncadd.s32 $0xFFFFCE00  }
0x321: {  	[tilespmem:s28], [sflag:$0x3] =	stream.indirect.gather [hbm4b:s4+s20], $0x80, s15, s20, $0xb8;
	[tilespmem:$0x1FC80] =	vst v63  }
0x322: {  	_ =	swait.ge [sflag:s29], $0x3200  }
0x323: {  	[sflag:s29] =	ssyncset.done $0x0  }
0x324: {  	s19 =	simm.s32 $0x1680;
	[sflag:s29] =	ssyncadd.s32 $0xFFFFCE00  }
0x325: {  	[spmem:s1] =	stream.indirect.scatter.add.f32 [tilespmem:s23], [sflag:$0x5], $0x80, s19, s20, $0xb8;
	[tilespmem:$0x1FC80] =	vst v63  }
0x326: {  	_ =	swait.ge [sflag:s31], $0x3200  }
0x327: {  	[sflag:s31] =	ssyncset.done $0x0  }
0x328: {  	s5 =	simm.s32 $0x780;
	[sflag:s31] =	ssyncadd.s32 $0xFFFFCE00  }
0x329: {  	[tilespmem:s21], [sflag:$0x1] =	stream.indirect.gather [hbm4b:s4+s20], $0x80, s5, s20, $0xb8;
	[tilespmem:$0x1FC80] =	vst v63  }
0x32a: {  	_ =	swait.ge [sflag:s2], $0x3200  }
0x32b: {  	[sflag:s2] =	ssyncset.done $0x0  }
0x32c: {  	s6 =	simm.s32 $0x1700;
	[sflag:s2] =	ssyncadd.s32 $0xFFFFCE00  }
0x32d: {  	[spmem:s1] =	stream.indirect.scatter.add.f32 [tilespmem:s28], [sflag:$0x6], $0x80, s6, s20, $0xb8;
	[tilespmem:$0x1FC80] =	vst v63  }
0x32e: {  	_ =	swait.ge [sflag:s8], $0x3200  }
0x32f: {  	[sflag:s8] =	ssyncset.done $0x0  }
0x330: {  	s7 =	simm.s32 $0x800;
	[sflag:s8] =	ssyncadd.s32 $0xFFFFCE00  }
0x331: {  	[tilespmem:s23], [sflag:$0x2] =	stream.indirect.gather [hbm4b:s4+s20], $0x80, s7, s20, $0xb8;
	[tilespmem:$0x1FC80] =	vst v63  }
0x332: {  	_ =	swait.ge [sflag:s25], $0x3200  }
0x333: {  	[sflag:s25] =	ssyncset.done $0x0  }
0x334: {  	s10 =	simm.s32 $0x1780;
	[sflag:s25] =	ssyncadd.s32 $0xFFFFCE00  }
0x335: {  	[spmem:s1] =	stream.indirect.scatter.add.f32 [tilespmem:s21], [sflag:$0x4], $0x80, s10, s20, $0xb8;
	[tilespmem:$0x1FC80] =	vst v63  }
0x336: {  	_ =	swait.ge [sflag:s11], $0x3200  }
0x337: {  	[sflag:s11] =	ssyncset.done $0x0  }
0x338: {  	s16 =	simm.s32 $0x880;
	[sflag:s11] =	ssyncadd.s32 $0xFFFFCE00  }
0x339: {  	[tilespmem:s28], [sflag:$0x3] =	stream.indirect.gather [hbm4b:s4+s20], $0x80, s16, s20, $0xb8;
	[tilespmem:$0x1FC80] =	vst v63  }
0x33a: {  	_ =	swait.ge [sflag:s29], $0x3200  }
0x33b: {  	[sflag:s29] =	ssyncset.done $0x0  }
0x33c: {  	s12 =	simm.s32 $0x1800;
	[sflag:s29] =	ssyncadd.s32 $0xFFFFCE00  }
0x33d: {  	[spmem:s1] =	stream.indirect.scatter.add.f32 [tilespmem:s23], [sflag:$0x5], $0x80, s12, s20, $0xb8;
	[tilespmem:$0x1FC80] =	vst v63  }
0x33e: {  	_ =	swait.ge [sflag:s31], $0x3200  }
0x33f: {  	[sflag:s31] =	ssyncset.done $0x0  }
0x340: {  	s13 =	simm.s32 $0x900;
	[sflag:s31] =	ssyncadd.s32 $0xFFFFCE00  }
0x341: {  	[tilespmem:s21], [sflag:$0x1] =	stream.indirect.gather [hbm4b:s4+s20], $0x80, s13, s20, $0xb8;
	[tilespmem:$0x1FC80] =	vst v63  }
0x342: {  	_ =	swait.ge [sflag:s2], $0x3200  }
0x343: {  	[sflag:s2] =	ssyncset.done $0x0  }
0x344: {  	s14 =	simm.s32 $0x1880;
	[sflag:s2] =	ssyncadd.s32 $0xFFFFCE00  }
0x345: {  	[spmem:s1] =	stream.indirect.scatter.add.f32 [tilespmem:s28], [sflag:$0x6], $0x80, s14, s20, $0xb8;
	[tilespmem:$0x1FC80] =	vst v63  }
0x346: {  	_ =	swait.ge [sflag:s8], $0x3200  }
0x347: {  	[sflag:s8] =	ssyncset.done $0x0  }
0x348: {  	s15 =	simm.s32 $0x980;
	[sflag:s8] =	ssyncadd.s32 $0xFFFFCE00  }
0x349: {  	[tilespmem:s23], [sflag:$0x2] =	stream.indirect.gather [hbm4b:s4+s20], $0x80, s15, s20, $0xb8;
	[tilespmem:$0x1FC80] =	vst v63  }
0x34a: {  	_ =	swait.ge [sflag:s25], $0x3200  }
0x34b: {  	[sflag:s25] =	ssyncset.done $0x0  }
0x34c: {  	s16 =	simm.s32 $0x1900;
	[sflag:s25] =	ssyncadd.s32 $0xFFFFCE00  }
0x34d: {  	[spmem:s1] =	stream.indirect.scatter.add.f32 [tilespmem:s21], [sflag:$0x4], $0x80, s16, s20, $0xb8;
	[tilespmem:$0x1FC80] =	vst v63  }
0x34e: {  	_ =	swait.ge [sflag:s11], $0x3200  }
0x34f: {  	[sflag:s11] =	ssyncset.done $0x0  }
0x350: {  	s19 =	simm.s32 $0xA00;
	[sflag:s11] =	ssyncadd.s32 $0xFFFFCE00  }
0x351: {  	[tilespmem:s28], [sflag:$0x3] =	stream.indirect.gather [hbm4b:s4+s20], $0x80, s19, s20, $0xb8;
	[tilespmem:$0x1FC80] =	vst v63  }
0x352: {  	_ =	swait.ge [sflag:s29], $0x3200  }
0x353: {  	[sflag:s29] =	ssyncset.done $0x0  }
0x354: {  	s3 =	simm.s32 $0x1980;
	[sflag:s29] =	ssyncadd.s32 $0xFFFFCE00  }
0x355: {  	[spmem:s1] =	stream.indirect.scatter.add.f32 [tilespmem:s23], [sflag:$0x5], $0x80, s3, s20, $0xb8;
	[tilespmem:$0x1FC80] =	vst v63  }
0x356: {  	_ =	swait.ge [sflag:s31], $0x3200  }
0x357: {  	[sflag:s31] =	ssyncset.done $0x0  }
0x358: {  	s5 =	simm.s32 $0xA80;
	[sflag:s31] =	ssyncadd.s32 $0xFFFFCE00  }
0x359: {  	[tilespmem:s21], [sflag:$0x1] =	stream.indirect.gather [hbm4b:s4+s20], $0x80, s5, s20, $0xb8;
	[tilespmem:$0x1FC80] =	vst v63  }
0x35a: {  	_ =	swait.ge [sflag:s2], $0x3200  }
0x35b: {  	[sflag:s2] =	ssyncset.done $0x0  }
0x35c: {  	s6 =	simm.s32 $0x1A00;
	[sflag:s2] =	ssyncadd.s32 $0xFFFFCE00  }
0x35d: {  	[spmem:s1] =	stream.indirect.scatter.add.f32 [tilespmem:s28], [sflag:$0x6], $0x80, s6, s20, $0xb8;
	[tilespmem:$0x1FC80] =	vst v63  }
0x35e: {  	_ =	swait.ge [sflag:s8], $0x3200  }
0x35f: {  	[sflag:s8] =	ssyncset.done $0x0  }
0x360: {  	s7 =	simm.s32 $0xB00;
	[sflag:s8] =	ssyncadd.s32 $0xFFFFCE00  }
0x361: {  	[tilespmem:s23], [sflag:$0x2] =	stream.indirect.gather [hbm4b:s4+s20], $0x80, s7, s20, $0xb8;
	[tilespmem:$0x1FC80] =	vst v63  }
0x362: {  	_ =	swait.ge [sflag:s25], $0x3200  }
0x363: {  	[sflag:s25] =	ssyncset.done $0x0  }
0x364: {  	s9 =	simm.s32 $0x1A80;
	[sflag:s25] =	ssyncadd.s32 $0xFFFFCE00  }
0x365: {  	[spmem:s1] =	stream.indirect.scatter.add.f32 [tilespmem:s21], [sflag:$0x4], $0x80, s9, s20, $0xb8;
	[tilespmem:$0x1FC80] =	vst v63  }
0x366: {  	_ =	swait.ge [sflag:s11], $0x3200  }
0x367: {  	[sflag:s11] =	ssyncset.done $0x0  }
0x368: {  	s10 =	simm.s32 $0xB80;
	[sflag:s11] =	ssyncadd.s32 $0xFFFFCE00  }
0x369: {  	[tilespmem:s28], [sflag:$0x3] =	stream.indirect.gather [hbm4b:s4+s20], $0x80, s10, s20, $0xb8;
	[tilespmem:$0x1FC80] =	vst v63  }
0x36a: {  	_ =	swait.ge [sflag:s29], $0x3200  }
0x36b: {  	[sflag:s29] =	ssyncset.done $0x0  }
0x36c: {  	s12 =	simm.s32 $0x1B00;
	[sflag:s29] =	ssyncadd.s32 $0xFFFFCE00  }
0x36d: {  	[spmem:s1] =	stream.indirect.scatter.add.f32 [tilespmem:s23], [sflag:$0x5], $0x80, s12, s20, $0xb8;
	[tilespmem:$0x1FC80] =	vst v63  }
0x36e: {  	_ =	swait.ge [sflag:s31], $0x3200  }
0x36f: {  	[sflag:s31] =	ssyncset.done $0x0  }
0x370: {  	s13 =	simm.s32 $0xC00;
	[sflag:s31] =	ssyncadd.s32 $0xFFFFCE00  }
0x371: {  	[tilespmem:s21], [sflag:$0x1] =	stream.indirect.gather [hbm4b:s4+s20], $0x80, s13, s20, $0xb8;
	[tilespmem:$0x1FC80] =	vst v63  }
0x372: {  	_ =	swait.ge [sflag:s2], $0x3200  }
0x373: {  	[sflag:s2] =	ssyncset.done $0x0  }
0x374: {  	s14 =	simm.s32 $0x1B80;
	[sflag:s2] =	ssyncadd.s32 $0xFFFFCE00  }
0x375: {  	[spmem:s1] =	stream.indirect.scatter.add.f32 [tilespmem:s28], [sflag:$0x6], $0x80, s14, s20, $0xb8;
	[tilespmem:$0x1FC80] =	vst v63  }
0x376: {  	_ =	swait.ge [sflag:s8], $0x3200  }
0x377: {  	[sflag:s8] =	ssyncset.done $0x0  }
0x378: {  	[sflag:s8] =	ssyncadd.s32 $0xFFFFCE00  }
0x379: {  	_ =	swait.ge [sflag:s25], $0x3200  }
0x37a: {  	[sflag:s25] =	ssyncset.done $0x0  }
0x37b: {  	s15 =	simm.s32 $0x1C00;
	[sflag:s25] =	ssyncadd.s32 $0xFFFFCE00  }
0x37c: {  	[spmem:s1] =	stream.indirect.scatter.add.f32 [tilespmem:s21], [sflag:$0x4], $0x80, s15, s20, $0xb8;
	[tilespmem:$0x1FC80] =	vst v63  }
0x37d: {  	_ =	swait.ge [sflag:s11], $0x3200  }
0x37e: {  	[sflag:s11] =	ssyncset.done $0x0  }
0x37f: {  	[sflag:s11] =	ssyncadd.s32 $0xFFFFCE00  }
0x380: {  	_ =	swait.ge [sflag:s31], $0x3200  }
0x381: {  	[sflag:s31] =	ssyncset.done $0x0  }
0x382: {  	[sflag:s31] =	ssyncadd.s32 $0xFFFFCE00  }
0x383: {  	s16 =	stileid.u32;
	[bflag:$0x0] =	sbarrier.arrive $0xFFFF  }
.Ltmp5:
0x384: {  	s0 =	sshll.u32 s16, $0x6;
	s6 =	rddreg [dreg:$0xd];
	(pc) =	sbr.rel @!p0 .LBB2_9-.Ltmp5, $4  }
0x385: {  	s30 =	sor.u32 $0x1C07, s0;
	s16 =	rddreg [dreg:$0xc];
	s19 =	sshrl.u32 s6, $0x3  }
0x386: {  	[hbm:s16], [sflag:s30] =	dma.local [spmem:s19], $0x100  }
0x387: {  	s5 =	rddreg [dreg:$0xe]  }
0x388: {  	s7 =	sadd.s32 $0x800, s6;
	s0 =	sadd.s32 $0xFFFFFFFF, s5  }
.LBB2_8:
0x389: {  	p1 =	sne.s32 s0, $0x1;
	s0 =	sadd.s32 $0xFFFFFFFF, s0  }
.Ltmp6:
0x38a: {  	s9 =	sshrl.u32 s7, $0x3;
	s16 =	sadd.s32 $0x100, s16;
	(pc) =	sbr.rel @p1 .LBB2_8-.Ltmp6, $3  }
0x38b: {  	[hbm:s16], [sflag:s30] =	dma.local [spmem:s9], $0x100  }
0x38c: {  	_ =	sdelay $0x1  }
0x38d: {  	s7 =	sadd.s32 $0x800, s7  }
.LBB2_9:
.Ltmp7:
0x38e: {  	(pc) =	sbr.rel @!p0 .LBB2_11-.Ltmp7, $3  }
0x38f: {  	_ =	sdelay $0x1  }
0x390: {  	_ =	swait.ge [sflag:s24], $0x100  }
0x391: {  	s0 =	sadd.s32 $0xFFFFFFFF, s5;
	[sflag:s24] =	ssyncset.done $0x0  }
.LBB2_10:
0x392: {  	p0 =	sne.s32 s0, $0x1;
	s0 =	sadd.s32 $0xFFFFFFFF, s0;
	[sflag:s24] =	ssyncadd.s32 $0xFFFFFF00  }
.Ltmp8:
0x393: {  	(pc) =	sbr.rel @p0 .LBB2_10-.Ltmp8, $3  }
0x394: {  	_ =	sdelay $0x1  }
0x395: {  	_ =	swait.ge [sflag:s24], $0x100  }
0x396: {  	[sflag:s24] =	ssyncset.done $0x0  }
.LBB2_11:
0x397: {  	s26 =	sadd.s32 $0x1, s26;
	s0 =	rddreg [dreg:$0xb]  }
0x398: {  	p0 =	sne.s32 s26, s0  }
.Ltmp9:
0x399: {  	_ = 	snop;
	(pc) =	sbr.rel @p0 .LBB2_1-.Ltmp9, $2  }
0x39a: {  	_ =	sdelay $0x2  }
0x39b: {  	[sflag:s24] =	ssyncadd.s32 $0xFFFFFF00;
	s9 =	simm.s32 $0x80  }
0x39c: {  	_ =	sfence.sel $0x180000  }
0x39d: {  	[bflag:$0x0] =	sbarrier.arrive $0xFFFF  }
0x39e: {  	_ =	strace $0x9000004A  }
0x39f: {  	s0 =	stileid.u32;
	[bflag:$0x2] =	sbarrier.arrive $0xFFFF  }
0x3a0: {  	p0 =	sne.s32 s0, $0x0;
	s0 =	rddreg [dreg:$0x2]  }
0x3a1: {  	s0 =	sadd.s32 @!p0 $0x100000, s0  }
0x3a2: {  	[sflag:s0] =	ssyncadd.tile.s32 @!p0 $0x1;
	_ =	shalt  }
.Lfunc_end2:
_tile_overlayer_lowered:
.L_overlay_start_2:
0x3a3: {  	(tag) =	ssettag $0x2  }
0x3a4: {  	s0 =	rddreg [dreg:$0x0];
	s2 =	stileid.u32  }
0x3a5: {  	s1 =	rddreg [dreg:$0x1];
	p0 =	sne.s32 s2, $0x0  }
0x3a6: {  	s3 =	rddreg [dreg:$0x2];
	[bflag:$0x3] =	sbarrier.arrive $0xFFFF;
	s2 =	simm.s32 @!p0 $0x1C08  }
0x3a7: {  	[timem:s3], [sflag:s2] =	dma.local @!p0 [hbm:s0], s1  }
0x3a8: {  	s0 =	simm.s32 @!p0 $0x8  }
0x3a9: {  	_ =	swait.ge @!p0 [sflag:s0], s1  }
0x3aa: {  	s1 =	ssub.s32 @!p0 $0x0, s1;
	[sflag:s0] =	ssyncset.done @!p0 $0x0  }
0x3ab: {  	[sflag:s0] =	ssyncadd.s32 @!p0 s1  }
0x3ac: {  	[bflag:$0x3] =	sbarrier.arrive $0xFFFF  }
0x3ad: {  	_ =	shalt  }

// kernel: kernel.7.cloned.1.call-start
scs
__scs_entry_jumppad:
0x0: {  	(pc) =	sbr.rel $0x88, $3  }
0x1: {  	(tag) =	ssettag $0x0;
	lr =	simm.s32 $0x1  }
0x2: {  	[smem:$0x3F97] =	sst lr;
	_ =	strace $0xD0000000  }
0x3: {  	_ = 	snop  }
0x4: {  	_ = 	snop  }
0x5: {  	_ = 	snop  }
0x6: {  	_ = 	snop  }
0x7: {  	_ = 	snop  }
__scs_overlays_trampoline_lowered:
0x8: {  	[smem:$0x3FA6] =	sst s0  }
0x9: {  	[smem:$0x3FA7] =	sst s1  }
0xa: {  	[smem:$0x3FA8] =	sst s2  }
0xb: {  	[smem:$0x3FA9] =	sst s3  }
0xc: {  	[smem:$0x3FAA] =	sst s4  }
0xd: {  	[smem:$0x3FAB] =	sst s5  }
0xe: {  	[smem:$0x3FAC] =	sst s6  }
0xf: {  	[smem:$0x3FAD] =	sst s7  }
0x10: {  	[smem:$0x3FAE] =	sst s8  }
0x11: {  	[smem:$0x3FAF] =	sst s9;
	s0 =	simm.s32 @!p0 $0x0  }
0x12: {  	s1 =	sld [smem:$0x3F95];
	s0 =	simm.s32 @p0 $0x1  }
0x13: {  	[smem:$0x3FB0] =	sst s0;
	s0 =	simm.s32 @!p1 $0x0  }
0x14: {  	s2 =	sld [smem:$0x3F94];
	s0 =	simm.s32 @p1 $0x1  }
0x15: {  	[smem:$0x3FB1] =	sst s0;
	s0 =	simm.s32 @!p2 $0x0  }
0x16: {  	s3 =	sld [smem:$0x3FDB];
	s0 =	simm.s32 @p2 $0x1  }
0x17: {  	s4 =	simm.s32 $0x1BF5;
	[smem:$0x3FB3] =	sst s0  }
0x18: {  	s0 =	sld [smem:$0x3F96];
	_ =	swait.ge [sflag:s4], $0x0  }
0x19: {  	s7 =	sld [smem:$0x3F97]  }
0x1a: {  	s8 =	sadd.s32 $0xFFFFE003, lr  }
0x1b: {  	s9 =	sadd.s32 $0xFFFFFEF7, lr;
	s5 =	simm.s32 $0xFFFFFFFF;
	p2 =	slt.u32 s8, $0xFFFFF086  }
0x1c: {  	p1 =	slt.u32 s9, $0xF7A;
	s5 =	simm.s32 @!p2 $0x0  }
0x1d: {  	s5 =	simm.s32 @p1 $0x1;
	p0 =	seq.s32 s7, s2  }
0x1e: {  	s7 =	smul.u32 @!p0 $0xF7A, s2;
	p2 =	seq.s32 @!p0 s5, $0x0  }
0x1f: {  	s9 =	smul.u32 $0xF7A, s1;
	s8 =	simm.s32 @!p0 $0x1BF5;
	p2 =	por !p2, p0  }
0x20: {  	[sflag:s8] =	ssyncset.s32 @!p0 $0xFFFFF086;
	s6 =	sadd.s32 @!p0 s3, s7;
	s7 =	simm.s32 @!p0 $0x108  }
0x21: {  	s3 =	sadd.s32 s3, s9;
	s6 =	sadd.s32 @!p0 $0x88, s6;
	s7 =	simm.s32 @p2 $0x1082  }
0x22: {  	[simem:s7], [sflag:s8] =	dma.local @!p0 [hbm:s6], $0xF7A  }
0x23: {  	s9 =	sor.u32 $0xD0000000, s2;
	s6 =	simm.s32 $0x108;
	_ =	swait.ge @!p0 [sflag:s8], $0x0  }
0x24: {  	s3 =	sadd.s32 $0x88, s3;
	s6 =	simm.s32 @!p1 $0x1082;
	[sflag:s4] =	ssyncset.s32 $0xFFFFF086  }
0x25: {  	[simem:s6], [sflag:s4] =	dma.local [hbm:s3], $0xF7A  }
0x26: {  	[smem:$0x3F97] =	sst s1;
	(tag) =	ssettag s2;
	_ =	strace s9  }
0x27: {  	s1 =	sld [smem:$0x3FA7]  }
0x28: {  	s2 =	sld [smem:$0x3FA8]  }
0x29: {  	s4 =	sld [smem:$0x3FAA]  }
0x2a: {  	p0 =	seq.s32 s5, $0x0;
	s5 =	sld [smem:$0x3FAB]  }
0x2b: {  	s6 =	sld [smem:$0x3FAC]  }
0x2c: {  	s7 =	sld [smem:$0x3FAD]  }
0x2d: {  	s3 =	simm.s32 $0x108;
	s8 =	sld [smem:$0x3FAE]  }
0x2e: {  	s3 =	simm.s32 @!p0 $0x1082;
	s9 =	sld [smem:$0x3FAF]  }
0x2f: {  	lr =	sadd.s32 s0, s3;
	s0 =	sld [smem:$0x3FA6]  }
0x30: {  	s3 =	sld [smem:$0x3FA9]  }
0x31: {  	[smem:$0x3FB2] =	sst s10  }
0x32: {  	s10 =	sld [smem:$0x3FB0];
	_ =	sdelay $0x3  }
0x33: {  	p0 =	seq.s32 s10, $0x1;
	s10 =	sld [smem:$0x3FB2];
	_ =	sdelay $0x3  }
0x34: {  	[smem:$0x3FB2] =	sst s10  }
0x35: {  	s10 =	sld [smem:$0x3FB1];
	_ =	sdelay $0x3  }
0x36: {  	p1 =	seq.s32 s10, $0x1;
	s10 =	sld [smem:$0x3FB2];
	_ =	sdelay $0x3  }
0x37: {  	[smem:$0x3FB2] =	sst s10  }
0x38: {  	s10 =	sld [smem:$0x3FB3]  }
0x39: {  	_ = 	snop;
	(pc) =	sbr.ind lr, $3  }
0x3a: {  	_ = 	snop  }
0x3b: {  	_ = 	snop  }
0x3c: {  	p2 =	seq.s32 s10, $0x1;
	s10 =	sld [smem:$0x3FB2]  }
0x3d: {  	_ =	shalt  }
0x3e: {  	_ =	shalt  }
0x3f: {  	_ =	shalt  }
0x40: {  	_ =	shalt  }
0x41: {  	_ =	shalt  }
0x42: {  	_ =	shalt  }
0x43: {  	_ =	shalt  }
0x44: {  	_ =	shalt  }
0x45: {  	_ =	shalt  }
0x46: {  	_ =	shalt  }
0x47: {  	_ =	shalt  }
0x48: {  	_ =	shalt  }
0x49: {  	_ =	shalt  }
0x4a: {  	_ =	shalt  }
0x4b: {  	_ =	shalt  }
0x4c: {  	_ =	shalt  }
0x4d: {  	_ =	shalt  }
0x4e: {  	_ =	shalt  }
0x4f: {  	_ =	shalt  }
0x50: {  	_ =	shalt  }
0x51: {  	_ =	shalt  }
0x52: {  	_ =	shalt  }
0x53: {  	_ =	shalt  }
0x54: {  	_ =	shalt  }
0x55: {  	_ =	shalt  }
0x56: {  	_ =	shalt  }
0x57: {  	_ =	shalt  }
0x58: {  	_ =	shalt  }
0x59: {  	_ =	shalt  }
0x5a: {  	_ =	shalt  }
0x5b: {  	_ =	shalt  }
0x5c: {  	_ =	shalt  }
0x5d: {  	_ =	shalt  }
0x5e: {  	_ =	shalt  }
0x5f: {  	_ =	shalt  }
0x60: {  	_ =	shalt  }
0x61: {  	_ =	shalt  }
0x62: {  	_ =	shalt  }
0x63: {  	_ =	shalt  }
0x64: {  	_ =	shalt  }
0x65: {  	_ =	shalt  }
0x66: {  	_ =	shalt  }
0x67: {  	_ =	shalt  }
0x68: {  	_ =	shalt  }
0x69: {  	_ =	shalt  }
0x6a: {  	_ =	shalt  }
0x6b: {  	_ =	shalt  }
0x6c: {  	_ =	shalt  }
0x6d: {  	_ =	shalt  }
0x6e: {  	_ =	shalt  }
0x6f: {  	_ =	shalt  }
0x70: {  	_ =	shalt  }
0x71: {  	_ =	shalt  }
0x72: {  	_ =	shalt  }
0x73: {  	_ =	shalt  }
0x74: {  	_ =	shalt  }
0x75: {  	_ =	shalt  }
0x76: {  	_ =	shalt  }
0x77: {  	_ =	shalt  }
0x78: {  	_ =	shalt  }
0x79: {  	_ =	shalt  }
0x7a: {  	_ =	shalt  }
0x7b: {  	_ =	shalt  }
0x7c: {  	_ =	shalt  }
0x7d: {  	_ =	shalt  }
0x7e: {  	_ =	shalt  }
0x7f: {  	_ =	shalt  }
0x80: {  	_ =	shalt  }
0x81: {  	_ =	shalt  }
0x82: {  	_ =	shalt  }
0x83: {  	_ =	shalt  }
0x84: {  	_ =	shalt  }
0x85: {  	_ =	shalt  }
0x86: {  	_ =	shalt  }
0x87: {  	_ =	shalt  }
.Lfunc_end0:
.L_simem_size_0:
called_computation_lowered:
.L_overlay_start_0:
0x88: {  	s2 =	sld [smem:$0x3FD9]  }
0x89: {  	s3 =	sld [smem:$0x3FFE];
	_ =	sdelay $0x1  }
0x8a: {  	s1 =	srdreg.scid  }
0x8b: {  	s0 =	sand.u32 $0x1, s1  }
0x8c: {  	s16 =	sshll.u32 s0, $0xA;
	s2 =	sadd.s32 s3, s2  }
0x8d: {  	s2 =	sadd.s32 s2, s16  }
0x8e: {  	[smem:$0x3FBE] =	sst s2  }
0x8f: {  	_ = 	snop  }
0x90: {  	(tm) =	ssettm $0x1  }
0x91: {  	s17 =	sld [smem:$0x3FFB];
	_ =	sdelay $0x3  }
0x92: {  	_ =	strace s17  }
0x93: {  	s2 =	sld [smem:$0x3FFC];
	_ =	sdelay $0x3  }
0x94: {  	_ =	strace s2  }
0x95: {  	s2 =	sld [smem:$0x3FFD];
	_ =	sdelay $0x3  }
0x96: {  	_ =	strace s2  }
0x97: {  	_ =	strace $0x8FFFFFFF  }
0x98: {  	s18 =	sld [smem:$0x3FDB];
	_ =	sdelay $0x1  }
0x99: {  	s19 =	simm.s32 $_scs_section_size  }
0x9a: {  	s4 =	simm.s32 $_size__tile_overlayer_lowered;
	s5 =	simm.s32 $_tile_overlayer_lowered  }
0x9b: {  	s22 =	simm.s32 $0x1BFF;
	s21 =	sshll.u32 s5, $0x1;
	s2 =	sadd.s32 s19, s18  }
0x9c: {  	s6 =	simm.s32 $0x0;
	s20 =	sshll.u32 s4, $0x1;
	s4 =	sadd.s32 s21, s2  }
0x9d: {  	[timem:s6], [sflag:s22] =	dma.local [hbm:s4], s20  }
0x9e: {  	_ =	swait.ge [sflag:s22], s20  }
0x9f: {  	s3 =	ssub.s32 $0x0, s20;
	[sflag:s22] =	ssyncset.done $0x0  }
0xa0: {  	[sflag:s22] =	ssyncadd.s32 s3;
	_ =	sdelay $0x1  }
0xa1: {  	s23 =	simm.s32 $0x1B8B  }
0xa2: {  	_ =	swait.ge [sflag:s23], $0x1  }
0xa3: {  	[sflag:s23] =	ssyncset.done $0x0  }
0xa4: {  	s25 =	simm.s32 $0x1B8E;
	s24 =	sld [smem:$0x3FFE];
	[sflag:s23] =	ssyncadd.s32 $0xFFFFFFFF  }
0xa5: {  	s26 =	simm.s32 $execute0_lowered;
	[smem:$0x3FD2] =	sst s25  }
0xa6: {  	s4 =	sshll.u32 s26, $0x1;
	_ =	strace $0x80000046;
	[dreg:$0x1] =	wrdreg $0xFFFFFFFF  }
0xa7: {  	s28 =	simm.s32 $_size_execute0_lowered;
	s2 =	sadd.s32 s2, s4;
	[dreg:$0x0] =	wrdreg $0x0  }
0xa8: {  	s4 =	sshll.u32 s28, $0x1;
	[dreg:$0x2] =	wrdreg s2  }
0xa9: {  	[dreg:$0x3] =	wrdreg s4  }
0xaa: {  	[dreg:$0x4] =	wrdreg $0xC0  }
0xab: {  	_ =	task [dreg:s6], $0x5FFFF  }
0xac: {  	[dreg:$0x1] =	wrdreg $0xFFFFFFFF  }
0xad: {  	[dreg:$0x0] =	wrdreg $0x60  }
0xae: {  	[dreg:$0x2] =	wrdreg s24  }
0xaf: {  	[dreg:$0x3] =	wrdreg $0xC4000  }
0xb0: {  	[dreg:$0x4] =	wrdreg $0x9  }
0xb1: {  	_ =	task.clear_ibuf [dreg:s6], $0x5FFFF;
	_ =	strace $0x90000046  }
0xb2: {  	s29 =	simm.s32 $0x9;
	_ =	strace $0x80000048  }
0xb3: {  	_ =	swait.ge [sflag:s29], $0x1  }
0xb4: {  	[sflag:s29] =	ssyncadd.s32 $0xFFFFFFFF  }
0xb5: {  	_ =	strace $0x90000048  }
0xb6: {  	_ =	sfence  }
0xb7: {  	s30 =	sld [smem:$0x0];
	_ =	sdelay $0x2  }
0xb8: {  	s31 =	sshll.u32 s1, $0xD;
	s1 =	sshrl.u32 s1, $0x2  }
0xb9: {  	s3 =	sand.u32 $0x4000, s31;
	s1 =	sadd.s32 s1, s30  }
0xba: {  	s0 =	sor.u32 s3, s0;
	s1 =	sshll.u32 s1, $0x11  }
0xbb: {  	s0 =	sor.u32 s1, s0  }
0xbc: {  	s0 =	sadd.s32 $0x8F2B, s0  }
0xbd: {  	[sflag:s0] =	ssyncadd.remote.s32 $0x1  }
0xbe: {  	_ =	sfence.sel $0xFFFF  }
0xbf: {  	[dreg:$0x0] =	wrdreg $0xFFFFFFFF;
	(pc) =	sbr.abs _section_cstart, $3  }
0xc0: {  	[dreg:$0x1] =	wrdreg $0xFFFFFFFF  }
0xc1: {  	_ =	task.clear_ibuf [dreg:s6], $0x2FFFF;
	_ =	strace $0x9FFFFFFF  }
0xc2: {  	(tm) =	ssettm $0x7FFFFFFF  }
0xc3: {  	_ =	shalt  }
tec
execute0_lowered:
.L_overlay_start_1:
0x0: {  	(tag) =	ssettag $0x1  }
0x1: {  	s0 =	rddreg [dreg:$0x0]  }
0x2: {  	s1 =	rddreg [dreg:$0x1];
	s2 =	srdreg.scid  }
0x3: {  	s3 =	simm.s32 $0x0;
	s10 =	stileid.u32;
	s17 =	simm.s32 $0xBC00  }
0x4: {  	s18 =	simm.s32 $0x8;
	s20 =	simm.s32 $0x64;
	s28 =	simm.s32 $0x8800  }
0x5: {  	s29 =	simm.s32 $0x2;
	s31 =	simm.s32 $0x4;
	s2 =	sand.u32 $0x1, s2  }
0x6: {  	[smem:$0x7FF] =	sst s3;
	s6 =	smul.u32 $0x13800, s10;
	s4 =	sadd.s32 $0x21A00, s0  }
0x7: {  	s7 =	sadd.s32 $0x1A00, s0;
	s8 =	sadd.s32 $0x11A00, s0;
	s22 =	smul.u32 $0x4E000, s10  }
0x8: {  	p0 =	seq.s32 s10, $0xF;
	s10 =	sshll.u32 s10, $0xB;
	s5 =	smul.u32 $0x138800, s2  }
0x9: {  	_ =	strace $0x80000047;
	s21 =	ssub.s32 $0x2, s2;
	s2 =	sshll.u32 s2, $0xF  }
0xa: {  	s9 =	sshrl.u32 s21, $0x1;
	s2 =	sor.u32 s10, s2;
	s5 =	sadd.s32 s6, s5  }
0xb: {  	s9 =	ssub.s32 s21, s9;
	s6 =	sshrl.u32 s22, $0x2;
	s10 =	sor.u32 $0x200, s2  }
0xc: {  	s11 =	sadd.s32 s7, s2;
	s23 =	sadd.s32 s8, s2;
	s25 =	sor.u32 $0x400, s2  }
0xd: {  	s2 =	sor.u32 $0x600, s2;
	s22 =	simm.s32 $0x1000;
	[dreg:$0x3] =	wrdreg s11  }
0xe: {  	s21 =	simm.s32 $0x2000;
	[dreg:$0x4] =	wrdreg s23;
	s24 =	sadd.s32 s7, s10  }
0xf: {  	s5 =	sshrl.u32 s5, $0x3;
	s10 =	sadd.s32 s8, s10;
	[dreg:$0x5] =	wrdreg s24  }
0x10: {  	s6 =	sadd.s32 s6, s1;
	s26 =	sadd.s32 s7, s25;
	[dreg:$0x6] =	wrdreg s10  }
0x11: {  	s7 =	sadd.s32 s7, s2;
	s2 =	sadd.s32 s8, s2;
	[dreg:$0x7] =	wrdreg s26  }
0x12: {  	s30 =	smax.u32 s9, $0x1;
	s9 =	simm.s32 $0x80;
	[dreg:$0x9] =	wrdreg s7  }
0x13: {  	s23 =	simm.s32 $0x5400;
	s11 =	simm.s32 $0x6;
	[dreg:$0xa] =	wrdreg s2  }
0x14: {  	s0 =	sadd.s32 s5, s0;
	s5 =	simm.s32 $0x28;
	[dreg:$0xb] =	wrdreg s30  }
0x15: {  	s10 =	sadd.s32 s8, s25;
	s24 =	simm.s32 $0x7;
	[dreg:$0xd] =	wrdreg s6  }
0x16: {  	s25 =	simm.s32 $0x1;
	[dreg:$0x8] =	wrdreg s10;
	s0 =	sadd.s32 $0x48C00, s0  }
0x17: {  	s2 =	simm.s32 $0x3;
	s5 =	simm.s32 @!p0 $0x27;
	[dreg:$0xc] =	wrdreg s0  }
0x18: {  	v0 =	vimm.f32 $0.0e+00;
	s8 =	simm.s32 $0x5;
	s26 =	simm.s32 $0x0;
	[dreg:$0xe] =	wrdreg s5  }
.LBB2_1:
0x19: {  	s30 =	simm.s32 $0x0;
	s0 =	simm.s32 $0x200  }
.LBB2_2:
0x1a: {  	p0 =	sne.s32 s0, $0x1E00;
	[tilespmem:s30+$0xBC70] =	vst v0  }
0x1b: {  	[tilespmem:s30+$0xBC00] =	vst v0  }
0x1c: {  	[tilespmem:s30+$0xBC10] =	vst v0  }
.Ltmp0:
0x1d: {  	[tilespmem:s30+$0xBC20] =	vst v0;
	(pc) =	sbr.rel @p0 .LBB2_2-.Ltmp0, $4  }
0x1e: {  	[tilespmem:s30+$0xBC30] =	vst v0  }
0x1f: {  	[tilespmem:s30+$0xBC40] =	vst v0  }
0x20: {  	[tilespmem:s30+$0xBC50] =	vst v0  }
0x21: {  	[tilespmem:s30+$0xBC60] =	vst v0;
	s30 =	sshra.s32 s0, $0x2;
	s0 =	sadd.s32 $0x200, s0  }
0x22: {  	[tilespmem:s30+$0xBC70] =	vst v0  }
0x23: {  	[tilespmem:s30+$0xBC00] =	vst v0  }
0x24: {  	[tilespmem:s30+$0xBC10] =	vst v0  }
0x25: {  	[tilespmem:s30+$0xBC20] =	vst v0;
	p0 =	sne.s32 s5, $0x1  }
.Ltmp1:
0x26: {  	[tilespmem:s30+$0xBC30] =	vst v0;
	(pc) =	sbr.rel @!p0 .LBB2_5-.Ltmp1, $4  }
0x27: {  	[tilespmem:s30+$0xBC40] =	vst v0  }
0x28: {  	[tilespmem:s30+$0xBC50] =	vst v0  }
0x29: {  	[tilespmem:s30+$0xBC60] =	vst v0;
	s0 =	sadd.s32 $0xFFFFFFFF, s5;
	s7 =	smov.u32 s6  }
0x2a: {  	[spmem:s6] =	stream.linear.scatter [tilespmem:s17], [sflag:$0x7], $0x800, $0x38;
	[tilespmem:$0x1FC80] =	vst v63  }
.LBB2_4:
0x2b: {  	p1 =	sne.s32 s0, $0x1  }
.Ltmp2:
0x2c: {  	_ = 	snop;
	(pc) =	sbr.rel @p1 .LBB2_4-.Ltmp2, $3  }
0x2d: {  	_ = 	snop  }
0x2e: {  	s0 =	sadd.s32 $0xFFFFFFFF, s0;
	s7 =	sadd.s32 $0x800, s7;
	_ =	sdelay $0x1  }
0x2f: {  	[spmem:s7] =	stream.linear.scatter [tilespmem:s17], [sflag:$0x7], $0x800, $0x38;
	[tilespmem:$0x1FC80] =	vst v63  }
.LBB2_5:
0x30: {  	s0 =	rddreg [dreg:$0x3];
	s3 =	simm.s32 $0x0  }
0x31: {  	[tilespmem:s3], [sflag:$0x8] =	stream.linear.gather [hbm4b:s0+s3], $0xC80, $0x38;
	[tilespmem:$0x1FC80] =	vst v63  }
0x32: {  	_ =	swait.ge [sflag:s18], $0xC80  }
0x33: {  	[sflag:s18] =	ssyncset.done $0x0  }
0x34: {  	s30 =	rddreg [dreg:$0x4];
	[sflag:s18] =	ssyncadd.s32 $0xFFFFF380  }
0x35: {  	[tilespmem:s22], [sflag:$0x8] =	stream.linear.gather [hbm4b:s30+s3], $0xC80, $0x38;
	[tilespmem:$0x1FC80] =	vst v63  }
0x36: {  	_ =	swait.ge [sflag:s18], $0xC80  }
0x37: {  	[sflag:s18] =	ssyncset.done $0x0  }
0x38: {  	[sflag:s18] =	ssyncadd.s32 $0xFFFFF380  }
0x39: {  	[tilespmem:s21], [sflag:$0x1] =	stream.indirect.gather [hbm4b:s4+s20], $0x80, s3, s20, $0xb8;
	[tilespmem:$0x1FC80] =	vst v63  }
.Ltmp3:
0x3a: {  	_ = 	snop;
	(pc) =	sbr.rel @!p0 .LBB2_7-.Ltmp3, $4  }
0x3b: {  	_ = 	snop  }
0x3c: {  	[tilespmem:s23], [sflag:$0x2] =	stream.indirect.gather [hbm4b:s4+s20], $0x80, s9, s20, $0xb8;
	[tilespmem:$0x1FC80] =	vst v63  }
0x3d: {  	_ =	swait.ge [sflag:s24], $0x800  }
0x3e: {  	s0 =	sadd.s32 $0xFFFFFFFF, s5;
	[sflag:s24] =	ssyncset.done $0x0  }
.LBB2_6:
0x3f: {  	p1 =	sne.s32 s0, $0x1;
	s0 =	sadd.s32 $0xFFFFFFFF, s0;
	[sflag:s24] =	ssyncadd.s32 $0xFFFFF800  }
.Ltmp4:
0x40: {  	(pc) =	sbr.rel @p1 .LBB2_6-.Ltmp4, $3  }
0x41: {  	_ =	sdelay $0x1  }
0x42: {  	_ =	swait.ge [sflag:s24], $0x800  }
0x43: {  	[sflag:s24] =	ssyncset.done $0x0  }
.LBB2_7:
0x44: {  	[sflag:s24] =	ssyncadd.s32 $0xFFFFF800  }
0x45: {  	[bflag:$0x0] =	sbarrier.arrive $0xFFFF  }
0x46: {  	_ =	swait.ge [sflag:s25], $0x3200  }
0x47: {  	[sflag:s25] =	ssyncset.done $0x0  }
0x48: {  	[sflag:s25] =	ssyncadd.s32 $0xFFFFCE00  }
0x49: {  	[spmem:s1] =	stream.indirect.scatter.add.f32 [tilespmem:s21], [sflag:$0x4], $0x80, s22, s20, $0xb8;
	[tilespmem:$0x1FC80] =	vst v63  }
0x4a: {  	s0 =	simm.s32 $0x100  }
0x4b: {  	[tilespmem:s28], [sflag:$0x3] =	stream.indirect.gather [hbm4b:s4+s20], $0x80, s0, s20, $0xb8;
	[tilespmem:$0x1FC80] =	vst v63  }
0x4c: {  	_ =	swait.ge [sflag:s29], $0x3200  }
0x4d: {  	[sflag:s29] =	ssyncset.done $0x0  }
0x4e: {  	s15 =	simm.s32 $0x1080;
	[sflag:s29] =	ssyncadd.s32 $0xFFFFCE00  }
0x4f: {  	[spmem:s1] =	stream.indirect.scatter.add.f32 [tilespmem:s23], [sflag:$0x5], $0x80, s15, s20, $0xb8;
	[tilespmem:$0x1FC80] =	vst v63  }
0x50: {  	_ =	swait.ge [sflag:s31], $0x3200  }
0x51: {  	[sflag:s31] =	ssyncset.done $0x0  }
0x52: {  	s16 =	simm.s32 $0x180;
	[sflag:s31] =	ssyncadd.s32 $0xFFFFCE00  }
0x53: {  	[tilespmem:s21], [sflag:$0x1] =	stream.indirect.gather [hbm4b:s4+s20], $0x80, s16, s20, $0xb8;
	[tilespmem:$0x1FC80] =	vst v63  }
0x54: {  	_ =	swait.ge [sflag:s2], $0x3200  }
0x55: {  	[sflag:s2] =	ssyncset.done $0x0  }
0x56: {  	s19 =	simm.s32 $0x1100;
	[sflag:s2] =	ssyncadd.s32 $0xFFFFCE00  }
0x57: {  	[spmem:s1] =	stream.indirect.scatter.add.f32 [tilespmem:s28], [sflag:$0x6], $0x80, s19, s20, $0xb8;
	[tilespmem:$0x1FC80] =	vst v63  }
0x58: {  	_ =	swait.ge [sflag:s8], $0x3200  }
0x59: {  	[sflag:s8] =	ssyncset.done $0x0  }
0x5a: {  	s22 =	simm.s32 $0x200;
	[sflag:s8] =	ssyncadd.s32 $0xFFFFCE00  }
0x5b: {  	[tilespmem:s23], [sflag:$0x2] =	stream.indirect.gather [hbm4b:s4+s20], $0x80, s22, s20, $0xb8;
	[tilespmem:$0x1FC80] =	vst v63  }
0x5c: {  	_ =	swait.ge [sflag:s25], $0x3200  }
0x5d: {  	[sflag:s25] =	ssyncset.done $0x0  }
0x5e: {  	s3 =	simm.s32 $0x1180;
	[sflag:s25] =	ssyncadd.s32 $0xFFFFCE00  }
0x5f: {  	[spmem:s1] =	stream.indirect.scatter.add.f32 [tilespmem:s21], [sflag:$0x4], $0x80, s3, s20, $0xb8;
	[tilespmem:$0x1FC80] =	vst v63  }
0x60: {  	_ =	swait.ge [sflag:s11], $0x3200  }
0x61: {  	[sflag:s11] =	ssyncset.done $0x0  }
0x62: {  	s5 =	simm.s32 $0x280;
	[sflag:s11] =	ssyncadd.s32 $0xFFFFCE00  }
0x63: {  	[tilespmem:s28], [sflag:$0x3] =	stream.indirect.gather [hbm4b:s4+s20], $0x80, s5, s20, $0xb8;
	[tilespmem:$0x1FC80] =	vst v63  }
0x64: {  	_ =	swait.ge [sflag:s29], $0x3200  }
0x65: {  	[sflag:s29] =	ssyncset.done $0x0  }
0x66: {  	s6 =	simm.s32 $0x1200;
	[sflag:s29] =	ssyncadd.s32 $0xFFFFCE00  }
0x67: {  	[spmem:s1] =	stream.indirect.scatter.add.f32 [tilespmem:s23], [sflag:$0x5], $0x80, s6, s20, $0xb8;
	[tilespmem:$0x1FC80] =	vst v63  }
0x68: {  	_ =	swait.ge [sflag:s31], $0x3200  }
0x69: {  	[sflag:s31] =	ssyncset.done $0x0  }
0x6a: {  	s7 =	simm.s32 $0x300;
	[sflag:s31] =	ssyncadd.s32 $0xFFFFCE00  }
0x6b: {  	[tilespmem:s21], [sflag:$0x1] =	stream.indirect.gather [hbm4b:s4+s20], $0x80, s7, s20, $0xb8;
	[tilespmem:$0x1FC80] =	vst v63  }
0x6c: {  	_ =	swait.ge [sflag:s2], $0x3200  }
0x6d: {  	[sflag:s2] =	ssyncset.done $0x0  }
0x6e: {  	s10 =	simm.s32 $0x1280;
	[sflag:s2] =	ssyncadd.s32 $0xFFFFCE00  }
0x6f: {  	[spmem:s1] =	stream.indirect.scatter.add.f32 [tilespmem:s28], [sflag:$0x6], $0x80, s10, s20, $0xb8;
	[tilespmem:$0x1FC80] =	vst v63  }
0x70: {  	_ =	swait.ge [sflag:s8], $0x3200  }
0x71: {  	[sflag:s8] =	ssyncset.done $0x0  }
0x72: {  	s12 =	simm.s32 $0x380;
	[sflag:s8] =	ssyncadd.s32 $0xFFFFCE00  }
0x73: {  	[tilespmem:s23], [sflag:$0x2] =	stream.indirect.gather [hbm4b:s4+s20], $0x80, s12, s20, $0xb8;
	[tilespmem:$0x1FC80] =	vst v63  }
0x74: {  	_ =	swait.ge [sflag:s25], $0x3200  }
0x75: {  	[sflag:s25] =	ssyncset.done $0x0  }
0x76: {  	s13 =	simm.s32 $0x1300;
	[sflag:s25] =	ssyncadd.s32 $0xFFFFCE00  }
0x77: {  	[spmem:s1] =	stream.indirect.scatter.add.f32 [tilespmem:s21], [sflag:$0x4], $0x80, s13, s20, $0xb8;
	[tilespmem:$0x1FC80] =	vst v63  }
0x78: {  	_ =	swait.ge [sflag:s11], $0x3200  }
0x79: {  	[sflag:s11] =	ssyncset.done $0x0  }
0x7a: {  	s14 =	simm.s32 $0x400;
	[sflag:s11] =	ssyncadd.s32 $0xFFFFCE00  }
0x7b: {  	[tilespmem:s28], [sflag:$0x3] =	stream.indirect.gather [hbm4b:s4+s20], $0x80, s14, s20, $0xb8;
	[tilespmem:$0x1FC80] =	vst v63  }
0x7c: {  	_ =	swait.ge [sflag:s29], $0x3200  }
0x7d: {  	[sflag:s29] =	ssyncset.done $0x0  }
0x7e: {  	s15 =	simm.s32 $0x1380;
	[sflag:s29] =	ssyncadd.s32 $0xFFFFCE00  }
0x7f: {  	[spmem:s1] =	stream.indirect.scatter.add.f32 [tilespmem:s23], [sflag:$0x5], $0x80, s15, s20, $0xb8;
	[tilespmem:$0x1FC80] =	vst v63  }
0x80: {  	_ =	swait.ge [sflag:s31], $0x3200  }
0x81: {  	[sflag:s31] =	ssyncset.done $0x0  }
0x82: {  	s16 =	simm.s32 $0x480;
	[sflag:s31] =	ssyncadd.s32 $0xFFFFCE00  }
0x83: {  	[tilespmem:s21], [sflag:$0x1] =	stream.indirect.gather [hbm4b:s4+s20], $0x80, s16, s20, $0xb8;
	[tilespmem:$0x1FC80] =	vst v63  }
0x84: {  	_ =	swait.ge [sflag:s2], $0x3200  }
0x85: {  	[sflag:s2] =	ssyncset.done $0x0  }
0x86: {  	s22 =	simm.s32 $0x1400;
	[sflag:s2] =	ssyncadd.s32 $0xFFFFCE00  }
0x87: {  	[spmem:s1] =	stream.indirect.scatter.add.f32 [tilespmem:s28], [sflag:$0x6], $0x80, s22, s20, $0xb8;
	[tilespmem:$0x1FC80] =	vst v63  }
0x88: {  	_ =	swait.ge [sflag:s8], $0x3200  }
0x89: {  	[sflag:s8] =	ssyncset.done $0x0  }
0x8a: {  	s3 =	simm.s32 $0x500;
	[sflag:s8] =	ssyncadd.s32 $0xFFFFCE00  }
0x8b: {  	[tilespmem:s23], [sflag:$0x2] =	stream.indirect.gather [hbm4b:s4+s20], $0x80, s3, s20, $0xb8;
	[tilespmem:$0x1FC80] =	vst v63  }
0x8c: {  	_ =	swait.ge [sflag:s25], $0x3200  }
0x8d: {  	[sflag:s25] =	ssyncset.done $0x0  }
0x8e: {  	s5 =	simm.s32 $0x1480;
	[sflag:s25] =	ssyncadd.s32 $0xFFFFCE00  }
0x8f: {  	[spmem:s1] =	stream.indirect.scatter.add.f32 [tilespmem:s21], [sflag:$0x4], $0x80, s5, s20, $0xb8;
	[tilespmem:$0x1FC80] =	vst v63  }
0x90: {  	_ =	swait.ge [sflag:s11], $0x3200  }
0x91: {  	[sflag:s11] =	ssyncset.done $0x0  }
0x92: {  	s15 =	simm.s32 $0x580;
	[sflag:s11] =	ssyncadd.s32 $0xFFFFCE00  }
0x93: {  	[tilespmem:s28], [sflag:$0x3] =	stream.indirect.gather [hbm4b:s4+s20], $0x80, s15, s20, $0xb8;
	[tilespmem:$0x1FC80] =	vst v63  }
0x94: {  	_ =	swait.ge [sflag:s29], $0x3200  }
0x95: {  	[sflag:s29] =	ssyncset.done $0x0  }
0x96: {  	s22 =	simm.s32 $0x1500;
	[sflag:s29] =	ssyncadd.s32 $0xFFFFCE00  }
0x97: {  	[spmem:s1] =	stream.indirect.scatter.add.f32 [tilespmem:s23], [sflag:$0x5], $0x80, s22, s20, $0xb8;
	[tilespmem:$0x1FC80] =	vst v63  }
0x98: {  	_ =	swait.ge [sflag:s31], $0x3200  }
0x99: {  	[sflag:s31] =	ssyncset.done $0x0  }
0x9a: {  	s3 =	simm.s32 $0x600;
	[sflag:s31] =	ssyncadd.s32 $0xFFFFCE00  }
0x9b: {  	[tilespmem:s21], [sflag:$0x1] =	stream.indirect.gather [hbm4b:s4+s20], $0x80, s3, s20, $0xb8;
	[tilespmem:$0x1FC80] =	vst v63  }
0x9c: {  	_ =	swait.ge [sflag:s2], $0x3200  }
0x9d: {  	[sflag:s2] =	ssyncset.done $0x0  }
0x9e: {  	s3 =	simm.s32 $0x1580;
	[sflag:s2] =	ssyncadd.s32 $0xFFFFCE00  }
0x9f: {  	[spmem:s1] =	stream.indirect.scatter.add.f32 [tilespmem:s28], [sflag:$0x6], $0x80, s3, s20, $0xb8;
	[tilespmem:$0x1FC80] =	vst v63  }
0xa0: {  	_ =	swait.ge [sflag:s8], $0x3200  }
0xa1: {  	[sflag:s8] =	ssyncset.done $0x0  }
0xa2: {  	s3 =	simm.s32 $0x680;
	[sflag:s8] =	ssyncadd.s32 $0xFFFFCE00  }
0xa3: {  	[tilespmem:s23], [sflag:$0x2] =	stream.indirect.gather [hbm4b:s4+s20], $0x80, s3, s20, $0xb8;
	[tilespmem:$0x1FC80] =	vst v63  }
0xa4: {  	_ =	swait.ge [sflag:s25], $0x3200  }
0xa5: {  	[sflag:s25] =	ssyncset.done $0x0  }
0xa6: {  	s3 =	simm.s32 $0x1600;
	[sflag:s25] =	ssyncadd.s32 $0xFFFFCE00  }
0xa7: {  	[spmem:s1] =	stream.indirect.scatter.add.f32 [tilespmem:s21], [sflag:$0x4], $0x80, s3, s20, $0xb8;
	[tilespmem:$0x1FC80] =	vst v63  }
0xa8: {  	_ =	swait.ge [sflag:s11], $0x3200  }
0xa9: {  	[sflag:s11] =	ssyncset.done $0x0  }
0xaa: {  	s3 =	simm.s32 $0x700;
	[sflag:s11] =	ssyncadd.s32 $0xFFFFCE00  }
0xab: {  	[tilespmem:s28], [sflag:$0x3] =	stream.indirect.gather [hbm4b:s4+s20], $0x80, s3, s20, $0xb8;
	[tilespmem:$0x1FC80] =	vst v63  }
0xac: {  	_ =	swait.ge [sflag:s29], $0x3200  }
0xad: {  	[sflag:s29] =	ssyncset.done $0x0  }
0xae: {  	s3 =	simm.s32 $0x1680;
	[sflag:s29] =	ssyncadd.s32 $0xFFFFCE00  }
0xaf: {  	[spmem:s1] =	stream.indirect.scatter.add.f32 [tilespmem:s23], [sflag:$0x5], $0x80, s3, s20, $0xb8;
	[tilespmem:$0x1FC80] =	vst v63  }
0xb0: {  	_ =	swait.ge [sflag:s31], $0x3200  }
0xb1: {  	[sflag:s31] =	ssyncset.done $0x0  }
0xb2: {  	s3 =	simm.s32 $0x780;
	[sflag:s31] =	ssyncadd.s32 $0xFFFFCE00  }
0xb3: {  	[tilespmem:s21], [sflag:$0x1] =	stream.indirect.gather [hbm4b:s4+s20], $0x80, s3, s20, $0xb8;
	[tilespmem:$0x1FC80] =	vst v63  }
0xb4: {  	_ =	swait.ge [sflag:s2], $0x3200  }
0xb5: {  	[sflag:s2] =	ssyncset.done $0x0  }
0xb6: {  	s3 =	simm.s32 $0x1700;
	[sflag:s2] =	ssyncadd.s32 $0xFFFFCE00  }
0xb7: {  	[spmem:s1] =	stream.indirect.scatter.add.f32 [tilespmem:s28], [sflag:$0x6], $0x80, s3, s20, $0xb8;
	[tilespmem:$0x1FC80] =	vst v63  }
0xb8: {  	_ =	swait.ge [sflag:s8], $0x3200  }
0xb9: {  	[sflag:s8] =	ssyncset.done $0x0  }
0xba: {  	s3 =	simm.s32 $0x800;
	[sflag:s8] =	ssyncadd.s32 $0xFFFFCE00  }
0xbb: {  	[tilespmem:s23], [sflag:$0x2] =	stream.indirect.gather [hbm4b:s4+s20], $0x80, s3, s20, $0xb8;
	[tilespmem:$0x1FC80] =	vst v63  }
0xbc: {  	_ =	swait.ge [sflag:s25], $0x3200  }
0xbd: {  	[sflag:s25] =	ssyncset.done $0x0  }
0xbe: {  	s3 =	simm.s32 $0x1780;
	[sflag:s25] =	ssyncadd.s32 $0xFFFFCE00  }
0xbf: {  	[spmem:s1] =	stream.indirect.scatter.add.f32 [tilespmem:s21], [sflag:$0x4], $0x80, s3, s20, $0xb8;
	[tilespmem:$0x1FC80] =	vst v63  }
0xc0: {  	_ =	swait.ge [sflag:s11], $0x3200  }
0xc1: {  	[sflag:s11] =	ssyncset.done $0x0  }
0xc2: {  	s3 =	simm.s32 $0x880;
	[sflag:s11] =	ssyncadd.s32 $0xFFFFCE00  }
0xc3: {  	[tilespmem:s28], [sflag:$0x3] =	stream.indirect.gather [hbm4b:s4+s20], $0x80, s3, s20, $0xb8;
	[tilespmem:$0x1FC80] =	vst v63  }
0xc4: {  	_ =	swait.ge [sflag:s29], $0x3200  }
0xc5: {  	[sflag:s29] =	ssyncset.done $0x0  }
0xc6: {  	s3 =	simm.s32 $0x1800;
	[sflag:s29] =	ssyncadd.s32 $0xFFFFCE00  }
0xc7: {  	[spmem:s1] =	stream.indirect.scatter.add.f32 [tilespmem:s23], [sflag:$0x5], $0x80, s3, s20, $0xb8;
	[tilespmem:$0x1FC80] =	vst v63  }
0xc8: {  	_ =	swait.ge [sflag:s31], $0x3200  }
0xc9: {  	[sflag:s31] =	ssyncset.done $0x0  }
0xca: {  	s3 =	simm.s32 $0x900;
	[sflag:s31] =	ssyncadd.s32 $0xFFFFCE00  }
0xcb: {  	[tilespmem:s21], [sflag:$0x1] =	stream.indirect.gather [hbm4b:s4+s20], $0x80, s3, s20, $0xb8;
	[tilespmem:$0x1FC80] =	vst v63  }
0xcc: {  	_ =	swait.ge [sflag:s2], $0x3200  }
0xcd: {  	[sflag:s2] =	ssyncset.done $0x0  }
0xce: {  	s3 =	simm.s32 $0x1880;
	[sflag:s2] =	ssyncadd.s32 $0xFFFFCE00  }
0xcf: {  	[spmem:s1] =	stream.indirect.scatter.add.f32 [tilespmem:s28], [sflag:$0x6], $0x80, s3, s20, $0xb8;
	[tilespmem:$0x1FC80] =	vst v63  }
0xd0: {  	_ =	swait.ge [sflag:s8], $0x3200  }
0xd1: {  	[sflag:s8] =	ssyncset.done $0x0  }
0xd2: {  	s3 =	simm.s32 $0x980;
	[sflag:s8] =	ssyncadd.s32 $0xFFFFCE00  }
0xd3: {  	[tilespmem:s23], [sflag:$0x2] =	stream.indirect.gather [hbm4b:s4+s20], $0x80, s3, s20, $0xb8;
	[tilespmem:$0x1FC80] =	vst v63  }
0xd4: {  	_ =	swait.ge [sflag:s25], $0x3200  }
0xd5: {  	[sflag:s25] =	ssyncset.done $0x0  }
0xd6: {  	s3 =	simm.s32 $0x1900;
	[sflag:s25] =	ssyncadd.s32 $0xFFFFCE00  }
0xd7: {  	[spmem:s1] =	stream.indirect.scatter.add.f32 [tilespmem:s21], [sflag:$0x4], $0x80, s3, s20, $0xb8;
	[tilespmem:$0x1FC80] =	vst v63  }
0xd8: {  	_ =	swait.ge [sflag:s11], $0x3200  }
0xd9: {  	[sflag:s11] =	ssyncset.done $0x0  }
0xda: {  	s3 =	simm.s32 $0xA00;
	[sflag:s11] =	ssyncadd.s32 $0xFFFFCE00  }
0xdb: {  	[tilespmem:s28], [sflag:$0x3] =	stream.indirect.gather [hbm4b:s4+s20], $0x80, s3, s20, $0xb8;
	[tilespmem:$0x1FC80] =	vst v63  }
0xdc: {  	_ =	swait.ge [sflag:s29], $0x3200  }
0xdd: {  	[sflag:s29] =	ssyncset.done $0x0  }
0xde: {  	s3 =	simm.s32 $0x1980;
	[sflag:s29] =	ssyncadd.s32 $0xFFFFCE00  }
0xdf: {  	[spmem:s1] =	stream.indirect.scatter.add.f32 [tilespmem:s23], [sflag:$0x5], $0x80, s3, s20, $0xb8;
	[tilespmem:$0x1FC80] =	vst v63  }
0xe0: {  	_ =	swait.ge [sflag:s31], $0x3200  }
0xe1: {  	[sflag:s31] =	ssyncset.done $0x0  }
0xe2: {  	s3 =	simm.s32 $0xA80;
	[sflag:s31] =	ssyncadd.s32 $0xFFFFCE00  }
0xe3: {  	[tilespmem:s21], [sflag:$0x1] =	stream.indirect.gather [hbm4b:s4+s20], $0x80, s3, s20, $0xb8;
	[tilespmem:$0x1FC80] =	vst v63  }
0xe4: {  	_ =	swait.ge [sflag:s2], $0x3200  }
0xe5: {  	[sflag:s2] =	ssyncset.done $0x0  }
0xe6: {  	s3 =	simm.s32 $0x1A00;
	[sflag:s2] =	ssyncadd.s32 $0xFFFFCE00  }
0xe7: {  	[spmem:s1] =	stream.indirect.scatter.add.f32 [tilespmem:s28], [sflag:$0x6], $0x80, s3, s20, $0xb8;
	[tilespmem:$0x1FC80] =	vst v63  }
0xe8: {  	_ =	swait.ge [sflag:s8], $0x3200  }
0xe9: {  	[sflag:s8] =	ssyncset.done $0x0  }
0xea: {  	s3 =	simm.s32 $0xB00;
	[sflag:s8] =	ssyncadd.s32 $0xFFFFCE00  }
0xeb: {  	[tilespmem:s23], [sflag:$0x2] =	stream.indirect.gather [hbm4b:s4+s20], $0x80, s3, s20, $0xb8;
	[tilespmem:$0x1FC80] =	vst v63  }
0xec: {  	_ =	swait.ge [sflag:s25], $0x3200  }
0xed: {  	[sflag:s25] =	ssyncset.done $0x0  }
0xee: {  	s3 =	simm.s32 $0x1A80;
	[sflag:s25] =	ssyncadd.s32 $0xFFFFCE00  }
0xef: {  	[spmem:s1] =	stream.indirect.scatter.add.f32 [tilespmem:s21], [sflag:$0x4], $0x80, s3, s20, $0xb8;
	[tilespmem:$0x1FC80] =	vst v63  }
0xf0: {  	_ =	swait.ge [sflag:s11], $0x3200  }
0xf1: {  	[sflag:s11] =	ssyncset.done $0x0  }
0xf2: {  	s3 =	simm.s32 $0xB80;
	[sflag:s11] =	ssyncadd.s32 $0xFFFFCE00  }
0xf3: {  	[tilespmem:s28], [sflag:$0x3] =	stream.indirect.gather [hbm4b:s4+s20], $0x80, s3, s20, $0xb8;
	[tilespmem:$0x1FC80] =	vst v63  }
0xf4: {  	_ =	swait.ge [sflag:s29], $0x3200  }
0xf5: {  	[sflag:s29] =	ssyncset.done $0x0  }
0xf6: {  	s3 =	simm.s32 $0x1B00;
	[sflag:s29] =	ssyncadd.s32 $0xFFFFCE00  }
0xf7: {  	[spmem:s1] =	stream.indirect.scatter.add.f32 [tilespmem:s23], [sflag:$0x5], $0x80, s3, s20, $0xb8;
	[tilespmem:$0x1FC80] =	vst v63  }
0xf8: {  	_ =	swait.ge [sflag:s31], $0x3200  }
0xf9: {  	[sflag:s31] =	ssyncset.done $0x0  }
0xfa: {  	s3 =	simm.s32 $0xC00;
	[sflag:s31] =	ssyncadd.s32 $0xFFFFCE00  }
0xfb: {  	[tilespmem:s21], [sflag:$0x1] =	stream.indirect.gather [hbm4b:s4+s20], $0x80, s3, s20, $0xb8;
	[tilespmem:$0x1FC80] =	vst v63  }
0xfc: {  	_ =	swait.ge [sflag:s2], $0x3200  }
0xfd: {  	[sflag:s2] =	ssyncset.done $0x0  }
0xfe: {  	s3 =	simm.s32 $0x1B80;
	[sflag:s2] =	ssyncadd.s32 $0xFFFFCE00  }
0xff: {  	[spmem:s1] =	stream.indirect.scatter.add.f32 [tilespmem:s28], [sflag:$0x6], $0x80, s3, s20, $0xb8;
	[tilespmem:$0x1FC80] =	vst v63  }
0x100: {  	_ =	swait.ge [sflag:s8], $0x3200  }
0x101: {  	[sflag:s8] =	ssyncset.done $0x0  }
0x102: {  	[sflag:s8] =	ssyncadd.s32 $0xFFFFCE00  }
0x103: {  	_ =	swait.ge [sflag:s25], $0x3200  }
0x104: {  	[sflag:s25] =	ssyncset.done $0x0  }
0x105: {  	s3 =	simm.s32 $0x1C00;
	[sflag:s25] =	ssyncadd.s32 $0xFFFFCE00  }
0x106: {  	[spmem:s1] =	stream.indirect.scatter.add.f32 [tilespmem:s21], [sflag:$0x4], $0x80, s3, s20, $0xb8;
	[tilespmem:$0x1FC80] =	vst v63  }
0x107: {  	_ =	swait.ge [sflag:s11], $0x3200  }
0x108: {  	[sflag:s11] =	ssyncset.done $0x0  }
0x109: {  	[sflag:s11] =	ssyncadd.s32 $0xFFFFCE00  }
0x10a: {  	_ =	swait.ge [sflag:s31], $0x3200  }
0x10b: {  	[sflag:s31] =	ssyncset.done $0x0  }
0x10c: {  	s3 =	simm.s32 $0x0;
	s0 =	rddreg [dreg:$0x5];
	[sflag:s31] =	ssyncadd.s32 $0xFFFFCE00  }
0x10d: {  	[tilespmem:s3], [sflag:$0x8] =	stream.linear.gather [hbm4b:s0+s3], $0xC80, $0x38;
	[tilespmem:$0x1FC80] =	vst v63  }
0x10e: {  	_ =	swait.ge [sflag:s18], $0xC80  }
0x10f: {  	[sflag:s18] =	ssyncset.done $0x0  }
0x110: {  	s5 =	simm.s32 $0x1000;
	s0 =	rddreg [dreg:$0x6];
	[sflag:s18] =	ssyncadd.s32 $0xFFFFF380  }
0x111: {  	[tilespmem:s5], [sflag:$0x8] =	stream.linear.gather [hbm4b:s0+s3], $0xC80, $0x38;
	[tilespmem:$0x1FC80] =	vst v63  }
0x112: {  	_ =	swait.ge [sflag:s18], $0xC80  }
0x113: {  	[sflag:s18] =	ssyncset.done $0x0  }
0x114: {  	[sflag:s18] =	ssyncadd.s32 $0xFFFFF380  }
0x115: {  	[tilespmem:s21], [sflag:$0x1] =	stream.indirect.gather [hbm4b:s4+s20], $0x80, s3, s20, $0xb8;
	[tilespmem:$0x1FC80] =	vst v63  }
0x116: {  	_ = 	snop  }
0x117: {  	[tilespmem:s23], [sflag:$0x2] =	stream.indirect.gather [hbm4b:s4+s20], $0x80, s9, s20, $0xb8;
	[tilespmem:$0x1FC80] =	vst v63  }
0x118: {  	_ =	swait.ge [sflag:s25], $0x3200  }
0x119: {  	[sflag:s25] =	ssyncset.done $0x0  }
0x11a: {  	[sflag:s25] =	ssyncadd.s32 $0xFFFFCE00  }
0x11b: {  	[spmem:s1] =	stream.indirect.scatter.add.f32 [tilespmem:s21], [sflag:$0x4], $0x80, s5, s20, $0xb8;
	[tilespmem:$0x1FC80] =	vst v63  }
0x11c: {  	s5 =	simm.s32 $0x100  }
0x11d: {  	[tilespmem:s28], [sflag:$0x3] =	stream.indirect.gather [hbm4b:s4+s20], $0x80, s5, s20, $0xb8;
	[tilespmem:$0x1FC80] =	vst v63  }
0x11e: {  	_ =	swait.ge [sflag:s29], $0x3200  }
0x11f: {  	[sflag:s29] =	ssyncset.done $0x0  }
0x120: {  	s5 =	simm.s32 $0x1080;
	[sflag:s29] =	ssyncadd.s32 $0xFFFFCE00  }
0x121: {  	[spmem:s1] =	stream.indirect.scatter.add.f32 [tilespmem:s23], [sflag:$0x5], $0x80, s5, s20, $0xb8;
	[tilespmem:$0x1FC80] =	vst v63  }
0x122: {  	_ =	swait.ge [sflag:s31], $0x3200  }
0x123: {  	[sflag:s31] =	ssyncset.done $0x0  }
0x124: {  	s5 =	simm.s32 $0x180;
	[sflag:s31] =	ssyncadd.s32 $0xFFFFCE00  }
0x125: {  	[tilespmem:s21], [sflag:$0x1] =	stream.indirect.gather [hbm4b:s4+s20], $0x80, s5, s20, $0xb8;
	[tilespmem:$0x1FC80] =	vst v63  }
0x126: {  	_ =	swait.ge [sflag:s2], $0x3200  }
0x127: {  	[sflag:s2] =	ssyncset.done $0x0  }
0x128: {  	s5 =	simm.s32 $0x1100;
	[sflag:s2] =	ssyncadd.s32 $0xFFFFCE00  }
0x129: {  	[spmem:s1] =	stream.indirect.scatter.add.f32 [tilespmem:s28], [sflag:$0x6], $0x80, s5, s20, $0xb8;
	[tilespmem:$0x1FC80] =	vst v63  }
0x12a: {  	_ =	swait.ge [sflag:s8], $0x3200  }
0x12b: {  	[sflag:s8] =	ssyncset.done $0x0  }
0x12c: {  	s5 =	simm.s32 $0x200;
	[sflag:s8] =	ssyncadd.s32 $0xFFFFCE00  }
0x12d: {  	[tilespmem:s23], [sflag:$0x2] =	stream.indirect.gather [hbm4b:s4+s20], $0x80, s5, s20, $0xb8;
	[tilespmem:$0x1FC80] =	vst v63  }
0x12e: {  	_ =	swait.ge [sflag:s25], $0x3200  }
0x12f: {  	[sflag:s25] =	ssyncset.done $0x0  }
0x130: {  	s5 =	simm.s32 $0x1180;
	[sflag:s25] =	ssyncadd.s32 $0xFFFFCE00  }
0x131: {  	[spmem:s1] =	stream.indirect.scatter.add.f32 [tilespmem:s21], [sflag:$0x4], $0x80, s5, s20, $0xb8;
	[tilespmem:$0x1FC80] =	vst v63  }
0x132: {  	_ =	swait.ge [sflag:s11], $0x3200  }
0x133: {  	[sflag:s11] =	ssyncset.done $0x0  }
0x134: {  	s5 =	simm.s32 $0x280;
	[sflag:s11] =	ssyncadd.s32 $0xFFFFCE00  }
0x135: {  	[tilespmem:s28], [sflag:$0x3] =	stream.indirect.gather [hbm4b:s4+s20], $0x80, s5, s20, $0xb8;
	[tilespmem:$0x1FC80] =	vst v63  }
0x136: {  	_ =	swait.ge [sflag:s29], $0x3200  }
0x137: {  	[sflag:s29] =	ssyncset.done $0x0  }
0x138: {  	s5 =	simm.s32 $0x1200;
	[sflag:s29] =	ssyncadd.s32 $0xFFFFCE00  }
0x139: {  	[spmem:s1] =	stream.indirect.scatter.add.f32 [tilespmem:s23], [sflag:$0x5], $0x80, s5, s20, $0xb8;
	[tilespmem:$0x1FC80] =	vst v63  }
0x13a: {  	_ =	swait.ge [sflag:s31], $0x3200  }
0x13b: {  	[sflag:s31] =	ssyncset.done $0x0  }
0x13c: {  	s5 =	simm.s32 $0x300;
	[sflag:s31] =	ssyncadd.s32 $0xFFFFCE00  }
0x13d: {  	[tilespmem:s21], [sflag:$0x1] =	stream.indirect.gather [hbm4b:s4+s20], $0x80, s5, s20, $0xb8;
	[tilespmem:$0x1FC80] =	vst v63  }
0x13e: {  	_ =	swait.ge [sflag:s2], $0x3200  }
0x13f: {  	[sflag:s2] =	ssyncset.done $0x0  }
0x140: {  	s19 =	simm.s32 $0x1280;
	[sflag:s2] =	ssyncadd.s32 $0xFFFFCE00  }
0x141: {  	[spmem:s1] =	stream.indirect.scatter.add.f32 [tilespmem:s28], [sflag:$0x6], $0x80, s19, s20, $0xb8;
	[tilespmem:$0x1FC80] =	vst v63  }
0x142: {  	_ =	swait.ge [sflag:s8], $0x3200  }
0x143: {  	[sflag:s8] =	ssyncset.done $0x0  }
0x144: {  	s6 =	simm.s32 $0x380;
	[sflag:s8] =	ssyncadd.s32 $0xFFFFCE00  }
0x145: {  	[tilespmem:s23], [sflag:$0x2] =	stream.indirect.gather [hbm4b:s4+s20], $0x80, s6, s20, $0xb8;
	[tilespmem:$0x1FC80] =	vst v63  }
0x146: {  	_ =	swait.ge [sflag:s25], $0x3200  }
0x147: {  	[sflag:s25] =	ssyncset.done $0x0  }
0x148: {  	s7 =	simm.s32 $0x1300;
	[sflag:s25] =	ssyncadd.s32 $0xFFFFCE00  }
0x149: {  	[spmem:s1] =	stream.indirect.scatter.add.f32 [tilespmem:s21], [sflag:$0x4], $0x80, s7, s20, $0xb8;
	[tilespmem:$0x1FC80] =	vst v63  }
0x14a: {  	_ =	swait.ge [sflag:s11], $0x3200  }
0x14b: {  	[sflag:s11] =	ssyncset.done $0x0  }
0x14c: {  	s10 =	simm.s32 $0x400;
	[sflag:s11] =	ssyncadd.s32 $0xFFFFCE00  }
0x14d: {  	[tilespmem:s28], [sflag:$0x3] =	stream.indirect.gather [hbm4b:s4+s20], $0x80, s10, s20, $0xb8;
	[tilespmem:$0x1FC80] =	vst v63  }
0x14e: {  	_ =	swait.ge [sflag:s29], $0x3200  }
0x14f: {  	[sflag:s29] =	ssyncset.done $0x0  }
0x150: {  	s30 =	simm.s32 $0x1380;
	[sflag:s29] =	ssyncadd.s32 $0xFFFFCE00  }
0x151: {  	[spmem:s1] =	stream.indirect.scatter.add.f32 [tilespmem:s23], [sflag:$0x5], $0x80, s30, s20, $0xb8;
	[tilespmem:$0x1FC80] =	vst v63  }
0x152: {  	_ =	swait.ge [sflag:s31], $0x3200  }
0x153: {  	[sflag:s31] =	ssyncset.done $0x0  }
0x154: {  	s12 =	simm.s32 $0x480;
	[sflag:s31] =	ssyncadd.s32 $0xFFFFCE00  }
0x155: {  	[tilespmem:s21], [sflag:$0x1] =	stream.indirect.gather [hbm4b:s4+s20], $0x80, s12, s20, $0xb8;
	[tilespmem:$0x1FC80] =	vst v63  }
0x156: {  	_ =	swait.ge [sflag:s2], $0x3200  }
0x157: {  	[sflag:s2] =	ssyncset.done $0x0  }
0x158: {  	s13 =	simm.s32 $0x1400;
	[sflag:s2] =	ssyncadd.s32 $0xFFFFCE00  }
0x159: {  	[spmem:s1] =	stream.indirect.scatter.add.f32 [tilespmem:s28], [sflag:$0x6], $0x80, s13, s20, $0xb8;
	[tilespmem:$0x1FC80] =	vst v63  }
0x15a: {  	_ =	swait.ge [sflag:s8], $0x3200  }
0x15b: {  	[sflag:s8] =	ssyncset.done $0x0  }
0x15c: {  	s14 =	simm.s32 $0x500;
	[sflag:s8] =	ssyncadd.s32 $0xFFFFCE00  }
0x15d: {  	[tilespmem:s23], [sflag:$0x2] =	stream.indirect.gather [hbm4b:s4+s20], $0x80, s14, s20, $0xb8;
	[tilespmem:$0x1FC80] =	vst v63  }
0x15e: {  	_ =	swait.ge [sflag:s25], $0x3200  }
0x15f: {  	[sflag:s25] =	ssyncset.done $0x0  }
0x160: {  	s16 =	simm.s32 $0x1480;
	[sflag:s25] =	ssyncadd.s32 $0xFFFFCE00  }
0x161: {  	[spmem:s1] =	stream.indirect.scatter.add.f32 [tilespmem:s21], [sflag:$0x4], $0x80, s16, s20, $0xb8;
	[tilespmem:$0x1FC80] =	vst v63  }
0x162: {  	_ =	swait.ge [sflag:s11], $0x3200  }
0x163: {  	[sflag:s11] =	ssyncset.done $0x0  }
0x164: {  	s15 =	simm.s32 $0x580;
	[sflag:s11] =	ssyncadd.s32 $0xFFFFCE00  }
0x165: {  	[tilespmem:s28], [sflag:$0x3] =	stream.indirect.gather [hbm4b:s4+s20], $0x80, s15, s20, $0xb8;
	[tilespmem:$0x1FC80] =	vst v63  }
0x166: {  	_ =	swait.ge [sflag:s29], $0x3200  }
0x167: {  	[sflag:s29] =	ssyncset.done $0x0  }
0x168: {  	s22 =	simm.s32 $0x1500;
	[sflag:s29] =	ssyncadd.s32 $0xFFFFCE00  }
0x169: {  	[spmem:s1] =	stream.indirect.scatter.add.f32 [tilespmem:s23], [sflag:$0x5], $0x80, s22, s20, $0xb8;
	[tilespmem:$0x1FC80] =	vst v63  }
0x16a: {  	_ =	swait.ge [sflag:s31], $0x3200  }
0x16b: {  	[sflag:s31] =	ssyncset.done $0x0  }
0x16c: {  	s30 =	simm.s32 $0x600;
	[sflag:s31] =	ssyncadd.s32 $0xFFFFCE00  }
0x16d: {  	[tilespmem:s21], [sflag:$0x1] =	stream.indirect.gather [hbm4b:s4+s20], $0x80, s30, s20, $0xb8;
	[tilespmem:$0x1FC80] =	vst v63  }
0x16e: {  	_ =	swait.ge [sflag:s2], $0x3200  }
0x16f: {  	[sflag:s2] =	ssyncset.done $0x0  }
0x170: {  	s12 =	simm.s32 $0x1580;
	[sflag:s2] =	ssyncadd.s32 $0xFFFFCE00  }
0x171: {  	[spmem:s1] =	stream.indirect.scatter.add.f32 [tilespmem:s28], [sflag:$0x6], $0x80, s12, s20, $0xb8;
	[tilespmem:$0x1FC80] =	vst v63  }
0x172: {  	_ =	swait.ge [sflag:s8], $0x3200  }
0x173: {  	[sflag:s8] =	ssyncset.done $0x0  }
0x174: {  	s13 =	simm.s32 $0x680;
	[sflag:s8] =	ssyncadd.s32 $0xFFFFCE00  }
0x175: {  	[tilespmem:s23], [sflag:$0x2] =	stream.indirect.gather [hbm4b:s4+s20], $0x80, s13, s20, $0xb8;
	[tilespmem:$0x1FC80] =	vst v63  }
0x176: {  	_ =	swait.ge [sflag:s25], $0x3200  }
0x177: {  	[sflag:s25] =	ssyncset.done $0x0  }
0x178: {  	s14 =	simm.s32 $0x1600;
	[sflag:s25] =	ssyncadd.s32 $0xFFFFCE00  }
0x179: {  	[spmem:s1] =	stream.indirect.scatter.add.f32 [tilespmem:s21], [sflag:$0x4], $0x80, s14, s20, $0xb8;
	[tilespmem:$0x1FC80] =	vst v63  }
0x17a: {  	_ =	swait.ge [sflag:s11], $0x3200  }
0x17b: {  	[sflag:s11] =	ssyncset.done $0x0  }
0x17c: {  	s15 =	simm.s32 $0x700;
	[sflag:s11] =	ssyncadd.s32 $0xFFFFCE00  }
0x17d: {  	[tilespmem:s28], [sflag:$0x3] =	stream.indirect.gather [hbm4b:s4+s20], $0x80, s15, s20, $0xb8;
	[tilespmem:$0x1FC80] =	vst v63  }
0x17e: {  	_ =	swait.ge [sflag:s29], $0x3200  }
0x17f: {  	[sflag:s29] =	ssyncset.done $0x0  }
0x180: {  	s19 =	simm.s32 $0x1680;
	[sflag:s29] =	ssyncadd.s32 $0xFFFFCE00  }
0x181: {  	[spmem:s1] =	stream.indirect.scatter.add.f32 [tilespmem:s23], [sflag:$0x5], $0x80, s19, s20, $0xb8;
	[tilespmem:$0x1FC80] =	vst v63  }
0x182: {  	_ =	swait.ge [sflag:s31], $0x3200  }
0x183: {  	[sflag:s31] =	ssyncset.done $0x0  }
0x184: {  	s5 =	simm.s32 $0x780;
	[sflag:s31] =	ssyncadd.s32 $0xFFFFCE00  }
0x185: {  	[tilespmem:s21], [sflag:$0x1] =	stream.indirect.gather [hbm4b:s4+s20], $0x80, s5, s20, $0xb8;
	[tilespmem:$0x1FC80] =	vst v63  }
0x186: {  	_ =	swait.ge [sflag:s2], $0x3200  }
0x187: {  	[sflag:s2] =	ssyncset.done $0x0  }
0x188: {  	s6 =	simm.s32 $0x1700;
	[sflag:s2] =	ssyncadd.s32 $0xFFFFCE00  }
0x189: {  	[spmem:s1] =	stream.indirect.scatter.add.f32 [tilespmem:s28], [sflag:$0x6], $0x80, s6, s20, $0xb8;
	[tilespmem:$0x1FC80] =	vst v63  }
0x18a: {  	_ =	swait.ge [sflag:s8], $0x3200  }
0x18b: {  	[sflag:s8] =	ssyncset.done $0x0  }
0x18c: {  	s7 =	simm.s32 $0x800;
	[sflag:s8] =	ssyncadd.s32 $0xFFFFCE00  }
0x18d: {  	[tilespmem:s23], [sflag:$0x2] =	stream.indirect.gather [hbm4b:s4+s20], $0x80, s7, s20, $0xb8;
	[tilespmem:$0x1FC80] =	vst v63  }
0x18e: {  	_ =	swait.ge [sflag:s25], $0x3200  }
0x18f: {  	[sflag:s25] =	ssyncset.done $0x0  }
0x190: {  	s10 =	simm.s32 $0x1780;
	[sflag:s25] =	ssyncadd.s32 $0xFFFFCE00  }
0x191: {  	[spmem:s1] =	stream.indirect.scatter.add.f32 [tilespmem:s21], [sflag:$0x4], $0x80, s10, s20, $0xb8;
	[tilespmem:$0x1FC80] =	vst v63  }
0x192: {  	_ =	swait.ge [sflag:s11], $0x3200  }
0x193: {  	[sflag:s11] =	ssyncset.done $0x0  }
0x194: {  	s16 =	simm.s32 $0x880;
	[sflag:s11] =	ssyncadd.s32 $0xFFFFCE00  }
0x195: {  	[tilespmem:s28], [sflag:$0x3] =	stream.indirect.gather [hbm4b:s4+s20], $0x80, s16, s20, $0xb8;
	[tilespmem:$0x1FC80] =	vst v63  }
0x196: {  	_ =	swait.ge [sflag:s29], $0x3200  }
0x197: {  	[sflag:s29] =	ssyncset.done $0x0  }
0x198: {  	s0 =	simm.s32 $0x1800;
	[sflag:s29] =	ssyncadd.s32 $0xFFFFCE00  }
0x199: {  	[spmem:s1] =	stream.indirect.scatter.add.f32 [tilespmem:s23], [sflag:$0x5], $0x80, s0, s20, $0xb8;
	[tilespmem:$0x1FC80] =	vst v63  }
0x19a: {  	_ =	swait.ge [sflag:s31], $0x3200  }
0x19b: {  	[sflag:s31] =	ssyncset.done $0x0  }
0x19c: {  	s0 =	simm.s32 $0x900;
	[sflag:s31] =	ssyncadd.s32 $0xFFFFCE00  }
0x19d: {  	[tilespmem:s21], [sflag:$0x1] =	stream.indirect.gather [hbm4b:s4+s20], $0x80, s0, s20, $0xb8;
	[tilespmem:$0x1FC80] =	vst v63  }
0x19e: {  	_ =	swait.ge [sflag:s2], $0x3200  }
0x19f: {  	[sflag:s2] =	ssyncset.done $0x0  }
0x1a0: {  	s0 =	simm.s32 $0x1880;
	[sflag:s2] =	ssyncadd.s32 $0xFFFFCE00  }
0x1a1: {  	[spmem:s1] =	stream.indirect.scatter.add.f32 [tilespmem:s28], [sflag:$0x6], $0x80, s0, s20, $0xb8;
	[tilespmem:$0x1FC80] =	vst v63  }
0x1a2: {  	_ =	swait.ge [sflag:s8], $0x3200  }
0x1a3: {  	[sflag:s8] =	ssyncset.done $0x0  }
0x1a4: {  	s0 =	simm.s32 $0x980;
	[sflag:s8] =	ssyncadd.s32 $0xFFFFCE00  }
0x1a5: {  	[tilespmem:s23], [sflag:$0x2] =	stream.indirect.gather [hbm4b:s4+s20], $0x80, s0, s20, $0xb8;
	[tilespmem:$0x1FC80] =	vst v63  }
0x1a6: {  	_ =	swait.ge [sflag:s25], $0x3200  }
0x1a7: {  	[sflag:s25] =	ssyncset.done $0x0  }
0x1a8: {  	s0 =	simm.s32 $0x1900;
	[sflag:s25] =	ssyncadd.s32 $0xFFFFCE00  }
0x1a9: {  	[spmem:s1] =	stream.indirect.scatter.add.f32 [tilespmem:s21], [sflag:$0x4], $0x80, s0, s20, $0xb8;
	[tilespmem:$0x1FC80] =	vst v63  }
0x1aa: {  	_ =	swait.ge [sflag:s11], $0x3200  }
0x1ab: {  	[sflag:s11] =	ssyncset.done $0x0  }
0x1ac: {  	s0 =	simm.s32 $0xA00;
	[sflag:s11] =	ssyncadd.s32 $0xFFFFCE00  }
0x1ad: {  	[tilespmem:s28], [sflag:$0x3] =	stream.indirect.gather [hbm4b:s4+s20], $0x80, s0, s20, $0xb8;
	[tilespmem:$0x1FC80] =	vst v63  }
0x1ae: {  	_ =	swait.ge [sflag:s29], $0x3200  }
0x1af: {  	[sflag:s29] =	ssyncset.done $0x0  }
0x1b0: {  	s0 =	simm.s32 $0x1980;
	[sflag:s29] =	ssyncadd.s32 $0xFFFFCE00  }
0x1b1: {  	[spmem:s1] =	stream.indirect.scatter.add.f32 [tilespmem:s23], [sflag:$0x5], $0x80, s0, s20, $0xb8;
	[tilespmem:$0x1FC80] =	vst v63  }
0x1b2: {  	_ =	swait.ge [sflag:s31], $0x3200  }
0x1b3: {  	[sflag:s31] =	ssyncset.done $0x0  }
0x1b4: {  	s0 =	simm.s32 $0xA80;
	[sflag:s31] =	ssyncadd.s32 $0xFFFFCE00  }
0x1b5: {  	[tilespmem:s21], [sflag:$0x1] =	stream.indirect.gather [hbm4b:s4+s20], $0x80, s0, s20, $0xb8;
	[tilespmem:$0x1FC80] =	vst v63  }
0x1b6: {  	_ =	swait.ge [sflag:s2], $0x3200  }
0x1b7: {  	[sflag:s2] =	ssyncset.done $0x0  }
0x1b8: {  	s0 =	simm.s32 $0x1A00;
	[sflag:s2] =	ssyncadd.s32 $0xFFFFCE00  }
0x1b9: {  	[spmem:s1] =	stream.indirect.scatter.add.f32 [tilespmem:s28], [sflag:$0x6], $0x80, s0, s20, $0xb8;
	[tilespmem:$0x1FC80] =	vst v63  }
0x1ba: {  	_ =	swait.ge [sflag:s8], $0x3200  }
0x1bb: {  	[sflag:s8] =	ssyncset.done $0x0  }
0x1bc: {  	s0 =	simm.s32 $0xB00;
	[sflag:s8] =	ssyncadd.s32 $0xFFFFCE00  }
0x1bd: {  	[tilespmem:s23], [sflag:$0x2] =	stream.indirect.gather [hbm4b:s4+s20], $0x80, s0, s20, $0xb8;
	[tilespmem:$0x1FC80] =	vst v63  }
0x1be: {  	_ =	swait.ge [sflag:s25], $0x3200  }
0x1bf: {  	[sflag:s25] =	ssyncset.done $0x0  }
0x1c0: {  	s0 =	simm.s32 $0x1A80;
	[sflag:s25] =	ssyncadd.s32 $0xFFFFCE00  }
0x1c1: {  	[spmem:s1] =	stream.indirect.scatter.add.f32 [tilespmem:s21], [sflag:$0x4], $0x80, s0, s20, $0xb8;
	[tilespmem:$0x1FC80] =	vst v63  }
0x1c2: {  	_ =	swait.ge [sflag:s11], $0x3200  }
0x1c3: {  	[sflag:s11] =	ssyncset.done $0x0  }
0x1c4: {  	s0 =	simm.s32 $0xB80;
	[sflag:s11] =	ssyncadd.s32 $0xFFFFCE00  }
0x1c5: {  	[tilespmem:s28], [sflag:$0x3] =	stream.indirect.gather [hbm4b:s4+s20], $0x80, s0, s20, $0xb8;
	[tilespmem:$0x1FC80] =	vst v63  }
0x1c6: {  	_ =	swait.ge [sflag:s29], $0x3200  }
0x1c7: {  	[sflag:s29] =	ssyncset.done $0x0  }
0x1c8: {  	s0 =	simm.s32 $0x1B00;
	[sflag:s29] =	ssyncadd.s32 $0xFFFFCE00  }
0x1c9: {  	[spmem:s1] =	stream.indirect.scatter.add.f32 [tilespmem:s23], [sflag:$0x5], $0x80, s0, s20, $0xb8;
	[tilespmem:$0x1FC80] =	vst v63  }
0x1ca: {  	_ =	swait.ge [sflag:s31], $0x3200  }
0x1cb: {  	[sflag:s31] =	ssyncset.done $0x0  }
0x1cc: {  	s0 =	simm.s32 $0xC00;
	[sflag:s31] =	ssyncadd.s32 $0xFFFFCE00  }
0x1cd: {  	[tilespmem:s21], [sflag:$0x1] =	stream.indirect.gather [hbm4b:s4+s20], $0x80, s0, s20, $0xb8;
	[tilespmem:$0x1FC80] =	vst v63  }
0x1ce: {  	_ =	swait.ge [sflag:s2], $0x3200  }
0x1cf: {  	[sflag:s2] =	ssyncset.done $0x0  }
0x1d0: {  	s0 =	simm.s32 $0x1B80;
	[sflag:s2] =	ssyncadd.s32 $0xFFFFCE00  }
0x1d1: {  	[spmem:s1] =	stream.indirect.scatter.add.f32 [tilespmem:s28], [sflag:$0x6], $0x80, s0, s20, $0xb8;
	[tilespmem:$0x1FC80] =	vst v63  }
0x1d2: {  	_ =	swait.ge [sflag:s8], $0x3200  }
0x1d3: {  	[sflag:s8] =	ssyncset.done $0x0  }
0x1d4: {  	[sflag:s8] =	ssyncadd.s32 $0xFFFFCE00  }
0x1d5: {  	_ =	swait.ge [sflag:s25], $0x3200  }
0x1d6: {  	[sflag:s25] =	ssyncset.done $0x0  }
0x1d7: {  	s0 =	simm.s32 $0x1C00;
	[sflag:s25] =	ssyncadd.s32 $0xFFFFCE00  }
0x1d8: {  	[spmem:s1] =	stream.indirect.scatter.add.f32 [tilespmem:s21], [sflag:$0x4], $0x80, s0, s20, $0xb8;
	[tilespmem:$0x1FC80] =	vst v63  }
0x1d9: {  	_ =	swait.ge [sflag:s11], $0x3200  }
0x1da: {  	[sflag:s11] =	ssyncset.done $0x0  }
0x1db: {  	[sflag:s11] =	ssyncadd.s32 $0xFFFFCE00  }
0x1dc: {  	_ =	swait.ge [sflag:s31], $0x3200  }
0x1dd: {  	[sflag:s31] =	ssyncset.done $0x0  }
0x1de: {  	s0 =	rddreg [dreg:$0x7];
	[sflag:s31] =	ssyncadd.s32 $0xFFFFCE00  }
0x1df: {  	[tilespmem:s3], [sflag:$0x8] =	stream.linear.gather [hbm4b:s0+s3], $0xC80, $0x38;
	[tilespmem:$0x1FC80] =	vst v63  }
0x1e0: {  	_ =	swait.ge [sflag:s18], $0xC80  }
0x1e1: {  	[sflag:s18] =	ssyncset.done $0x0  }
0x1e2: {  	s22 =	simm.s32 $0x1000;
	s0 =	rddreg [dreg:$0x8];
	[sflag:s18] =	ssyncadd.s32 $0xFFFFF380  }
0x1e3: {  	[tilespmem:s22], [sflag:$0x8] =	stream.linear.gather [hbm4b:s0+s3], $0xC80, $0x38;
	[tilespmem:$0x1FC80] =	vst v63  }
0x1e4: {  	_ =	swait.ge [sflag:s18], $0xC80  }
0x1e5: {  	[sflag:s18] =	ssyncset.done $0x0  }
0x1e6: {  	[sflag:s18] =	ssyncadd.s32 $0xFFFFF380  }
0x1e7: {  	[tilespmem:s21], [sflag:$0x1] =	stream.indirect.gather [hbm4b:s4+s20], $0x80, s3, s20, $0xb8;
	[tilespmem:$0x1FC80] =	vst v63  }
0x1e8: {  	_ = 	snop  }
0x1e9: {  	[tilespmem:s23], [sflag:$0x2] =	stream.indirect.gather [hbm4b:s4+s20], $0x80, s9, s20, $0xb8;
	[tilespmem:$0x1FC80] =	vst v63  }
0x1ea: {  	_ =	swait.ge [sflag:s25], $0x3200  }
0x1eb: {  	[sflag:s25] =	ssyncset.done $0x0  }
0x1ec: {  	[sflag:s25] =	ssyncadd.s32 $0xFFFFCE00  }
0x1ed: {  	[spmem:s1] =	stream.indirect.scatter.add.f32 [tilespmem:s21], [sflag:$0x4], $0x80, s22, s20, $0xb8;
	[tilespmem:$0x1FC80] =	vst v63  }
0x1ee: {  	s0 =	simm.s32 $0x100  }
0x1ef: {  	[tilespmem:s28], [sflag:$0x3] =	stream.indirect.gather [hbm4b:s4+s20], $0x80, s0, s20, $0xb8;
	[tilespmem:$0x1FC80] =	vst v63  }
0x1f0: {  	_ =	swait.ge [sflag:s29], $0x3200  }
0x1f1: {  	[sflag:s29] =	ssyncset.done $0x0  }
0x1f2: {  	s0 =	simm.s32 $0x1080;
	[sflag:s29] =	ssyncadd.s32 $0xFFFFCE00  }
0x1f3: {  	[spmem:s1] =	stream.indirect.scatter.add.f32 [tilespmem:s23], [sflag:$0x5], $0x80, s0, s20, $0xb8;
	[tilespmem:$0x1FC80] =	vst v63  }
0x1f4: {  	_ =	swait.ge [sflag:s31], $0x3200  }
0x1f5: {  	[sflag:s31] =	ssyncset.done $0x0  }
0x1f6: {  	s0 =	simm.s32 $0x180;
	[sflag:s31] =	ssyncadd.s32 $0xFFFFCE00  }
0x1f7: {  	[tilespmem:s21], [sflag:$0x1] =	stream.indirect.gather [hbm4b:s4+s20], $0x80, s0, s20, $0xb8;
	[tilespmem:$0x1FC80] =	vst v63  }
0x1f8: {  	_ =	swait.ge [sflag:s2], $0x3200  }
0x1f9: {  	[sflag:s2] =	ssyncset.done $0x0  }
0x1fa: {  	s0 =	simm.s32 $0x1100;
	[sflag:s2] =	ssyncadd.s32 $0xFFFFCE00  }
0x1fb: {  	[spmem:s1] =	stream.indirect.scatter.add.f32 [tilespmem:s28], [sflag:$0x6], $0x80, s0, s20, $0xb8;
	[tilespmem:$0x1FC80] =	vst v63  }
0x1fc: {  	_ =	swait.ge [sflag:s8], $0x3200  }
0x1fd: {  	[sflag:s8] =	ssyncset.done $0x0  }
0x1fe: {  	s0 =	simm.s32 $0x200;
	[sflag:s8] =	ssyncadd.s32 $0xFFFFCE00  }
0x1ff: {  	[tilespmem:s23], [sflag:$0x2] =	stream.indirect.gather [hbm4b:s4+s20], $0x80, s0, s20, $0xb8;
	[tilespmem:$0x1FC80] =	vst v63  }
0x200: {  	_ =	swait.ge [sflag:s25], $0x3200  }
0x201: {  	[sflag:s25] =	ssyncset.done $0x0  }
0x202: {  	s0 =	simm.s32 $0x1180;
	[sflag:s25] =	ssyncadd.s32 $0xFFFFCE00  }
0x203: {  	[spmem:s1] =	stream.indirect.scatter.add.f32 [tilespmem:s21], [sflag:$0x4], $0x80, s0, s20, $0xb8;
	[tilespmem:$0x1FC80] =	vst v63  }
0x204: {  	_ =	swait.ge [sflag:s11], $0x3200  }
0x205: {  	[sflag:s11] =	ssyncset.done $0x0  }
0x206: {  	s0 =	simm.s32 $0x280;
	[sflag:s11] =	ssyncadd.s32 $0xFFFFCE00  }
0x207: {  	[tilespmem:s28], [sflag:$0x3] =	stream.indirect.gather [hbm4b:s4+s20], $0x80, s0, s20, $0xb8;
	[tilespmem:$0x1FC80] =	vst v63  }
0x208: {  	_ =	swait.ge [sflag:s29], $0x3200  }
0x209: {  	[sflag:s29] =	ssyncset.done $0x0  }
0x20a: {  	s0 =	simm.s32 $0x1200;
	[sflag:s29] =	ssyncadd.s32 $0xFFFFCE00  }
0x20b: {  	[spmem:s1] =	stream.indirect.scatter.add.f32 [tilespmem:s23], [sflag:$0x5], $0x80, s0, s20, $0xb8;
	[tilespmem:$0x1FC80] =	vst v63  }
0x20c: {  	_ =	swait.ge [sflag:s31], $0x3200  }
0x20d: {  	[sflag:s31] =	ssyncset.done $0x0  }
0x20e: {  	s0 =	simm.s32 $0x300;
	[sflag:s31] =	ssyncadd.s32 $0xFFFFCE00  }
0x20f: {  	[tilespmem:s21], [sflag:$0x1] =	stream.indirect.gather [hbm4b:s4+s20], $0x80, s0, s20, $0xb8;
	[tilespmem:$0x1FC80] =	vst v63  }
0x210: {  	_ =	swait.ge [sflag:s2], $0x3200  }
0x211: {  	[sflag:s2] =	ssyncset.done $0x0  }
0x212: {  	s0 =	simm.s32 $0x1280;
	[sflag:s2] =	ssyncadd.s32 $0xFFFFCE00  }
0x213: {  	[spmem:s1] =	stream.indirect.scatter.add.f32 [tilespmem:s28], [sflag:$0x6], $0x80, s0, s20, $0xb8;
	[tilespmem:$0x1FC80] =	vst v63  }
0x214: {  	_ =	swait.ge [sflag:s8], $0x3200  }
0x215: {  	[sflag:s8] =	ssyncset.done $0x0  }
0x216: {  	s0 =	simm.s32 $0x380;
	[sflag:s8] =	ssyncadd.s32 $0xFFFFCE00  }
0x217: {  	[tilespmem:s23], [sflag:$0x2] =	stream.indirect.gather [hbm4b:s4+s20], $0x80, s0, s20, $0xb8;
	[tilespmem:$0x1FC80] =	vst v63  }
0x218: {  	_ =	swait.ge [sflag:s25], $0x3200  }
0x219: {  	[sflag:s25] =	ssyncset.done $0x0  }
0x21a: {  	s0 =	simm.s32 $0x1300;
	[sflag:s25] =	ssyncadd.s32 $0xFFFFCE00  }
0x21b: {  	[spmem:s1] =	stream.indirect.scatter.add.f32 [tilespmem:s21], [sflag:$0x4], $0x80, s0, s20, $0xb8;
	[tilespmem:$0x1FC80] =	vst v63  }
0x21c: {  	_ =	swait.ge [sflag:s11], $0x3200  }
0x21d: {  	[sflag:s11] =	ssyncset.done $0x0  }
0x21e: {  	s0 =	simm.s32 $0x400;
	[sflag:s11] =	ssyncadd.s32 $0xFFFFCE00  }
0x21f: {  	[tilespmem:s28], [sflag:$0x3] =	stream.indirect.gather [hbm4b:s4+s20], $0x80, s0, s20, $0xb8;
	[tilespmem:$0x1FC80] =	vst v63  }
0x220: {  	_ =	swait.ge [sflag:s29], $0x3200  }
0x221: {  	[sflag:s29] =	ssyncset.done $0x0  }
0x222: {  	s0 =	simm.s32 $0x1380;
	[sflag:s29] =	ssyncadd.s32 $0xFFFFCE00  }
0x223: {  	[spmem:s1] =	stream.indirect.scatter.add.f32 [tilespmem:s23], [sflag:$0x5], $0x80, s0, s20, $0xb8;
	[tilespmem:$0x1FC80] =	vst v63  }
0x224: {  	_ =	swait.ge [sflag:s31], $0x3200  }
0x225: {  	[sflag:s31] =	ssyncset.done $0x0  }
0x226: {  	s0 =	simm.s32 $0x480;
	[sflag:s31] =	ssyncadd.s32 $0xFFFFCE00  }
0x227: {  	[tilespmem:s21], [sflag:$0x1] =	stream.indirect.gather [hbm4b:s4+s20], $0x80, s0, s20, $0xb8;
	[tilespmem:$0x1FC80] =	vst v63  }
0x228: {  	_ =	swait.ge [sflag:s2], $0x3200  }
0x229: {  	[sflag:s2] =	ssyncset.done $0x0  }
0x22a: {  	s0 =	simm.s32 $0x1400;
	[sflag:s2] =	ssyncadd.s32 $0xFFFFCE00  }
0x22b: {  	[spmem:s1] =	stream.indirect.scatter.add.f32 [tilespmem:s28], [sflag:$0x6], $0x80, s0, s20, $0xb8;
	[tilespmem:$0x1FC80] =	vst v63  }
0x22c: {  	_ =	swait.ge [sflag:s8], $0x3200  }
0x22d: {  	[sflag:s8] =	ssyncset.done $0x0  }
0x22e: {  	s0 =	simm.s32 $0x500;
	[sflag:s8] =	ssyncadd.s32 $0xFFFFCE00  }
0x22f: {  	[tilespmem:s23], [sflag:$0x2] =	stream.indirect.gather [hbm4b:s4+s20], $0x80, s0, s20, $0xb8;
	[tilespmem:$0x1FC80] =	vst v63  }
0x230: {  	_ =	swait.ge [sflag:s25], $0x3200  }
0x231: {  	[sflag:s25] =	ssyncset.done $0x0  }
0x232: {  	s0 =	simm.s32 $0x1480;
	[sflag:s25] =	ssyncadd.s32 $0xFFFFCE00  }
0x233: {  	[spmem:s1] =	stream.indirect.scatter.add.f32 [tilespmem:s21], [sflag:$0x4], $0x80, s0, s20, $0xb8;
	[tilespmem:$0x1FC80] =	vst v63  }
0x234: {  	_ =	swait.ge [sflag:s11], $0x3200  }
0x235: {  	[sflag:s11] =	ssyncset.done $0x0  }
0x236: {  	s0 =	simm.s32 $0x580;
	[sflag:s11] =	ssyncadd.s32 $0xFFFFCE00  }
0x237: {  	[tilespmem:s28], [sflag:$0x3] =	stream.indirect.gather [hbm4b:s4+s20], $0x80, s0, s20, $0xb8;
	[tilespmem:$0x1FC80] =	vst v63  }
0x238: {  	_ =	swait.ge [sflag:s29], $0x3200  }
0x239: {  	[sflag:s29] =	ssyncset.done $0x0  }
0x23a: {  	s0 =	simm.s32 $0x1500;
	[sflag:s29] =	ssyncadd.s32 $0xFFFFCE00  }
0x23b: {  	[spmem:s1] =	stream.indirect.scatter.add.f32 [tilespmem:s23], [sflag:$0x5], $0x80, s0, s20, $0xb8;
	[tilespmem:$0x1FC80] =	vst v63  }
0x23c: {  	_ =	swait.ge [sflag:s31], $0x3200  }
0x23d: {  	[sflag:s31] =	ssyncset.done $0x0  }
0x23e: {  	[sflag:s31] =	ssyncadd.s32 $0xFFFFCE00  }
0x23f: {  	[tilespmem:s21], [sflag:$0x1] =	stream.indirect.gather [hbm4b:s4+s20], $0x80, s30, s20, $0xb8;
	[tilespmem:$0x1FC80] =	vst v63  }
0x240: {  	_ =	swait.ge [sflag:s2], $0x3200  }
0x241: {  	[sflag:s2] =	ssyncset.done $0x0  }
0x242: {  	[sflag:s2] =	ssyncadd.s32 $0xFFFFCE00  }
0x243: {  	[spmem:s1] =	stream.indirect.scatter.add.f32 [tilespmem:s28], [sflag:$0x6], $0x80, s12, s20, $0xb8;
	[tilespmem:$0x1FC80] =	vst v63  }
0x244: {  	_ =	swait.ge [sflag:s8], $0x3200  }
0x245: {  	[sflag:s8] =	ssyncset.done $0x0  }
0x246: {  	[sflag:s8] =	ssyncadd.s32 $0xFFFFCE00  }
0x247: {  	[tilespmem:s23], [sflag:$0x2] =	stream.indirect.gather [hbm4b:s4+s20], $0x80, s13, s20, $0xb8;
	[tilespmem:$0x1FC80] =	vst v63  }
0x248: {  	_ =	swait.ge [sflag:s25], $0x3200  }
0x249: {  	[sflag:s25] =	ssyncset.done $0x0  }
0x24a: {  	[sflag:s25] =	ssyncadd.s32 $0xFFFFCE00  }
0x24b: {  	[spmem:s1] =	stream.indirect.scatter.add.f32 [tilespmem:s21], [sflag:$0x4], $0x80, s14, s20, $0xb8;
	[tilespmem:$0x1FC80] =	vst v63  }
0x24c: {  	_ =	swait.ge [sflag:s11], $0x3200  }
0x24d: {  	[sflag:s11] =	ssyncset.done $0x0  }
0x24e: {  	[sflag:s11] =	ssyncadd.s32 $0xFFFFCE00  }
0x24f: {  	[tilespmem:s28], [sflag:$0x3] =	stream.indirect.gather [hbm4b:s4+s20], $0x80, s15, s20, $0xb8;
	[tilespmem:$0x1FC80] =	vst v63  }
0x250: {  	_ =	swait.ge [sflag:s29], $0x3200  }
0x251: {  	[sflag:s29] =	ssyncset.done $0x0  }
0x252: {  	[sflag:s29] =	ssyncadd.s32 $0xFFFFCE00  }
0x253: {  	[spmem:s1] =	stream.indirect.scatter.add.f32 [tilespmem:s23], [sflag:$0x5], $0x80, s19, s20, $0xb8;
	[tilespmem:$0x1FC80] =	vst v63  }
0x254: {  	_ =	swait.ge [sflag:s31], $0x3200  }
0x255: {  	[sflag:s31] =	ssyncset.done $0x0  }
0x256: {  	[sflag:s31] =	ssyncadd.s32 $0xFFFFCE00  }
0x257: {  	[tilespmem:s21], [sflag:$0x1] =	stream.indirect.gather [hbm4b:s4+s20], $0x80, s5, s20, $0xb8;
	[tilespmem:$0x1FC80] =	vst v63  }
0x258: {  	_ =	swait.ge [sflag:s2], $0x3200  }
0x259: {  	[sflag:s2] =	ssyncset.done $0x0  }
0x25a: {  	[sflag:s2] =	ssyncadd.s32 $0xFFFFCE00  }
0x25b: {  	[spmem:s1] =	stream.indirect.scatter.add.f32 [tilespmem:s28], [sflag:$0x6], $0x80, s6, s20, $0xb8;
	[tilespmem:$0x1FC80] =	vst v63  }
0x25c: {  	_ =	swait.ge [sflag:s8], $0x3200  }
0x25d: {  	[sflag:s8] =	ssyncset.done $0x0  }
0x25e: {  	[sflag:s8] =	ssyncadd.s32 $0xFFFFCE00  }
0x25f: {  	[tilespmem:s23], [sflag:$0x2] =	stream.indirect.gather [hbm4b:s4+s20], $0x80, s7, s20, $0xb8;
	[tilespmem:$0x1FC80] =	vst v63  }
0x260: {  	_ =	swait.ge [sflag:s25], $0x3200  }
0x261: {  	[sflag:s25] =	ssyncset.done $0x0  }
0x262: {  	[sflag:s25] =	ssyncadd.s32 $0xFFFFCE00  }
0x263: {  	[spmem:s1] =	stream.indirect.scatter.add.f32 [tilespmem:s21], [sflag:$0x4], $0x80, s10, s20, $0xb8;
	[tilespmem:$0x1FC80] =	vst v63  }
0x264: {  	_ =	swait.ge [sflag:s11], $0x3200  }
0x265: {  	[sflag:s11] =	ssyncset.done $0x0  }
0x266: {  	[sflag:s11] =	ssyncadd.s32 $0xFFFFCE00  }
0x267: {  	[tilespmem:s28], [sflag:$0x3] =	stream.indirect.gather [hbm4b:s4+s20], $0x80, s16, s20, $0xb8;
	[tilespmem:$0x1FC80] =	vst v63  }
0x268: {  	_ =	swait.ge [sflag:s29], $0x3200  }
0x269: {  	[sflag:s29] =	ssyncset.done $0x0  }
0x26a: {  	s0 =	simm.s32 $0x1800;
	[sflag:s29] =	ssyncadd.s32 $0xFFFFCE00  }
0x26b: {  	[spmem:s1] =	stream.indirect.scatter.add.f32 [tilespmem:s23], [sflag:$0x5], $0x80, s0, s20, $0xb8;
	[tilespmem:$0x1FC80] =	vst v63  }
0x26c: {  	_ =	swait.ge [sflag:s31], $0x3200  }
0x26d: {  	[sflag:s31] =	ssyncset.done $0x0  }
0x26e: {  	s0 =	simm.s32 $0x900;
	[sflag:s31] =	ssyncadd.s32 $0xFFFFCE00  }
0x26f: {  	[tilespmem:s21], [sflag:$0x1] =	stream.indirect.gather [hbm4b:s4+s20], $0x80, s0, s20, $0xb8;
	[tilespmem:$0x1FC80] =	vst v63  }
0x270: {  	_ =	swait.ge [sflag:s2], $0x3200  }
0x271: {  	[sflag:s2] =	ssyncset.done $0x0  }
0x272: {  	s0 =	simm.s32 $0x1880;
	[sflag:s2] =	ssyncadd.s32 $0xFFFFCE00  }
0x273: {  	[spmem:s1] =	stream.indirect.scatter.add.f32 [tilespmem:s28], [sflag:$0x6], $0x80, s0, s20, $0xb8;
	[tilespmem:$0x1FC80] =	vst v63  }
0x274: {  	_ =	swait.ge [sflag:s8], $0x3200  }
0x275: {  	[sflag:s8] =	ssyncset.done $0x0  }
0x276: {  	s0 =	simm.s32 $0x980;
	[sflag:s8] =	ssyncadd.s32 $0xFFFFCE00  }
0x277: {  	[tilespmem:s23], [sflag:$0x2] =	stream.indirect.gather [hbm4b:s4+s20], $0x80, s0, s20, $0xb8;
	[tilespmem:$0x1FC80] =	vst v63  }
0x278: {  	_ =	swait.ge [sflag:s25], $0x3200  }
0x279: {  	[sflag:s25] =	ssyncset.done $0x0  }
0x27a: {  	s0 =	simm.s32 $0x1900;
	[sflag:s25] =	ssyncadd.s32 $0xFFFFCE00  }
0x27b: {  	[spmem:s1] =	stream.indirect.scatter.add.f32 [tilespmem:s21], [sflag:$0x4], $0x80, s0, s20, $0xb8;
	[tilespmem:$0x1FC80] =	vst v63  }
0x27c: {  	_ =	swait.ge [sflag:s11], $0x3200  }
0x27d: {  	[sflag:s11] =	ssyncset.done $0x0  }
0x27e: {  	s0 =	simm.s32 $0xA00;
	[sflag:s11] =	ssyncadd.s32 $0xFFFFCE00  }
0x27f: {  	[tilespmem:s28], [sflag:$0x3] =	stream.indirect.gather [hbm4b:s4+s20], $0x80, s0, s20, $0xb8;
	[tilespmem:$0x1FC80] =	vst v63  }
0x280: {  	_ =	swait.ge [sflag:s29], $0x3200  }
0x281: {  	[sflag:s29] =	ssyncset.done $0x0  }
0x282: {  	s0 =	simm.s32 $0x1980;
	[sflag:s29] =	ssyncadd.s32 $0xFFFFCE00  }
0x283: {  	[spmem:s1] =	stream.indirect.scatter.add.f32 [tilespmem:s23], [sflag:$0x5], $0x80, s0, s20, $0xb8;
	[tilespmem:$0x1FC80] =	vst v63  }
0x284: {  	_ =	swait.ge [sflag:s31], $0x3200  }
0x285: {  	[sflag:s31] =	ssyncset.done $0x0  }
0x286: {  	s0 =	simm.s32 $0xA80;
	[sflag:s31] =	ssyncadd.s32 $0xFFFFCE00  }
0x287: {  	[tilespmem:s21], [sflag:$0x1] =	stream.indirect.gather [hbm4b:s4+s20], $0x80, s0, s20, $0xb8;
	[tilespmem:$0x1FC80] =	vst v63  }
0x288: {  	_ =	swait.ge [sflag:s2], $0x3200  }
0x289: {  	[sflag:s2] =	ssyncset.done $0x0  }
0x28a: {  	s0 =	simm.s32 $0x1A00;
	[sflag:s2] =	ssyncadd.s32 $0xFFFFCE00  }
0x28b: {  	[spmem:s1] =	stream.indirect.scatter.add.f32 [tilespmem:s28], [sflag:$0x6], $0x80, s0, s20, $0xb8;
	[tilespmem:$0x1FC80] =	vst v63  }
0x28c: {  	_ =	swait.ge [sflag:s8], $0x3200  }
0x28d: {  	[sflag:s8] =	ssyncset.done $0x0  }
0x28e: {  	s0 =	simm.s32 $0xB00;
	[sflag:s8] =	ssyncadd.s32 $0xFFFFCE00  }
0x28f: {  	[tilespmem:s23], [sflag:$0x2] =	stream.indirect.gather [hbm4b:s4+s20], $0x80, s0, s20, $0xb8;
	[tilespmem:$0x1FC80] =	vst v63  }
0x290: {  	_ =	swait.ge [sflag:s25], $0x3200  }
0x291: {  	[sflag:s25] =	ssyncset.done $0x0  }
0x292: {  	s0 =	simm.s32 $0x1A80;
	[sflag:s25] =	ssyncadd.s32 $0xFFFFCE00  }
0x293: {  	[spmem:s1] =	stream.indirect.scatter.add.f32 [tilespmem:s21], [sflag:$0x4], $0x80, s0, s20, $0xb8;
	[tilespmem:$0x1FC80] =	vst v63  }
0x294: {  	_ =	swait.ge [sflag:s11], $0x3200  }
0x295: {  	[sflag:s11] =	ssyncset.done $0x0  }
0x296: {  	s0 =	simm.s32 $0xB80;
	[sflag:s11] =	ssyncadd.s32 $0xFFFFCE00  }
0x297: {  	[tilespmem:s28], [sflag:$0x3] =	stream.indirect.gather [hbm4b:s4+s20], $0x80, s0, s20, $0xb8;
	[tilespmem:$0x1FC80] =	vst v63  }
0x298: {  	_ =	swait.ge [sflag:s29], $0x3200  }
0x299: {  	[sflag:s29] =	ssyncset.done $0x0  }
0x29a: {  	s0 =	simm.s32 $0x1B00;
	[sflag:s29] =	ssyncadd.s32 $0xFFFFCE00  }
0x29b: {  	[spmem:s1] =	stream.indirect.scatter.add.f32 [tilespmem:s23], [sflag:$0x5], $0x80, s0, s20, $0xb8;
	[tilespmem:$0x1FC80] =	vst v63  }
0x29c: {  	_ =	swait.ge [sflag:s31], $0x3200  }
0x29d: {  	[sflag:s31] =	ssyncset.done $0x0  }
0x29e: {  	s0 =	simm.s32 $0xC00;
	[sflag:s31] =	ssyncadd.s32 $0xFFFFCE00  }
0x29f: {  	[tilespmem:s21], [sflag:$0x1] =	stream.indirect.gather [hbm4b:s4+s20], $0x80, s0, s20, $0xb8;
	[tilespmem:$0x1FC80] =	vst v63  }
0x2a0: {  	_ =	swait.ge [sflag:s2], $0x3200  }
0x2a1: {  	[sflag:s2] =	ssyncset.done $0x0  }
0x2a2: {  	s0 =	simm.s32 $0x1B80;
	[sflag:s2] =	ssyncadd.s32 $0xFFFFCE00  }
0x2a3: {  	[spmem:s1] =	stream.indirect.scatter.add.f32 [tilespmem:s28], [sflag:$0x6], $0x80, s0, s20, $0xb8;
	[tilespmem:$0x1FC80] =	vst v63  }
0x2a4: {  	_ =	swait.ge [sflag:s8], $0x3200  }
0x2a5: {  	[sflag:s8] =	ssyncset.done $0x0  }
0x2a6: {  	[sflag:s8] =	ssyncadd.s32 $0xFFFFCE00  }
0x2a7: {  	_ =	swait.ge [sflag:s25], $0x3200  }
0x2a8: {  	[sflag:s25] =	ssyncset.done $0x0  }
0x2a9: {  	s0 =	simm.s32 $0x1C00;
	[sflag:s25] =	ssyncadd.s32 $0xFFFFCE00  }
0x2aa: {  	[spmem:s1] =	stream.indirect.scatter.add.f32 [tilespmem:s21], [sflag:$0x4], $0x80, s0, s20, $0xb8;
	[tilespmem:$0x1FC80] =	vst v63  }
0x2ab: {  	_ =	swait.ge [sflag:s11], $0x3200  }
0x2ac: {  	[sflag:s11] =	ssyncset.done $0x0  }
0x2ad: {  	[sflag:s11] =	ssyncadd.s32 $0xFFFFCE00  }
0x2ae: {  	_ =	swait.ge [sflag:s31], $0x3200  }
0x2af: {  	[sflag:s31] =	ssyncset.done $0x0  }
0x2b0: {  	s0 =	rddreg [dreg:$0x9];
	[sflag:s31] =	ssyncadd.s32 $0xFFFFCE00  }
0x2b1: {  	[tilespmem:s3], [sflag:$0x8] =	stream.linear.gather [hbm4b:s0+s3], $0xC80, $0x38;
	[tilespmem:$0x1FC80] =	vst v63  }
0x2b2: {  	_ =	swait.ge [sflag:s18], $0xC80  }
0x2b3: {  	[sflag:s18] =	ssyncset.done $0x0  }
0x2b4: {  	s0 =	rddreg [dreg:$0xa];
	[sflag:s18] =	ssyncadd.s32 $0xFFFFF380  }
0x2b5: {  	[tilespmem:s22], [sflag:$0x8] =	stream.linear.gather [hbm4b:s0+s3], $0xC80, $0x38;
	[tilespmem:$0x1FC80] =	vst v63  }
0x2b6: {  	_ =	swait.ge [sflag:s18], $0xC80  }
0x2b7: {  	[sflag:s18] =	ssyncset.done $0x0  }
0x2b8: {  	[sflag:s18] =	ssyncadd.s32 $0xFFFFF380  }
0x2b9: {  	[tilespmem:s21], [sflag:$0x1] =	stream.indirect.gather [hbm4b:s4+s20], $0x80, s3, s20, $0xb8;
	[tilespmem:$0x1FC80] =	vst v63  }
0x2ba: {  	_ = 	snop  }
0x2bb: {  	[tilespmem:s23], [sflag:$0x2] =	stream.indirect.gather [hbm4b:s4+s20], $0x80, s9, s20, $0xb8;
	[tilespmem:$0x1FC80] =	vst v63  }
0x2bc: {  	_ =	swait.ge [sflag:s25], $0x3200  }
0x2bd: {  	[sflag:s25] =	ssyncset.done $0x0  }
0x2be: {  	[sflag:s25] =	ssyncadd.s32 $0xFFFFCE00  }
0x2bf: {  	[spmem:s1] =	stream.indirect.scatter.add.f32 [tilespmem:s21], [sflag:$0x4], $0x80, s22, s20, $0xb8;
	[tilespmem:$0x1FC80] =	vst v63  }
0x2c0: {  	s3 =	simm.s32 $0x100  }
0x2c1: {  	[tilespmem:s28], [sflag:$0x3] =	stream.indirect.gather [hbm4b:s4+s20], $0x80, s3, s20, $0xb8;
	[tilespmem:$0x1FC80] =	vst v63  }
0x2c2: {  	_ =	swait.ge [sflag:s29], $0x3200  }
0x2c3: {  	[sflag:s29] =	ssyncset.done $0x0  }
0x2c4: {  	s9 =	simm.s32 $0x1080;
	[sflag:s29] =	ssyncadd.s32 $0xFFFFCE00  }
0x2c5: {  	[spmem:s1] =	stream.indirect.scatter.add.f32 [tilespmem:s23], [sflag:$0x5], $0x80, s9, s20, $0xb8;
	[tilespmem:$0x1FC80] =	vst v63  }
0x2c6: {  	_ =	swait.ge [sflag:s31], $0x3200  }
0x2c7: {  	[sflag:s31] =	ssyncset.done $0x0  }
0x2c8: {  	s3 =	simm.s32 $0x180;
	[sflag:s31] =	ssyncadd.s32 $0xFFFFCE00  }
0x2c9: {  	[tilespmem:s21], [sflag:$0x1] =	stream.indirect.gather [hbm4b:s4+s20], $0x80, s3, s20, $0xb8;
	[tilespmem:$0x1FC80] =	vst v63  }
0x2ca: {  	_ =	swait.ge [sflag:s2], $0x3200  }
0x2cb: {  	[sflag:s2] =	ssyncset.done $0x0  }
0x2cc: {  	s9 =	simm.s32 $0x1100;
	[sflag:s2] =	ssyncadd.s32 $0xFFFFCE00  }
0x2cd: {  	[spmem:s1] =	stream.indirect.scatter.add.f32 [tilespmem:s28], [sflag:$0x6], $0x80, s9, s20, $0xb8;
	[tilespmem:$0x1FC80] =	vst v63  }
0x2ce: {  	_ =	swait.ge [sflag:s8], $0x3200  }
0x2cf: {  	[sflag:s8] =	ssyncset.done $0x0  }
0x2d0: {  	s3 =	simm.s32 $0x200;
	[sflag:s8] =	ssyncadd.s32 $0xFFFFCE00  }
0x2d1: {  	[tilespmem:s23], [sflag:$0x2] =	stream.indirect.gather [hbm4b:s4+s20], $0x80, s3, s20, $0xb8;
	[tilespmem:$0x1FC80] =	vst v63  }
0x2d2: {  	_ =	swait.ge [sflag:s25], $0x3200  }
0x2d3: {  	[sflag:s25] =	ssyncset.done $0x0  }
0x2d4: {  	s9 =	simm.s32 $0x1180;
	[sflag:s25] =	ssyncadd.s32 $0xFFFFCE00  }
0x2d5: {  	[spmem:s1] =	stream.indirect.scatter.add.f32 [tilespmem:s21], [sflag:$0x4], $0x80, s9, s20, $0xb8;
	[tilespmem:$0x1FC80] =	vst v63  }
0x2d6: {  	_ =	swait.ge [sflag:s11], $0x3200  }
0x2d7: {  	[sflag:s11] =	ssyncset.done $0x0  }
0x2d8: {  	s3 =	simm.s32 $0x280;
	[sflag:s11] =	ssyncadd.s32 $0xFFFFCE00  }
0x2d9: {  	[tilespmem:s28], [sflag:$0x3] =	stream.indirect.gather [hbm4b:s4+s20], $0x80, s3, s20, $0xb8;
	[tilespmem:$0x1FC80] =	vst v63  }
0x2da: {  	_ =	swait.ge [sflag:s29], $0x3200  }
0x2db: {  	[sflag:s29] =	ssyncset.done $0x0  }
0x2dc: {  	s9 =	simm.s32 $0x1200;
	[sflag:s29] =	ssyncadd.s32 $0xFFFFCE00  }
0x2dd: {  	[spmem:s1] =	stream.indirect.scatter.add.f32 [tilespmem:s23], [sflag:$0x5], $0x80, s9, s20, $0xb8;
	[tilespmem:$0x1FC80] =	vst v63  }
0x2de: {  	_ =	swait.ge [sflag:s31], $0x3200  }
0x2df: {  	[sflag:s31] =	ssyncset.done $0x0  }
0x2e0: {  	s3 =	simm.s32 $0x300;
	[sflag:s31] =	ssyncadd.s32 $0xFFFFCE00  }
0x2e1: {  	[tilespmem:s21], [sflag:$0x1] =	stream.indirect.gather [hbm4b:s4+s20], $0x80, s3, s20, $0xb8;
	[tilespmem:$0x1FC80] =	vst v63  }
0x2e2: {  	_ =	swait.ge [sflag:s2], $0x3200  }
0x2e3: {  	[sflag:s2] =	ssyncset.done $0x0  }
0x2e4: {  	s9 =	simm.s32 $0x1280;
	[sflag:s2] =	ssyncadd.s32 $0xFFFFCE00  }
0x2e5: {  	[spmem:s1] =	stream.indirect.scatter.add.f32 [tilespmem:s28], [sflag:$0x6], $0x80, s9, s20, $0xb8;
	[tilespmem:$0x1FC80] =	vst v63  }
0x2e6: {  	_ =	swait.ge [sflag:s8], $0x3200  }
0x2e7: {  	[sflag:s8] =	ssyncset.done $0x0  }
0x2e8: {  	s3 =	simm.s32 $0x380;
	[sflag:s8] =	ssyncadd.s32 $0xFFFFCE00  }
0x2e9: {  	[tilespmem:s23], [sflag:$0x2] =	stream.indirect.gather [hbm4b:s4+s20], $0x80, s3, s20, $0xb8;
	[tilespmem:$0x1FC80] =	vst v63  }
0x2ea: {  	_ =	swait.ge [sflag:s25], $0x3200  }
0x2eb: {  	[sflag:s25] =	ssyncset.done $0x0  }
0x2ec: {  	s9 =	simm.s32 $0x1300;
	[sflag:s25] =	ssyncadd.s32 $0xFFFFCE00  }
0x2ed: {  	[spmem:s1] =	stream.indirect.scatter.add.f32 [tilespmem:s21], [sflag:$0x4], $0x80, s9, s20, $0xb8;
	[tilespmem:$0x1FC80] =	vst v63  }
0x2ee: {  	_ =	swait.ge [sflag:s11], $0x3200  }
0x2ef: {  	[sflag:s11] =	ssyncset.done $0x0  }
0x2f0: {  	s3 =	simm.s32 $0x400;
	[sflag:s11] =	ssyncadd.s32 $0xFFFFCE00  }
0x2f1: {  	[tilespmem:s28], [sflag:$0x3] =	stream.indirect.gather [hbm4b:s4+s20], $0x80, s3, s20, $0xb8;
	[tilespmem:$0x1FC80] =	vst v63  }
0x2f2: {  	_ =	swait.ge [sflag:s29], $0x3200  }
0x2f3: {  	[sflag:s29] =	ssyncset.done $0x0  }
0x2f4: {  	s9 =	simm.s32 $0x1380;
	[sflag:s29] =	ssyncadd.s32 $0xFFFFCE00  }
0x2f5: {  	[spmem:s1] =	stream.indirect.scatter.add.f32 [tilespmem:s23], [sflag:$0x5], $0x80, s9, s20, $0xb8;
	[tilespmem:$0x1FC80] =	vst v63  }
0x2f6: {  	_ =	swait.ge [sflag:s31], $0x3200  }
0x2f7: {  	[sflag:s31] =	ssyncset.done $0x0  }
0x2f8: {  	s3 =	simm.s32 $0x480;
	[sflag:s31] =	ssyncadd.s32 $0xFFFFCE00  }
0x2f9: {  	[tilespmem:s21], [sflag:$0x1] =	stream.indirect.gather [hbm4b:s4+s20], $0x80, s3, s20, $0xb8;
	[tilespmem:$0x1FC80] =	vst v63  }
0x2fa: {  	_ =	swait.ge [sflag:s2], $0x3200  }
0x2fb: {  	[sflag:s2] =	ssyncset.done $0x0  }
0x2fc: {  	s9 =	simm.s32 $0x1400;
	[sflag:s2] =	ssyncadd.s32 $0xFFFFCE00  }
0x2fd: {  	[spmem:s1] =	stream.indirect.scatter.add.f32 [tilespmem:s28], [sflag:$0x6], $0x80, s9, s20, $0xb8;
	[tilespmem:$0x1FC80] =	vst v63  }
0x2fe: {  	_ =	swait.ge [sflag:s8], $0x3200  }
0x2ff: {  	[sflag:s8] =	ssyncset.done $0x0  }
0x300: {  	s3 =	simm.s32 $0x500;
	[sflag:s8] =	ssyncadd.s32 $0xFFFFCE00  }
0x301: {  	[tilespmem:s23], [sflag:$0x2] =	stream.indirect.gather [hbm4b:s4+s20], $0x80, s3, s20, $0xb8;
	[tilespmem:$0x1FC80] =	vst v63  }
0x302: {  	_ =	swait.ge [sflag:s25], $0x3200  }
0x303: {  	[sflag:s25] =	ssyncset.done $0x0  }
0x304: {  	s9 =	simm.s32 $0x1480;
	[sflag:s25] =	ssyncadd.s32 $0xFFFFCE00  }
0x305: {  	[spmem:s1] =	stream.indirect.scatter.add.f32 [tilespmem:s21], [sflag:$0x4], $0x80, s9, s20, $0xb8;
	[tilespmem:$0x1FC80] =	vst v63  }
0x306: {  	_ =	swait.ge [sflag:s11], $0x3200  }
0x307: {  	[sflag:s11] =	ssyncset.done $0x0  }
0x308: {  	s3 =	simm.s32 $0x580;
	[sflag:s11] =	ssyncadd.s32 $0xFFFFCE00  }
0x309: {  	[tilespmem:s28], [sflag:$0x3] =	stream.indirect.gather [hbm4b:s4+s20], $0x80, s3, s20, $0xb8;
	[tilespmem:$0x1FC80] =	vst v63  }
0x30a: {  	_ =	swait.ge [sflag:s29], $0x3200  }
0x30b: {  	[sflag:s29] =	ssyncset.done $0x0  }
0x30c: {  	s9 =	simm.s32 $0x1500;
	[sflag:s29] =	ssyncadd.s32 $0xFFFFCE00  }
0x30d: {  	[spmem:s1] =	stream.indirect.scatter.add.f32 [tilespmem:s23], [sflag:$0x5], $0x80, s9, s20, $0xb8;
	[tilespmem:$0x1FC80] =	vst v63  }
0x30e: {  	_ =	swait.ge [sflag:s31], $0x3200  }
0x30f: {  	[sflag:s31] =	ssyncset.done $0x0  }
0x310: {  	s30 =	simm.s32 $0x600;
	[sflag:s31] =	ssyncadd.s32 $0xFFFFCE00  }
0x311: {  	[tilespmem:s21], [sflag:$0x1] =	stream.indirect.gather [hbm4b:s4+s20], $0x80, s30, s20, $0xb8;
	[tilespmem:$0x1FC80] =	vst v63  }
0x312: {  	_ =	swait.ge [sflag:s2], $0x3200  }
0x313: {  	[sflag:s2] =	ssyncset.done $0x0  }
0x314: {  	s12 =	simm.s32 $0x1580;
	[sflag:s2] =	ssyncadd.s32 $0xFFFFCE00  }
0x315: {  	[spmem:s1] =	stream.indirect.scatter.add.f32 [tilespmem:s28], [sflag:$0x6], $0x80, s12, s20, $0xb8;
	[tilespmem:$0x1FC80] =	vst v63  }
0x316: {  	_ =	swait.ge [sflag:s8], $0x3200  }
0x317: {  	[sflag:s8] =	ssyncset.done $0x0  }
0x318: {  	s13 =	simm.s32 $0x680;
	[sflag:s8] =	ssyncadd.s32 $0xFFFFCE00  }
0x319: {  	[tilespmem:s23], [sflag:$0x2] =	stream.indirect.gather [hbm4b:s4+s20], $0x80, s13, s20, $0xb8;
	[tilespmem:$0x1FC80] =	vst v63  }
0x31a: {  	_ =	swait.ge [sflag:s25], $0x3200  }
0x31b: {  	[sflag:s25] =	ssyncset.done $0x0  }
0x31c: {  	s14 =	simm.s32 $0x1600;
	[sflag:s25] =	ssyncadd.s32 $0xFFFFCE00  }
0x31d: {  	[spmem:s1] =	stream.indirect.scatter.add.f32 [tilespmem:s21], [sflag:$0x4], $0x80, s14, s20, $0xb8;
	[tilespmem:$0x1FC80] =	vst v63  }
0x31e: {  	_ =	swait.ge [sflag:s11], $0x3200  }
0x31f: {  	[sflag:s11] =	ssyncset.done $0x0  }
0x320: {  	s15 =	simm.s32 $0x700;
	[sflag:s11] =	ssyncadd.s32 $0xFFFFCE00  }
0x321: {  	[tilespmem:s28], [sflag:$0x3] =	stream.indirect.gather [hbm4b:s4+s20], $0x80, s15, s20, $0xb8;
	[tilespmem:$0x1FC80] =	vst v63  }
0x322: {  	_ =	swait.ge [sflag:s29], $0x3200  }
0x323: {  	[sflag:s29] =	ssyncset.done $0x0  }
0x324: {  	s19 =	simm.s32 $0x1680;
	[sflag:s29] =	ssyncadd.s32 $0xFFFFCE00  }
0x325: {  	[spmem:s1] =	stream.indirect.scatter.add.f32 [tilespmem:s23], [sflag:$0x5], $0x80, s19, s20, $0xb8;
	[tilespmem:$0x1FC80] =	vst v63  }
0x326: {  	_ =	swait.ge [sflag:s31], $0x3200  }
0x327: {  	[sflag:s31] =	ssyncset.done $0x0  }
0x328: {  	s5 =	simm.s32 $0x780;
	[sflag:s31] =	ssyncadd.s32 $0xFFFFCE00  }
0x329: {  	[tilespmem:s21], [sflag:$0x1] =	stream.indirect.gather [hbm4b:s4+s20], $0x80, s5, s20, $0xb8;
	[tilespmem:$0x1FC80] =	vst v63  }
0x32a: {  	_ =	swait.ge [sflag:s2], $0x3200  }
0x32b: {  	[sflag:s2] =	ssyncset.done $0x0  }
0x32c: {  	s6 =	simm.s32 $0x1700;
	[sflag:s2] =	ssyncadd.s32 $0xFFFFCE00  }
0x32d: {  	[spmem:s1] =	stream.indirect.scatter.add.f32 [tilespmem:s28], [sflag:$0x6], $0x80, s6, s20, $0xb8;
	[tilespmem:$0x1FC80] =	vst v63  }
0x32e: {  	_ =	swait.ge [sflag:s8], $0x3200  }
0x32f: {  	[sflag:s8] =	ssyncset.done $0x0  }
0x330: {  	s7 =	simm.s32 $0x800;
	[sflag:s8] =	ssyncadd.s32 $0xFFFFCE00  }
0x331: {  	[tilespmem:s23], [sflag:$0x2] =	stream.indirect.gather [hbm4b:s4+s20], $0x80, s7, s20, $0xb8;
	[tilespmem:$0x1FC80] =	vst v63  }
0x332: {  	_ =	swait.ge [sflag:s25], $0x3200  }
0x333: {  	[sflag:s25] =	ssyncset.done $0x0  }
0x334: {  	s10 =	simm.s32 $0x1780;
	[sflag:s25] =	ssyncadd.s32 $0xFFFFCE00  }
0x335: {  	[spmem:s1] =	stream.indirect.scatter.add.f32 [tilespmem:s21], [sflag:$0x4], $0x80, s10, s20, $0xb8;
	[tilespmem:$0x1FC80] =	vst v63  }
0x336: {  	_ =	swait.ge [sflag:s11], $0x3200  }
0x337: {  	[sflag:s11] =	ssyncset.done $0x0  }
0x338: {  	s16 =	simm.s32 $0x880;
	[sflag:s11] =	ssyncadd.s32 $0xFFFFCE00  }
0x339: {  	[tilespmem:s28], [sflag:$0x3] =	stream.indirect.gather [hbm4b:s4+s20], $0x80, s16, s20, $0xb8;
	[tilespmem:$0x1FC80] =	vst v63  }
0x33a: {  	_ =	swait.ge [sflag:s29], $0x3200  }
0x33b: {  	[sflag:s29] =	ssyncset.done $0x0  }
0x33c: {  	s12 =	simm.s32 $0x1800;
	[sflag:s29] =	ssyncadd.s32 $0xFFFFCE00  }
0x33d: {  	[spmem:s1] =	stream.indirect.scatter.add.f32 [tilespmem:s23], [sflag:$0x5], $0x80, s12, s20, $0xb8;
	[tilespmem:$0x1FC80] =	vst v63  }
0x33e: {  	_ =	swait.ge [sflag:s31], $0x3200  }
0x33f: {  	[sflag:s31] =	ssyncset.done $0x0  }
0x340: {  	s13 =	simm.s32 $0x900;
	[sflag:s31] =	ssyncadd.s32 $0xFFFFCE00  }
0x341: {  	[tilespmem:s21], [sflag:$0x1] =	stream.indirect.gather [hbm4b:s4+s20], $0x80, s13, s20, $0xb8;
	[tilespmem:$0x1FC80] =	vst v63  }
0x342: {  	_ =	swait.ge [sflag:s2], $0x3200  }
0x343: {  	[sflag:s2] =	ssyncset.done $0x0  }
0x344: {  	s14 =	simm.s32 $0x1880;
	[sflag:s2] =	ssyncadd.s32 $0xFFFFCE00  }
0x345: {  	[spmem:s1] =	stream.indirect.scatter.add.f32 [tilespmem:s28], [sflag:$0x6], $0x80, s14, s20, $0xb8;
	[tilespmem:$0x1FC80] =	vst v63  }
0x346: {  	_ =	swait.ge [sflag:s8], $0x3200  }
0x347: {  	[sflag:s8] =	ssyncset.done $0x0  }
0x348: {  	s15 =	simm.s32 $0x980;
	[sflag:s8] =	ssyncadd.s32 $0xFFFFCE00  }
0x349: {  	[tilespmem:s23], [sflag:$0x2] =	stream.indirect.gather [hbm4b:s4+s20], $0x80, s15, s20, $0xb8;
	[tilespmem:$0x1FC80] =	vst v63  }
0x34a: {  	_ =	swait.ge [sflag:s25], $0x3200  }
0x34b: {  	[sflag:s25] =	ssyncset.done $0x0  }
0x34c: {  	s16 =	simm.s32 $0x1900;
	[sflag:s25] =	ssyncadd.s32 $0xFFFFCE00  }
0x34d: {  	[spmem:s1] =	stream.indirect.scatter.add.f32 [tilespmem:s21], [sflag:$0x4], $0x80, s16, s20, $0xb8;
	[tilespmem:$0x1FC80] =	vst v63  }
0x34e: {  	_ =	swait.ge [sflag:s11], $0x3200  }
0x34f: {  	[sflag:s11] =	ssyncset.done $0x0  }
0x350: {  	s19 =	simm.s32 $0xA00;
	[sflag:s11] =	ssyncadd.s32 $0xFFFFCE00  }
0x351: {  	[tilespmem:s28], [sflag:$0x3] =	stream.indirect.gather [hbm4b:s4+s20], $0x80, s19, s20, $0xb8;
	[tilespmem:$0x1FC80] =	vst v63  }
0x352: {  	_ =	swait.ge [sflag:s29], $0x3200  }
0x353: {  	[sflag:s29] =	ssyncset.done $0x0  }
0x354: {  	s3 =	simm.s32 $0x1980;
	[sflag:s29] =	ssyncadd.s32 $0xFFFFCE00  }
0x355: {  	[spmem:s1] =	stream.indirect.scatter.add.f32 [tilespmem:s23], [sflag:$0x5], $0x80, s3, s20, $0xb8;
	[tilespmem:$0x1FC80] =	vst v63  }
0x356: {  	_ =	swait.ge [sflag:s31], $0x3200  }
0x357: {  	[sflag:s31] =	ssyncset.done $0x0  }
0x358: {  	s5 =	simm.s32 $0xA80;
	[sflag:s31] =	ssyncadd.s32 $0xFFFFCE00  }
0x359: {  	[tilespmem:s21], [sflag:$0x1] =	stream.indirect.gather [hbm4b:s4+s20], $0x80, s5, s20, $0xb8;
	[tilespmem:$0x1FC80] =	vst v63  }
0x35a: {  	_ =	swait.ge [sflag:s2], $0x3200  }
0x35b: {  	[sflag:s2] =	ssyncset.done $0x0  }
0x35c: {  	s6 =	simm.s32 $0x1A00;
	[sflag:s2] =	ssyncadd.s32 $0xFFFFCE00  }
0x35d: {  	[spmem:s1] =	stream.indirect.scatter.add.f32 [tilespmem:s28], [sflag:$0x6], $0x80, s6, s20, $0xb8;
	[tilespmem:$0x1FC80] =	vst v63  }
0x35e: {  	_ =	swait.ge [sflag:s8], $0x3200  }
0x35f: {  	[sflag:s8] =	ssyncset.done $0x0  }
0x360: {  	s7 =	simm.s32 $0xB00;
	[sflag:s8] =	ssyncadd.s32 $0xFFFFCE00  }
0x361: {  	[tilespmem:s23], [sflag:$0x2] =	stream.indirect.gather [hbm4b:s4+s20], $0x80, s7, s20, $0xb8;
	[tilespmem:$0x1FC80] =	vst v63  }
0x362: {  	_ =	swait.ge [sflag:s25], $0x3200  }
0x363: {  	[sflag:s25] =	ssyncset.done $0x0  }
0x364: {  	s9 =	simm.s32 $0x1A80;
	[sflag:s25] =	ssyncadd.s32 $0xFFFFCE00  }
0x365: {  	[spmem:s1] =	stream.indirect.scatter.add.f32 [tilespmem:s21], [sflag:$0x4], $0x80, s9, s20, $0xb8;
	[tilespmem:$0x1FC80] =	vst v63  }
0x366: {  	_ =	swait.ge [sflag:s11], $0x3200  }
0x367: {  	[sflag:s11] =	ssyncset.done $0x0  }
0x368: {  	s10 =	simm.s32 $0xB80;
	[sflag:s11] =	ssyncadd.s32 $0xFFFFCE00  }
0x369: {  	[tilespmem:s28], [sflag:$0x3] =	stream.indirect.gather [hbm4b:s4+s20], $0x80, s10, s20, $0xb8;
	[tilespmem:$0x1FC80] =	vst v63  }
0x36a: {  	_ =	swait.ge [sflag:s29], $0x3200  }
0x36b: {  	[sflag:s29] =	ssyncset.done $0x0  }
0x36c: {  	s12 =	simm.s32 $0x1B00;
	[sflag:s29] =	ssyncadd.s32 $0xFFFFCE00  }
0x36d: {  	[spmem:s1] =	stream.indirect.scatter.add.f32 [tilespmem:s23], [sflag:$0x5], $0x80, s12, s20, $0xb8;
	[tilespmem:$0x1FC80] =	vst v63  }
0x36e: {  	_ =	swait.ge [sflag:s31], $0x3200  }
0x36f: {  	[sflag:s31] =	ssyncset.done $0x0  }
0x370: {  	s13 =	simm.s32 $0xC00;
	[sflag:s31] =	ssyncadd.s32 $0xFFFFCE00  }
0x371: {  	[tilespmem:s21], [sflag:$0x1] =	stream.indirect.gather [hbm4b:s4+s20], $0x80, s13, s20, $0xb8;
	[tilespmem:$0x1FC80] =	vst v63  }
0x372: {  	_ =	swait.ge [sflag:s2], $0x3200  }
0x373: {  	[sflag:s2] =	ssyncset.done $0x0  }
0x374: {  	s14 =	simm.s32 $0x1B80;
	[sflag:s2] =	ssyncadd.s32 $0xFFFFCE00  }
0x375: {  	[spmem:s1] =	stream.indirect.scatter.add.f32 [tilespmem:s28], [sflag:$0x6], $0x80, s14, s20, $0xb8;
	[tilespmem:$0x1FC80] =	vst v63  }
0x376: {  	_ =	swait.ge [sflag:s8], $0x3200  }
0x377: {  	[sflag:s8] =	ssyncset.done $0x0  }
0x378: {  	[sflag:s8] =	ssyncadd.s32 $0xFFFFCE00  }
0x379: {  	_ =	swait.ge [sflag:s25], $0x3200  }
0x37a: {  	[sflag:s25] =	ssyncset.done $0x0  }
0x37b: {  	s15 =	simm.s32 $0x1C00;
	[sflag:s25] =	ssyncadd.s32 $0xFFFFCE00  }
0x37c: {  	[spmem:s1] =	stream.indirect.scatter.add.f32 [tilespmem:s21], [sflag:$0x4], $0x80, s15, s20, $0xb8;
	[tilespmem:$0x1FC80] =	vst v63  }
0x37d: {  	_ =	swait.ge [sflag:s11], $0x3200  }
0x37e: {  	[sflag:s11] =	ssyncset.done $0x0  }
0x37f: {  	[sflag:s11] =	ssyncadd.s32 $0xFFFFCE00  }
0x380: {  	_ =	swait.ge [sflag:s31], $0x3200  }
0x381: {  	[sflag:s31] =	ssyncset.done $0x0  }
0x382: {  	[sflag:s31] =	ssyncadd.s32 $0xFFFFCE00  }
0x383: {  	s16 =	stileid.u32;
	[bflag:$0x0] =	sbarrier.arrive $0xFFFF  }
.Ltmp5:
0x384: {  	s0 =	sshll.u32 s16, $0x6;
	s6 =	rddreg [dreg:$0xd];
	(pc) =	sbr.rel @!p0 .LBB2_9-.Ltmp5, $4  }
0x385: {  	s30 =	sor.u32 $0x1C07, s0;
	s16 =	rddreg [dreg:$0xc];
	s19 =	sshrl.u32 s6, $0x3  }
0x386: {  	[hbm:s16], [sflag:s30] =	dma.local [spmem:s19], $0x100  }
0x387: {  	s5 =	rddreg [dreg:$0xe]  }
0x388: {  	s7 =	sadd.s32 $0x800, s6;
	s0 =	sadd.s32 $0xFFFFFFFF, s5  }
.LBB2_8:
0x389: {  	p1 =	sne.s32 s0, $0x1;
	s0 =	sadd.s32 $0xFFFFFFFF, s0  }
.Ltmp6:
0x38a: {  	s9 =	sshrl.u32 s7, $0x3;
	s16 =	sadd.s32 $0x100, s16;
	(pc) =	sbr.rel @p1 .LBB2_8-.Ltmp6, $3  }
0x38b: {  	[hbm:s16], [sflag:s30] =	dma.local [spmem:s9], $0x100  }
0x38c: {  	_ =	sdelay $0x1  }
0x38d: {  	s7 =	sadd.s32 $0x800, s7  }
.LBB2_9:
.Ltmp7:
0x38e: {  	(pc) =	sbr.rel @!p0 .LBB2_11-.Ltmp7, $3  }
0x38f: {  	_ =	sdelay $0x1  }
0x390: {  	_ =	swait.ge [sflag:s24], $0x100  }
0x391: {  	s0 =	sadd.s32 $0xFFFFFFFF, s5;
	[sflag:s24] =	ssyncset.done $0x0  }
.LBB2_10:
0x392: {  	p0 =	sne.s32 s0, $0x1;
	s0 =	sadd.s32 $0xFFFFFFFF, s0;
	[sflag:s24] =	ssyncadd.s32 $0xFFFFFF00  }
.Ltmp8:
0x393: {  	(pc) =	sbr.rel @p0 .LBB2_10-.Ltmp8, $3  }
0x394: {  	_ =	sdelay $0x1  }
0x395: {  	_ =	swait.ge [sflag:s24], $0x100  }
0x396: {  	[sflag:s24] =	ssyncset.done $0x0  }
.LBB2_11:
0x397: {  	s26 =	sadd.s32 $0x1, s26;
	s0 =	rddreg [dreg:$0xb]  }
0x398: {  	p0 =	sne.s32 s26, s0  }
.Ltmp9:
0x399: {  	_ = 	snop;
	(pc) =	sbr.rel @p0 .LBB2_1-.Ltmp9, $2  }
0x39a: {  	_ =	sdelay $0x2  }
0x39b: {  	[sflag:s24] =	ssyncadd.s32 $0xFFFFFF00;
	s9 =	simm.s32 $0x80  }
0x39c: {  	_ =	sfence.sel $0x180000  }
0x39d: {  	[bflag:$0x0] =	sbarrier.arrive $0xFFFF  }
0x39e: {  	_ =	strace $0x90000047  }
0x39f: {  	s0 =	stileid.u32;
	[bflag:$0x2] =	sbarrier.arrive $0xFFFF  }
0x3a0: {  	p0 =	sne.s32 s0, $0x0;
	s0 =	rddreg [dreg:$0x2]  }
0x3a1: {  	s0 =	sadd.s32 @!p0 $0x100000, s0  }
0x3a2: {  	[sflag:s0] =	ssyncadd.tile.s32 @!p0 $0x1;
	_ =	shalt  }
.Lfunc_end2:
_tile_overlayer_lowered:
.L_overlay_start_2:
0x3a3: {  	(tag) =	ssettag $0x2  }
0x3a4: {  	s0 =	rddreg [dreg:$0x0];
	s2 =	stileid.u32  }
0x3a5: {  	s1 =	rddreg [dreg:$0x1];
	p0 =	sne.s32 s2, $0x0  }
0x3a6: {  	s3 =	rddreg [dreg:$0x2];
	[bflag:$0x3] =	sbarrier.arrive $0xFFFF;
	s2 =	simm.s32 @!p0 $0x1C08  }
0x3a7: {  	[timem:s3], [sflag:s2] =	dma.local @!p0 [hbm:s0], s1  }
0x3a8: {  	s0 =	simm.s32 @!p0 $0x8  }
0x3a9: {  	_ =	swait.ge @!p0 [sflag:s0], s1  }
0x3aa: {  	s1 =	ssub.s32 @!p0 $0x0, s1;
	[sflag:s0] =	ssyncset.done @!p0 $0x0  }
0x3ab: {  	[sflag:s0] =	ssyncadd.s32 @!p0 s1  }
0x3ac: {  	[bflag:$0x3] =	sbarrier.arrive $0xFFFF  }
0x3ad: {  	_ =	shalt  }

</sc_bundles>
